<compile_context>
chip_gen: v7x
topology: tpu7x:2x2x1
jax: 0.10.2.dev20260603
libtpu: 0.0.44.dev20260713+nightly
codegen_flags: <defaults>
</compile_context>

<pallas_src>
import functools

import jax
import jax.numpy as jnp
from jax import lax
from jax.experimental import pallas as pl
from jax.experimental.pallas import tpu as pltpu
from jax.experimental.pallas import tpu_sc as plsc

N = 10000
NP = 10240
E = 320000
D = 128
G = 2

NC = 2
NS = 16
NW = NC * NS
CH = 100
NCHUNK = 100
EW = CH * NCHUNK
RPT = NP // NS
RCH = 80
NRCH = RPT // RCH
DRT = (NP // 16) // NS



def _zero_2d(ref, nrow, ncol):
    zero16 = jnp.zeros((16,), jnp.float32)

    def _z(i, carry):
        r = i // (ncol // 16)
        c = i % (ncol // 16)
        ref[r, pl.ds(c * 16, 16)] = zero16
        return carry

    lax.fori_loop(0, nrow * (ncol // 16), _z, 0)


def _sc_agg_body(m_hbm, ei4_hbm, out_hbm,
                 acc_s, sidx_v, didx_v, rows0, rows1, sem0, sem1):
    cid = lax.axis_index("c")
    sid = lax.axis_index("s")
    wid = sid * NC + cid

    def _gather(j, rows, sem):
        return pltpu.async_copy(m_hbm.at[sidx_v.at[j]], rows, sem)

    def _gwait(j, rows, sem):
        pltpu.make_async_copy(m_hbm.at[sidx_v.at[j]], rows, sem).wait()

    def _scat(j, rows):
        pltpu.sync_copy(rows, acc_s.at[didx_v.at[j]], add=True)

    _zero_2d(rows0, RCH, D)
    for c in range(NRCH):
        pltpu.sync_copy(rows0.at[pl.ds(0, RCH)],
                        acc_s.at[pl.ds(sid * RPT + c * RCH, RCH)])

    pltpu.sync_copy(ei4_hbm.at[0, wid], sidx_v)
    pltpu.sync_copy(ei4_hbm.at[1, wid], didx_v)

    plsc.subcore_barrier()

    _gather(0, rows0, sem0)

    def _pair(t, carry):
        j0 = 2 * t
        _gather(j0 + 1, rows1, sem1)
        _gwait(j0, rows0, sem0)
        _scat(j0, rows0)

        @pl.when(j0 + 2 < NCHUNK)
        def _():
            _gather(j0 + 2, rows0, sem0)

        _gwait(j0 + 1, rows1, sem1)
        _scat(j0 + 1, rows1)
        return carry

    lax.fori_loop(0, NCHUNK // 2, _pair, 0)

    plsc.subcore_barrier()

    for c in range(NRCH):
        r0 = sid * RPT + c * RCH
        pltpu.sync_copy(acc_s.at[pl.ds(r0, RCH)], rows0.at[pl.ds(0, RCH)])
        pltpu.sync_copy(rows0.at[pl.ds(0, RCH)],
                        out_hbm.at[cid, pl.ds(r0, RCH)])


def _sc_aggregate(m, ei4):
    mesh = plsc.VectorSubcoreMesh(
        core_axis_name="c", subcore_axis_name="s",
        num_cores=NC, num_subcores=NS)
    fn = pl.kernel(
        _sc_agg_body,
        out_type=jax.ShapeDtypeStruct((NC, NP, D), jnp.float32),
        mesh=mesh,
        scratch_types=[
            pltpu.VMEM_SHARED((NP, D), jnp.float32),
            pltpu.VMEM((NCHUNK, CH), jnp.int32),
            pltpu.VMEM((NCHUNK, CH), jnp.int32),
            pltpu.VMEM((CH, D), jnp.float32),
            pltpu.VMEM((CH, D), jnp.float32),
            pltpu.SemaphoreType.DMA,
            pltpu.SemaphoreType.DMA,
        ],
        compiler_params=pltpu.CompilerParams(use_tc_tiling_on_sc=False),
    )
    return fn(m, ei4)


def _sc_deg_body(ei4_hbm, rowids_hbm, deg_hbm,
                 deg_s, didx_v, hist_v, ridx_v, zbuf_v):
    cid = lax.axis_index("c")
    sid = lax.axis_index("s")
    wid = sid * NC + cid

    _zero_2d(hist_v, NP // 16, 16)
    _zero_2d(zbuf_v, DRT, 16)
    pltpu.sync_copy(zbuf_v, deg_s.at[pl.ds(sid * DRT, DRT)])

    pltpu.sync_copy(ei4_hbm.at[1, wid], didx_v)
    pltpu.sync_copy(rowids_hbm, ridx_v)

    one16 = jnp.ones((16,), jnp.float32)

    tail_mask = lax.iota(jnp.int32, 16) >= (16 - CH % 16) if CH % 16 else None

    def _hist(j, carry):
        for c in range(CH // 16):
            d16 = didx_v[j, pl.ds(c * 16, 16)]
            plsc.addupdate_scatter(
                hist_v, [lax.shift_right_logical(d16, 4), d16 & 15], one16)
        if tail_mask is not None:
            d16 = didx_v[j, pl.ds(CH - 16, 16)]
            plsc.addupdate_scatter(
                hist_v, [lax.shift_right_logical(d16, 4), d16 & 15], one16,
                mask=tail_mask)
        return carry

    lax.fori_loop(0, NCHUNK, _hist, 0)

    plsc.subcore_barrier()

    for c in range(NP // 16 // 128):
        pltpu.sync_copy(hist_v.at[pl.ds(c * 128, 128)],
                        deg_s.at[ridx_v.at[c]], add=True)

    plsc.subcore_barrier()

    pltpu.sync_copy(deg_s.at[pl.ds(sid * DRT, DRT)], zbuf_v)
    pltpu.sync_copy(zbuf_v, deg_hbm.at[cid, pl.ds(sid * DRT, DRT)])


def _sc_degrees(ei4, rowids):
    mesh = plsc.VectorSubcoreMesh(
        core_axis_name="c", subcore_axis_name="s",
        num_cores=NC, num_subcores=NS)
    fn = pl.kernel(
        _sc_deg_body,
        out_type=jax.ShapeDtypeStruct((NC, NP // 16, 16), jnp.float32),
        mesh=mesh,
        scratch_types=[
            pltpu.VMEM_SHARED((NP // 16, 16), jnp.float32),
            pltpu.VMEM((NCHUNK, CH), jnp.int32),
            pltpu.VMEM((NP // 16, 16), jnp.float32),
            pltpu.VMEM((NP // 16 // 128, 128), jnp.int32),
            pltpu.VMEM((DRT, 16), jnp.float32),
        ],
        compiler_params=pltpu.CompilerParams(
            use_tc_tiling_on_sc=False, needs_layout_passes=False),
    )
    return fn(ei4, rowids)



RB = 1000
NRB = N // RB


def _kan_feat(z, g0, g1, inv_d):
    t0 = (z - g0) * inv_d
    t1 = (z - g1) * inv_d
    r0 = jnp.exp(-(t0 * t0))
    r1 = jnp.exp(-(t1 * t1))
    s = z * jax.nn.sigmoid(z)
    return jnp.concatenate([r0, r1, s], axis=1)


def _dot(a, b):
    return jnp.dot(a, b, preferred_element_type=jnp.float32,
                   precision=jax.lax.Precision.DEFAULT)


def _tc_kan_body(params_ref, x_ref, w_ref, o_ref):
    g0 = params_ref[0]
    g1 = params_ref[1]
    inv_d = params_ref[2]
    feat = _kan_feat(x_ref[...], g0, g1, inv_d)
    o_ref[...] = _dot(feat, w_ref[...])


def _tc_combine_body(final, params_ref, p_ref, m_ref, deg_ref, w_ref, o_ref):
    g0 = params_ref[0]
    g1 = params_ref[1]
    inv_d = params_ref[2]
    agg = p_ref[0] + p_ref[1] + m_ref[...]
    cnt = 1.0 + deg_ref[0, :, 0] + deg_ref[1, :, 0]
    agg = agg * (1.0 / cnt)[:, None]
    mu = jnp.mean(agg, axis=1, keepdims=True)
    var = jnp.mean((agg - mu) ** 2, axis=1, keepdims=True)
    h = (agg - mu) * jax.lax.rsqrt(var + 1e-5)
    kan = _dot(_kan_feat(h, g0, g1, inv_d), w_ref[...])
    if final:
        mx = jnp.max(kan, axis=1, keepdims=True)
        lse = jnp.log(jnp.sum(jnp.exp(kan - mx), axis=1, keepdims=True)) + mx
        o_ref[...] = kan - lse
    else:
        o_ref[...] = kan


def _tc_kan(params, x, w):
    return pl.pallas_call(
        _tc_kan_body,
        grid=(NRB,),
        in_specs=[
            pl.BlockSpec(memory_space=pltpu.SMEM),
            pl.BlockSpec((RB, D), lambda i: (i, 0)),
            pl.BlockSpec((3 * D, D), lambda i: (0, 0)),
        ],
        out_specs=pl.BlockSpec((RB, D), lambda i: (i, 0)),
        out_shape=jax.ShapeDtypeStruct((N, D), jnp.float32),
    )(params, x, w)


def _tc_combine(params, p, m, deg, w, final):
    return pl.pallas_call(
        functools.partial(_tc_combine_body, final),
        grid=(NRB,),
        in_specs=[
            pl.BlockSpec(memory_space=pltpu.SMEM),
            pl.BlockSpec((NC, RB, D), lambda i: (0, i, 0)),
            pl.BlockSpec((RB, D), lambda i: (i, 0)),
            pl.BlockSpec((NC, RB, 1), lambda i: (0, i, 0)),
            pl.BlockSpec((3 * D, D), lambda i: (0, 0)),
        ],
        out_specs=pl.BlockSpec((RB, D), lambda i: (i, 0)),
        out_shape=jax.ShapeDtypeStruct((N, D), jnp.float32),
    )(params, p, m, deg, w)



def _wcat(Ws, Wb):
    Wsr = Ws.reshape(D, G, D)
    return jnp.concatenate([Wsr[:, 0, :], Wsr[:, 1, :], Wb], axis=0)


def _params(grid):
    g0 = grid[0]
    g1 = grid[-1]
    inv_d = (G - 1) / (g1 - g0)
    return jnp.stack([g0, g1, inv_d, jnp.float32(0.0)])


def kernel(x, edge_index, grid1, Ws1, Wb1, grid2, Ws2, Wb2,
           grid_out, Ws_out, Wb_out):
    ei4 = edge_index.reshape(2, NW, NCHUNK, CH)
    rowids = jnp.arange(NP // 16, dtype=jnp.int32).reshape(-1, 128)

    degp = _sc_degrees(ei4, rowids)
    deg = degp.reshape(NC, NP, 1)
    m1 = _tc_kan(_params(grid1), x, _wcat(Ws1, Wb1))
    p1 = _sc_aggregate(m1, ei4)
    m2 = _tc_combine(_params(grid2), p1, m1, deg, _wcat(Ws2, Wb2), final=False)
    p2 = _sc_aggregate(m2, ei4)
    out = _tc_combine(_params(grid_out), p2, m2, deg,
                      _wcat(Ws_out, Wb_out), final=True)
    return out

# --- scband reference (transcript-rebuilt; emitter-appended) ---
"""Pipeline reference for scband-kang-17746804867652 (READ-ONLY COPY).

The authoritative reference and input builder live on the scoring server;
editing this copy changes nothing except your own understanding.
"""

import jax, jax.numpy as jnp
import numpy as np

N = 10000
E = 320000
D_IN = 128
D_HID = 128
D_OUT = 128
G = 2
GRID_MIN, GRID_MAX = -1.0, 1.0


def setup_inputs(seed: int = 0) -> dict:
    key = jax.random.key(seed)
    ks = jax.random.split(key, 12)
    x = jax.random.normal(ks[0], (N, D_IN), dtype=jnp.float32)
    edge_index = jax.random.randint(ks[1], (2, E), 0, N, dtype=jnp.int32)
    grid = jnp.linspace(GRID_MIN, GRID_MAX, G).astype(jnp.float32)
    def w(k, fan_in, fan_out):
        return jax.random.normal(k, (fan_in, fan_out), dtype=jnp.float32) / jnp.sqrt(fan_in)
    return {
        "x": x,
        "edge_index": edge_index,
        "grid1": grid, "Ws1": w(ks[2], D_IN * G, D_HID), "Wb1": w(ks[3], D_IN, D_HID),
        "grid2": grid, "Ws2": w(ks[4], D_HID * G, D_HID), "Wb2": w(ks[5], D_HID, D_HID),
        "grid_out": grid, "Ws_out": w(ks[6], D_HID * G, D_OUT), "Wb_out": w(ks[7], D_HID, D_OUT),
    }


def _kan(z, grid, Ws, Wb):
    # FastKAN-style RBF basis + base silu branch
    denom = (grid[-1] - grid[0]) / (grid.shape[0] - 1)
    r = jnp.exp(-(((z[:, :, None] - grid[None, None, :]) / denom) ** 2))
    spline = r.reshape(z.shape[0], -1) @ Ws
    base = jax.nn.silu(z) @ Wb
    return spline + base


def _layer_norm(z, eps=1e-5):
    mu = jnp.mean(z, axis=-1, keepdims=True)
    var = jnp.var(z, axis=-1, keepdims=True)
    return (z - mu) / jnp.sqrt(var + eps)


def reference(x, edge_index, grid1, Ws1, Wb1, grid2, Ws2, Wb2, grid_out, Ws_out, Wb_out):
    n = x.shape[0]
    loops = jnp.arange(n, dtype=edge_index.dtype)
    ei = jnp.concatenate([edge_index, jnp.stack([loops, loops], axis=0)], axis=1)
    src, dst = ei[0], ei[1]
    cnt = jax.ops.segment_sum(jnp.ones(src.shape[0], jnp.float32), dst, num_segments=n)
    cnt = jnp.maximum(cnt, 1.0)[:, None]

    def conv(z, grid, Ws, Wb):
        m = _kan(z, grid, Ws, Wb)
        agg = jax.ops.segment_sum(jnp.take(m, src, axis=0), dst, num_segments=n)
        return agg / cnt  # aggr='mean'

    h = _layer_norm(conv(x, grid1, Ws1, Wb1))
    h = _layer_norm(conv(h, grid2, Ws2, Wb2))
    out = _kan(h, grid_out, Ws_out, Wb_out)
    return jax.nn.log_softmax(out, axis=1)

if __name__ == "__main__":
    import jax
    _d = setup_inputs()
    print(jax.jit(kernel)(*tuple(_d.values())))

</pallas_src>

<mosaic_0001>
#map = affine_map<(d0, d1) -> (0, 0, 0, 0)>
#map1 = affine_map<(d0, d1) -> (0, 0)>
#map2 = affine_map<(d0, d1) -> (0, 0, 0)>
module attributes {stable_mosaic.version = 14 : i64} {
  func.func @_sc_deg_body(%arg0: i32, %arg1: i32, %arg2: memref<2x32x100x100xi32, #tpu.memory_space<hbm>>, %arg3: memref<5x128xi32, #tpu.memory_space<hbm>>, %arg4: memref<2x640x16xf32, #tpu.memory_space<hbm>>, %arg5: memref<640x16xf32, #tpu.memory_space<vmem_shared>>, %arg6: memref<100x100xi32, #tpu.memory_space<vmem>>, %arg7: memref<640x16xf32, #tpu.memory_space<vmem>>, %arg8: memref<5x128xi32, #tpu.memory_space<vmem>>, %arg9: memref<40x16xf32, #tpu.memory_space<vmem>>) attributes {dimension_semantics = [#tpu.dimension_semantics<core_parallel>, #tpu.dimension_semantics<subcore_parallel>], iteration_bounds = array<i64: 2, 16>, scalar_prefetch = 0 : i64, scratch_operands = 5 : i64, tpu.core_type = #tpu.core_type<sc_vector_subcore>, window_params = [{transform_indices = #map}, {transform_indices = #map1}, {transform_indices = #map2}]} {
    %mul3A = arith.constant 2 : i32
    %mul3A_0 = arith.muli %arg1, %mul3A : i32
    %add3A = arith.addi %mul3A_0, %arg0 : i32
    %broadcast_in_dim3A = arith.constant 0.000000e+00 : f32
    %broadcast_in_dim3A_1 = vector.broadcast %broadcast_in_dim3A : f32 to vector<16xf32>
    %scan3A = arith.constant 0 : i32
    %scan3A_2 = arith.constant 0 : i32
    %scan3A_3 = arith.constant 640 : i32
    %scan3A_4 = arith.addi %scan3A_2, %scan3A_3 : i32
    %scan3A_5 = arith.constant 1 : i32
    scf.for %scan3A_37 = %scan3A_2 to %scan3A_4 step %scan3A_5  : i32 {
      %jit3A = arith.constant 1 : i32
      %div3A = arith.divsi %scan3A_37, %jit3A : i32
      %sign3A = arith.constant 0 : i32
      %sign3A_38 = arith.cmpi sgt, %scan3A_37, %sign3A : i32
      %sign3A_39 = arith.extui %sign3A_38 : i1 to i32
      %sign3A_40 = arith.constant 0 : i32
      %sign3A_41 = arith.cmpi slt, %scan3A_37, %sign3A_40 : i32
      %sign3A_42 = arith.extui %sign3A_41 : i1 to i32
      %sign3A_43 = arith.subi %sign3A_39, %sign3A_42 : i32
      %sign3A_44 = arith.constant 0 : i32
      %sign3A_45 = arith.cmpi sgt, %jit3A, %sign3A_44 : i32
      %sign3A_46 = arith.extui %sign3A_45 : i1 to i32
      %sign3A_47 = arith.constant 0 : i32
      %sign3A_48 = arith.cmpi slt, %jit3A, %sign3A_47 : i32
      %sign3A_49 = arith.extui %sign3A_48 : i1 to i32
      %sign3A_50 = arith.subi %sign3A_46, %sign3A_49 : i32
      %ne3A = arith.cmpi ne, %sign3A_43, %sign3A_50 : i32
      %rem3A = arith.remsi %scan3A_37, %jit3A : i32
      %ne3A_51 = arith.constant 0 : i32
      %ne3A_52 = arith.cmpi ne, %rem3A, %ne3A_51 : i32
      %and3A = arith.andi %ne3A, %ne3A_52 : i1
      %sub3A = arith.constant 1 : i32
      %sub3A_53 = arith.subi %div3A, %sub3A : i32
      %select_n3A = arith.select %and3A, %sub3A_53, %div3A : i32
      %jit3A_54 = arith.constant 1 : i32
      %eq3A = arith.constant 0 : i32
      %eq3A_55 = arith.cmpi eq, %jit3A_54, %eq3A : i32
      %jit3A_56 = arith.constant 1 : i32
      %select_n3A_57 = arith.select %eq3A_55, %jit3A_56, %jit3A_54 : i32
      %rem3A_58 = arith.remsi %scan3A_37, %select_n3A_57 : i32
      %ne3A_59 = arith.constant 0 : i32
      %ne3A_60 = arith.cmpi ne, %rem3A_58, %ne3A_59 : i32
      %lt3A = arith.constant 0 : i32
      %lt3A_61 = arith.cmpi slt, %rem3A_58, %lt3A : i32
      %lt3A_62 = arith.constant 0 : i32
      %lt3A_63 = arith.cmpi slt, %select_n3A_57, %lt3A_62 : i32
      %ne3A_64 = arith.xori %lt3A_61, %lt3A_63 : i1
      %and3A_65 = arith.andi %ne3A_64, %ne3A_60 : i1
      %add3A_66 = arith.addi %rem3A_58, %select_n3A_57 : i32
      %select_n3A_67 = arith.select %and3A_65, %add3A_66, %rem3A_58 : i32
      %mul3A_68 = arith.constant 16 : i32
      %mul3A_69 = arith.muli %select_n3A_67, %mul3A_68 : i32
      %swap3A = arith.index_cast %select_n3A : i32 to index
      %swap3A_70 = arith.index_cast %mul3A_69 : i32 to index
      %swap3A_71 = tpu.vector_load %arg7[%swap3A, %swap3A_70] {strides = array<i32>} : memref<640x16xf32, #tpu.memory_space<vmem>>, vector<16xf32>,
      tpu.vector_store %arg7[%swap3A, %swap3A_70], %broadcast_in_dim3A_1 {strides = array<i32>} : memref<640x16xf32, #tpu.memory_space<vmem>>, vector<16xf32>,
    }
    %scan3A_6 = arith.constant 640 : i32
    %broadcast_in_dim3A_7 = arith.constant 0.000000e+00 : f32
    %broadcast_in_dim3A_8 = vector.broadcast %broadcast_in_dim3A_7 : f32 to vector<16xf32>
    %scan3A_9 = arith.constant 0 : i32
    %scan3A_10 = arith.constant 0 : i32
    %scan3A_11 = arith.constant 40 : i32
    %scan3A_12 = arith.addi %scan3A_10, %scan3A_11 : i32
    %scan3A_13 = arith.constant 1 : i32
    scf.for %scan3A_37 = %scan3A_10 to %scan3A_12 step %scan3A_13  : i32 {
      %jit3A = arith.constant 1 : i32
      %div3A = arith.divsi %scan3A_37, %jit3A : i32
      %sign3A = arith.constant 0 : i32
      %sign3A_38 = arith.cmpi sgt, %scan3A_37, %sign3A : i32
      %sign3A_39 = arith.extui %sign3A_38 : i1 to i32
      %sign3A_40 = arith.constant 0 : i32
      %sign3A_41 = arith.cmpi slt, %scan3A_37, %sign3A_40 : i32
      %sign3A_42 = arith.extui %sign3A_41 : i1 to i32
      %sign3A_43 = arith.subi %sign3A_39, %sign3A_42 : i32
      %sign3A_44 = arith.constant 0 : i32
      %sign3A_45 = arith.cmpi sgt, %jit3A, %sign3A_44 : i32
      %sign3A_46 = arith.extui %sign3A_45 : i1 to i32
      %sign3A_47 = arith.constant 0 : i32
      %sign3A_48 = arith.cmpi slt, %jit3A, %sign3A_47 : i32
      %sign3A_49 = arith.extui %sign3A_48 : i1 to i32
      %sign3A_50 = arith.subi %sign3A_46, %sign3A_49 : i32
      %ne3A = arith.cmpi ne, %sign3A_43, %sign3A_50 : i32
      %rem3A = arith.remsi %scan3A_37, %jit3A : i32
      %ne3A_51 = arith.constant 0 : i32
      %ne3A_52 = arith.cmpi ne, %rem3A, %ne3A_51 : i32
      %and3A = arith.andi %ne3A, %ne3A_52 : i1
      %sub3A = arith.constant 1 : i32
      %sub3A_53 = arith.subi %div3A, %sub3A : i32
      %select_n3A = arith.select %and3A, %sub3A_53, %div3A : i32
      %jit3A_54 = arith.constant 1 : i32
      %eq3A = arith.constant 0 : i32
      %eq3A_55 = arith.cmpi eq, %jit3A_54, %eq3A : i32
      %jit3A_56 = arith.constant 1 : i32
      %select_n3A_57 = arith.select %eq3A_55, %jit3A_56, %jit3A_54 : i32
      %rem3A_58 = arith.remsi %scan3A_37, %select_n3A_57 : i32
      %ne3A_59 = arith.constant 0 : i32
      %ne3A_60 = arith.cmpi ne, %rem3A_58, %ne3A_59 : i32
      %lt3A = arith.constant 0 : i32
      %lt3A_61 = arith.cmpi slt, %rem3A_58, %lt3A : i32
      %lt3A_62 = arith.constant 0 : i32
      %lt3A_63 = arith.cmpi slt, %select_n3A_57, %lt3A_62 : i32
      %ne3A_64 = arith.xori %lt3A_61, %lt3A_63 : i1
      %and3A_65 = arith.andi %ne3A_64, %ne3A_60 : i1
      %add3A_66 = arith.addi %rem3A_58, %select_n3A_57 : i32
      %select_n3A_67 = arith.select %and3A_65, %add3A_66, %rem3A_58 : i32
      %mul3A_68 = arith.constant 16 : i32
      %mul3A_69 = arith.muli %select_n3A_67, %mul3A_68 : i32
      %swap3A = arith.index_cast %select_n3A : i32 to index
      %swap3A_70 = arith.index_cast %mul3A_69 : i32 to index
      %swap3A_71 = tpu.vector_load %arg9[%swap3A, %swap3A_70] {strides = array<i32>} : memref<40x16xf32, #tpu.memory_space<vmem>>, vector<16xf32>,
      tpu.vector_store %arg9[%swap3A, %swap3A_70], %broadcast_in_dim3A_8 {strides = array<i32>} : memref<40x16xf32, #tpu.memory_space<vmem>>, vector<16xf32>,
    }
    %scan3A_14 = arith.constant 40 : i32
    %mul3A_15 = arith.constant 40 : i32
    %mul3A_16 = arith.muli %arg1, %mul3A_15 : i32
    "tpu.region"() ({
      %run_scoped3A_37 = tpu.sem_alloc : memref<!tpu.dma_semaphore, #tpu.memory_space<semaphore_mem>>
      %dma_start3A = arith.constant 0 : i32
      %dma_start3A_38 = tpu.memref_slice %arg5[%mul3A_16, %dma_start3A] : memref<640x16xf32, #tpu.memory_space<vmem_shared>> -> memref<40x16xf32, #tpu.memory_space<vmem_shared>>
      %dma_start3A_39 = arith.constant 0 : i32
      %dma_start3A_40 = tpu.memref_slice %arg5[%mul3A_16, %dma_start3A_39] : memref<640x16xf32, #tpu.memory_space<vmem_shared>> -> memref<40x16xf32, #tpu.memory_space<vmem_shared>>
      tpu.enqueue_dma source(%arg9 : memref<40x16xf32, #tpu.memory_space<vmem>>) target(%dma_start3A_40 : memref<40x16xf32, #tpu.memory_space<vmem_shared>>) target_semaphore(%run_scoped3A_37 : memref<!tpu.dma_semaphore, #tpu.memory_space<semaphore_mem>>)
      %dma_wait3A = arith.constant 0 : i32
      %dma_wait3A_41 = tpu.memref_slice %arg5[%mul3A_16, %dma_wait3A] : memref<640x16xf32, #tpu.memory_space<vmem_shared>> -> memref<40x16xf32, #tpu.memory_space<vmem_shared>>
      %dma_wait3A_42 = arith.constant 0 : i32
      %dma_wait3A_43 = tpu.memref_slice %arg5[%mul3A_16, %dma_wait3A_42] : memref<640x16xf32, #tpu.memory_space<vmem_shared>> -> memref<40x16xf32, #tpu.memory_space<vmem_shared>>
      tpu.wait_dma2 semaphore(%run_scoped3A_37 : memref<!tpu.dma_semaphore, #tpu.memory_space<semaphore_mem>>) src(%arg9 : memref<40x16xf32, #tpu.memory_space<vmem>>) dst(%dma_wait3A_43 : memref<40x16xf32, #tpu.memory_space<vmem_shared>>)
      tpu.yield
    }) : () -> ()
    %run_scoped3A = arith.constant 1 : i32
    "tpu.region"() ({
      %run_scoped3A_37 = tpu.sem_alloc : memref<!tpu.dma_semaphore, #tpu.memory_space<semaphore_mem>>
      %dma_start3A = arith.constant 0 : i32
      %dma_start3A_38 = arith.constant 0 : i32
      %dma_start3A_39 = tpu.memref_slice %arg2[%run_scoped3A, %add3A, %dma_start3A, %dma_start3A_38] : memref<2x32x100x100xi32, #tpu.memory_space<hbm>> -> memref<1x1x100x100xi32, #tpu.memory_space<hbm>>
      %dma_start3A_40 = tpu.memref_squeeze %dma_start3A_39 : memref<1x1x100x100xi32, #tpu.memory_space<hbm>> -> memref<100x100xi32, #tpu.memory_space<hbm>>
      %dma_start3A_41 = arith.constant 0 : i32
      %dma_start3A_42 = arith.constant 0 : i32
      %dma_start3A_43 = tpu.memref_slice %arg2[%run_scoped3A, %add3A, %dma_start3A_41, %dma_start3A_42] : memref<2x32x100x100xi32, #tpu.memory_space<hbm>> -> memref<1x1x100x100xi32, #tpu.memory_space<hbm>>
      %dma_start3A_44 = tpu.memref_squeeze %dma_start3A_43 : memref<1x1x100x100xi32, #tpu.memory_space<hbm>> -> memref<100x100xi32, #tpu.memory_space<hbm>>
      tpu.enqueue_dma source(%dma_start3A_44 : memref<100x100xi32, #tpu.memory_space<hbm>>) target(%arg6 : memref<100x100xi32, #tpu.memory_space<vmem>>) target_semaphore(%run_scoped3A_37 : memref<!tpu.dma_semaphore, #tpu.memory_space<semaphore_mem>>)
      %dma_wait3A = arith.constant 0 : i32
      %dma_wait3A_45 = arith.constant 0 : i32
      %dma_wait3A_46 = tpu.memref_slice %arg2[%run_scoped3A, %add3A, %dma_wait3A, %dma_wait3A_45] : memref<2x32x100x100xi32, #tpu.memory_space<hbm>> -> memref<1x1x100x100xi32, #tpu.memory_space<hbm>>
      %dma_wait3A_47 = tpu.memref_squeeze %dma_wait3A_46 : memref<1x1x100x100xi32, #tpu.memory_space<hbm>> -> memref<100x100xi32, #tpu.memory_space<hbm>>
      %dma_wait3A_48 = arith.constant 0 : i32
      %dma_wait3A_49 = arith.constant 0 : i32
      %dma_wait3A_50 = tpu.memref_slice %arg2[%run_scoped3A, %add3A, %dma_wait3A_48, %dma_wait3A_49] : memref<2x32x100x100xi32, #tpu.memory_space<hbm>> -> memref<1x1x100x100xi32, #tpu.memory_space<hbm>>
      %dma_wait3A_51 = tpu.memref_squeeze %dma_wait3A_50 : memref<1x1x100x100xi32, #tpu.memory_space<hbm>> -> memref<100x100xi32, #tpu.memory_space<hbm>>
      tpu.wait_dma2 semaphore(%run_scoped3A_37 : memref<!tpu.dma_semaphore, #tpu.memory_space<semaphore_mem>>) src(%dma_wait3A_51 : memref<100x100xi32, #tpu.memory_space<hbm>>) dst(%arg6 : memref<100x100xi32, #tpu.memory_space<vmem>>)
      tpu.yield
    }) : () -> ()
    "tpu.region"() ({
      %run_scoped3A_37 = tpu.sem_alloc : memref<!tpu.dma_semaphore, #tpu.memory_space<semaphore_mem>>
      tpu.enqueue_dma source(%arg3 : memref<5x128xi32, #tpu.memory_space<hbm>>) target(%arg8 : memref<5x128xi32, #tpu.memory_space<vmem>>) target_semaphore(%run_scoped3A_37 : memref<!tpu.dma_semaphore, #tpu.memory_space<semaphore_mem>>)
      tpu.wait_dma2 semaphore(%run_scoped3A_37 : memref<!tpu.dma_semaphore, #tpu.memory_space<semaphore_mem>>) src(%arg3 : memref<5x128xi32, #tpu.memory_space<hbm>>) dst(%arg8 : memref<5x128xi32, #tpu.memory_space<vmem>>)
      tpu.yield
    }) : () -> ()
    %broadcast_in_dim3A_17 = arith.constant 1.000000e+00 : f32
    %broadcast_in_dim3A_18 = vector.broadcast %broadcast_in_dim3A_17 : f32 to vector<16xf32>
    %iota3A = tpu.iota {dimensions = array<i32: 0>} : vector<16xi32>
    %ge3A = arith.constant 12 : i32
    %ge3A_19 = vector.broadcast %ge3A : i32 to vector<16xi32>
    %ge3A_20 = arith.cmpi sge, %iota3A, %ge3A_19 : vector<16xi32>
    %scan3A_21 = arith.constant 0 : i32
    %scan3A_22 = arith.constant 0 : i32
    %scan3A_23 = arith.constant 100 : i32
    %scan3A_24 = arith.addi %scan3A_22, %scan3A_23 : i32
    %scan3A_25 = arith.constant 1 : i32
    scf.for %scan3A_37 = %scan3A_22 to %scan3A_24 step %scan3A_25  : i32 {
      %get3A = arith.index_cast %scan3A_37 : i32 to index
      %get3A_38 = arith.constant 0 : index
      %get3A_39 = tpu.vector_load %arg6[%get3A, %get3A_38] {strides = array<i32>} : memref<100x100xi32, #tpu.memory_space<vmem>>, vector<16xi32>,
      %shift_right_logical3A = arith.constant 4 : i32
      %shift_right_logical3A_40 = vector.broadcast %shift_right_logical3A : i32 to vector<16xi32>
      %shift_right_logical3A_41 = arith.shrui %get3A_39, %shift_right_logical3A_40 : vector<16xi32>
      %and3A = arith.constant 15 : i32
      %and3A_42 = vector.broadcast %and3A : i32 to vector<16xi32>
      %and3A_43 = arith.andi %get3A_39, %and3A_42 : vector<16xi32>
      tpu.vector_store_idx %arg7[%shift_right_logical3A_41, %and3A_43], %broadcast_in_dim3A_18 {add = true} : memref<640x16xf32, #tpu.memory_space<vmem>>[vector<16xi32>, vector<16xi32>], vector<16xf32>,
      %get3A_44 = arith.index_cast %scan3A_37 : i32 to index
      %get3A_45 = arith.constant 16 : index
      %get3A_46 = tpu.vector_load %arg6[%get3A_44, %get3A_45] {strides = array<i32>} : memref<100x100xi32, #tpu.memory_space<vmem>>, vector<16xi32>,
      %shift_right_logical3A_47 = arith.constant 4 : i32
      %shift_right_logical3A_48 = vector.broadcast %shift_right_logical3A_47 : i32 to vector<16xi32>
      %shift_right_logical3A_49 = arith.shrui %get3A_46, %shift_right_logical3A_48 : vector<16xi32>
      %and3A_50 = arith.constant 15 : i32
      %and3A_51 = vector.broadcast %and3A_50 : i32 to vector<16xi32>
      %and3A_52 = arith.andi %get3A_46, %and3A_51 : vector<16xi32>
      tpu.vector_store_idx %arg7[%shift_right_logical3A_49, %and3A_52], %broadcast_in_dim3A_18 {add = true} : memref<640x16xf32, #tpu.memory_space<vmem>>[vector<16xi32>, vector<16xi32>], vector<16xf32>,
      %get3A_53 = arith.index_cast %scan3A_37 : i32 to index
      %get3A_54 = arith.constant 32 : index
      %get3A_55 = tpu.vector_load %arg6[%get3A_53, %get3A_54] {strides = array<i32>} : memref<100x100xi32, #tpu.memory_space<vmem>>, vector<16xi32>,
      %shift_right_logical3A_56 = arith.constant 4 : i32
      %shift_right_logical3A_57 = vector.broadcast %shift_right_logical3A_56 : i32 to vector<16xi32>
      %shift_right_logical3A_58 = arith.shrui %get3A_55, %shift_right_logical3A_57 : vector<16xi32>
      %and3A_59 = arith.constant 15 : i32
      %and3A_60 = vector.broadcast %and3A_59 : i32 to vector<16xi32>
      %and3A_61 = arith.andi %get3A_55, %and3A_60 : vector<16xi32>
      tpu.vector_store_idx %arg7[%shift_right_logical3A_58, %and3A_61], %broadcast_in_dim3A_18 {add = true} : memref<640x16xf32, #tpu.memory_space<vmem>>[vector<16xi32>, vector<16xi32>], vector<16xf32>,
      %get3A_62 = arith.index_cast %scan3A_37 : i32 to index
      %get3A_63 = arith.constant 48 : index
      %get3A_64 = tpu.vector_load %arg6[%get3A_62, %get3A_63] {strides = array<i32>} : memref<100x100xi32, #tpu.memory_space<vmem>>, vector<16xi32>,
      %shift_right_logical3A_65 = arith.constant 4 : i32
      %shift_right_logical3A_66 = vector.broadcast %shift_right_logical3A_65 : i32 to vector<16xi32>
      %shift_right_logical3A_67 = arith.shrui %get3A_64, %shift_right_logical3A_66 : vector<16xi32>
      %and3A_68 = arith.constant 15 : i32
      %and3A_69 = vector.broadcast %and3A_68 : i32 to vector<16xi32>
      %and3A_70 = arith.andi %get3A_64, %and3A_69 : vector<16xi32>
      tpu.vector_store_idx %arg7[%shift_right_logical3A_67, %and3A_70], %broadcast_in_dim3A_18 {add = true} : memref<640x16xf32, #tpu.memory_space<vmem>>[vector<16xi32>, vector<16xi32>], vector<16xf32>,
      %get3A_71 = arith.index_cast %scan3A_37 : i32 to index
      %get3A_72 = arith.constant 64 : index
      %get3A_73 = tpu.vector_load %arg6[%get3A_71, %get3A_72] {strides = array<i32>} : memref<100x100xi32, #tpu.memory_space<vmem>>, vector<16xi32>,
      %shift_right_logical3A_74 = arith.constant 4 : i32
      %shift_right_logical3A_75 = vector.broadcast %shift_right_logical3A_74 : i32 to vector<16xi32>
      %shift_right_logical3A_76 = arith.shrui %get3A_73, %shift_right_logical3A_75 : vector<16xi32>
      %and3A_77 = arith.constant 15 : i32
      %and3A_78 = vector.broadcast %and3A_77 : i32 to vector<16xi32>
      %and3A_79 = arith.andi %get3A_73, %and3A_78 : vector<16xi32>
      tpu.vector_store_idx %arg7[%shift_right_logical3A_76, %and3A_79], %broadcast_in_dim3A_18 {add = true} : memref<640x16xf32, #tpu.memory_space<vmem>>[vector<16xi32>, vector<16xi32>], vector<16xf32>,
      %get3A_80 = arith.index_cast %scan3A_37 : i32 to index
      %get3A_81 = arith.constant 80 : index
      %get3A_82 = tpu.vector_load %arg6[%get3A_80, %get3A_81] {strides = array<i32>} : memref<100x100xi32, #tpu.memory_space<vmem>>, vector<16xi32>,
      %shift_right_logical3A_83 = arith.constant 4 : i32
      %shift_right_logical3A_84 = vector.broadcast %shift_right_logical3A_83 : i32 to vector<16xi32>
      %shift_right_logical3A_85 = arith.shrui %get3A_82, %shift_right_logical3A_84 : vector<16xi32>
      %and3A_86 = arith.constant 15 : i32
      %and3A_87 = vector.broadcast %and3A_86 : i32 to vector<16xi32>
      %and3A_88 = arith.andi %get3A_82, %and3A_87 : vector<16xi32>
      tpu.vector_store_idx %arg7[%shift_right_logical3A_85, %and3A_88], %broadcast_in_dim3A_18 {add = true} : memref<640x16xf32, #tpu.memory_space<vmem>>[vector<16xi32>, vector<16xi32>], vector<16xf32>,
      %get3A_89 = arith.index_cast %scan3A_37 : i32 to index
      %get3A_90 = arith.constant 84 : index
      %get3A_91 = tpu.vector_load %arg6[%get3A_89, %get3A_90] {strides = array<i32>} : memref<100x100xi32, #tpu.memory_space<vmem>>, vector<16xi32>,
      %shift_right_logical3A_92 = arith.constant 4 : i32
      %shift_right_logical3A_93 = vector.broadcast %shift_right_logical3A_92 : i32 to vector<16xi32>
      %shift_right_logical3A_94 = arith.shrui %get3A_91, %shift_right_logical3A_93 : vector<16xi32>
      %and3A_95 = arith.constant 15 : i32
      %and3A_96 = vector.broadcast %and3A_95 : i32 to vector<16xi32>
      %and3A_97 = arith.andi %get3A_91, %and3A_96 : vector<16xi32>
      tpu.vector_store_idx %arg7[%shift_right_logical3A_94, %and3A_97], %broadcast_in_dim3A_18 masked %ge3A_20 {add = true} : memref<640x16xf32, #tpu.memory_space<vmem>>[vector<16xi32>, vector<16xi32>], vector<16xf32>, vector<16xi1>
    }
    %scan3A_26 = arith.constant 100 : i32
    %barrier3A = arith.constant 0 : index
    tpu.barrier barrier_id(%barrier3A)
    %run_scoped3A_27 = arith.constant 0 : i32
    "tpu.region"() ({
      %run_scoped3A_37 = tpu.sem_alloc : memref<!tpu.dma_semaphore, #tpu.memory_space<semaphore_mem>>
      %dma_start3A = arith.constant 0 : i32
      %dma_start3A_38 = arith.constant 0 : i32
      %dma_start3A_39 = tpu.memref_slice %arg7[%dma_start3A, %dma_start3A_38] : memref<640x16xf32, #tpu.memory_space<vmem>> -> memref<128x16xf32, #tpu.memory_space<vmem>>
      %dma_start3A_40 = arith.constant 0 : i32
      %dma_start3A_41 = tpu.memref_slice %arg8[%run_scoped3A_27, %dma_start3A_40] : memref<5x128xi32, #tpu.memory_space<vmem>> -> memref<1x128xi32, #tpu.memory_space<vmem>>
      %dma_start3A_42 = tpu.memref_squeeze %dma_start3A_41 : memref<1x128xi32, #tpu.memory_space<vmem>> -> memref<128xi32, #tpu.memory_space<vmem>>
      %dma_start3A_43 = arith.constant 0 : i32
      %dma_start3A_44 = arith.constant 0 : i32
      %dma_start3A_45 = tpu.memref_slice %arg5[%dma_start3A_43, %dma_start3A_44] : memref<640x16xf32, #tpu.memory_space<vmem_shared>> -> memref<640x16xf32, #tpu.memory_space<vmem_shared>>
      tpu.enqueue_indirect_dma source(%dma_start3A_39 : memref<128x16xf32, #tpu.memory_space<vmem>>) target(%dma_start3A_45 : memref<640x16xf32, #tpu.memory_space<vmem_shared>>) offsets(%dma_start3A_42 : memref<128xi32, #tpu.memory_space<vmem>>) semaphore(%run_scoped3A_37 : memref<!tpu.dma_semaphore, #tpu.memory_space<semaphore_mem>>) {add = true}
      %dma_wait3A = arith.constant 0 : i32
      %dma_wait3A_46 = arith.constant 0 : i32
      %dma_wait3A_47 = tpu.memref_slice %arg7[%dma_wait3A, %dma_wait3A_46] : memref<640x16xf32, #tpu.memory_space<vmem>> -> memref<128x16xf32, #tpu.memory_space<vmem>>
      %dma_wait3A_48 = arith.constant 0 : i32
      %dma_wait3A_49 = tpu.memref_slice %arg8[%run_scoped3A_27, %dma_wait3A_48] : memref<5x128xi32, #tpu.memory_space<vmem>> -> memref<1x128xi32, #tpu.memory_space<vmem>>
      %dma_wait3A_50 = tpu.memref_squeeze %dma_wait3A_49 : memref<1x128xi32, #tpu.memory_space<vmem>> -> memref<128xi32, #tpu.memory_space<vmem>>
      %dma_wait3A_51 = arith.constant 0 : i32
      %dma_wait3A_52 = arith.constant 0 : i32
      %dma_wait3A_53 = tpu.memref_slice %arg5[%dma_wait3A_51, %dma_wait3A_52] : memref<640x16xf32, #tpu.memory_space<vmem_shared>> -> memref<640x16xf32, #tpu.memory_space<vmem_shared>>
      tpu.wait_indirect_dma semaphore(%run_scoped3A_37 : memref<!tpu.dma_semaphore, #tpu.memory_space<semaphore_mem>>) src(%dma_wait3A_47 : memref<128x16xf32, #tpu.memory_space<vmem>>) dst(%dma_wait3A_53 : memref<640x16xf32, #tpu.memory_space<vmem_shared>>)
      tpu.yield
    }) : () -> ()
    %run_scoped3A_28 = arith.constant 1 : i32
    "tpu.region"() ({
      %run_scoped3A_37 = tpu.sem_alloc : memref<!tpu.dma_semaphore, #tpu.memory_space<semaphore_mem>>
      %dma_start3A = arith.constant 128 : i32
      %dma_start3A_38 = arith.constant 0 : i32
      %dma_start3A_39 = tpu.memref_slice %arg7[%dma_start3A, %dma_start3A_38] : memref<640x16xf32, #tpu.memory_space<vmem>> -> memref<128x16xf32, #tpu.memory_space<vmem>>
      %dma_start3A_40 = arith.constant 0 : i32
      %dma_start3A_41 = tpu.memref_slice %arg8[%run_scoped3A_28, %dma_start3A_40] : memref<5x128xi32, #tpu.memory_space<vmem>> -> memref<1x128xi32, #tpu.memory_space<vmem>>
      %dma_start3A_42 = tpu.memref_squeeze %dma_start3A_41 : memref<1x128xi32, #tpu.memory_space<vmem>> -> memref<128xi32, #tpu.memory_space<vmem>>
      %dma_start3A_43 = arith.constant 0 : i32
      %dma_start3A_44 = arith.constant 0 : i32
      %dma_start3A_45 = tpu.memref_slice %arg5[%dma_start3A_43, %dma_start3A_44] : memref<640x16xf32, #tpu.memory_space<vmem_shared>> -> memref<640x16xf32, #tpu.memory_space<vmem_shared>>
      tpu.enqueue_indirect_dma source(%dma_start3A_39 : memref<128x16xf32, #tpu.memory_space<vmem>>) target(%dma_start3A_45 : memref<640x16xf32, #tpu.memory_space<vmem_shared>>) offsets(%dma_start3A_42 : memref<128xi32, #tpu.memory_space<vmem>>) semaphore(%run_scoped3A_37 : memref<!tpu.dma_semaphore, #tpu.memory_space<semaphore_mem>>) {add = true}
      %dma_wait3A = arith.constant 128 : i32
      %dma_wait3A_46 = arith.constant 0 : i32
      %dma_wait3A_47 = tpu.memref_slice %arg7[%dma_wait3A, %dma_wait3A_46] : memref<640x16xf32, #tpu.memory_space<vmem>> -> memref<128x16xf32, #tpu.memory_space<vmem>>
      %dma_wait3A_48 = arith.constant 0 : i32
      %dma_wait3A_49 = tpu.memref_slice %arg8[%run_scoped3A_28, %dma_wait3A_48] : memref<5x128xi32, #tpu.memory_space<vmem>> -> memref<1x128xi32, #tpu.memory_space<vmem>>
      %dma_wait3A_50 = tpu.memref_squeeze %dma_wait3A_49 : memref<1x128xi32, #tpu.memory_space<vmem>> -> memref<128xi32, #tpu.memory_space<vmem>>
      %dma_wait3A_51 = arith.constant 0 : i32
      %dma_wait3A_52 = arith.constant 0 : i32
      %dma_wait3A_53 = tpu.memref_slice %arg5[%dma_wait3A_51, %dma_wait3A_52] : memref<640x16xf32, #tpu.memory_space<vmem_shared>> -> memref<640x16xf32, #tpu.memory_space<vmem_shared>>
      tpu.wait_indirect_dma semaphore(%run_scoped3A_37 : memref<!tpu.dma_semaphore, #tpu.memory_space<semaphore_mem>>) src(%dma_wait3A_47 : memref<128x16xf32, #tpu.memory_space<vmem>>) dst(%dma_wait3A_53 : memref<640x16xf32, #tpu.memory_space<vmem_shared>>)
      tpu.yield
    }) : () -> ()
    %run_scoped3A_29 = arith.constant 2 : i32
    "tpu.region"() ({
      %run_scoped3A_37 = tpu.sem_alloc : memref<!tpu.dma_semaphore, #tpu.memory_space<semaphore_mem>>
      %dma_start3A = arith.constant 256 : i32
      %dma_start3A_38 = arith.constant 0 : i32
      %dma_start3A_39 = tpu.memref_slice %arg7[%dma_start3A, %dma_start3A_38] : memref<640x16xf32, #tpu.memory_space<vmem>> -> memref<128x16xf32, #tpu.memory_space<vmem>>
      %dma_start3A_40 = arith.constant 0 : i32
      %dma_start3A_41 = tpu.memref_slice %arg8[%run_scoped3A_29, %dma_start3A_40] : memref<5x128xi32, #tpu.memory_space<vmem>> -> memref<1x128xi32, #tpu.memory_space<vmem>>
      %dma_start3A_42 = tpu.memref_squeeze %dma_start3A_41 : memref<1x128xi32, #tpu.memory_space<vmem>> -> memref<128xi32, #tpu.memory_space<vmem>>
      %dma_start3A_43 = arith.constant 0 : i32
      %dma_start3A_44 = arith.constant 0 : i32
      %dma_start3A_45 = tpu.memref_slice %arg5[%dma_start3A_43, %dma_start3A_44] : memref<640x16xf32, #tpu.memory_space<vmem_shared>> -> memref<640x16xf32, #tpu.memory_space<vmem_shared>>
      tpu.enqueue_indirect_dma source(%dma_start3A_39 : memref<128x16xf32, #tpu.memory_space<vmem>>) target(%dma_start3A_45 : memref<640x16xf32, #tpu.memory_space<vmem_shared>>) offsets(%dma_start3A_42 : memref<128xi32, #tpu.memory_space<vmem>>) semaphore(%run_scoped3A_37 : memref<!tpu.dma_semaphore, #tpu.memory_space<semaphore_mem>>) {add = true}
      %dma_wait3A = arith.constant 256 : i32
      %dma_wait3A_46 = arith.constant 0 : i32
      %dma_wait3A_47 = tpu.memref_slice %arg7[%dma_wait3A, %dma_wait3A_46] : memref<640x16xf32, #tpu.memory_space<vmem>> -> memref<128x16xf32, #tpu.memory_space<vmem>>
      %dma_wait3A_48 = arith.constant 0 : i32
      %dma_wait3A_49 = tpu.memref_slice %arg8[%run_scoped3A_29, %dma_wait3A_48] : memref<5x128xi32, #tpu.memory_space<vmem>> -> memref<1x128xi32, #tpu.memory_space<vmem>>
      %dma_wait3A_50 = tpu.memref_squeeze %dma_wait3A_49 : memref<1x128xi32, #tpu.memory_space<vmem>> -> memref<128xi32, #tpu.memory_space<vmem>>
      %dma_wait3A_51 = arith.constant 0 : i32
      %dma_wait3A_52 = arith.constant 0 : i32
      %dma_wait3A_53 = tpu.memref_slice %arg5[%dma_wait3A_51, %dma_wait3A_52] : memref<640x16xf32, #tpu.memory_space<vmem_shared>> -> memref<640x16xf32, #tpu.memory_space<vmem_shared>>
      tpu.wait_indirect_dma semaphore(%run_scoped3A_37 : memref<!tpu.dma_semaphore, #tpu.memory_space<semaphore_mem>>) src(%dma_wait3A_47 : memref<128x16xf32, #tpu.memory_space<vmem>>) dst(%dma_wait3A_53 : memref<640x16xf32, #tpu.memory_space<vmem_shared>>)
      tpu.yield
    }) : () -> ()
    %run_scoped3A_30 = arith.constant 3 : i32
    "tpu.region"() ({
      %run_scoped3A_37 = tpu.sem_alloc : memref<!tpu.dma_semaphore, #tpu.memory_space<semaphore_mem>>
      %dma_start3A = arith.constant 384 : i32
      %dma_start3A_38 = arith.constant 0 : i32
      %dma_start3A_39 = tpu.memref_slice %arg7[%dma_start3A, %dma_start3A_38] : memref<640x16xf32, #tpu.memory_space<vmem>> -> memref<128x16xf32, #tpu.memory_space<vmem>>
      %dma_start3A_40 = arith.constant 0 : i32
      %dma_start3A_41 = tpu.memref_slice %arg8[%run_scoped3A_30, %dma_start3A_40] : memref<5x128xi32, #tpu.memory_space<vmem>> -> memref<1x128xi32, #tpu.memory_space<vmem>>
      %dma_start3A_42 = tpu.memref_squeeze %dma_start3A_41 : memref<1x128xi32, #tpu.memory_space<vmem>> -> memref<128xi32, #tpu.memory_space<vmem>>
      %dma_start3A_43 = arith.constant 0 : i32
      %dma_start3A_44 = arith.constant 0 : i32
      %dma_start3A_45 = tpu.memref_slice %arg5[%dma_start3A_43, %dma_start3A_44] : memref<640x16xf32, #tpu.memory_space<vmem_shared>> -> memref<640x16xf32, #tpu.memory_space<vmem_shared>>
      tpu.enqueue_indirect_dma source(%dma_start3A_39 : memref<128x16xf32, #tpu.memory_space<vmem>>) target(%dma_start3A_45 : memref<640x16xf32, #tpu.memory_space<vmem_shared>>) offsets(%dma_start3A_42 : memref<128xi32, #tpu.memory_space<vmem>>) semaphore(%run_scoped3A_37 : memref<!tpu.dma_semaphore, #tpu.memory_space<semaphore_mem>>) {add = true}
      %dma_wait3A = arith.constant 384 : i32
      %dma_wait3A_46 = arith.constant 0 : i32
      %dma_wait3A_47 = tpu.memref_slice %arg7[%dma_wait3A, %dma_wait3A_46] : memref<640x16xf32, #tpu.memory_space<vmem>> -> memref<128x16xf32, #tpu.memory_space<vmem>>
      %dma_wait3A_48 = arith.constant 0 : i32
      %dma_wait3A_49 = tpu.memref_slice %arg8[%run_scoped3A_30, %dma_wait3A_48] : memref<5x128xi32, #tpu.memory_space<vmem>> -> memref<1x128xi32, #tpu.memory_space<vmem>>
      %dma_wait3A_50 = tpu.memref_squeeze %dma_wait3A_49 : memref<1x128xi32, #tpu.memory_space<vmem>> -> memref<128xi32, #tpu.memory_space<vmem>>
      %dma_wait3A_51 = arith.constant 0 : i32
      %dma_wait3A_52 = arith.constant 0 : i32
      %dma_wait3A_53 = tpu.memref_slice %arg5[%dma_wait3A_51, %dma_wait3A_52] : memref<640x16xf32, #tpu.memory_space<vmem_shared>> -> memref<640x16xf32, #tpu.memory_space<vmem_shared>>
      tpu.wait_indirect_dma semaphore(%run_scoped3A_37 : memref<!tpu.dma_semaphore, #tpu.memory_space<semaphore_mem>>) src(%dma_wait3A_47 : memref<128x16xf32, #tpu.memory_space<vmem>>) dst(%dma_wait3A_53 : memref<640x16xf32, #tpu.memory_space<vmem_shared>>)
      tpu.yield
    }) : () -> ()
    %run_scoped3A_31 = arith.constant 4 : i32
    "tpu.region"() ({
      %run_scoped3A_37 = tpu.sem_alloc : memref<!tpu.dma_semaphore, #tpu.memory_space<semaphore_mem>>
      %dma_start3A = arith.constant 512 : i32
      %dma_start3A_38 = arith.constant 0 : i32
      %dma_start3A_39 = tpu.memref_slice %arg7[%dma_start3A, %dma_start3A_38] : memref<640x16xf32, #tpu.memory_space<vmem>> -> memref<128x16xf32, #tpu.memory_space<vmem>>
      %dma_start3A_40 = arith.constant 0 : i32
      %dma_start3A_41 = tpu.memref_slice %arg8[%run_scoped3A_31, %dma_start3A_40] : memref<5x128xi32, #tpu.memory_space<vmem>> -> memref<1x128xi32, #tpu.memory_space<vmem>>
      %dma_start3A_42 = tpu.memref_squeeze %dma_start3A_41 : memref<1x128xi32, #tpu.memory_space<vmem>> -> memref<128xi32, #tpu.memory_space<vmem>>
      %dma_start3A_43 = arith.constant 0 : i32
      %dma_start3A_44 = arith.constant 0 : i32
      %dma_start3A_45 = tpu.memref_slice %arg5[%dma_start3A_43, %dma_start3A_44] : memref<640x16xf32, #tpu.memory_space<vmem_shared>> -> memref<640x16xf32, #tpu.memory_space<vmem_shared>>
      tpu.enqueue_indirect_dma source(%dma_start3A_39 : memref<128x16xf32, #tpu.memory_space<vmem>>) target(%dma_start3A_45 : memref<640x16xf32, #tpu.memory_space<vmem_shared>>) offsets(%dma_start3A_42 : memref<128xi32, #tpu.memory_space<vmem>>) semaphore(%run_scoped3A_37 : memref<!tpu.dma_semaphore, #tpu.memory_space<semaphore_mem>>) {add = true}
      %dma_wait3A = arith.constant 512 : i32
      %dma_wait3A_46 = arith.constant 0 : i32
      %dma_wait3A_47 = tpu.memref_slice %arg7[%dma_wait3A, %dma_wait3A_46] : memref<640x16xf32, #tpu.memory_space<vmem>> -> memref<128x16xf32, #tpu.memory_space<vmem>>
      %dma_wait3A_48 = arith.constant 0 : i32
      %dma_wait3A_49 = tpu.memref_slice %arg8[%run_scoped3A_31, %dma_wait3A_48] : memref<5x128xi32, #tpu.memory_space<vmem>> -> memref<1x128xi32, #tpu.memory_space<vmem>>
      %dma_wait3A_50 = tpu.memref_squeeze %dma_wait3A_49 : memref<1x128xi32, #tpu.memory_space<vmem>> -> memref<128xi32, #tpu.memory_space<vmem>>
      %dma_wait3A_51 = arith.constant 0 : i32
      %dma_wait3A_52 = arith.constant 0 : i32
      %dma_wait3A_53 = tpu.memref_slice %arg5[%dma_wait3A_51, %dma_wait3A_52] : memref<640x16xf32, #tpu.memory_space<vmem_shared>> -> memref<640x16xf32, #tpu.memory_space<vmem_shared>>
      tpu.wait_indirect_dma semaphore(%run_scoped3A_37 : memref<!tpu.dma_semaphore, #tpu.memory_space<semaphore_mem>>) src(%dma_wait3A_47 : memref<128x16xf32, #tpu.memory_space<vmem>>) dst(%dma_wait3A_53 : memref<640x16xf32, #tpu.memory_space<vmem_shared>>)
      tpu.yield
    }) : () -> ()
    %barrier3A_32 = arith.constant 0 : index
    tpu.barrier barrier_id(%barrier3A_32)
    %mul3A_33 = arith.constant 40 : i32
    %mul3A_34 = arith.muli %arg1, %mul3A_33 : i32
    "tpu.region"() ({
      %run_scoped3A_37 = tpu.sem_alloc : memref<!tpu.dma_semaphore, #tpu.memory_space<semaphore_mem>>
      %dma_start3A = arith.constant 0 : i32
      %dma_start3A_38 = tpu.memref_slice %arg5[%mul3A_34, %dma_start3A] : memref<640x16xf32, #tpu.memory_space<vmem_shared>> -> memref<40x16xf32, #tpu.memory_space<vmem_shared>>
      %dma_start3A_39 = arith.constant 0 : i32
      %dma_start3A_40 = tpu.memref_slice %arg5[%mul3A_34, %dma_start3A_39] : memref<640x16xf32, #tpu.memory_space<vmem_shared>> -> memref<40x16xf32, #tpu.memory_space<vmem_shared>>
      tpu.enqueue_dma source(%dma_start3A_40 : memref<40x16xf32, #tpu.memory_space<vmem_shared>>) target(%arg9 : memref<40x16xf32, #tpu.memory_space<vmem>>) target_semaphore(%run_scoped3A_37 : memref<!tpu.dma_semaphore, #tpu.memory_space<semaphore_mem>>)
      %dma_wait3A = arith.constant 0 : i32
      %dma_wait3A_41 = tpu.memref_slice %arg5[%mul3A_34, %dma_wait3A] : memref<640x16xf32, #tpu.memory_space<vmem_shared>> -> memref<40x16xf32, #tpu.memory_space<vmem_shared>>
      %dma_wait3A_42 = arith.constant 0 : i32
      %dma_wait3A_43 = tpu.memref_slice %arg5[%mul3A_34, %dma_wait3A_42] : memref<640x16xf32, #tpu.memory_space<vmem_shared>> -> memref<40x16xf32, #tpu.memory_space<vmem_shared>>
      tpu.wait_dma2 semaphore(%run_scoped3A_37 : memref<!tpu.dma_semaphore, #tpu.memory_space<semaphore_mem>>) src(%dma_wait3A_43 : memref<40x16xf32, #tpu.memory_space<vmem_shared>>) dst(%arg9 : memref<40x16xf32, #tpu.memory_space<vmem>>)
      tpu.yield
    }) : () -> ()
    %mul3A_35 = arith.constant 40 : i32
    %mul3A_36 = arith.muli %arg1, %mul3A_35 : i32
    "tpu.region"() ({
      %run_scoped3A_37 = tpu.sem_alloc : memref<!tpu.dma_semaphore, #tpu.memory_space<semaphore_mem>>
      %dma_start3A = arith.constant 0 : i32
      %dma_start3A_38 = tpu.memref_slice %arg4[%arg0, %mul3A_36, %dma_start3A] : memref<2x640x16xf32, #tpu.memory_space<hbm>> -> memref<1x40x16xf32, #tpu.memory_space<hbm>>
      %dma_start3A_39 = tpu.memref_squeeze %dma_start3A_38 : memref<1x40x16xf32, #tpu.memory_space<hbm>> -> memref<40x16xf32, #tpu.memory_space<hbm>>
      %dma_start3A_40 = arith.constant 0 : i32
      %dma_start3A_41 = tpu.memref_slice %arg4[%arg0, %mul3A_36, %dma_start3A_40] : memref<2x640x16xf32, #tpu.memory_space<hbm>> -> memref<1x40x16xf32, #tpu.memory_space<hbm>>
      %dma_start3A_42 = tpu.memref_squeeze %dma_start3A_41 : memref<1x40x16xf32, #tpu.memory_space<hbm>> -> memref<40x16xf32, #tpu.memory_space<hbm>>
      tpu.enqueue_dma source(%arg9 : memref<40x16xf32, #tpu.memory_space<vmem>>) target(%dma_start3A_42 : memref<40x16xf32, #tpu.memory_space<hbm>>) target_semaphore(%run_scoped3A_37 : memref<!tpu.dma_semaphore, #tpu.memory_space<semaphore_mem>>)
      %dma_wait3A = arith.constant 0 : i32
      %dma_wait3A_43 = tpu.memref_slice %arg4[%arg0, %mul3A_36, %dma_wait3A] : memref<2x640x16xf32, #tpu.memory_space<hbm>> -> memref<1x40x16xf32, #tpu.memory_space<hbm>>
      %dma_wait3A_44 = tpu.memref_squeeze %dma_wait3A_43 : memref<1x40x16xf32, #tpu.memory_space<hbm>> -> memref<40x16xf32, #tpu.memory_space<hbm>>
      %dma_wait3A_45 = arith.constant 0 : i32
      %dma_wait3A_46 = tpu.memref_slice %arg4[%arg0, %mul3A_36, %dma_wait3A_45] : memref<2x640x16xf32, #tpu.memory_space<hbm>> -> memref<1x40x16xf32, #tpu.memory_space<hbm>>
      %dma_wait3A_47 = tpu.memref_squeeze %dma_wait3A_46 : memref<1x40x16xf32, #tpu.memory_space<hbm>> -> memref<40x16xf32, #tpu.memory_space<hbm>>
      tpu.wait_dma2 semaphore(%run_scoped3A_37 : memref<!tpu.dma_semaphore, #tpu.memory_space<semaphore_mem>>) src(%arg9 : memref<40x16xf32, #tpu.memory_space<vmem>>) dst(%dma_wait3A_47 : memref<40x16xf32, #tpu.memory_space<hbm>>)
      tpu.yield
    }) : () -> ()
    return
  }
}

#map = affine_map<(d0, d1) -> (0, 0)>
#map1 = affine_map<(d0, d1) -> (0, 0, 0, 0)>
#map2 = affine_map<(d0, d1) -> (0, 0, 0)>
module attributes {stable_mosaic.version = 14 : i64} {
  func.func @_sc_agg_body(%arg0: i32, %arg1: i32, %arg2: memref<10000x128xf32, #tpu.memory_space<hbm>>, %arg3: memref<2x32x100x100xi32, #tpu.memory_space<hbm>>, %arg4: memref<2x10240x128xf32, #tpu.memory_space<hbm>>, %arg5: memref<10240x128xf32, #tpu.memory_space<vmem_shared>>, %arg6: memref<100x100xi32, #tpu.memory_space<vmem>>, %arg7: memref<100x100xi32, #tpu.memory_space<vmem>>, %arg8: memref<100x128xf32, #tpu.memory_space<vmem>>, %arg9: memref<100x128xf32, #tpu.memory_space<vmem>>, %arg10: memref<!tpu.dma_semaphore, #tpu.memory_space<semaphore_mem>>, %arg11: memref<!tpu.dma_semaphore, #tpu.memory_space<semaphore_mem>>) attributes {dimension_semantics = [#tpu.dimension_semantics<core_parallel>, #tpu.dimension_semantics<subcore_parallel>], iteration_bounds = array<i64: 2, 16>, scalar_prefetch = 0 : i64, scratch_operands = 7 : i64, tpu.core_type = #tpu.core_type<sc_vector_subcore>, window_params = [{transform_indices = #map}, {transform_indices = #map1}, {transform_indices = #map2}]} {
    %mul3A = arith.constant 2 : i32
    %mul3A_0 = arith.muli %arg1, %mul3A : i32
    %add3A = arith.addi %mul3A_0, %arg0 : i32
    %broadcast_in_dim3A = arith.constant 0.000000e+00 : f32
    %broadcast_in_dim3A_1 = vector.broadcast %broadcast_in_dim3A : f32 to vector<16xf32>
    %scan3A = arith.constant 0 : i32
    %scan3A_2 = arith.constant 0 : i32
    %scan3A_3 = arith.constant 640 : i32
    %scan3A_4 = arith.addi %scan3A_2, %scan3A_3 : i32
    %scan3A_5 = arith.constant 1 : i32
    scf.for %scan3A_85 = %scan3A_2 to %scan3A_4 step %scan3A_5  : i32 {
      %jit3A = arith.constant 8 : i32
      %div3A = arith.divsi %scan3A_85, %jit3A : i32
      %sign3A = arith.constant 0 : i32
      %sign3A_86 = arith.cmpi sgt, %scan3A_85, %sign3A : i32
      %sign3A_87 = arith.extui %sign3A_86 : i1 to i32
      %sign3A_88 = arith.constant 0 : i32
      %sign3A_89 = arith.cmpi slt, %scan3A_85, %sign3A_88 : i32
      %sign3A_90 = arith.extui %sign3A_89 : i1 to i32
      %sign3A_91 = arith.subi %sign3A_87, %sign3A_90 : i32
      %sign3A_92 = arith.constant 0 : i32
      %sign3A_93 = arith.cmpi sgt, %jit3A, %sign3A_92 : i32
      %sign3A_94 = arith.extui %sign3A_93 : i1 to i32
      %sign3A_95 = arith.constant 0 : i32
      %sign3A_96 = arith.cmpi slt, %jit3A, %sign3A_95 : i32
      %sign3A_97 = arith.extui %sign3A_96 : i1 to i32
      %sign3A_98 = arith.subi %sign3A_94, %sign3A_97 : i32
      %ne3A = arith.cmpi ne, %sign3A_91, %sign3A_98 : i32
      %rem3A = arith.remsi %scan3A_85, %jit3A : i32
      %ne3A_99 = arith.constant 0 : i32
      %ne3A_100 = arith.cmpi ne, %rem3A, %ne3A_99 : i32
      %and3A = arith.andi %ne3A, %ne3A_100 : i1
      %sub3A = arith.constant 1 : i32
      %sub3A_101 = arith.subi %div3A, %sub3A : i32
      %select_n3A = arith.select %and3A, %sub3A_101, %div3A : i32
      %jit3A_102 = arith.constant 8 : i32
      %eq3A = arith.constant 0 : i32
      %eq3A_103 = arith.cmpi eq, %jit3A_102, %eq3A : i32
      %jit3A_104 = arith.constant 1 : i32
      %select_n3A_105 = arith.select %eq3A_103, %jit3A_104, %jit3A_102 : i32
      %rem3A_106 = arith.remsi %scan3A_85, %select_n3A_105 : i32
      %ne3A_107 = arith.constant 0 : i32
      %ne3A_108 = arith.cmpi ne, %rem3A_106, %ne3A_107 : i32
      %lt3A = arith.constant 0 : i32
      %lt3A_109 = arith.cmpi slt, %rem3A_106, %lt3A : i32
      %lt3A_110 = arith.constant 0 : i32
      %lt3A_111 = arith.cmpi slt, %select_n3A_105, %lt3A_110 : i32
      %ne3A_112 = arith.xori %lt3A_109, %lt3A_111 : i1
      %and3A_113 = arith.andi %ne3A_112, %ne3A_108 : i1
      %add3A_114 = arith.addi %rem3A_106, %select_n3A_105 : i32
      %select_n3A_115 = arith.select %and3A_113, %add3A_114, %rem3A_106 : i32
      %mul3A_116 = arith.constant 16 : i32
      %mul3A_117 = arith.muli %select_n3A_115, %mul3A_116 : i32
      %swap3A = arith.index_cast %select_n3A : i32 to index
      %swap3A_118 = arith.index_cast %mul3A_117 : i32 to index
      %swap3A_119 = tpu.vector_load %arg8[%swap3A, %swap3A_118] {strides = array<i32>} : memref<100x128xf32, #tpu.memory_space<vmem>>, vector<1x16xf32>,
      %swap3A_120 = vector.shape_cast %swap3A_119 : vector<1x16xf32> to vector<16xf32>
      %swap3A_121 = vector.shape_cast %broadcast_in_dim3A_1 : vector<16xf32> to vector<1x16xf32>
      tpu.vector_store %arg8[%swap3A, %swap3A_118], %swap3A_121 {strides = array<i32>} : memref<100x128xf32, #tpu.memory_space<vmem>>, vector<1x16xf32>,
    }
    %scan3A_6 = arith.constant 640 : i32
    %mul3A_7 = arith.constant 640 : i32
    %mul3A_8 = arith.muli %arg1, %mul3A_7 : i32
    %add3A_9 = arith.constant 0 : i32
    %add3A_10 = arith.addi %mul3A_8, %add3A_9 : i32
    "tpu.region"() ({
      %run_scoped3A_85 = tpu.sem_alloc : memref<!tpu.dma_semaphore, #tpu.memory_space<semaphore_mem>>
      %dma_start3A_86 = arith.constant 0 : i32
      %dma_start3A_87 = arith.constant 0 : i32
      %dma_start3A_88 = tpu.memref_slice %arg8[%dma_start3A_86, %dma_start3A_87] : memref<100x128xf32, #tpu.memory_space<vmem>> -> memref<80x128xf32, #tpu.memory_space<vmem>>
      %dma_start3A_89 = arith.constant 0 : i32
      %dma_start3A_90 = tpu.memref_slice %arg5[%add3A_10, %dma_start3A_89] : memref<10240x128xf32, #tpu.memory_space<vmem_shared>> -> memref<80x128xf32, #tpu.memory_space<vmem_shared>>
      %dma_start3A_91 = arith.constant 0 : i32
      %dma_start3A_92 = tpu.memref_slice %arg5[%add3A_10, %dma_start3A_91] : memref<10240x128xf32, #tpu.memory_space<vmem_shared>> -> memref<80x128xf32, #tpu.memory_space<vmem_shared>>
      %dma_start3A_93 = arith.constant 0 : i32
      %dma_start3A_94 = arith.constant 0 : i32
      %dma_start3A_95 = tpu.memref_slice %arg8[%dma_start3A_93, %dma_start3A_94] : memref<100x128xf32, #tpu.memory_space<vmem>> -> memref<80x128xf32, #tpu.memory_space<vmem>>
      tpu.enqueue_dma source(%dma_start3A_95 : memref<80x128xf32, #tpu.memory_space<vmem>>) target(%dma_start3A_92 : memref<80x128xf32, #tpu.memory_space<vmem_shared>>) target_semaphore(%run_scoped3A_85 : memref<!tpu.dma_semaphore, #tpu.memory_space<semaphore_mem>>)
      %dma_wait3A = arith.constant 0 : i32
      %dma_wait3A_96 = arith.constant 0 : i32
      %dma_wait3A_97 = tpu.memref_slice %arg8[%dma_wait3A, %dma_wait3A_96] : memref<100x128xf32, #tpu.memory_space<vmem>> -> memref<80x128xf32, #tpu.memory_space<vmem>>
      %dma_wait3A_98 = arith.constant 0 : i32
      %dma_wait3A_99 = tpu.memref_slice %arg5[%add3A_10, %dma_wait3A_98] : memref<10240x128xf32, #tpu.memory_space<vmem_shared>> -> memref<80x128xf32, #tpu.memory_space<vmem_shared>>
      %dma_wait3A_100 = arith.constant 0 : i32
      %dma_wait3A_101 = tpu.memref_slice %arg5[%add3A_10, %dma_wait3A_100] : memref<10240x128xf32, #tpu.memory_space<vmem_shared>> -> memref<80x128xf32, #tpu.memory_space<vmem_shared>>
      %dma_wait3A_102 = arith.constant 0 : i32
      %dma_wait3A_103 = arith.constant 0 : i32
      %dma_wait3A_104 = tpu.memref_slice %arg8[%dma_wait3A_102, %dma_wait3A_103] : memref<100x128xf32, #tpu.memory_space<vmem>> -> memref<80x128xf32, #tpu.memory_space<vmem>>
      tpu.wait_dma2 semaphore(%run_scoped3A_85 : memref<!tpu.dma_semaphore, #tpu.memory_space<semaphore_mem>>) src(%dma_wait3A_104 : memref<80x128xf32, #tpu.memory_space<vmem>>) dst(%dma_wait3A_101 : memref<80x128xf32, #tpu.memory_space<vmem_shared>>)
      tpu.yield
    }) : () -> ()
    %mul3A_11 = arith.constant 640 : i32
    %mul3A_12 = arith.muli %arg1, %mul3A_11 : i32
    %add3A_13 = arith.constant 80 : i32
    %add3A_14 = arith.addi %mul3A_12, %add3A_13 : i32
    "tpu.region"() ({
      %run_scoped3A_85 = tpu.sem_alloc : memref<!tpu.dma_semaphore, #tpu.memory_space<semaphore_mem>>
      %dma_start3A_86 = arith.constant 0 : i32
      %dma_start3A_87 = arith.constant 0 : i32
      %dma_start3A_88 = tpu.memref_slice %arg8[%dma_start3A_86, %dma_start3A_87] : memref<100x128xf32, #tpu.memory_space<vmem>> -> memref<80x128xf32, #tpu.memory_space<vmem>>
      %dma_start3A_89 = arith.constant 0 : i32
      %dma_start3A_90 = tpu.memref_slice %arg5[%add3A_14, %dma_start3A_89] : memref<10240x128xf32, #tpu.memory_space<vmem_shared>> -> memref<80x128xf32, #tpu.memory_space<vmem_shared>>
      %dma_start3A_91 = arith.constant 0 : i32
      %dma_start3A_92 = tpu.memref_slice %arg5[%add3A_14, %dma_start3A_91] : memref<10240x128xf32, #tpu.memory_space<vmem_shared>> -> memref<80x128xf32, #tpu.memory_space<vmem_shared>>
      %dma_start3A_93 = arith.constant 0 : i32
      %dma_start3A_94 = arith.constant 0 : i32
      %dma_start3A_95 = tpu.memref_slice %arg8[%dma_start3A_93, %dma_start3A_94] : memref<100x128xf32, #tpu.memory_space<vmem>> -> memref<80x128xf32, #tpu.memory_space<vmem>>
      tpu.enqueue_dma source(%dma_start3A_95 : memref<80x128xf32, #tpu.memory_space<vmem>>) target(%dma_start3A_92 : memref<80x128xf32, #tpu.memory_space<vmem_shared>>) target_semaphore(%run_scoped3A_85 : memref<!tpu.dma_semaphore, #tpu.memory_space<semaphore_mem>>)
      %dma_wait3A = arith.constant 0 : i32
      %dma_wait3A_96 = arith.constant 0 : i32
      %dma_wait3A_97 = tpu.memref_slice %arg8[%dma_wait3A, %dma_wait3A_96] : memref<100x128xf32, #tpu.memory_space<vmem>> -> memref<80x128xf32, #tpu.memory_space<vmem>>
      %dma_wait3A_98 = arith.constant 0 : i32
      %dma_wait3A_99 = tpu.memref_slice %arg5[%add3A_14, %dma_wait3A_98] : memref<10240x128xf32, #tpu.memory_space<vmem_shared>> -> memref<80x128xf32, #tpu.memory_space<vmem_shared>>
      %dma_wait3A_100 = arith.constant 0 : i32
      %dma_wait3A_101 = tpu.memref_slice %arg5[%add3A_14, %dma_wait3A_100] : memref<10240x128xf32, #tpu.memory_space<vmem_shared>> -> memref<80x128xf32, #tpu.memory_space<vmem_shared>>
      %dma_wait3A_102 = arith.constant 0 : i32
      %dma_wait3A_103 = arith.constant 0 : i32
      %dma_wait3A_104 = tpu.memref_slice %arg8[%dma_wait3A_102, %dma_wait3A_103] : memref<100x128xf32, #tpu.memory_space<vmem>> -> memref<80x128xf32, #tpu.memory_space<vmem>>
      tpu.wait_dma2 semaphore(%run_scoped3A_85 : memref<!tpu.dma_semaphore, #tpu.memory_space<semaphore_mem>>) src(%dma_wait3A_104 : memref<80x128xf32, #tpu.memory_space<vmem>>) dst(%dma_wait3A_101 : memref<80x128xf32, #tpu.memory_space<vmem_shared>>)
      tpu.yield
    }) : () -> ()
    %mul3A_15 = arith.constant 640 : i32
    %mul3A_16 = arith.muli %arg1, %mul3A_15 : i32
    %add3A_17 = arith.constant 160 : i32
    %add3A_18 = arith.addi %mul3A_16, %add3A_17 : i32
    "tpu.region"() ({
      %run_scoped3A_85 = tpu.sem_alloc : memref<!tpu.dma_semaphore, #tpu.memory_space<semaphore_mem>>
      %dma_start3A_86 = arith.constant 0 : i32
      %dma_start3A_87 = arith.constant 0 : i32
      %dma_start3A_88 = tpu.memref_slice %arg8[%dma_start3A_86, %dma_start3A_87] : memref<100x128xf32, #tpu.memory_space<vmem>> -> memref<80x128xf32, #tpu.memory_space<vmem>>
      %dma_start3A_89 = arith.constant 0 : i32
      %dma_start3A_90 = tpu.memref_slice %arg5[%add3A_18, %dma_start3A_89] : memref<10240x128xf32, #tpu.memory_space<vmem_shared>> -> memref<80x128xf32, #tpu.memory_space<vmem_shared>>
      %dma_start3A_91 = arith.constant 0 : i32
      %dma_start3A_92 = tpu.memref_slice %arg5[%add3A_18, %dma_start3A_91] : memref<10240x128xf32, #tpu.memory_space<vmem_shared>> -> memref<80x128xf32, #tpu.memory_space<vmem_shared>>
      %dma_start3A_93 = arith.constant 0 : i32
      %dma_start3A_94 = arith.constant 0 : i32
      %dma_start3A_95 = tpu.memref_slice %arg8[%dma_start3A_93, %dma_start3A_94] : memref<100x128xf32, #tpu.memory_space<vmem>> -> memref<80x128xf32, #tpu.memory_space<vmem>>
      tpu.enqueue_dma source(%dma_start3A_95 : memref<80x128xf32, #tpu.memory_space<vmem>>) target(%dma_start3A_92 : memref<80x128xf32, #tpu.memory_space<vmem_shared>>) target_semaphore(%run_scoped3A_85 : memref<!tpu.dma_semaphore, #tpu.memory_space<semaphore_mem>>)
      %dma_wait3A = arith.constant 0 : i32
      %dma_wait3A_96 = arith.constant 0 : i32
      %dma_wait3A_97 = tpu.memref_slice %arg8[%dma_wait3A, %dma_wait3A_96] : memref<100x128xf32, #tpu.memory_space<vmem>> -> memref<80x128xf32, #tpu.memory_space<vmem>>
      %dma_wait3A_98 = arith.constant 0 : i32
      %dma_wait3A_99 = tpu.memref_slice %arg5[%add3A_18, %dma_wait3A_98] : memref<10240x128xf32, #tpu.memory_space<vmem_shared>> -> memref<80x128xf32, #tpu.memory_space<vmem_shared>>
      %dma_wait3A_100 = arith.constant 0 : i32
      %dma_wait3A_101 = tpu.memref_slice %arg5[%add3A_18, %dma_wait3A_100] : memref<10240x128xf32, #tpu.memory_space<vmem_shared>> -> memref<80x128xf32, #tpu.memory_space<vmem_shared>>
      %dma_wait3A_102 = arith.constant 0 : i32
      %dma_wait3A_103 = arith.constant 0 : i32
      %dma_wait3A_104 = tpu.memref_slice %arg8[%dma_wait3A_102, %dma_wait3A_103] : memref<100x128xf32, #tpu.memory_space<vmem>> -> memref<80x128xf32, #tpu.memory_space<vmem>>
      tpu.wait_dma2 semaphore(%run_scoped3A_85 : memref<!tpu.dma_semaphore, #tpu.memory_space<semaphore_mem>>) src(%dma_wait3A_104 : memref<80x128xf32, #tpu.memory_space<vmem>>) dst(%dma_wait3A_101 : memref<80x128xf32, #tpu.memory_space<vmem_shared>>)
      tpu.yield
    }) : () -> ()
    %mul3A_19 = arith.constant 640 : i32
    %mul3A_20 = arith.muli %arg1, %mul3A_19 : i32
    %add3A_21 = arith.constant 240 : i32
    %add3A_22 = arith.addi %mul3A_20, %add3A_21 : i32
    "tpu.region"() ({
      %run_scoped3A_85 = tpu.sem_alloc : memref<!tpu.dma_semaphore, #tpu.memory_space<semaphore_mem>>
      %dma_start3A_86 = arith.constant 0 : i32
      %dma_start3A_87 = arith.constant 0 : i32
      %dma_start3A_88 = tpu.memref_slice %arg8[%dma_start3A_86, %dma_start3A_87] : memref<100x128xf32, #tpu.memory_space<vmem>> -> memref<80x128xf32, #tpu.memory_space<vmem>>
      %dma_start3A_89 = arith.constant 0 : i32
      %dma_start3A_90 = tpu.memref_slice %arg5[%add3A_22, %dma_start3A_89] : memref<10240x128xf32, #tpu.memory_space<vmem_shared>> -> memref<80x128xf32, #tpu.memory_space<vmem_shared>>
      %dma_start3A_91 = arith.constant 0 : i32
      %dma_start3A_92 = tpu.memref_slice %arg5[%add3A_22, %dma_start3A_91] : memref<10240x128xf32, #tpu.memory_space<vmem_shared>> -> memref<80x128xf32, #tpu.memory_space<vmem_shared>>
      %dma_start3A_93 = arith.constant 0 : i32
      %dma_start3A_94 = arith.constant 0 : i32
      %dma_start3A_95 = tpu.memref_slice %arg8[%dma_start3A_93, %dma_start3A_94] : memref<100x128xf32, #tpu.memory_space<vmem>> -> memref<80x128xf32, #tpu.memory_space<vmem>>
      tpu.enqueue_dma source(%dma_start3A_95 : memref<80x128xf32, #tpu.memory_space<vmem>>) target(%dma_start3A_92 : memref<80x128xf32, #tpu.memory_space<vmem_shared>>) target_semaphore(%run_scoped3A_85 : memref<!tpu.dma_semaphore, #tpu.memory_space<semaphore_mem>>)
      %dma_wait3A = arith.constant 0 : i32
      %dma_wait3A_96 = arith.constant 0 : i32
      %dma_wait3A_97 = tpu.memref_slice %arg8[%dma_wait3A, %dma_wait3A_96] : memref<100x128xf32, #tpu.memory_space<vmem>> -> memref<80x128xf32, #tpu.memory_space<vmem>>
      %dma_wait3A_98 = arith.constant 0 : i32
      %dma_wait3A_99 = tpu.memref_slice %arg5[%add3A_22, %dma_wait3A_98] : memref<10240x128xf32, #tpu.memory_space<vmem_shared>> -> memref<80x128xf32, #tpu.memory_space<vmem_shared>>
      %dma_wait3A_100 = arith.constant 0 : i32
      %dma_wait3A_101 = tpu.memref_slice %arg5[%add3A_22, %dma_wait3A_100] : memref<10240x128xf32, #tpu.memory_space<vmem_shared>> -> memref<80x128xf32, #tpu.memory_space<vmem_shared>>
      %dma_wait3A_102 = arith.constant 0 : i32
      %dma_wait3A_103 = arith.constant 0 : i32
      %dma_wait3A_104 = tpu.memref_slice %arg8[%dma_wait3A_102, %dma_wait3A_103] : memref<100x128xf32, #tpu.memory_space<vmem>> -> memref<80x128xf32, #tpu.memory_space<vmem>>
      tpu.wait_dma2 semaphore(%run_scoped3A_85 : memref<!tpu.dma_semaphore, #tpu.memory_space<semaphore_mem>>) src(%dma_wait3A_104 : memref<80x128xf32, #tpu.memory_space<vmem>>) dst(%dma_wait3A_101 : memref<80x128xf32, #tpu.memory_space<vmem_shared>>)
      tpu.yield
    }) : () -> ()
    %mul3A_23 = arith.constant 640 : i32
    %mul3A_24 = arith.muli %arg1, %mul3A_23 : i32
    %add3A_25 = arith.constant 320 : i32
    %add3A_26 = arith.addi %mul3A_24, %add3A_25 : i32
    "tpu.region"() ({
      %run_scoped3A_85 = tpu.sem_alloc : memref<!tpu.dma_semaphore, #tpu.memory_space<semaphore_mem>>
      %dma_start3A_86 = arith.constant 0 : i32
      %dma_start3A_87 = arith.constant 0 : i32
      %dma_start3A_88 = tpu.memref_slice %arg8[%dma_start3A_86, %dma_start3A_87] : memref<100x128xf32, #tpu.memory_space<vmem>> -> memref<80x128xf32, #tpu.memory_space<vmem>>
      %dma_start3A_89 = arith.constant 0 : i32
      %dma_start3A_90 = tpu.memref_slice %arg5[%add3A_26, %dma_start3A_89] : memref<10240x128xf32, #tpu.memory_space<vmem_shared>> -> memref<80x128xf32, #tpu.memory_space<vmem_shared>>
      %dma_start3A_91 = arith.constant 0 : i32
      %dma_start3A_92 = tpu.memref_slice %arg5[%add3A_26, %dma_start3A_91] : memref<10240x128xf32, #tpu.memory_space<vmem_shared>> -> memref<80x128xf32, #tpu.memory_space<vmem_shared>>
      %dma_start3A_93 = arith.constant 0 : i32
      %dma_start3A_94 = arith.constant 0 : i32
      %dma_start3A_95 = tpu.memref_slice %arg8[%dma_start3A_93, %dma_start3A_94] : memref<100x128xf32, #tpu.memory_space<vmem>> -> memref<80x128xf32, #tpu.memory_space<vmem>>
      tpu.enqueue_dma source(%dma_start3A_95 : memref<80x128xf32, #tpu.memory_space<vmem>>) target(%dma_start3A_92 : memref<80x128xf32, #tpu.memory_space<vmem_shared>>) target_semaphore(%run_scoped3A_85 : memref<!tpu.dma_semaphore, #tpu.memory_space<semaphore_mem>>)
      %dma_wait3A = arith.constant 0 : i32
      %dma_wait3A_96 = arith.constant 0 : i32
      %dma_wait3A_97 = tpu.memref_slice %arg8[%dma_wait3A, %dma_wait3A_96] : memref<100x128xf32, #tpu.memory_space<vmem>> -> memref<80x128xf32, #tpu.memory_space<vmem>>
      %dma_wait3A_98 = arith.constant 0 : i32
      %dma_wait3A_99 = tpu.memref_slice %arg5[%add3A_26, %dma_wait3A_98] : memref<10240x128xf32, #tpu.memory_space<vmem_shared>> -> memref<80x128xf32, #tpu.memory_space<vmem_shared>>
      %dma_wait3A_100 = arith.constant 0 : i32
      %dma_wait3A_101 = tpu.memref_slice %arg5[%add3A_26, %dma_wait3A_100] : memref<10240x128xf32, #tpu.memory_space<vmem_shared>> -> memref<80x128xf32, #tpu.memory_space<vmem_shared>>
      %dma_wait3A_102 = arith.constant 0 : i32
      %dma_wait3A_103 = arith.constant 0 : i32
      %dma_wait3A_104 = tpu.memref_slice %arg8[%dma_wait3A_102, %dma_wait3A_103] : memref<100x128xf32, #tpu.memory_space<vmem>> -> memref<80x128xf32, #tpu.memory_space<vmem>>
      tpu.wait_dma2 semaphore(%run_scoped3A_85 : memref<!tpu.dma_semaphore, #tpu.memory_space<semaphore_mem>>) src(%dma_wait3A_104 : memref<80x128xf32, #tpu.memory_space<vmem>>) dst(%dma_wait3A_101 : memref<80x128xf32, #tpu.memory_space<vmem_shared>>)
      tpu.yield
    }) : () -> ()
    %mul3A_27 = arith.constant 640 : i32
    %mul3A_28 = arith.muli %arg1, %mul3A_27 : i32
    %add3A_29 = arith.constant 400 : i32
    %add3A_30 = arith.addi %mul3A_28, %add3A_29 : i32
    "tpu.region"() ({
      %run_scoped3A_85 = tpu.sem_alloc : memref<!tpu.dma_semaphore, #tpu.memory_space<semaphore_mem>>
      %dma_start3A_86 = arith.constant 0 : i32
      %dma_start3A_87 = arith.constant 0 : i32
      %dma_start3A_88 = tpu.memref_slice %arg8[%dma_start3A_86, %dma_start3A_87] : memref<100x128xf32, #tpu.memory_space<vmem>> -> memref<80x128xf32, #tpu.memory_space<vmem>>
      %dma_start3A_89 = arith.constant 0 : i32
      %dma_start3A_90 = tpu.memref_slice %arg5[%add3A_30, %dma_start3A_89] : memref<10240x128xf32, #tpu.memory_space<vmem_shared>> -> memref<80x128xf32, #tpu.memory_space<vmem_shared>>
      %dma_start3A_91 = arith.constant 0 : i32
      %dma_start3A_92 = tpu.memref_slice %arg5[%add3A_30, %dma_start3A_91] : memref<10240x128xf32, #tpu.memory_space<vmem_shared>> -> memref<80x128xf32, #tpu.memory_space<vmem_shared>>
      %dma_start3A_93 = arith.constant 0 : i32
      %dma_start3A_94 = arith.constant 0 : i32
      %dma_start3A_95 = tpu.memref_slice %arg8[%dma_start3A_93, %dma_start3A_94] : memref<100x128xf32, #tpu.memory_space<vmem>> -> memref<80x128xf32, #tpu.memory_space<vmem>>
      tpu.enqueue_dma source(%dma_start3A_95 : memref<80x128xf32, #tpu.memory_space<vmem>>) target(%dma_start3A_92 : memref<80x128xf32, #tpu.memory_space<vmem_shared>>) target_semaphore(%run_scoped3A_85 : memref<!tpu.dma_semaphore, #tpu.memory_space<semaphore_mem>>)
      %dma_wait3A = arith.constant 0 : i32
      %dma_wait3A_96 = arith.constant 0 : i32
      %dma_wait3A_97 = tpu.memref_slice %arg8[%dma_wait3A, %dma_wait3A_96] : memref<100x128xf32, #tpu.memory_space<vmem>> -> memref<80x128xf32, #tpu.memory_space<vmem>>
      %dma_wait3A_98 = arith.constant 0 : i32
      %dma_wait3A_99 = tpu.memref_slice %arg5[%add3A_30, %dma_wait3A_98] : memref<10240x128xf32, #tpu.memory_space<vmem_shared>> -> memref<80x128xf32, #tpu.memory_space<vmem_shared>>
      %dma_wait3A_100 = arith.constant 0 : i32
      %dma_wait3A_101 = tpu.memref_slice %arg5[%add3A_30, %dma_wait3A_100] : memref<10240x128xf32, #tpu.memory_space<vmem_shared>> -> memref<80x128xf32, #tpu.memory_space<vmem_shared>>
      %dma_wait3A_102 = arith.constant 0 : i32
      %dma_wait3A_103 = arith.constant 0 : i32
      %dma_wait3A_104 = tpu.memref_slice %arg8[%dma_wait3A_102, %dma_wait3A_103] : memref<100x128xf32, #tpu.memory_space<vmem>> -> memref<80x128xf32, #tpu.memory_space<vmem>>
      tpu.wait_dma2 semaphore(%run_scoped3A_85 : memref<!tpu.dma_semaphore, #tpu.memory_space<semaphore_mem>>) src(%dma_wait3A_104 : memref<80x128xf32, #tpu.memory_space<vmem>>) dst(%dma_wait3A_101 : memref<80x128xf32, #tpu.memory_space<vmem_shared>>)
      tpu.yield
    }) : () -> ()
    %mul3A_31 = arith.constant 640 : i32
    %mul3A_32 = arith.muli %arg1, %mul3A_31 : i32
    %add3A_33 = arith.constant 480 : i32
    %add3A_34 = arith.addi %mul3A_32, %add3A_33 : i32
    "tpu.region"() ({
      %run_scoped3A_85 = tpu.sem_alloc : memref<!tpu.dma_semaphore, #tpu.memory_space<semaphore_mem>>
      %dma_start3A_86 = arith.constant 0 : i32
      %dma_start3A_87 = arith.constant 0 : i32
      %dma_start3A_88 = tpu.memref_slice %arg8[%dma_start3A_86, %dma_start3A_87] : memref<100x128xf32, #tpu.memory_space<vmem>> -> memref<80x128xf32, #tpu.memory_space<vmem>>
      %dma_start3A_89 = arith.constant 0 : i32
      %dma_start3A_90 = tpu.memref_slice %arg5[%add3A_34, %dma_start3A_89] : memref<10240x128xf32, #tpu.memory_space<vmem_shared>> -> memref<80x128xf32, #tpu.memory_space<vmem_shared>>
      %dma_start3A_91 = arith.constant 0 : i32
      %dma_start3A_92 = tpu.memref_slice %arg5[%add3A_34, %dma_start3A_91] : memref<10240x128xf32, #tpu.memory_space<vmem_shared>> -> memref<80x128xf32, #tpu.memory_space<vmem_shared>>
      %dma_start3A_93 = arith.constant 0 : i32
      %dma_start3A_94 = arith.constant 0 : i32
      %dma_start3A_95 = tpu.memref_slice %arg8[%dma_start3A_93, %dma_start3A_94] : memref<100x128xf32, #tpu.memory_space<vmem>> -> memref<80x128xf32, #tpu.memory_space<vmem>>
      tpu.enqueue_dma source(%dma_start3A_95 : memref<80x128xf32, #tpu.memory_space<vmem>>) target(%dma_start3A_92 : memref<80x128xf32, #tpu.memory_space<vmem_shared>>) target_semaphore(%run_scoped3A_85 : memref<!tpu.dma_semaphore, #tpu.memory_space<semaphore_mem>>)
      %dma_wait3A = arith.constant 0 : i32
      %dma_wait3A_96 = arith.constant 0 : i32
      %dma_wait3A_97 = tpu.memref_slice %arg8[%dma_wait3A, %dma_wait3A_96] : memref<100x128xf32, #tpu.memory_space<vmem>> -> memref<80x128xf32, #tpu.memory_space<vmem>>
      %dma_wait3A_98 = arith.constant 0 : i32
      %dma_wait3A_99 = tpu.memref_slice %arg5[%add3A_34, %dma_wait3A_98] : memref<10240x128xf32, #tpu.memory_space<vmem_shared>> -> memref<80x128xf32, #tpu.memory_space<vmem_shared>>
      %dma_wait3A_100 = arith.constant 0 : i32
      %dma_wait3A_101 = tpu.memref_slice %arg5[%add3A_34, %dma_wait3A_100] : memref<10240x128xf32, #tpu.memory_space<vmem_shared>> -> memref<80x128xf32, #tpu.memory_space<vmem_shared>>
      %dma_wait3A_102 = arith.constant 0 : i32
      %dma_wait3A_103 = arith.constant 0 : i32
      %dma_wait3A_104 = tpu.memref_slice %arg8[%dma_wait3A_102, %dma_wait3A_103] : memref<100x128xf32, #tpu.memory_space<vmem>> -> memref<80x128xf32, #tpu.memory_space<vmem>>
      tpu.wait_dma2 semaphore(%run_scoped3A_85 : memref<!tpu.dma_semaphore, #tpu.memory_space<semaphore_mem>>) src(%dma_wait3A_104 : memref<80x128xf32, #tpu.memory_space<vmem>>) dst(%dma_wait3A_101 : memref<80x128xf32, #tpu.memory_space<vmem_shared>>)
      tpu.yield
    }) : () -> ()
    %mul3A_35 = arith.constant 640 : i32
    %mul3A_36 = arith.muli %arg1, %mul3A_35 : i32
    %add3A_37 = arith.constant 560 : i32
    %add3A_38 = arith.addi %mul3A_36, %add3A_37 : i32
    "tpu.region"() ({
      %run_scoped3A_85 = tpu.sem_alloc : memref<!tpu.dma_semaphore, #tpu.memory_space<semaphore_mem>>
      %dma_start3A_86 = arith.constant 0 : i32
      %dma_start3A_87 = arith.constant 0 : i32
      %dma_start3A_88 = tpu.memref_slice %arg8[%dma_start3A_86, %dma_start3A_87] : memref<100x128xf32, #tpu.memory_space<vmem>> -> memref<80x128xf32, #tpu.memory_space<vmem>>
      %dma_start3A_89 = arith.constant 0 : i32
      %dma_start3A_90 = tpu.memref_slice %arg5[%add3A_38, %dma_start3A_89] : memref<10240x128xf32, #tpu.memory_space<vmem_shared>> -> memref<80x128xf32, #tpu.memory_space<vmem_shared>>
      %dma_start3A_91 = arith.constant 0 : i32
      %dma_start3A_92 = tpu.memref_slice %arg5[%add3A_38, %dma_start3A_91] : memref<10240x128xf32, #tpu.memory_space<vmem_shared>> -> memref<80x128xf32, #tpu.memory_space<vmem_shared>>
      %dma_start3A_93 = arith.constant 0 : i32
      %dma_start3A_94 = arith.constant 0 : i32
      %dma_start3A_95 = tpu.memref_slice %arg8[%dma_start3A_93, %dma_start3A_94] : memref<100x128xf32, #tpu.memory_space<vmem>> -> memref<80x128xf32, #tpu.memory_space<vmem>>
      tpu.enqueue_dma source(%dma_start3A_95 : memref<80x128xf32, #tpu.memory_space<vmem>>) target(%dma_start3A_92 : memref<80x128xf32, #tpu.memory_space<vmem_shared>>) target_semaphore(%run_scoped3A_85 : memref<!tpu.dma_semaphore, #tpu.memory_space<semaphore_mem>>)
      %dma_wait3A = arith.constant 0 : i32
      %dma_wait3A_96 = arith.constant 0 : i32
      %dma_wait3A_97 = tpu.memref_slice %arg8[%dma_wait3A, %dma_wait3A_96] : memref<100x128xf32, #tpu.memory_space<vmem>> -> memref<80x128xf32, #tpu.memory_space<vmem>>
      %dma_wait3A_98 = arith.constant 0 : i32
      %dma_wait3A_99 = tpu.memref_slice %arg5[%add3A_38, %dma_wait3A_98] : memref<10240x128xf32, #tpu.memory_space<vmem_shared>> -> memref<80x128xf32, #tpu.memory_space<vmem_shared>>
      %dma_wait3A_100 = arith.constant 0 : i32
      %dma_wait3A_101 = tpu.memref_slice %arg5[%add3A_38, %dma_wait3A_100] : memref<10240x128xf32, #tpu.memory_space<vmem_shared>> -> memref<80x128xf32, #tpu.memory_space<vmem_shared>>
      %dma_wait3A_102 = arith.constant 0 : i32
      %dma_wait3A_103 = arith.constant 0 : i32
      %dma_wait3A_104 = tpu.memref_slice %arg8[%dma_wait3A_102, %dma_wait3A_103] : memref<100x128xf32, #tpu.memory_space<vmem>> -> memref<80x128xf32, #tpu.memory_space<vmem>>
      tpu.wait_dma2 semaphore(%run_scoped3A_85 : memref<!tpu.dma_semaphore, #tpu.memory_space<semaphore_mem>>) src(%dma_wait3A_104 : memref<80x128xf32, #tpu.memory_space<vmem>>) dst(%dma_wait3A_101 : memref<80x128xf32, #tpu.memory_space<vmem_shared>>)
      tpu.yield
    }) : () -> ()
    %run_scoped3A = arith.constant 0 : i32
    "tpu.region"() ({
      %run_scoped3A_85 = tpu.sem_alloc : memref<!tpu.dma_semaphore, #tpu.memory_space<semaphore_mem>>
      %dma_start3A_86 = arith.constant 0 : i32
      %dma_start3A_87 = arith.constant 0 : i32
      %dma_start3A_88 = tpu.memref_slice %arg3[%run_scoped3A, %add3A, %dma_start3A_86, %dma_start3A_87] : memref<2x32x100x100xi32, #tpu.memory_space<hbm>> -> memref<1x1x100x100xi32, #tpu.memory_space<hbm>>
      %dma_start3A_89 = tpu.memref_squeeze %dma_start3A_88 : memref<1x1x100x100xi32, #tpu.memory_space<hbm>> -> memref<100x100xi32, #tpu.memory_space<hbm>>
      %dma_start3A_90 = arith.constant 0 : i32
      %dma_start3A_91 = arith.constant 0 : i32
      %dma_start3A_92 = tpu.memref_slice %arg3[%run_scoped3A, %add3A, %dma_start3A_90, %dma_start3A_91] : memref<2x32x100x100xi32, #tpu.memory_space<hbm>> -> memref<1x1x100x100xi32, #tpu.memory_space<hbm>>
      %dma_start3A_93 = tpu.memref_squeeze %dma_start3A_92 : memref<1x1x100x100xi32, #tpu.memory_space<hbm>> -> memref<100x100xi32, #tpu.memory_space<hbm>>
      tpu.enqueue_dma source(%dma_start3A_93 : memref<100x100xi32, #tpu.memory_space<hbm>>) target(%arg6 : memref<100x100xi32, #tpu.memory_space<vmem>>) target_semaphore(%run_scoped3A_85 : memref<!tpu.dma_semaphore, #tpu.memory_space<semaphore_mem>>)
      %dma_wait3A = arith.constant 0 : i32
      %dma_wait3A_94 = arith.constant 0 : i32
      %dma_wait3A_95 = tpu.memref_slice %arg3[%run_scoped3A, %add3A, %dma_wait3A, %dma_wait3A_94] : memref<2x32x100x100xi32, #tpu.memory_space<hbm>> -> memref<1x1x100x100xi32, #tpu.memory_space<hbm>>
      %dma_wait3A_96 = tpu.memref_squeeze %dma_wait3A_95 : memref<1x1x100x100xi32, #tpu.memory_space<hbm>> -> memref<100x100xi32, #tpu.memory_space<hbm>>
      %dma_wait3A_97 = arith.constant 0 : i32
      %dma_wait3A_98 = arith.constant 0 : i32
      %dma_wait3A_99 = tpu.memref_slice %arg3[%run_scoped3A, %add3A, %dma_wait3A_97, %dma_wait3A_98] : memref<2x32x100x100xi32, #tpu.memory_space<hbm>> -> memref<1x1x100x100xi32, #tpu.memory_space<hbm>>
      %dma_wait3A_100 = tpu.memref_squeeze %dma_wait3A_99 : memref<1x1x100x100xi32, #tpu.memory_space<hbm>> -> memref<100x100xi32, #tpu.memory_space<hbm>>
      tpu.wait_dma2 semaphore(%run_scoped3A_85 : memref<!tpu.dma_semaphore, #tpu.memory_space<semaphore_mem>>) src(%dma_wait3A_100 : memref<100x100xi32, #tpu.memory_space<hbm>>) dst(%arg6 : memref<100x100xi32, #tpu.memory_space<vmem>>)
      tpu.yield
    }) : () -> ()
    %run_scoped3A_39 = arith.constant 1 : i32
    "tpu.region"() ({
      %run_scoped3A_85 = tpu.sem_alloc : memref<!tpu.dma_semaphore, #tpu.memory_space<semaphore_mem>>
      %dma_start3A_86 = arith.constant 0 : i32
      %dma_start3A_87 = arith.constant 0 : i32
      %dma_start3A_88 = tpu.memref_slice %arg3[%run_scoped3A_39, %add3A, %dma_start3A_86, %dma_start3A_87] : memref<2x32x100x100xi32, #tpu.memory_space<hbm>> -> memref<1x1x100x100xi32, #tpu.memory_space<hbm>>
      %dma_start3A_89 = tpu.memref_squeeze %dma_start3A_88 : memref<1x1x100x100xi32, #tpu.memory_space<hbm>> -> memref<100x100xi32, #tpu.memory_space<hbm>>
      %dma_start3A_90 = arith.constant 0 : i32
      %dma_start3A_91 = arith.constant 0 : i32
      %dma_start3A_92 = tpu.memref_slice %arg3[%run_scoped3A_39, %add3A, %dma_start3A_90, %dma_start3A_91] : memref<2x32x100x100xi32, #tpu.memory_space<hbm>> -> memref<1x1x100x100xi32, #tpu.memory_space<hbm>>
      %dma_start3A_93 = tpu.memref_squeeze %dma_start3A_92 : memref<1x1x100x100xi32, #tpu.memory_space<hbm>> -> memref<100x100xi32, #tpu.memory_space<hbm>>
      tpu.enqueue_dma source(%dma_start3A_93 : memref<100x100xi32, #tpu.memory_space<hbm>>) target(%arg7 : memref<100x100xi32, #tpu.memory_space<vmem>>) target_semaphore(%run_scoped3A_85 : memref<!tpu.dma_semaphore, #tpu.memory_space<semaphore_mem>>)
      %dma_wait3A = arith.constant 0 : i32
      %dma_wait3A_94 = arith.constant 0 : i32
      %dma_wait3A_95 = tpu.memref_slice %arg3[%run_scoped3A_39, %add3A, %dma_wait3A, %dma_wait3A_94] : memref<2x32x100x100xi32, #tpu.memory_space<hbm>> -> memref<1x1x100x100xi32, #tpu.memory_space<hbm>>
      %dma_wait3A_96 = tpu.memref_squeeze %dma_wait3A_95 : memref<1x1x100x100xi32, #tpu.memory_space<hbm>> -> memref<100x100xi32, #tpu.memory_space<hbm>>
      %dma_wait3A_97 = arith.constant 0 : i32
      %dma_wait3A_98 = arith.constant 0 : i32
      %dma_wait3A_99 = tpu.memref_slice %arg3[%run_scoped3A_39, %add3A, %dma_wait3A_97, %dma_wait3A_98] : memref<2x32x100x100xi32, #tpu.memory_space<hbm>> -> memref<1x1x100x100xi32, #tpu.memory_space<hbm>>
      %dma_wait3A_100 = tpu.memref_squeeze %dma_wait3A_99 : memref<1x1x100x100xi32, #tpu.memory_space<hbm>> -> memref<100x100xi32, #tpu.memory_space<hbm>>
      tpu.wait_dma2 semaphore(%run_scoped3A_85 : memref<!tpu.dma_semaphore, #tpu.memory_space<semaphore_mem>>) src(%dma_wait3A_100 : memref<100x100xi32, #tpu.memory_space<hbm>>) dst(%arg7 : memref<100x100xi32, #tpu.memory_space<vmem>>)
      tpu.yield
    }) : () -> ()
    %barrier3A = arith.constant 0 : index
    tpu.barrier barrier_id(%barrier3A)
    %dma_start3A = arith.constant 0 : i32
    %dma_start3A_40 = arith.constant 0 : i32
    %dma_start3A_41 = tpu.memref_slice %arg6[%dma_start3A, %dma_start3A_40] : memref<100x100xi32, #tpu.memory_space<vmem>> -> memref<1x100xi32, #tpu.memory_space<vmem>>
    %dma_start3A_42 = tpu.memref_squeeze %dma_start3A_41 : memref<1x100xi32, #tpu.memory_space<vmem>> -> memref<100xi32, #tpu.memory_space<vmem>>
    %dma_start3A_43 = arith.constant 0 : i32
    %dma_start3A_44 = arith.constant 0 : i32
    %dma_start3A_45 = tpu.memref_slice %arg2[%dma_start3A_43, %dma_start3A_44] : memref<10000x128xf32, #tpu.memory_space<hbm>> -> memref<10000x128xf32, #tpu.memory_space<hbm>>
    tpu.enqueue_indirect_dma source(%dma_start3A_45 : memref<10000x128xf32, #tpu.memory_space<hbm>>) target(%arg8 : memref<100x128xf32, #tpu.memory_space<vmem>>) offsets(%dma_start3A_42 : memref<100xi32, #tpu.memory_space<vmem>>) semaphore(%arg10 : memref<!tpu.dma_semaphore, #tpu.memory_space<semaphore_mem>>)
    %scan3A_46 = arith.constant 0 : i32
    %scan3A_47 = arith.constant 0 : i32
    %scan3A_48 = arith.constant 50 : i32
    %scan3A_49 = arith.addi %scan3A_47, %scan3A_48 : i32
    %scan3A_50 = arith.constant 1 : i32
    scf.for %scan3A_85 = %scan3A_47 to %scan3A_49 step %scan3A_50  : i32 {
      %mul3A_86 = arith.constant 2 : i32
      %mul3A_87 = arith.muli %mul3A_86, %scan3A_85 : i32
      %add3A_88 = arith.constant 1 : i32
      %add3A_89 = arith.addi %mul3A_87, %add3A_88 : i32
      %dma_start3A_90 = arith.constant 0 : i32
      %dma_start3A_91 = tpu.memref_slice %arg6[%add3A_89, %dma_start3A_90] : memref<100x100xi32, #tpu.memory_space<vmem>> -> memref<1x100xi32, #tpu.memory_space<vmem>>
      %dma_start3A_92 = tpu.memref_squeeze %dma_start3A_91 : memref<1x100xi32, #tpu.memory_space<vmem>> -> memref<100xi32, #tpu.memory_space<vmem>>
      %dma_start3A_93 = arith.constant 0 : i32
      %dma_start3A_94 = arith.constant 0 : i32
      %dma_start3A_95 = tpu.memref_slice %arg2[%dma_start3A_93, %dma_start3A_94] : memref<10000x128xf32, #tpu.memory_space<hbm>> -> memref<10000x128xf32, #tpu.memory_space<hbm>>
      tpu.enqueue_indirect_dma source(%dma_start3A_95 : memref<10000x128xf32, #tpu.memory_space<hbm>>) target(%arg9 : memref<100x128xf32, #tpu.memory_space<vmem>>) offsets(%dma_start3A_92 : memref<100xi32, #tpu.memory_space<vmem>>) semaphore(%arg11 : memref<!tpu.dma_semaphore, #tpu.memory_space<semaphore_mem>>)
      %dma_wait3A = arith.constant 0 : i32
      %dma_wait3A_96 = tpu.memref_slice %arg6[%mul3A_87, %dma_wait3A] : memref<100x100xi32, #tpu.memory_space<vmem>> -> memref<1x100xi32, #tpu.memory_space<vmem>>
      %dma_wait3A_97 = tpu.memref_squeeze %dma_wait3A_96 : memref<1x100xi32, #tpu.memory_space<vmem>> -> memref<100xi32, #tpu.memory_space<vmem>>
      %dma_wait3A_98 = arith.constant 0 : i32
      %dma_wait3A_99 = arith.constant 0 : i32
      %dma_wait3A_100 = tpu.memref_slice %arg2[%dma_wait3A_98, %dma_wait3A_99] : memref<10000x128xf32, #tpu.memory_space<hbm>> -> memref<10000x128xf32, #tpu.memory_space<hbm>>
      tpu.wait_indirect_dma semaphore(%arg10 : memref<!tpu.dma_semaphore, #tpu.memory_space<semaphore_mem>>) src(%dma_wait3A_100 : memref<10000x128xf32, #tpu.memory_space<hbm>>) dst(%arg8 : memref<100x128xf32, #tpu.memory_space<vmem>>)
      "tpu.region"() ({
        %run_scoped3A_115 = tpu.sem_alloc : memref<!tpu.dma_semaphore, #tpu.memory_space<semaphore_mem>>
        %dma_start3A_116 = arith.constant 0 : i32
        %dma_start3A_117 = tpu.memref_slice %arg7[%mul3A_87, %dma_start3A_116] : memref<100x100xi32, #tpu.memory_space<vmem>> -> memref<1x100xi32, #tpu.memory_space<vmem>>
        %dma_start3A_118 = tpu.memref_squeeze %dma_start3A_117 : memref<1x100xi32, #tpu.memory_space<vmem>> -> memref<100xi32, #tpu.memory_space<vmem>>
        %dma_start3A_119 = arith.constant 0 : i32
        %dma_start3A_120 = arith.constant 0 : i32
        %dma_start3A_121 = tpu.memref_slice %arg5[%dma_start3A_119, %dma_start3A_120] : memref<10240x128xf32, #tpu.memory_space<vmem_shared>> -> memref<10240x128xf32, #tpu.memory_space<vmem_shared>>
        tpu.enqueue_indirect_dma source(%arg8 : memref<100x128xf32, #tpu.memory_space<vmem>>) target(%dma_start3A_121 : memref<10240x128xf32, #tpu.memory_space<vmem_shared>>) offsets(%dma_start3A_118 : memref<100xi32, #tpu.memory_space<vmem>>) semaphore(%run_scoped3A_115 : memref<!tpu.dma_semaphore, #tpu.memory_space<semaphore_mem>>) {add = true}
        %dma_wait3A_122 = arith.constant 0 : i32
        %dma_wait3A_123 = tpu.memref_slice %arg7[%mul3A_87, %dma_wait3A_122] : memref<100x100xi32, #tpu.memory_space<vmem>> -> memref<1x100xi32, #tpu.memory_space<vmem>>
        %dma_wait3A_124 = tpu.memref_squeeze %dma_wait3A_123 : memref<1x100xi32, #tpu.memory_space<vmem>> -> memref<100xi32, #tpu.memory_space<vmem>>
        %dma_wait3A_125 = arith.constant 0 : i32
        %dma_wait3A_126 = arith.constant 0 : i32
        %dma_wait3A_127 = tpu.memref_slice %arg5[%dma_wait3A_125, %dma_wait3A_126] : memref<10240x128xf32, #tpu.memory_space<vmem_shared>> -> memref<10240x128xf32, #tpu.memory_space<vmem_shared>>
        tpu.wait_indirect_dma semaphore(%run_scoped3A_115 : memref<!tpu.dma_semaphore, #tpu.memory_space<semaphore_mem>>) src(%arg8 : memref<100x128xf32, #tpu.memory_space<vmem>>) dst(%dma_wait3A_127 : memref<10240x128xf32, #tpu.memory_space<vmem_shared>>)
        tpu.yield
      }) : () -> ()
      %add3A_101 = arith.constant 2 : i32
      %add3A_102 = arith.addi %mul3A_87, %add3A_101 : i32
      %lt3A = arith.constant 100 : i32
      %lt3A_103 = arith.cmpi slt, %add3A_102, %lt3A : i32
      %convert_element_type3A = arith.extui %lt3A_103 : i1 to i32
      %cond3A = arith.constant 0 : i32
      %cond3A_104 = arith.cmpi ne, %convert_element_type3A, %cond3A : i32
      scf.if %cond3A_104 {
        %add3A_115 = arith.constant 2 : i32
        %add3A_116 = arith.addi %mul3A_87, %add3A_115 : i32
        %dma_start3A_117 = arith.constant 0 : i32
        %dma_start3A_118 = tpu.memref_slice %arg6[%add3A_116, %dma_start3A_117] : memref<100x100xi32, #tpu.memory_space<vmem>> -> memref<1x100xi32, #tpu.memory_space<vmem>>
        %dma_start3A_119 = tpu.memref_squeeze %dma_start3A_118 : memref<1x100xi32, #tpu.memory_space<vmem>> -> memref<100xi32, #tpu.memory_space<vmem>>
        %dma_start3A_120 = arith.constant 0 : i32
        %dma_start3A_121 = arith.constant 0 : i32
        %dma_start3A_122 = tpu.memref_slice %arg2[%dma_start3A_120, %dma_start3A_121] : memref<10000x128xf32, #tpu.memory_space<hbm>> -> memref<10000x128xf32, #tpu.memory_space<hbm>>
        tpu.enqueue_indirect_dma source(%dma_start3A_122 : memref<10000x128xf32, #tpu.memory_space<hbm>>) target(%arg8 : memref<100x128xf32, #tpu.memory_space<vmem>>) offsets(%dma_start3A_119 : memref<100xi32, #tpu.memory_space<vmem>>) semaphore(%arg10 : memref<!tpu.dma_semaphore, #tpu.memory_space<semaphore_mem>>)
      } else {
      }
      %add3A_105 = arith.constant 1 : i32
      %add3A_106 = arith.addi %mul3A_87, %add3A_105 : i32
      %dma_wait3A_107 = arith.constant 0 : i32
      %dma_wait3A_108 = tpu.memref_slice %arg6[%add3A_106, %dma_wait3A_107] : memref<100x100xi32, #tpu.memory_space<vmem>> -> memref<1x100xi32, #tpu.memory_space<vmem>>
      %dma_wait3A_109 = tpu.memref_squeeze %dma_wait3A_108 : memref<1x100xi32, #tpu.memory_space<vmem>> -> memref<100xi32, #tpu.memory_space<vmem>>
      %dma_wait3A_110 = arith.constant 0 : i32
      %dma_wait3A_111 = arith.constant 0 : i32
      %dma_wait3A_112 = tpu.memref_slice %arg2[%dma_wait3A_110, %dma_wait3A_111] : memref<10000x128xf32, #tpu.memory_space<hbm>> -> memref<10000x128xf32, #tpu.memory_space<hbm>>
      tpu.wait_indirect_dma semaphore(%arg11 : memref<!tpu.dma_semaphore, #tpu.memory_space<semaphore_mem>>) src(%dma_wait3A_112 : memref<10000x128xf32, #tpu.memory_space<hbm>>) dst(%arg9 : memref<100x128xf32, #tpu.memory_space<vmem>>)
      %add3A_113 = arith.constant 1 : i32
      %add3A_114 = arith.addi %mul3A_87, %add3A_113 : i32
      "tpu.region"() ({
        %run_scoped3A_115 = tpu.sem_alloc : memref<!tpu.dma_semaphore, #tpu.memory_space<semaphore_mem>>
        %dma_start3A_116 = arith.constant 0 : i32
        %dma_start3A_117 = tpu.memref_slice %arg7[%add3A_114, %dma_start3A_116] : memref<100x100xi32, #tpu.memory_space<vmem>> -> memref<1x100xi32, #tpu.memory_space<vmem>>
        %dma_start3A_118 = tpu.memref_squeeze %dma_start3A_117 : memref<1x100xi32, #tpu.memory_space<vmem>> -> memref<100xi32, #tpu.memory_space<vmem>>
        %dma_start3A_119 = arith.constant 0 : i32
        %dma_start3A_120 = arith.constant 0 : i32
        %dma_start3A_121 = tpu.memref_slice %arg5[%dma_start3A_119, %dma_start3A_120] : memref<10240x128xf32, #tpu.memory_space<vmem_shared>> -> memref<10240x128xf32, #tpu.memory_space<vmem_shared>>
        tpu.enqueue_indirect_dma source(%arg9 : memref<100x128xf32, #tpu.memory_space<vmem>>) target(%dma_start3A_121 : memref<10240x128xf32, #tpu.memory_space<vmem_shared>>) offsets(%dma_start3A_118 : memref<100xi32, #tpu.memory_space<vmem>>) semaphore(%run_scoped3A_115 : memref<!tpu.dma_semaphore, #tpu.memory_space<semaphore_mem>>) {add = true}
        %dma_wait3A_122 = arith.constant 0 : i32
        %dma_wait3A_123 = tpu.memref_slice %arg7[%add3A_114, %dma_wait3A_122] : memref<100x100xi32, #tpu.memory_space<vmem>> -> memref<1x100xi32, #tpu.memory_space<vmem>>
        %dma_wait3A_124 = tpu.memref_squeeze %dma_wait3A_123 : memref<1x100xi32, #tpu.memory_space<vmem>> -> memref<100xi32, #tpu.memory_space<vmem>>
        %dma_wait3A_125 = arith.constant 0 : i32
        %dma_wait3A_126 = arith.constant 0 : i32
        %dma_wait3A_127 = tpu.memref_slice %arg5[%dma_wait3A_125, %dma_wait3A_126] : memref<10240x128xf32, #tpu.memory_space<vmem_shared>> -> memref<10240x128xf32, #tpu.memory_space<vmem_shared>>
        tpu.wait_indirect_dma semaphore(%run_scoped3A_115 : memref<!tpu.dma_semaphore, #tpu.memory_space<semaphore_mem>>) src(%arg9 : memref<100x128xf32, #tpu.memory_space<vmem>>) dst(%dma_wait3A_127 : memref<10240x128xf32, #tpu.memory_space<vmem_shared>>)
        tpu.yield
      }) : () -> ()
    }
    %scan3A_51 = arith.constant 50 : i32
    %barrier3A_52 = arith.constant 0 : index
    tpu.barrier barrier_id(%barrier3A_52)
    %mul3A_53 = arith.constant 640 : i32
    %mul3A_54 = arith.muli %arg1, %mul3A_53 : i32
    %add3A_55 = arith.constant 0 : i32
    %add3A_56 = arith.addi %mul3A_54, %add3A_55 : i32
    "tpu.region"() ({
      %run_scoped3A_85 = tpu.sem_alloc : memref<!tpu.dma_semaphore, #tpu.memory_space<semaphore_mem>>
      %dma_start3A_86 = arith.constant 0 : i32
      %dma_start3A_87 = arith.constant 0 : i32
      %dma_start3A_88 = tpu.memref_slice %arg8[%dma_start3A_86, %dma_start3A_87] : memref<100x128xf32, #tpu.memory_space<vmem>> -> memref<80x128xf32, #tpu.memory_space<vmem>>
      %dma_start3A_89 = arith.constant 0 : i32
      %dma_start3A_90 = tpu.memref_slice %arg5[%add3A_56, %dma_start3A_89] : memref<10240x128xf32, #tpu.memory_space<vmem_shared>> -> memref<80x128xf32, #tpu.memory_space<vmem_shared>>
      %dma_start3A_91 = arith.constant 0 : i32
      %dma_start3A_92 = arith.constant 0 : i32
      %dma_start3A_93 = tpu.memref_slice %arg8[%dma_start3A_91, %dma_start3A_92] : memref<100x128xf32, #tpu.memory_space<vmem>> -> memref<80x128xf32, #tpu.memory_space<vmem>>
      %dma_start3A_94 = arith.constant 0 : i32
      %dma_start3A_95 = tpu.memref_slice %arg5[%add3A_56, %dma_start3A_94] : memref<10240x128xf32, #tpu.memory_space<vmem_shared>> -> memref<80x128xf32, #tpu.memory_space<vmem_shared>>
      tpu.enqueue_dma source(%dma_start3A_95 : memref<80x128xf32, #tpu.memory_space<vmem_shared>>) target(%dma_start3A_93 : memref<80x128xf32, #tpu.memory_space<vmem>>) target_semaphore(%run_scoped3A_85 : memref<!tpu.dma_semaphore, #tpu.memory_space<semaphore_mem>>)
      %dma_wait3A = arith.constant 0 : i32
      %dma_wait3A_96 = arith.constant 0 : i32
      %dma_wait3A_97 = tpu.memref_slice %arg8[%dma_wait3A, %dma_wait3A_96] : memref<100x128xf32, #tpu.memory_space<vmem>> -> memref<80x128xf32, #tpu.memory_space<vmem>>
      %dma_wait3A_98 = arith.constant 0 : i32
      %dma_wait3A_99 = tpu.memref_slice %arg5[%add3A_56, %dma_wait3A_98] : memref<10240x128xf32, #tpu.memory_space<vmem_shared>> -> memref<80x128xf32, #tpu.memory_space<vmem_shared>>
      %dma_wait3A_100 = arith.constant 0 : i32
      %dma_wait3A_101 = arith.constant 0 : i32
      %dma_wait3A_102 = tpu.memref_slice %arg8[%dma_wait3A_100, %dma_wait3A_101] : memref<100x128xf32, #tpu.memory_space<vmem>> -> memref<80x128xf32, #tpu.memory_space<vmem>>
      %dma_wait3A_103 = arith.constant 0 : i32
      %dma_wait3A_104 = tpu.memref_slice %arg5[%add3A_56, %dma_wait3A_103] : memref<10240x128xf32, #tpu.memory_space<vmem_shared>> -> memref<80x128xf32, #tpu.memory_space<vmem_shared>>
      tpu.wait_dma2 semaphore(%run_scoped3A_85 : memref<!tpu.dma_semaphore, #tpu.memory_space<semaphore_mem>>) src(%dma_wait3A_104 : memref<80x128xf32, #tpu.memory_space<vmem_shared>>) dst(%dma_wait3A_102 : memref<80x128xf32, #tpu.memory_space<vmem>>)
      tpu.yield
    }) : () -> ()
    "tpu.region"() ({
      %run_scoped3A_85 = tpu.sem_alloc : memref<!tpu.dma_semaphore, #tpu.memory_space<semaphore_mem>>
      %dma_start3A_86 = arith.constant 0 : i32
      %dma_start3A_87 = arith.constant 0 : i32
      %dma_start3A_88 = tpu.memref_slice %arg8[%dma_start3A_86, %dma_start3A_87] : memref<100x128xf32, #tpu.memory_space<vmem>> -> memref<80x128xf32, #tpu.memory_space<vmem>>
      %dma_start3A_89 = arith.constant 0 : i32
      %dma_start3A_90 = tpu.memref_slice %arg4[%arg0, %add3A_56, %dma_start3A_89] : memref<2x10240x128xf32, #tpu.memory_space<hbm>> -> memref<1x80x128xf32, #tpu.memory_space<hbm>>
      %dma_start3A_91 = tpu.memref_squeeze %dma_start3A_90 : memref<1x80x128xf32, #tpu.memory_space<hbm>> -> memref<80x128xf32, #tpu.memory_space<hbm>>
      %dma_start3A_92 = arith.constant 0 : i32
      %dma_start3A_93 = tpu.memref_slice %arg4[%arg0, %add3A_56, %dma_start3A_92] : memref<2x10240x128xf32, #tpu.memory_space<hbm>> -> memref<1x80x128xf32, #tpu.memory_space<hbm>>
      %dma_start3A_94 = tpu.memref_squeeze %dma_start3A_93 : memref<1x80x128xf32, #tpu.memory_space<hbm>> -> memref<80x128xf32, #tpu.memory_space<hbm>>
      %dma_start3A_95 = arith.constant 0 : i32
      %dma_start3A_96 = arith.constant 0 : i32
      %dma_start3A_97 = tpu.memref_slice %arg8[%dma_start3A_95, %dma_start3A_96] : memref<100x128xf32, #tpu.memory_space<vmem>> -> memref<80x128xf32, #tpu.memory_space<vmem>>
      tpu.enqueue_dma source(%dma_start3A_97 : memref<80x128xf32, #tpu.memory_space<vmem>>) target(%dma_start3A_94 : memref<80x128xf32, #tpu.memory_space<hbm>>) target_semaphore(%run_scoped3A_85 : memref<!tpu.dma_semaphore, #tpu.memory_space<semaphore_mem>>)
      %dma_wait3A = arith.constant 0 : i32
      %dma_wait3A_98 = arith.constant 0 : i32
      %dma_wait3A_99 = tpu.memref_slice %arg8[%dma_wait3A, %dma_wait3A_98] : memref<100x128xf32, #tpu.memory_space<vmem>> -> memref<80x128xf32, #tpu.memory_space<vmem>>
      %dma_wait3A_100 = arith.constant 0 : i32
      %dma_wait3A_101 = tpu.memref_slice %arg4[%arg0, %add3A_56, %dma_wait3A_100] : memref<2x10240x128xf32, #tpu.memory_space<hbm>> -> memref<1x80x128xf32, #tpu.memory_space<hbm>>
      %dma_wait3A_102 = tpu.memref_squeeze %dma_wait3A_101 : memref<1x80x128xf32, #tpu.memory_space<hbm>> -> memref<80x128xf32, #tpu.memory_space<hbm>>
      %dma_wait3A_103 = arith.constant 0 : i32
      %dma_wait3A_104 = tpu.memref_slice %arg4[%arg0, %add3A_56, %dma_wait3A_103] : memref<2x10240x128xf32, #tpu.memory_space<hbm>> -> memref<1x80x128xf32, #tpu.memory_space<hbm>>
      %dma_wait3A_105 = tpu.memref_squeeze %dma_wait3A_104 : memref<1x80x128xf32, #tpu.memory_space<hbm>> -> memref<80x128xf32, #tpu.memory_space<hbm>>
      %dma_wait3A_106 = arith.constant 0 : i32
      %dma_wait3A_107 = arith.constant 0 : i32
      %dma_wait3A_108 = tpu.memref_slice %arg8[%dma_wait3A_106, %dma_wait3A_107] : memref<100x128xf32, #tpu.memory_space<vmem>> -> memref<80x128xf32, #tpu.memory_space<vmem>>
      tpu.wait_dma2 semaphore(%run_scoped3A_85 : memref<!tpu.dma_semaphore, #tpu.memory_space<semaphore_mem>>) src(%dma_wait3A_108 : memref<80x128xf32, #tpu.memory_space<vmem>>) dst(%dma_wait3A_105 : memref<80x128xf32, #tpu.memory_space<hbm>>)
      tpu.yield
    }) : () -> ()
    %mul3A_57 = arith.constant 640 : i32
    %mul3A_58 = arith.muli %arg1, %mul3A_57 : i32
    %add3A_59 = arith.constant 80 : i32
    %add3A_60 = arith.addi %mul3A_58, %add3A_59 : i32
    "tpu.region"() ({
      %run_scoped3A_85 = tpu.sem_alloc : memref<!tpu.dma_semaphore, #tpu.memory_space<semaphore_mem>>
      %dma_start3A_86 = arith.constant 0 : i32
      %dma_start3A_87 = arith.constant 0 : i32
      %dma_start3A_88 = tpu.memref_slice %arg8[%dma_start3A_86, %dma_start3A_87] : memref<100x128xf32, #tpu.memory_space<vmem>> -> memref<80x128xf32, #tpu.memory_space<vmem>>
      %dma_start3A_89 = arith.constant 0 : i32
      %dma_start3A_90 = tpu.memref_slice %arg5[%add3A_60, %dma_start3A_89] : memref<10240x128xf32, #tpu.memory_space<vmem_shared>> -> memref<80x128xf32, #tpu.memory_space<vmem_shared>>
      %dma_start3A_91 = arith.constant 0 : i32
      %dma_start3A_92 = arith.constant 0 : i32
      %dma_start3A_93 = tpu.memref_slice %arg8[%dma_start3A_91, %dma_start3A_92] : memref<100x128xf32, #tpu.memory_space<vmem>> -> memref<80x128xf32, #tpu.memory_space<vmem>>
      %dma_start3A_94 = arith.constant 0 : i32
      %dma_start3A_95 = tpu.memref_slice %arg5[%add3A_60, %dma_start3A_94] : memref<10240x128xf32, #tpu.memory_space<vmem_shared>> -> memref<80x128xf32, #tpu.memory_space<vmem_shared>>
      tpu.enqueue_dma source(%dma_start3A_95 : memref<80x128xf32, #tpu.memory_space<vmem_shared>>) target(%dma_start3A_93 : memref<80x128xf32, #tpu.memory_space<vmem>>) target_semaphore(%run_scoped3A_85 : memref<!tpu.dma_semaphore, #tpu.memory_space<semaphore_mem>>)
      %dma_wait3A = arith.constant 0 : i32
      %dma_wait3A_96 = arith.constant 0 : i32
      %dma_wait3A_97 = tpu.memref_slice %arg8[%dma_wait3A, %dma_wait3A_96] : memref<100x128xf32, #tpu.memory_space<vmem>> -> memref<80x128xf32, #tpu.memory_space<vmem>>
      %dma_wait3A_98 = arith.constant 0 : i32
      %dma_wait3A_99 = tpu.memref_slice %arg5[%add3A_60, %dma_wait3A_98] : memref<10240x128xf32, #tpu.memory_space<vmem_shared>> -> memref<80x128xf32, #tpu.memory_space<vmem_shared>>
      %dma_wait3A_100 = arith.constant 0 : i32
      %dma_wait3A_101 = arith.constant 0 : i32
      %dma_wait3A_102 = tpu.memref_slice %arg8[%dma_wait3A_100, %dma_wait3A_101] : memref<100x128xf32, #tpu.memory_space<vmem>> -> memref<80x128xf32, #tpu.memory_space<vmem>>
      %dma_wait3A_103 = arith.constant 0 : i32
      %dma_wait3A_104 = tpu.memref_slice %arg5[%add3A_60, %dma_wait3A_103] : memref<10240x128xf32, #tpu.memory_space<vmem_shared>> -> memref<80x128xf32, #tpu.memory_space<vmem_shared>>
      tpu.wait_dma2 semaphore(%run_scoped3A_85 : memref<!tpu.dma_semaphore, #tpu.memory_space<semaphore_mem>>) src(%dma_wait3A_104 : memref<80x128xf32, #tpu.memory_space<vmem_shared>>) dst(%dma_wait3A_102 : memref<80x128xf32, #tpu.memory_space<vmem>>)
      tpu.yield
    }) : () -> ()
    "tpu.region"() ({
      %run_scoped3A_85 = tpu.sem_alloc : memref<!tpu.dma_semaphore, #tpu.memory_space<semaphore_mem>>
      %dma_start3A_86 = arith.constant 0 : i32
      %dma_start3A_87 = arith.constant 0 : i32
      %dma_start3A_88 = tpu.memref_slice %arg8[%dma_start3A_86, %dma_start3A_87] : memref<100x128xf32, #tpu.memory_space<vmem>> -> memref<80x128xf32, #tpu.memory_space<vmem>>
      %dma_start3A_89 = arith.constant 0 : i32
      %dma_start3A_90 = tpu.memref_slice %arg4[%arg0, %add3A_60, %dma_start3A_89] : memref<2x10240x128xf32, #tpu.memory_space<hbm>> -> memref<1x80x128xf32, #tpu.memory_space<hbm>>
      %dma_start3A_91 = tpu.memref_squeeze %dma_start3A_90 : memref<1x80x128xf32, #tpu.memory_space<hbm>> -> memref<80x128xf32, #tpu.memory_space<hbm>>
      %dma_start3A_92 = arith.constant 0 : i32
      %dma_start3A_93 = tpu.memref_slice %arg4[%arg0, %add3A_60, %dma_start3A_92] : memref<2x10240x128xf32, #tpu.memory_space<hbm>> -> memref<1x80x128xf32, #tpu.memory_space<hbm>>
      %dma_start3A_94 = tpu.memref_squeeze %dma_start3A_93 : memref<1x80x128xf32, #tpu.memory_space<hbm>> -> memref<80x128xf32, #tpu.memory_space<hbm>>
      %dma_start3A_95 = arith.constant 0 : i32
      %dma_start3A_96 = arith.constant 0 : i32
      %dma_start3A_97 = tpu.memref_slice %arg8[%dma_start3A_95, %dma_start3A_96] : memref<100x128xf32, #tpu.memory_space<vmem>> -> memref<80x128xf32, #tpu.memory_space<vmem>>
      tpu.enqueue_dma source(%dma_start3A_97 : memref<80x128xf32, #tpu.memory_space<vmem>>) target(%dma_start3A_94 : memref<80x128xf32, #tpu.memory_space<hbm>>) target_semaphore(%run_scoped3A_85 : memref<!tpu.dma_semaphore, #tpu.memory_space<semaphore_mem>>)
      %dma_wait3A = arith.constant 0 : i32
      %dma_wait3A_98 = arith.constant 0 : i32
      %dma_wait3A_99 = tpu.memref_slice %arg8[%dma_wait3A, %dma_wait3A_98] : memref<100x128xf32, #tpu.memory_space<vmem>> -> memref<80x128xf32, #tpu.memory_space<vmem>>
      %dma_wait3A_100 = arith.constant 0 : i32
      %dma_wait3A_101 = tpu.memref_slice %arg4[%arg0, %add3A_60, %dma_wait3A_100] : memref<2x10240x128xf32, #tpu.memory_space<hbm>> -> memref<1x80x128xf32, #tpu.memory_space<hbm>>
      %dma_wait3A_102 = tpu.memref_squeeze %dma_wait3A_101 : memref<1x80x128xf32, #tpu.memory_space<hbm>> -> memref<80x128xf32, #tpu.memory_space<hbm>>
      %dma_wait3A_103 = arith.constant 0 : i32
      %dma_wait3A_104 = tpu.memref_slice %arg4[%arg0, %add3A_60, %dma_wait3A_103] : memref<2x10240x128xf32, #tpu.memory_space<hbm>> -> memref<1x80x128xf32, #tpu.memory_space<hbm>>
      %dma_wait3A_105 = tpu.memref_squeeze %dma_wait3A_104 : memref<1x80x128xf32, #tpu.memory_space<hbm>> -> memref<80x128xf32, #tpu.memory_space<hbm>>
      %dma_wait3A_106 = arith.constant 0 : i32
      %dma_wait3A_107 = arith.constant 0 : i32
      %dma_wait3A_108 = tpu.memref_slice %arg8[%dma_wait3A_106, %dma_wait3A_107] : memref<100x128xf32, #tpu.memory_space<vmem>> -> memref<80x128xf32, #tpu.memory_space<vmem>>
      tpu.wait_dma2 semaphore(%run_scoped3A_85 : memref<!tpu.dma_semaphore, #tpu.memory_space<semaphore_mem>>) src(%dma_wait3A_108 : memref<80x128xf32, #tpu.memory_space<vmem>>) dst(%dma_wait3A_105 : memref<80x128xf32, #tpu.memory_space<hbm>>)
      tpu.yield
    }) : () -> ()
    %mul3A_61 = arith.constant 640 : i32
    %mul3A_62 = arith.muli %arg1, %mul3A_61 : i32
    %add3A_63 = arith.constant 160 : i32
    %add3A_64 = arith.addi %mul3A_62, %add3A_63 : i32
    "tpu.region"() ({
      %run_scoped3A_85 = tpu.sem_alloc : memref<!tpu.dma_semaphore, #tpu.memory_space<semaphore_mem>>
      %dma_start3A_86 = arith.constant 0 : i32
      %dma_start3A_87 = arith.constant 0 : i32
      %dma_start3A_88 = tpu.memref_slice %arg8[%dma_start3A_86, %dma_start3A_87] : memref<100x128xf32, #tpu.memory_space<vmem>> -> memref<80x128xf32, #tpu.memory_space<vmem>>
      %dma_start3A_89 = arith.constant 0 : i32
      %dma_start3A_90 = tpu.memref_slice %arg5[%add3A_64, %dma_start3A_89] : memref<10240x128xf32, #tpu.memory_space<vmem_shared>> -> memref<80x128xf32, #tpu.memory_space<vmem_shared>>
      %dma_start3A_91 = arith.constant 0 : i32
      %dma_start3A_92 = arith.constant 0 : i32
      %dma_start3A_93 = tpu.memref_slice %arg8[%dma_start3A_91, %dma_start3A_92] : memref<100x128xf32, #tpu.memory_space<vmem>> -> memref<80x128xf32, #tpu.memory_space<vmem>>
      %dma_start3A_94 = arith.constant 0 : i32
      %dma_start3A_95 = tpu.memref_slice %arg5[%add3A_64, %dma_start3A_94] : memref<10240x128xf32, #tpu.memory_space<vmem_shared>> -> memref<80x128xf32, #tpu.memory_space<vmem_shared>>
      tpu.enqueue_dma source(%dma_start3A_95 : memref<80x128xf32, #tpu.memory_space<vmem_shared>>) target(%dma_start3A_93 : memref<80x128xf32, #tpu.memory_space<vmem>>) target_semaphore(%run_scoped3A_85 : memref<!tpu.dma_semaphore, #tpu.memory_space<semaphore_mem>>)
      %dma_wait3A = arith.constant 0 : i32
      %dma_wait3A_96 = arith.constant 0 : i32
      %dma_wait3A_97 = tpu.memref_slice %arg8[%dma_wait3A, %dma_wait3A_96] : memref<100x128xf32, #tpu.memory_space<vmem>> -> memref<80x128xf32, #tpu.memory_space<vmem>>
      %dma_wait3A_98 = arith.constant 0 : i32
      %dma_wait3A_99 = tpu.memref_slice %arg5[%add3A_64, %dma_wait3A_98] : memref<10240x128xf32, #tpu.memory_space<vmem_shared>> -> memref<80x128xf32, #tpu.memory_space<vmem_shared>>
      %dma_wait3A_100 = arith.constant 0 : i32
      %dma_wait3A_101 = arith.constant 0 : i32
      %dma_wait3A_102 = tpu.memref_slice %arg8[%dma_wait3A_100, %dma_wait3A_101] : memref<100x128xf32, #tpu.memory_space<vmem>> -> memref<80x128xf32, #tpu.memory_space<vmem>>
      %dma_wait3A_103 = arith.constant 0 : i32
      %dma_wait3A_104 = tpu.memref_slice %arg5[%add3A_64, %dma_wait3A_103] : memref<10240x128xf32, #tpu.memory_space<vmem_shared>> -> memref<80x128xf32, #tpu.memory_space<vmem_shared>>
      tpu.wait_dma2 semaphore(%run_scoped3A_85 : memref<!tpu.dma_semaphore, #tpu.memory_space<semaphore_mem>>) src(%dma_wait3A_104 : memref<80x128xf32, #tpu.memory_space<vmem_shared>>) dst(%dma_wait3A_102 : memref<80x128xf32, #tpu.memory_space<vmem>>)
      tpu.yield
    }) : () -> ()
    "tpu.region"() ({
      %run_scoped3A_85 = tpu.sem_alloc : memref<!tpu.dma_semaphore, #tpu.memory_space<semaphore_mem>>
      %dma_start3A_86 = arith.constant 0 : i32
      %dma_start3A_87 = arith.constant 0 : i32
      %dma_start3A_88 = tpu.memref_slice %arg8[%dma_start3A_86, %dma_start3A_87] : memref<100x128xf32, #tpu.memory_space<vmem>> -> memref<80x128xf32, #tpu.memory_space<vmem>>
      %dma_start3A_89 = arith.constant 0 : i32
      %dma_start3A_90 = tpu.memref_slice %arg4[%arg0, %add3A_64, %dma_start3A_89] : memref<2x10240x128xf32, #tpu.memory_space<hbm>> -> memref<1x80x128xf32, #tpu.memory_space<hbm>>
      %dma_start3A_91 = tpu.memref_squeeze %dma_start3A_90 : memref<1x80x128xf32, #tpu.memory_space<hbm>> -> memref<80x128xf32, #tpu.memory_space<hbm>>
      %dma_start3A_92 = arith.constant 0 : i32
      %dma_start3A_93 = tpu.memref_slice %arg4[%arg0, %add3A_64, %dma_start3A_92] : memref<2x10240x128xf32, #tpu.memory_space<hbm>> -> memref<1x80x128xf32, #tpu.memory_space<hbm>>
      %dma_start3A_94 = tpu.memref_squeeze %dma_start3A_93 : memref<1x80x128xf32, #tpu.memory_space<hbm>> -> memref<80x128xf32, #tpu.memory_space<hbm>>
      %dma_start3A_95 = arith.constant 0 : i32
      %dma_start3A_96 = arith.constant 0 : i32
      %dma_start3A_97 = tpu.memref_slice %arg8[%dma_start3A_95, %dma_start3A_96] : memref<100x128xf32, #tpu.memory_space<vmem>> -> memref<80x128xf32, #tpu.memory_space<vmem>>
      tpu.enqueue_dma source(%dma_start3A_97 : memref<80x128xf32, #tpu.memory_space<vmem>>) target(%dma_start3A_94 : memref<80x128xf32, #tpu.memory_space<hbm>>) target_semaphore(%run_scoped3A_85 : memref<!tpu.dma_semaphore, #tpu.memory_space<semaphore_mem>>)
      %dma_wait3A = arith.constant 0 : i32
      %dma_wait3A_98 = arith.constant 0 : i32
      %dma_wait3A_99 = tpu.memref_slice %arg8[%dma_wait3A, %dma_wait3A_98] : memref<100x128xf32, #tpu.memory_space<vmem>> -> memref<80x128xf32, #tpu.memory_space<vmem>>
      %dma_wait3A_100 = arith.constant 0 : i32
      %dma_wait3A_101 = tpu.memref_slice %arg4[%arg0, %add3A_64, %dma_wait3A_100] : memref<2x10240x128xf32, #tpu.memory_space<hbm>> -> memref<1x80x128xf32, #tpu.memory_space<hbm>>
      %dma_wait3A_102 = tpu.memref_squeeze %dma_wait3A_101 : memref<1x80x128xf32, #tpu.memory_space<hbm>> -> memref<80x128xf32, #tpu.memory_space<hbm>>
      %dma_wait3A_103 = arith.constant 0 : i32
      %dma_wait3A_104 = tpu.memref_slice %arg4[%arg0, %add3A_64, %dma_wait3A_103] : memref<2x10240x128xf32, #tpu.memory_space<hbm>> -> memref<1x80x128xf32, #tpu.memory_space<hbm>>
      %dma_wait3A_105 = tpu.memref_squeeze %dma_wait3A_104 : memref<1x80x128xf32, #tpu.memory_space<hbm>> -> memref<80x128xf32, #tpu.memory_space<hbm>>
      %dma_wait3A_106 = arith.constant 0 : i32
      %dma_wait3A_107 = arith.constant 0 : i32
      %dma_wait3A_108 = tpu.memref_slice %arg8[%dma_wait3A_106, %dma_wait3A_107] : memref<100x128xf32, #tpu.memory_space<vmem>> -> memref<80x128xf32, #tpu.memory_space<vmem>>
      tpu.wait_dma2 semaphore(%run_scoped3A_85 : memref<!tpu.dma_semaphore, #tpu.memory_space<semaphore_mem>>) src(%dma_wait3A_108 : memref<80x128xf32, #tpu.memory_space<vmem>>) dst(%dma_wait3A_105 : memref<80x128xf32, #tpu.memory_space<hbm>>)
      tpu.yield
    }) : () -> ()
    %mul3A_65 = arith.constant 640 : i32
    %mul3A_66 = arith.muli %arg1, %mul3A_65 : i32
    %add3A_67 = arith.constant 240 : i32
    %add3A_68 = arith.addi %mul3A_66, %add3A_67 : i32
    "tpu.region"() ({
      %run_scoped3A_85 = tpu.sem_alloc : memref<!tpu.dma_semaphore, #tpu.memory_space<semaphore_mem>>
      %dma_start3A_86 = arith.constant 0 : i32
      %dma_start3A_87 = arith.constant 0 : i32
      %dma_start3A_88 = tpu.memref_slice %arg8[%dma_start3A_86, %dma_start3A_87] : memref<100x128xf32, #tpu.memory_space<vmem>> -> memref<80x128xf32, #tpu.memory_space<vmem>>
      %dma_start3A_89 = arith.constant 0 : i32
      %dma_start3A_90 = tpu.memref_slice %arg5[%add3A_68, %dma_start3A_89] : memref<10240x128xf32, #tpu.memory_space<vmem_shared>> -> memref<80x128xf32, #tpu.memory_space<vmem_shared>>
      %dma_start3A_91 = arith.constant 0 : i32
      %dma_start3A_92 = arith.constant 0 : i32
      %dma_start3A_93 = tpu.memref_slice %arg8[%dma_start3A_91, %dma_start3A_92] : memref<100x128xf32, #tpu.memory_space<vmem>> -> memref<80x128xf32, #tpu.memory_space<vmem>>
      %dma_start3A_94 = arith.constant 0 : i32
      %dma_start3A_95 = tpu.memref_slice %arg5[%add3A_68, %dma_start3A_94] : memref<10240x128xf32, #tpu.memory_space<vmem_shared>> -> memref<80x128xf32, #tpu.memory_space<vmem_shared>>
      tpu.enqueue_dma source(%dma_start3A_95 : memref<80x128xf32, #tpu.memory_space<vmem_shared>>) target(%dma_start3A_93 : memref<80x128xf32, #tpu.memory_space<vmem>>) target_semaphore(%run_scoped3A_85 : memref<!tpu.dma_semaphore, #tpu.memory_space<semaphore_mem>>)
      %dma_wait3A = arith.constant 0 : i32
      %dma_wait3A_96 = arith.constant 0 : i32
      %dma_wait3A_97 = tpu.memref_slice %arg8[%dma_wait3A, %dma_wait3A_96] : memref<100x128xf32, #tpu.memory_space<vmem>> -> memref<80x128xf32, #tpu.memory_space<vmem>>
      %dma_wait3A_98 = arith.constant 0 : i32
      %dma_wait3A_99 = tpu.memref_slice %arg5[%add3A_68, %dma_wait3A_98] : memref<10240x128xf32, #tpu.memory_space<vmem_shared>> -> memref<80x128xf32, #tpu.memory_space<vmem_shared>>
      %dma_wait3A_100 = arith.constant 0 : i32
      %dma_wait3A_101 = arith.constant 0 : i32
      %dma_wait3A_102 = tpu.memref_slice %arg8[%dma_wait3A_100, %dma_wait3A_101] : memref<100x128xf32, #tpu.memory_space<vmem>> -> memref<80x128xf32, #tpu.memory_space<vmem>>
      %dma_wait3A_103 = arith.constant 0 : i32
      %dma_wait3A_104 = tpu.memref_slice %arg5[%add3A_68, %dma_wait3A_103] : memref<10240x128xf32, #tpu.memory_space<vmem_shared>> -> memref<80x128xf32, #tpu.memory_space<vmem_shared>>
      tpu.wait_dma2 semaphore(%run_scoped3A_85 : memref<!tpu.dma_semaphore, #tpu.memory_space<semaphore_mem>>) src(%dma_wait3A_104 : memref<80x128xf32, #tpu.memory_space<vmem_shared>>) dst(%dma_wait3A_102 : memref<80x128xf32, #tpu.memory_space<vmem>>)
      tpu.yield
    }) : () -> ()
    "tpu.region"() ({
      %run_scoped3A_85 = tpu.sem_alloc : memref<!tpu.dma_semaphore, #tpu.memory_space<semaphore_mem>>
      %dma_start3A_86 = arith.constant 0 : i32
      %dma_start3A_87 = arith.constant 0 : i32
      %dma_start3A_88 = tpu.memref_slice %arg8[%dma_start3A_86, %dma_start3A_87] : memref<100x128xf32, #tpu.memory_space<vmem>> -> memref<80x128xf32, #tpu.memory_space<vmem>>
      %dma_start3A_89 = arith.constant 0 : i32
      %dma_start3A_90 = tpu.memref_slice %arg4[%arg0, %add3A_68, %dma_start3A_89] : memref<2x10240x128xf32, #tpu.memory_space<hbm>> -> memref<1x80x128xf32, #tpu.memory_space<hbm>>
      %dma_start3A_91 = tpu.memref_squeeze %dma_start3A_90 : memref<1x80x128xf32, #tpu.memory_space<hbm>> -> memref<80x128xf32, #tpu.memory_space<hbm>>
      %dma_start3A_92 = arith.constant 0 : i32
      %dma_start3A_93 = tpu.memref_slice %arg4[%arg0, %add3A_68, %dma_start3A_92] : memref<2x10240x128xf32, #tpu.memory_space<hbm>> -> memref<1x80x128xf32, #tpu.memory_space<hbm>>
      %dma_start3A_94 = tpu.memref_squeeze %dma_start3A_93 : memref<1x80x128xf32, #tpu.memory_space<hbm>> -> memref<80x128xf32, #tpu.memory_space<hbm>>
      %dma_start3A_95 = arith.constant 0 : i32
      %dma_start3A_96 = arith.constant 0 : i32
      %dma_start3A_97 = tpu.memref_slice %arg8[%dma_start3A_95, %dma_start3A_96] : memref<100x128xf32, #tpu.memory_space<vmem>> -> memref<80x128xf32, #tpu.memory_space<vmem>>
      tpu.enqueue_dma source(%dma_start3A_97 : memref<80x128xf32, #tpu.memory_space<vmem>>) target(%dma_start3A_94 : memref<80x128xf32, #tpu.memory_space<hbm>>) target_semaphore(%run_scoped3A_85 : memref<!tpu.dma_semaphore, #tpu.memory_space<semaphore_mem>>)
      %dma_wait3A = arith.constant 0 : i32
      %dma_wait3A_98 = arith.constant 0 : i32
      %dma_wait3A_99 = tpu.memref_slice %arg8[%dma_wait3A, %dma_wait3A_98] : memref<100x128xf32, #tpu.memory_space<vmem>> -> memref<80x128xf32, #tpu.memory_space<vmem>>
      %dma_wait3A_100 = arith.constant 0 : i32
      %dma_wait3A_101 = tpu.memref_slice %arg4[%arg0, %add3A_68, %dma_wait3A_100] : memref<2x10240x128xf32, #tpu.memory_space<hbm>> -> memref<1x80x128xf32, #tpu.memory_space<hbm>>
      %dma_wait3A_102 = tpu.memref_squeeze %dma_wait3A_101 : memref<1x80x128xf32, #tpu.memory_space<hbm>> -> memref<80x128xf32, #tpu.memory_space<hbm>>
      %dma_wait3A_103 = arith.constant 0 : i32
      %dma_wait3A_104 = tpu.memref_slice %arg4[%arg0, %add3A_68, %dma_wait3A_103] : memref<2x10240x128xf32, #tpu.memory_space<hbm>> -> memref<1x80x128xf32, #tpu.memory_space<hbm>>
      %dma_wait3A_105 = tpu.memref_squeeze %dma_wait3A_104 : memref<1x80x128xf32, #tpu.memory_space<hbm>> -> memref<80x128xf32, #tpu.memory_space<hbm>>
      %dma_wait3A_106 = arith.constant 0 : i32
      %dma_wait3A_107 = arith.constant 0 : i32
      %dma_wait3A_108 = tpu.memref_slice %arg8[%dma_wait3A_106, %dma_wait3A_107] : memref<100x128xf32, #tpu.memory_space<vmem>> -> memref<80x128xf32, #tpu.memory_space<vmem>>
      tpu.wait_dma2 semaphore(%run_scoped3A_85 : memref<!tpu.dma_semaphore, #tpu.memory_space<semaphore_mem>>) src(%dma_wait3A_108 : memref<80x128xf32, #tpu.memory_space<vmem>>) dst(%dma_wait3A_105 : memref<80x128xf32, #tpu.memory_space<hbm>>)
      tpu.yield
    }) : () -> ()
    %mul3A_69 = arith.constant 640 : i32
    %mul3A_70 = arith.muli %arg1, %mul3A_69 : i32
    %add3A_71 = arith.constant 320 : i32
    %add3A_72 = arith.addi %mul3A_70, %add3A_71 : i32
    "tpu.region"() ({
      %run_scoped3A_85 = tpu.sem_alloc : memref<!tpu.dma_semaphore, #tpu.memory_space<semaphore_mem>>
      %dma_start3A_86 = arith.constant 0 : i32
      %dma_start3A_87 = arith.constant 0 : i32
      %dma_start3A_88 = tpu.memref_slice %arg8[%dma_start3A_86, %dma_start3A_87] : memref<100x128xf32, #tpu.memory_space<vmem>> -> memref<80x128xf32, #tpu.memory_space<vmem>>
      %dma_start3A_89 = arith.constant 0 : i32
      %dma_start3A_90 = tpu.memref_slice %arg5[%add3A_72, %dma_start3A_89] : memref<10240x128xf32, #tpu.memory_space<vmem_shared>> -> memref<80x128xf32, #tpu.memory_space<vmem_shared>>
      %dma_start3A_91 = arith.constant 0 : i32
      %dma_start3A_92 = arith.constant 0 : i32
      %dma_start3A_93 = tpu.memref_slice %arg8[%dma_start3A_91, %dma_start3A_92] : memref<100x128xf32, #tpu.memory_space<vmem>> -> memref<80x128xf32, #tpu.memory_space<vmem>>
      %dma_start3A_94 = arith.constant 0 : i32
      %dma_start3A_95 = tpu.memref_slice %arg5[%add3A_72, %dma_start3A_94] : memref<10240x128xf32, #tpu.memory_space<vmem_shared>> -> memref<80x128xf32, #tpu.memory_space<vmem_shared>>
      tpu.enqueue_dma source(%dma_start3A_95 : memref<80x128xf32, #tpu.memory_space<vmem_shared>>) target(%dma_start3A_93 : memref<80x128xf32, #tpu.memory_space<vmem>>) target_semaphore(%run_scoped3A_85 : memref<!tpu.dma_semaphore, #tpu.memory_space<semaphore_mem>>)
      %dma_wait3A = arith.constant 0 : i32
      %dma_wait3A_96 = arith.constant 0 : i32
      %dma_wait3A_97 = tpu.memref_slice %arg8[%dma_wait3A, %dma_wait3A_96] : memref<100x128xf32, #tpu.memory_space<vmem>> -> memref<80x128xf32, #tpu.memory_space<vmem>>
      %dma_wait3A_98 = arith.constant 0 : i32
      %dma_wait3A_99 = tpu.memref_slice %arg5[%add3A_72, %dma_wait3A_98] : memref<10240x128xf32, #tpu.memory_space<vmem_shared>> -> memref<80x128xf32, #tpu.memory_space<vmem_shared>>
      %dma_wait3A_100 = arith.constant 0 : i32
      %dma_wait3A_101 = arith.constant 0 : i32
      %dma_wait3A_102 = tpu.memref_slice %arg8[%dma_wait3A_100, %dma_wait3A_101] : memref<100x128xf32, #tpu.memory_space<vmem>> -> memref<80x128xf32, #tpu.memory_space<vmem>>
      %dma_wait3A_103 = arith.constant 0 : i32
      %dma_wait3A_104 = tpu.memref_slice %arg5[%add3A_72, %dma_wait3A_103] : memref<10240x128xf32, #tpu.memory_space<vmem_shared>> -> memref<80x128xf32, #tpu.memory_space<vmem_shared>>
      tpu.wait_dma2 semaphore(%run_scoped3A_85 : memref<!tpu.dma_semaphore, #tpu.memory_space<semaphore_mem>>) src(%dma_wait3A_104 : memref<80x128xf32, #tpu.memory_space<vmem_shared>>) dst(%dma_wait3A_102 : memref<80x128xf32, #tpu.memory_space<vmem>>)
      tpu.yield
    }) : () -> ()
    "tpu.region"() ({
      %run_scoped3A_85 = tpu.sem_alloc : memref<!tpu.dma_semaphore, #tpu.memory_space<semaphore_mem>>
      %dma_start3A_86 = arith.constant 0 : i32
      %dma_start3A_87 = arith.constant 0 : i32
      %dma_start3A_88 = tpu.memref_slice %arg8[%dma_start3A_86, %dma_start3A_87] : memref<100x128xf32, #tpu.memory_space<vmem>> -> memref<80x128xf32, #tpu.memory_space<vmem>>
      %dma_start3A_89 = arith.constant 0 : i32
      %dma_start3A_90 = tpu.memref_slice %arg4[%arg0, %add3A_72, %dma_start3A_89] : memref<2x10240x128xf32, #tpu.memory_space<hbm>> -> memref<1x80x128xf32, #tpu.memory_space<hbm>>
      %dma_start3A_91 = tpu.memref_squeeze %dma_start3A_90 : memref<1x80x128xf32, #tpu.memory_space<hbm>> -> memref<80x128xf32, #tpu.memory_space<hbm>>
      %dma_start3A_92 = arith.constant 0 : i32
      %dma_start3A_93 = tpu.memref_slice %arg4[%arg0, %add3A_72, %dma_start3A_92] : memref<2x10240x128xf32, #tpu.memory_space<hbm>> -> memref<1x80x128xf32, #tpu.memory_space<hbm>>
      %dma_start3A_94 = tpu.memref_squeeze %dma_start3A_93 : memref<1x80x128xf32, #tpu.memory_space<hbm>> -> memref<80x128xf32, #tpu.memory_space<hbm>>
      %dma_start3A_95 = arith.constant 0 : i32
      %dma_start3A_96 = arith.constant 0 : i32
      %dma_start3A_97 = tpu.memref_slice %arg8[%dma_start3A_95, %dma_start3A_96] : memref<100x128xf32, #tpu.memory_space<vmem>> -> memref<80x128xf32, #tpu.memory_space<vmem>>
      tpu.enqueue_dma source(%dma_start3A_97 : memref<80x128xf32, #tpu.memory_space<vmem>>) target(%dma_start3A_94 : memref<80x128xf32, #tpu.memory_space<hbm>>) target_semaphore(%run_scoped3A_85 : memref<!tpu.dma_semaphore, #tpu.memory_space<semaphore_mem>>)
      %dma_wait3A = arith.constant 0 : i32
      %dma_wait3A_98 = arith.constant 0 : i32
      %dma_wait3A_99 = tpu.memref_slice %arg8[%dma_wait3A, %dma_wait3A_98] : memref<100x128xf32, #tpu.memory_space<vmem>> -> memref<80x128xf32, #tpu.memory_space<vmem>>
      %dma_wait3A_100 = arith.constant 0 : i32
      %dma_wait3A_101 = tpu.memref_slice %arg4[%arg0, %add3A_72, %dma_wait3A_100] : memref<2x10240x128xf32, #tpu.memory_space<hbm>> -> memref<1x80x128xf32, #tpu.memory_space<hbm>>
      %dma_wait3A_102 = tpu.memref_squeeze %dma_wait3A_101 : memref<1x80x128xf32, #tpu.memory_space<hbm>> -> memref<80x128xf32, #tpu.memory_space<hbm>>
      %dma_wait3A_103 = arith.constant 0 : i32
      %dma_wait3A_104 = tpu.memref_slice %arg4[%arg0, %add3A_72, %dma_wait3A_103] : memref<2x10240x128xf32, #tpu.memory_space<hbm>> -> memref<1x80x128xf32, #tpu.memory_space<hbm>>
      %dma_wait3A_105 = tpu.memref_squeeze %dma_wait3A_104 : memref<1x80x128xf32, #tpu.memory_space<hbm>> -> memref<80x128xf32, #tpu.memory_space<hbm>>
      %dma_wait3A_106 = arith.constant 0 : i32
      %dma_wait3A_107 = arith.constant 0 : i32
      %dma_wait3A_108 = tpu.memref_slice %arg8[%dma_wait3A_106, %dma_wait3A_107] : memref<100x128xf32, #tpu.memory_space<vmem>> -> memref<80x128xf32, #tpu.memory_space<vmem>>
      tpu.wait_dma2 semaphore(%run_scoped3A_85 : memref<!tpu.dma_semaphore, #tpu.memory_space<semaphore_mem>>) src(%dma_wait3A_108 : memref<80x128xf32, #tpu.memory_space<vmem>>) dst(%dma_wait3A_105 : memref<80x128xf32, #tpu.memory_space<hbm>>)
      tpu.yield
    }) : () -> ()
    %mul3A_73 = arith.constant 640 : i32
    %mul3A_74 = arith.muli %arg1, %mul3A_73 : i32
    %add3A_75 = arith.constant 400 : i32
    %add3A_76 = arith.addi %mul3A_74, %add3A_75 : i32
    "tpu.region"() ({
      %run_scoped3A_85 = tpu.sem_alloc : memref<!tpu.dma_semaphore, #tpu.memory_space<semaphore_mem>>
      %dma_start3A_86 = arith.constant 0 : i32
      %dma_start3A_87 = arith.constant 0 : i32
      %dma_start3A_88 = tpu.memref_slice %arg8[%dma_start3A_86, %dma_start3A_87] : memref<100x128xf32, #tpu.memory_space<vmem>> -> memref<80x128xf32, #tpu.memory_space<vmem>>
      %dma_start3A_89 = arith.constant 0 : i32
      %dma_start3A_90 = tpu.memref_slice %arg5[%add3A_76, %dma_start3A_89] : memref<10240x128xf32, #tpu.memory_space<vmem_shared>> -> memref<80x128xf32, #tpu.memory_space<vmem_shared>>
      %dma_start3A_91 = arith.constant 0 : i32
      %dma_start3A_92 = arith.constant 0 : i32
      %dma_start3A_93 = tpu.memref_slice %arg8[%dma_start3A_91, %dma_start3A_92] : memref<100x128xf32, #tpu.memory_space<vmem>> -> memref<80x128xf32, #tpu.memory_space<vmem>>
      %dma_start3A_94 = arith.constant 0 : i32
      %dma_start3A_95 = tpu.memref_slice %arg5[%add3A_76, %dma_start3A_94] : memref<10240x128xf32, #tpu.memory_space<vmem_shared>> -> memref<80x128xf32, #tpu.memory_space<vmem_shared>>
      tpu.enqueue_dma source(%dma_start3A_95 : memref<80x128xf32, #tpu.memory_space<vmem_shared>>) target(%dma_start3A_93 : memref<80x128xf32, #tpu.memory_space<vmem>>) target_semaphore(%run_scoped3A_85 : memref<!tpu.dma_semaphore, #tpu.memory_space<semaphore_mem>>)
      %dma_wait3A = arith.constant 0 : i32
      %dma_wait3A_96 = arith.constant 0 : i32
      %dma_wait3A_97 = tpu.memref_slice %arg8[%dma_wait3A, %dma_wait3A_96] : memref<100x128xf32, #tpu.memory_space<vmem>> -> memref<80x128xf32, #tpu.memory_space<vmem>>
      %dma_wait3A_98 = arith.constant 0 : i32
      %dma_wait3A_99 = tpu.memref_slice %arg5[%add3A_76, %dma_wait3A_98] : memref<10240x128xf32, #tpu.memory_space<vmem_shared>> -> memref<80x128xf32, #tpu.memory_space<vmem_shared>>
      %dma_wait3A_100 = arith.constant 0 : i32
      %dma_wait3A_101 = arith.constant 0 : i32
      %dma_wait3A_102 = tpu.memref_slice %arg8[%dma_wait3A_100, %dma_wait3A_101] : memref<100x128xf32, #tpu.memory_space<vmem>> -> memref<80x128xf32, #tpu.memory_space<vmem>>
      %dma_wait3A_103 = arith.constant 0 : i32
      %dma_wait3A_104 = tpu.memref_slice %arg5[%add3A_76, %dma_wait3A_103] : memref<10240x128xf32, #tpu.memory_space<vmem_shared>> -> memref<80x128xf32, #tpu.memory_space<vmem_shared>>
      tpu.wait_dma2 semaphore(%run_scoped3A_85 : memref<!tpu.dma_semaphore, #tpu.memory_space<semaphore_mem>>) src(%dma_wait3A_104 : memref<80x128xf32, #tpu.memory_space<vmem_shared>>) dst(%dma_wait3A_102 : memref<80x128xf32, #tpu.memory_space<vmem>>)
      tpu.yield
    }) : () -> ()
    "tpu.region"() ({
      %run_scoped3A_85 = tpu.sem_alloc : memref<!tpu.dma_semaphore, #tpu.memory_space<semaphore_mem>>
      %dma_start3A_86 = arith.constant 0 : i32
      %dma_start3A_87 = arith.constant 0 : i32
      %dma_start3A_88 = tpu.memref_slice %arg8[%dma_start3A_86, %dma_start3A_87] : memref<100x128xf32, #tpu.memory_space<vmem>> -> memref<80x128xf32, #tpu.memory_space<vmem>>
      %dma_start3A_89 = arith.constant 0 : i32
      %dma_start3A_90 = tpu.memref_slice %arg4[%arg0, %add3A_76, %dma_start3A_89] : memref<2x10240x128xf32, #tpu.memory_space<hbm>> -> memref<1x80x128xf32, #tpu.memory_space<hbm>>
      %dma_start3A_91 = tpu.memref_squeeze %dma_start3A_90 : memref<1x80x128xf32, #tpu.memory_space<hbm>> -> memref<80x128xf32, #tpu.memory_space<hbm>>
      %dma_start3A_92 = arith.constant 0 : i32
      %dma_start3A_93 = tpu.memref_slice %arg4[%arg0, %add3A_76, %dma_start3A_92] : memref<2x10240x128xf32, #tpu.memory_space<hbm>> -> memref<1x80x128xf32, #tpu.memory_space<hbm>>
      %dma_start3A_94 = tpu.memref_squeeze %dma_start3A_93 : memref<1x80x128xf32, #tpu.memory_space<hbm>> -> memref<80x128xf32, #tpu.memory_space<hbm>>
      %dma_start3A_95 = arith.constant 0 : i32
      %dma_start3A_96 = arith.constant 0 : i32
      %dma_start3A_97 = tpu.memref_slice %arg8[%dma_start3A_95, %dma_start3A_96] : memref<100x128xf32, #tpu.memory_space<vmem>> -> memref<80x128xf32, #tpu.memory_space<vmem>>
      tpu.enqueue_dma source(%dma_start3A_97 : memref<80x128xf32, #tpu.memory_space<vmem>>) target(%dma_start3A_94 : memref<80x128xf32, #tpu.memory_space<hbm>>) target_semaphore(%run_scoped3A_85 : memref<!tpu.dma_semaphore, #tpu.memory_space<semaphore_mem>>)
      %dma_wait3A = arith.constant 0 : i32
      %dma_wait3A_98 = arith.constant 0 : i32
      %dma_wait3A_99 = tpu.memref_slice %arg8[%dma_wait3A, %dma_wait3A_98] : memref<100x128xf32, #tpu.memory_space<vmem>> -> memref<80x128xf32, #tpu.memory_space<vmem>>
      %dma_wait3A_100 = arith.constant 0 : i32
      %dma_wait3A_101 = tpu.memref_slice %arg4[%arg0, %add3A_76, %dma_wait3A_100] : memref<2x10240x128xf32, #tpu.memory_space<hbm>> -> memref<1x80x128xf32, #tpu.memory_space<hbm>>
      %dma_wait3A_102 = tpu.memref_squeeze %dma_wait3A_101 : memref<1x80x128xf32, #tpu.memory_space<hbm>> -> memref<80x128xf32, #tpu.memory_space<hbm>>
      %dma_wait3A_103 = arith.constant 0 : i32
      %dma_wait3A_104 = tpu.memref_slice %arg4[%arg0, %add3A_76, %dma_wait3A_103] : memref<2x10240x128xf32, #tpu.memory_space<hbm>> -> memref<1x80x128xf32, #tpu.memory_space<hbm>>
      %dma_wait3A_105 = tpu.memref_squeeze %dma_wait3A_104 : memref<1x80x128xf32, #tpu.memory_space<hbm>> -> memref<80x128xf32, #tpu.memory_space<hbm>>
      %dma_wait3A_106 = arith.constant 0 : i32
      %dma_wait3A_107 = arith.constant 0 : i32
      %dma_wait3A_108 = tpu.memref_slice %arg8[%dma_wait3A_106, %dma_wait3A_107] : memref<100x128xf32, #tpu.memory_space<vmem>> -> memref<80x128xf32, #tpu.memory_space<vmem>>
      tpu.wait_dma2 semaphore(%run_scoped3A_85 : memref<!tpu.dma_semaphore, #tpu.memory_space<semaphore_mem>>) src(%dma_wait3A_108 : memref<80x128xf32, #tpu.memory_space<vmem>>) dst(%dma_wait3A_105 : memref<80x128xf32, #tpu.memory_space<hbm>>)
      tpu.yield
    }) : () -> ()
    %mul3A_77 = arith.constant 640 : i32
    %mul3A_78 = arith.muli %arg1, %mul3A_77 : i32
    %add3A_79 = arith.constant 480 : i32
    %add3A_80 = arith.addi %mul3A_78, %add3A_79 : i32
    "tpu.region"() ({
      %run_scoped3A_85 = tpu.sem_alloc : memref<!tpu.dma_semaphore, #tpu.memory_space<semaphore_mem>>
      %dma_start3A_86 = arith.constant 0 : i32
      %dma_start3A_87 = arith.constant 0 : i32
      %dma_start3A_88 = tpu.memref_slice %arg8[%dma_start3A_86, %dma_start3A_87] : memref<100x128xf32, #tpu.memory_space<vmem>> -> memref<80x128xf32, #tpu.memory_space<vmem>>
      %dma_start3A_89 = arith.constant 0 : i32
      %dma_start3A_90 = tpu.memref_slice %arg5[%add3A_80, %dma_start3A_89] : memref<10240x128xf32, #tpu.memory_space<vmem_shared>> -> memref<80x128xf32, #tpu.memory_space<vmem_shared>>
      %dma_start3A_91 = arith.constant 0 : i32
      %dma_start3A_92 = arith.constant 0 : i32
      %dma_start3A_93 = tpu.memref_slice %arg8[%dma_start3A_91, %dma_start3A_92] : memref<100x128xf32, #tpu.memory_space<vmem>> -> memref<80x128xf32, #tpu.memory_space<vmem>>
      %dma_start3A_94 = arith.constant 0 : i32
      %dma_start3A_95 = tpu.memref_slice %arg5[%add3A_80, %dma_start3A_94] : memref<10240x128xf32, #tpu.memory_space<vmem_shared>> -> memref<80x128xf32, #tpu.memory_space<vmem_shared>>
      tpu.enqueue_dma source(%dma_start3A_95 : memref<80x128xf32, #tpu.memory_space<vmem_shared>>) target(%dma_start3A_93 : memref<80x128xf32, #tpu.memory_space<vmem>>) target_semaphore(%run_scoped3A_85 : memref<!tpu.dma_semaphore, #tpu.memory_space<semaphore_mem>>)
      %dma_wait3A = arith.constant 0 : i32
      %dma_wait3A_96 = arith.constant 0 : i32
      %dma_wait3A_97 = tpu.memref_slice %arg8[%dma_wait3A, %dma_wait3A_96] : memref<100x128xf32, #tpu.memory_space<vmem>> -> memref<80x128xf32, #tpu.memory_space<vmem>>
      %dma_wait3A_98 = arith.constant 0 : i32
      %dma_wait3A_99 = tpu.memref_slice %arg5[%add3A_80, %dma_wait3A_98] : memref<10240x128xf32, #tpu.memory_space<vmem_shared>> -> memref<80x128xf32, #tpu.memory_space<vmem_shared>>
      %dma_wait3A_100 = arith.constant 0 : i32
      %dma_wait3A_101 = arith.constant 0 : i32
      %dma_wait3A_102 = tpu.memref_slice %arg8[%dma_wait3A_100, %dma_wait3A_101] : memref<100x128xf32, #tpu.memory_space<vmem>> -> memref<80x128xf32, #tpu.memory_space<vmem>>
      %dma_wait3A_103 = arith.constant 0 : i32
      %dma_wait3A_104 = tpu.memref_slice %arg5[%add3A_80, %dma_wait3A_103] : memref<10240x128xf32, #tpu.memory_space<vmem_shared>> -> memref<80x128xf32, #tpu.memory_space<vmem_shared>>
      tpu.wait_dma2 semaphore(%run_scoped3A_85 : memref<!tpu.dma_semaphore, #tpu.memory_space<semaphore_mem>>) src(%dma_wait3A_104 : memref<80x128xf32, #tpu.memory_space<vmem_shared>>) dst(%dma_wait3A_102 : memref<80x128xf32, #tpu.memory_space<vmem>>)
      tpu.yield
    }) : () -> ()
    "tpu.region"() ({
      %run_scoped3A_85 = tpu.sem_alloc : memref<!tpu.dma_semaphore, #tpu.memory_space<semaphore_mem>>
      %dma_start3A_86 = arith.constant 0 : i32
      %dma_start3A_87 = arith.constant 0 : i32
      %dma_start3A_88 = tpu.memref_slice %arg8[%dma_start3A_86, %dma_start3A_87] : memref<100x128xf32, #tpu.memory_space<vmem>> -> memref<80x128xf32, #tpu.memory_space<vmem>>
      %dma_start3A_89 = arith.constant 0 : i32
      %dma_start3A_90 = tpu.memref_slice %arg4[%arg0, %add3A_80, %dma_start3A_89] : memref<2x10240x128xf32, #tpu.memory_space<hbm>> -> memref<1x80x128xf32, #tpu.memory_space<hbm>>
      %dma_start3A_91 = tpu.memref_squeeze %dma_start3A_90 : memref<1x80x128xf32, #tpu.memory_space<hbm>> -> memref<80x128xf32, #tpu.memory_space<hbm>>
      %dma_start3A_92 = arith.constant 0 : i32
      %dma_start3A_93 = tpu.memref_slice %arg4[%arg0, %add3A_80, %dma_start3A_92] : memref<2x10240x128xf32, #tpu.memory_space<hbm>> -> memref<1x80x128xf32, #tpu.memory_space<hbm>>
      %dma_start3A_94 = tpu.memref_squeeze %dma_start3A_93 : memref<1x80x128xf32, #tpu.memory_space<hbm>> -> memref<80x128xf32, #tpu.memory_space<hbm>>
      %dma_start3A_95 = arith.constant 0 : i32
      %dma_start3A_96 = arith.constant 0 : i32
      %dma_start3A_97 = tpu.memref_slice %arg8[%dma_start3A_95, %dma_start3A_96] : memref<100x128xf32, #tpu.memory_space<vmem>> -> memref<80x128xf32, #tpu.memory_space<vmem>>
      tpu.enqueue_dma source(%dma_start3A_97 : memref<80x128xf32, #tpu.memory_space<vmem>>) target(%dma_start3A_94 : memref<80x128xf32, #tpu.memory_space<hbm>>) target_semaphore(%run_scoped3A_85 : memref<!tpu.dma_semaphore, #tpu.memory_space<semaphore_mem>>)
      %dma_wait3A = arith.constant 0 : i32
      %dma_wait3A_98 = arith.constant 0 : i32
      %dma_wait3A_99 = tpu.memref_slice %arg8[%dma_wait3A, %dma_wait3A_98] : memref<100x128xf32, #tpu.memory_space<vmem>> -> memref<80x128xf32, #tpu.memory_space<vmem>>
      %dma_wait3A_100 = arith.constant 0 : i32
      %dma_wait3A_101 = tpu.memref_slice %arg4[%arg0, %add3A_80, %dma_wait3A_100] : memref<2x10240x128xf32, #tpu.memory_space<hbm>> -> memref<1x80x128xf32, #tpu.memory_space<hbm>>
      %dma_wait3A_102 = tpu.memref_squeeze %dma_wait3A_101 : memref<1x80x128xf32, #tpu.memory_space<hbm>> -> memref<80x128xf32, #tpu.memory_space<hbm>>
      %dma_wait3A_103 = arith.constant 0 : i32
      %dma_wait3A_104 = tpu.memref_slice %arg4[%arg0, %add3A_80, %dma_wait3A_103] : memref<2x10240x128xf32, #tpu.memory_space<hbm>> -> memref<1x80x128xf32, #tpu.memory_space<hbm>>
      %dma_wait3A_105 = tpu.memref_squeeze %dma_wait3A_104 : memref<1x80x128xf32, #tpu.memory_space<hbm>> -> memref<80x128xf32, #tpu.memory_space<hbm>>
      %dma_wait3A_106 = arith.constant 0 : i32
      %dma_wait3A_107 = arith.constant 0 : i32
      %dma_wait3A_108 = tpu.memref_slice %arg8[%dma_wait3A_106, %dma_wait3A_107] : memref<100x128xf32, #tpu.memory_space<vmem>> -> memref<80x128xf32, #tpu.memory_space<vmem>>
      tpu.wait_dma2 semaphore(%run_scoped3A_85 : memref<!tpu.dma_semaphore, #tpu.memory_space<semaphore_mem>>) src(%dma_wait3A_108 : memref<80x128xf32, #tpu.memory_space<vmem>>) dst(%dma_wait3A_105 : memref<80x128xf32, #tpu.memory_space<hbm>>)
      tpu.yield
    }) : () -> ()
    %mul3A_81 = arith.constant 640 : i32
    %mul3A_82 = arith.muli %arg1, %mul3A_81 : i32
    %add3A_83 = arith.constant 560 : i32
    %add3A_84 = arith.addi %mul3A_82, %add3A_83 : i32
    "tpu.region"() ({
      %run_scoped3A_85 = tpu.sem_alloc : memref<!tpu.dma_semaphore, #tpu.memory_space<semaphore_mem>>
      %dma_start3A_86 = arith.constant 0 : i32
      %dma_start3A_87 = arith.constant 0 : i32
      %dma_start3A_88 = tpu.memref_slice %arg8[%dma_start3A_86, %dma_start3A_87] : memref<100x128xf32, #tpu.memory_space<vmem>> -> memref<80x128xf32, #tpu.memory_space<vmem>>
      %dma_start3A_89 = arith.constant 0 : i32
      %dma_start3A_90 = tpu.memref_slice %arg5[%add3A_84, %dma_start3A_89] : memref<10240x128xf32, #tpu.memory_space<vmem_shared>> -> memref<80x128xf32, #tpu.memory_space<vmem_shared>>
      %dma_start3A_91 = arith.constant 0 : i32
      %dma_start3A_92 = arith.constant 0 : i32
      %dma_start3A_93 = tpu.memref_slice %arg8[%dma_start3A_91, %dma_start3A_92] : memref<100x128xf32, #tpu.memory_space<vmem>> -> memref<80x128xf32, #tpu.memory_space<vmem>>
      %dma_start3A_94 = arith.constant 0 : i32
      %dma_start3A_95 = tpu.memref_slice %arg5[%add3A_84, %dma_start3A_94] : memref<10240x128xf32, #tpu.memory_space<vmem_shared>> -> memref<80x128xf32, #tpu.memory_space<vmem_shared>>
      tpu.enqueue_dma source(%dma_start3A_95 : memref<80x128xf32, #tpu.memory_space<vmem_shared>>) target(%dma_start3A_93 : memref<80x128xf32, #tpu.memory_space<vmem>>) target_semaphore(%run_scoped3A_85 : memref<!tpu.dma_semaphore, #tpu.memory_space<semaphore_mem>>)
      %dma_wait3A = arith.constant 0 : i32
      %dma_wait3A_96 = arith.constant 0 : i32
      %dma_wait3A_97 = tpu.memref_slice %arg8[%dma_wait3A, %dma_wait3A_96] : memref<100x128xf32, #tpu.memory_space<vmem>> -> memref<80x128xf32, #tpu.memory_space<vmem>>
      %dma_wait3A_98 = arith.constant 0 : i32
      %dma_wait3A_99 = tpu.memref_slice %arg5[%add3A_84, %dma_wait3A_98] : memref<10240x128xf32, #tpu.memory_space<vmem_shared>> -> memref<80x128xf32, #tpu.memory_space<vmem_shared>>
      %dma_wait3A_100 = arith.constant 0 : i32
      %dma_wait3A_101 = arith.constant 0 : i32
      %dma_wait3A_102 = tpu.memref_slice %arg8[%dma_wait3A_100, %dma_wait3A_101] : memref<100x128xf32, #tpu.memory_space<vmem>> -> memref<80x128xf32, #tpu.memory_space<vmem>>
      %dma_wait3A_103 = arith.constant 0 : i32
      %dma_wait3A_104 = tpu.memref_slice %arg5[%add3A_84, %dma_wait3A_103] : memref<10240x128xf32, #tpu.memory_space<vmem_shared>> -> memref<80x128xf32, #tpu.memory_space<vmem_shared>>
      tpu.wait_dma2 semaphore(%run_scoped3A_85 : memref<!tpu.dma_semaphore, #tpu.memory_space<semaphore_mem>>) src(%dma_wait3A_104 : memref<80x128xf32, #tpu.memory_space<vmem_shared>>) dst(%dma_wait3A_102 : memref<80x128xf32, #tpu.memory_space<vmem>>)
      tpu.yield
    }) : () -> ()
    "tpu.region"() ({
      %run_scoped3A_85 = tpu.sem_alloc : memref<!tpu.dma_semaphore, #tpu.memory_space<semaphore_mem>>
      %dma_start3A_86 = arith.constant 0 : i32
      %dma_start3A_87 = arith.constant 0 : i32
      %dma_start3A_88 = tpu.memref_slice %arg8[%dma_start3A_86, %dma_start3A_87] : memref<100x128xf32, #tpu.memory_space<vmem>> -> memref<80x128xf32, #tpu.memory_space<vmem>>
      %dma_start3A_89 = arith.constant 0 : i32
      %dma_start3A_90 = tpu.memref_slice %arg4[%arg0, %add3A_84, %dma_start3A_89] : memref<2x10240x128xf32, #tpu.memory_space<hbm>> -> memref<1x80x128xf32, #tpu.memory_space<hbm>>
      %dma_start3A_91 = tpu.memref_squeeze %dma_start3A_90 : memref<1x80x128xf32, #tpu.memory_space<hbm>> -> memref<80x128xf32, #tpu.memory_space<hbm>>
      %dma_start3A_92 = arith.constant 0 : i32
      %dma_start3A_93 = tpu.memref_slice %arg4[%arg0, %add3A_84, %dma_start3A_92] : memref<2x10240x128xf32, #tpu.memory_space<hbm>> -> memref<1x80x128xf32, #tpu.memory_space<hbm>>
      %dma_start3A_94 = tpu.memref_squeeze %dma_start3A_93 : memref<1x80x128xf32, #tpu.memory_space<hbm>> -> memref<80x128xf32, #tpu.memory_space<hbm>>
      %dma_start3A_95 = arith.constant 0 : i32
      %dma_start3A_96 = arith.constant 0 : i32
      %dma_start3A_97 = tpu.memref_slice %arg8[%dma_start3A_95, %dma_start3A_96] : memref<100x128xf32, #tpu.memory_space<vmem>> -> memref<80x128xf32, #tpu.memory_space<vmem>>
      tpu.enqueue_dma source(%dma_start3A_97 : memref<80x128xf32, #tpu.memory_space<vmem>>) target(%dma_start3A_94 : memref<80x128xf32, #tpu.memory_space<hbm>>) target_semaphore(%run_scoped3A_85 : memref<!tpu.dma_semaphore, #tpu.memory_space<semaphore_mem>>)
      %dma_wait3A = arith.constant 0 : i32
      %dma_wait3A_98 = arith.constant 0 : i32
      %dma_wait3A_99 = tpu.memref_slice %arg8[%dma_wait3A, %dma_wait3A_98] : memref<100x128xf32, #tpu.memory_space<vmem>> -> memref<80x128xf32, #tpu.memory_space<vmem>>
      %dma_wait3A_100 = arith.constant 0 : i32
      %dma_wait3A_101 = tpu.memref_slice %arg4[%arg0, %add3A_84, %dma_wait3A_100] : memref<2x10240x128xf32, #tpu.memory_space<hbm>> -> memref<1x80x128xf32, #tpu.memory_space<hbm>>
      %dma_wait3A_102 = tpu.memref_squeeze %dma_wait3A_101 : memref<1x80x128xf32, #tpu.memory_space<hbm>> -> memref<80x128xf32, #tpu.memory_space<hbm>>
      %dma_wait3A_103 = arith.constant 0 : i32
      %dma_wait3A_104 = tpu.memref_slice %arg4[%arg0, %add3A_84, %dma_wait3A_103] : memref<2x10240x128xf32, #tpu.memory_space<hbm>> -> memref<1x80x128xf32, #tpu.memory_space<hbm>>
      %dma_wait3A_105 = tpu.memref_squeeze %dma_wait3A_104 : memref<1x80x128xf32, #tpu.memory_space<hbm>> -> memref<80x128xf32, #tpu.memory_space<hbm>>
      %dma_wait3A_106 = arith.constant 0 : i32
      %dma_wait3A_107 = arith.constant 0 : i32
      %dma_wait3A_108 = tpu.memref_slice %arg8[%dma_wait3A_106, %dma_wait3A_107] : memref<100x128xf32, #tpu.memory_space<vmem>> -> memref<80x128xf32, #tpu.memory_space<vmem>>
      tpu.wait_dma2 semaphore(%run_scoped3A_85 : memref<!tpu.dma_semaphore, #tpu.memory_space<semaphore_mem>>) src(%dma_wait3A_108 : memref<80x128xf32, #tpu.memory_space<vmem>>) dst(%dma_wait3A_105 : memref<80x128xf32, #tpu.memory_space<hbm>>)
      tpu.yield
    }) : () -> ()
    return
  }
}

#map = affine_map<(d0, d1) -> (0, 0)>
#map1 = affine_map<(d0, d1) -> (0, 0, 0, 0)>
#map2 = affine_map<(d0, d1) -> (0, 0, 0)>
module attributes {stable_mosaic.version = 14 : i64} {
  func.func @_sc_agg_body(%arg0: i32, %arg1: i32, %arg2: memref<10000x128xf32, #tpu.memory_space<hbm>>, %arg3: memref<2x32x100x100xi32, #tpu.memory_space<hbm>>, %arg4: memref<2x10240x128xf32, #tpu.memory_space<hbm>>, %arg5: memref<10240x128xf32, #tpu.memory_space<vmem_shared>>, %arg6: memref<100x100xi32, #tpu.memory_space<vmem>>, %arg7: memref<100x100xi32, #tpu.memory_space<vmem>>, %arg8: memref<100x128xf32, #tpu.memory_space<vmem>>, %arg9: memref<100x128xf32, #tpu.memory_space<vmem>>, %arg10: memref<!tpu.dma_semaphore, #tpu.memory_space<semaphore_mem>>, %arg11: memref<!tpu.dma_semaphore, #tpu.memory_space<semaphore_mem>>) attributes {dimension_semantics = [#tpu.dimension_semantics<core_parallel>, #tpu.dimension_semantics<subcore_parallel>], iteration_bounds = array<i64: 2, 16>, scalar_prefetch = 0 : i64, scratch_operands = 7 : i64, tpu.core_type = #tpu.core_type<sc_vector_subcore>, window_params = [{transform_indices = #map}, {transform_indices = #map1}, {transform_indices = #map2}]} {
    %mul3A = arith.constant 2 : i32
    %mul3A_0 = arith.muli %arg1, %mul3A : i32
    %add3A = arith.addi %mul3A_0, %arg0 : i32
    %broadcast_in_dim3A = arith.constant 0.000000e+00 : f32
    %broadcast_in_dim3A_1 = vector.broadcast %broadcast_in_dim3A : f32 to vector<16xf32>
    %scan3A = arith.constant 0 : i32
    %scan3A_2 = arith.constant 0 : i32
    %scan3A_3 = arith.constant 640 : i32
    %scan3A_4 = arith.addi %scan3A_2, %scan3A_3 : i32
    %scan3A_5 = arith.constant 1 : i32
    scf.for %scan3A_85 = %scan3A_2 to %scan3A_4 step %scan3A_5  : i32 {
      %jit3A = arith.constant 8 : i32
      %div3A = arith.divsi %scan3A_85, %jit3A : i32
      %sign3A = arith.constant 0 : i32
      %sign3A_86 = arith.cmpi sgt, %scan3A_85, %sign3A : i32
      %sign3A_87 = arith.extui %sign3A_86 : i1 to i32
      %sign3A_88 = arith.constant 0 : i32
      %sign3A_89 = arith.cmpi slt, %scan3A_85, %sign3A_88 : i32
      %sign3A_90 = arith.extui %sign3A_89 : i1 to i32
      %sign3A_91 = arith.subi %sign3A_87, %sign3A_90 : i32
      %sign3A_92 = arith.constant 0 : i32
      %sign3A_93 = arith.cmpi sgt, %jit3A, %sign3A_92 : i32
      %sign3A_94 = arith.extui %sign3A_93 : i1 to i32
      %sign3A_95 = arith.constant 0 : i32
      %sign3A_96 = arith.cmpi slt, %jit3A, %sign3A_95 : i32
      %sign3A_97 = arith.extui %sign3A_96 : i1 to i32
      %sign3A_98 = arith.subi %sign3A_94, %sign3A_97 : i32
      %ne3A = arith.cmpi ne, %sign3A_91, %sign3A_98 : i32
      %rem3A = arith.remsi %scan3A_85, %jit3A : i32
      %ne3A_99 = arith.constant 0 : i32
      %ne3A_100 = arith.cmpi ne, %rem3A, %ne3A_99 : i32
      %and3A = arith.andi %ne3A, %ne3A_100 : i1
      %sub3A = arith.constant 1 : i32
      %sub3A_101 = arith.subi %div3A, %sub3A : i32
      %select_n3A = arith.select %and3A, %sub3A_101, %div3A : i32
      %jit3A_102 = arith.constant 8 : i32
      %eq3A = arith.constant 0 : i32
      %eq3A_103 = arith.cmpi eq, %jit3A_102, %eq3A : i32
      %jit3A_104 = arith.constant 1 : i32
      %select_n3A_105 = arith.select %eq3A_103, %jit3A_104, %jit3A_102 : i32
      %rem3A_106 = arith.remsi %scan3A_85, %select_n3A_105 : i32
      %ne3A_107 = arith.constant 0 : i32
      %ne3A_108 = arith.cmpi ne, %rem3A_106, %ne3A_107 : i32
      %lt3A = arith.constant 0 : i32
      %lt3A_109 = arith.cmpi slt, %rem3A_106, %lt3A : i32
      %lt3A_110 = arith.constant 0 : i32
      %lt3A_111 = arith.cmpi slt, %select_n3A_105, %lt3A_110 : i32
      %ne3A_112 = arith.xori %lt3A_109, %lt3A_111 : i1
      %and3A_113 = arith.andi %ne3A_112, %ne3A_108 : i1
      %add3A_114 = arith.addi %rem3A_106, %select_n3A_105 : i32
      %select_n3A_115 = arith.select %and3A_113, %add3A_114, %rem3A_106 : i32
      %mul3A_116 = arith.constant 16 : i32
      %mul3A_117 = arith.muli %select_n3A_115, %mul3A_116 : i32
      %swap3A = arith.index_cast %select_n3A : i32 to index
      %swap3A_118 = arith.index_cast %mul3A_117 : i32 to index
      %swap3A_119 = tpu.vector_load %arg8[%swap3A, %swap3A_118] {strides = array<i32>} : memref<100x128xf32, #tpu.memory_space<vmem>>, vector<1x16xf32>,
      %swap3A_120 = vector.shape_cast %swap3A_119 : vector<1x16xf32> to vector<16xf32>
      %swap3A_121 = vector.shape_cast %broadcast_in_dim3A_1 : vector<16xf32> to vector<1x16xf32>
      tpu.vector_store %arg8[%swap3A, %swap3A_118], %swap3A_121 {strides = array<i32>} : memref<100x128xf32, #tpu.memory_space<vmem>>, vector<1x16xf32>,
    }
    %scan3A_6 = arith.constant 640 : i32
    %mul3A_7 = arith.constant 640 : i32
    %mul3A_8 = arith.muli %arg1, %mul3A_7 : i32
    %add3A_9 = arith.constant 0 : i32
    %add3A_10 = arith.addi %mul3A_8, %add3A_9 : i32
    "tpu.region"() ({
      %run_scoped3A_85 = tpu.sem_alloc : memref<!tpu.dma_semaphore, #tpu.memory_space<semaphore_mem>>
      %dma_start3A_86 = arith.constant 0 : i32
      %dma_start3A_87 = arith.constant 0 : i32
      %dma_start3A_88 = tpu.memref_slice %arg8[%dma_start3A_86, %dma_start3A_87] : memref<100x128xf32, #tpu.memory_space<vmem>> -> memref<80x128xf32, #tpu.memory_space<vmem>>
      %dma_start3A_89 = arith.constant 0 : i32
      %dma_start3A_90 = tpu.memref_slice %arg5[%add3A_10, %dma_start3A_89] : memref<10240x128xf32, #tpu.memory_space<vmem_shared>> -> memref<80x128xf32, #tpu.memory_space<vmem_shared>>
      %dma_start3A_91 = arith.constant 0 : i32
      %dma_start3A_92 = tpu.memref_slice %arg5[%add3A_10, %dma_start3A_91] : memref<10240x128xf32, #tpu.memory_space<vmem_shared>> -> memref<80x128xf32, #tpu.memory_space<vmem_shared>>
      %dma_start3A_93 = arith.constant 0 : i32
      %dma_start3A_94 = arith.constant 0 : i32
      %dma_start3A_95 = tpu.memref_slice %arg8[%dma_start3A_93, %dma_start3A_94] : memref<100x128xf32, #tpu.memory_space<vmem>> -> memref<80x128xf32, #tpu.memory_space<vmem>>
      tpu.enqueue_dma source(%dma_start3A_95 : memref<80x128xf32, #tpu.memory_space<vmem>>) target(%dma_start3A_92 : memref<80x128xf32, #tpu.memory_space<vmem_shared>>) target_semaphore(%run_scoped3A_85 : memref<!tpu.dma_semaphore, #tpu.memory_space<semaphore_mem>>)
      %dma_wait3A = arith.constant 0 : i32
      %dma_wait3A_96 = arith.constant 0 : i32
      %dma_wait3A_97 = tpu.memref_slice %arg8[%dma_wait3A, %dma_wait3A_96] : memref<100x128xf32, #tpu.memory_space<vmem>> -> memref<80x128xf32, #tpu.memory_space<vmem>>
      %dma_wait3A_98 = arith.constant 0 : i32
      %dma_wait3A_99 = tpu.memref_slice %arg5[%add3A_10, %dma_wait3A_98] : memref<10240x128xf32, #tpu.memory_space<vmem_shared>> -> memref<80x128xf32, #tpu.memory_space<vmem_shared>>
      %dma_wait3A_100 = arith.constant 0 : i32
      %dma_wait3A_101 = tpu.memref_slice %arg5[%add3A_10, %dma_wait3A_100] : memref<10240x128xf32, #tpu.memory_space<vmem_shared>> -> memref<80x128xf32, #tpu.memory_space<vmem_shared>>
      %dma_wait3A_102 = arith.constant 0 : i32
      %dma_wait3A_103 = arith.constant 0 : i32
      %dma_wait3A_104 = tpu.memref_slice %arg8[%dma_wait3A_102, %dma_wait3A_103] : memref<100x128xf32, #tpu.memory_space<vmem>> -> memref<80x128xf32, #tpu.memory_space<vmem>>
      tpu.wait_dma2 semaphore(%run_scoped3A_85 : memref<!tpu.dma_semaphore, #tpu.memory_space<semaphore_mem>>) src(%dma_wait3A_104 : memref<80x128xf32, #tpu.memory_space<vmem>>) dst(%dma_wait3A_101 : memref<80x128xf32, #tpu.memory_space<vmem_shared>>)
      tpu.yield
    }) : () -> ()
    %mul3A_11 = arith.constant 640 : i32
    %mul3A_12 = arith.muli %arg1, %mul3A_11 : i32
    %add3A_13 = arith.constant 80 : i32
    %add3A_14 = arith.addi %mul3A_12, %add3A_13 : i32
    "tpu.region"() ({
      %run_scoped3A_85 = tpu.sem_alloc : memref<!tpu.dma_semaphore, #tpu.memory_space<semaphore_mem>>
      %dma_start3A_86 = arith.constant 0 : i32
      %dma_start3A_87 = arith.constant 0 : i32
      %dma_start3A_88 = tpu.memref_slice %arg8[%dma_start3A_86, %dma_start3A_87] : memref<100x128xf32, #tpu.memory_space<vmem>> -> memref<80x128xf32, #tpu.memory_space<vmem>>
      %dma_start3A_89 = arith.constant 0 : i32
      %dma_start3A_90 = tpu.memref_slice %arg5[%add3A_14, %dma_start3A_89] : memref<10240x128xf32, #tpu.memory_space<vmem_shared>> -> memref<80x128xf32, #tpu.memory_space<vmem_shared>>
      %dma_start3A_91 = arith.constant 0 : i32
      %dma_start3A_92 = tpu.memref_slice %arg5[%add3A_14, %dma_start3A_91] : memref<10240x128xf32, #tpu.memory_space<vmem_shared>> -> memref<80x128xf32, #tpu.memory_space<vmem_shared>>
      %dma_start3A_93 = arith.constant 0 : i32
      %dma_start3A_94 = arith.constant 0 : i32
      %dma_start3A_95 = tpu.memref_slice %arg8[%dma_start3A_93, %dma_start3A_94] : memref<100x128xf32, #tpu.memory_space<vmem>> -> memref<80x128xf32, #tpu.memory_space<vmem>>
      tpu.enqueue_dma source(%dma_start3A_95 : memref<80x128xf32, #tpu.memory_space<vmem>>) target(%dma_start3A_92 : memref<80x128xf32, #tpu.memory_space<vmem_shared>>) target_semaphore(%run_scoped3A_85 : memref<!tpu.dma_semaphore, #tpu.memory_space<semaphore_mem>>)
      %dma_wait3A = arith.constant 0 : i32
      %dma_wait3A_96 = arith.constant 0 : i32
      %dma_wait3A_97 = tpu.memref_slice %arg8[%dma_wait3A, %dma_wait3A_96] : memref<100x128xf32, #tpu.memory_space<vmem>> -> memref<80x128xf32, #tpu.memory_space<vmem>>
      %dma_wait3A_98 = arith.constant 0 : i32
      %dma_wait3A_99 = tpu.memref_slice %arg5[%add3A_14, %dma_wait3A_98] : memref<10240x128xf32, #tpu.memory_space<vmem_shared>> -> memref<80x128xf32, #tpu.memory_space<vmem_shared>>
      %dma_wait3A_100 = arith.constant 0 : i32
      %dma_wait3A_101 = tpu.memref_slice %arg5[%add3A_14, %dma_wait3A_100] : memref<10240x128xf32, #tpu.memory_space<vmem_shared>> -> memref<80x128xf32, #tpu.memory_space<vmem_shared>>
      %dma_wait3A_102 = arith.constant 0 : i32
      %dma_wait3A_103 = arith.constant 0 : i32
      %dma_wait3A_104 = tpu.memref_slice %arg8[%dma_wait3A_102, %dma_wait3A_103] : memref<100x128xf32, #tpu.memory_space<vmem>> -> memref<80x128xf32, #tpu.memory_space<vmem>>
      tpu.wait_dma2 semaphore(%run_scoped3A_85 : memref<!tpu.dma_semaphore, #tpu.memory_space<semaphore_mem>>) src(%dma_wait3A_104 : memref<80x128xf32, #tpu.memory_space<vmem>>) dst(%dma_wait3A_101 : memref<80x128xf32, #tpu.memory_space<vmem_shared>>)
      tpu.yield
    }) : () -> ()
    %mul3A_15 = arith.constant 640 : i32
    %mul3A_16 = arith.muli %arg1, %mul3A_15 : i32
    %add3A_17 = arith.constant 160 : i32
    %add3A_18 = arith.addi %mul3A_16, %add3A_17 : i32
    "tpu.region"() ({
      %run_scoped3A_85 = tpu.sem_alloc : memref<!tpu.dma_semaphore, #tpu.memory_space<semaphore_mem>>
      %dma_start3A_86 = arith.constant 0 : i32
      %dma_start3A_87 = arith.constant 0 : i32
      %dma_start3A_88 = tpu.memref_slice %arg8[%dma_start3A_86, %dma_start3A_87] : memref<100x128xf32, #tpu.memory_space<vmem>> -> memref<80x128xf32, #tpu.memory_space<vmem>>
      %dma_start3A_89 = arith.constant 0 : i32
      %dma_start3A_90 = tpu.memref_slice %arg5[%add3A_18, %dma_start3A_89] : memref<10240x128xf32, #tpu.memory_space<vmem_shared>> -> memref<80x128xf32, #tpu.memory_space<vmem_shared>>
      %dma_start3A_91 = arith.constant 0 : i32
      %dma_start3A_92 = tpu.memref_slice %arg5[%add3A_18, %dma_start3A_91] : memref<10240x128xf32, #tpu.memory_space<vmem_shared>> -> memref<80x128xf32, #tpu.memory_space<vmem_shared>>
      %dma_start3A_93 = arith.constant 0 : i32
      %dma_start3A_94 = arith.constant 0 : i32
      %dma_start3A_95 = tpu.memref_slice %arg8[%dma_start3A_93, %dma_start3A_94] : memref<100x128xf32, #tpu.memory_space<vmem>> -> memref<80x128xf32, #tpu.memory_space<vmem>>
      tpu.enqueue_dma source(%dma_start3A_95 : memref<80x128xf32, #tpu.memory_space<vmem>>) target(%dma_start3A_92 : memref<80x128xf32, #tpu.memory_space<vmem_shared>>) target_semaphore(%run_scoped3A_85 : memref<!tpu.dma_semaphore, #tpu.memory_space<semaphore_mem>>)
      %dma_wait3A = arith.constant 0 : i32
      %dma_wait3A_96 = arith.constant 0 : i32
      %dma_wait3A_97 = tpu.memref_slice %arg8[%dma_wait3A, %dma_wait3A_96] : memref<100x128xf32, #tpu.memory_space<vmem>> -> memref<80x128xf32, #tpu.memory_space<vmem>>
      %dma_wait3A_98 = arith.constant 0 : i32
      %dma_wait3A_99 = tpu.memref_slice %arg5[%add3A_18, %dma_wait3A_98] : memref<10240x128xf32, #tpu.memory_space<vmem_shared>> -> memref<80x128xf32, #tpu.memory_space<vmem_shared>>
      %dma_wait3A_100 = arith.constant 0 : i32
      %dma_wait3A_101 = tpu.memref_slice %arg5[%add3A_18, %dma_wait3A_100] : memref<10240x128xf32, #tpu.memory_space<vmem_shared>> -> memref<80x128xf32, #tpu.memory_space<vmem_shared>>
      %dma_wait3A_102 = arith.constant 0 : i32
      %dma_wait3A_103 = arith.constant 0 : i32
      %dma_wait3A_104 = tpu.memref_slice %arg8[%dma_wait3A_102, %dma_wait3A_103] : memref<100x128xf32, #tpu.memory_space<vmem>> -> memref<80x128xf32, #tpu.memory_space<vmem>>
      tpu.wait_dma2 semaphore(%run_scoped3A_85 : memref<!tpu.dma_semaphore, #tpu.memory_space<semaphore_mem>>) src(%dma_wait3A_104 : memref<80x128xf32, #tpu.memory_space<vmem>>) dst(%dma_wait3A_101 : memref<80x128xf32, #tpu.memory_space<vmem_shared>>)
      tpu.yield
    }) : () -> ()
    %mul3A_19 = arith.constant 640 : i32
    %mul3A_20 = arith.muli %arg1, %mul3A_19 : i32
    %add3A_21 = arith.constant 240 : i32
    %add3A_22 = arith.addi %mul3A_20, %add3A_21 : i32
    "tpu.region"() ({
      %run_scoped3A_85 = tpu.sem_alloc : memref<!tpu.dma_semaphore, #tpu.memory_space<semaphore_mem>>
      %dma_start3A_86 = arith.constant 0 : i32
      %dma_start3A_87 = arith.constant 0 : i32
      %dma_start3A_88 = tpu.memref_slice %arg8[%dma_start3A_86, %dma_start3A_87] : memref<100x128xf32, #tpu.memory_space<vmem>> -> memref<80x128xf32, #tpu.memory_space<vmem>>
      %dma_start3A_89 = arith.constant 0 : i32
      %dma_start3A_90 = tpu.memref_slice %arg5[%add3A_22, %dma_start3A_89] : memref<10240x128xf32, #tpu.memory_space<vmem_shared>> -> memref<80x128xf32, #tpu.memory_space<vmem_shared>>
      %dma_start3A_91 = arith.constant 0 : i32
      %dma_start3A_92 = tpu.memref_slice %arg5[%add3A_22, %dma_start3A_91] : memref<10240x128xf32, #tpu.memory_space<vmem_shared>> -> memref<80x128xf32, #tpu.memory_space<vmem_shared>>
      %dma_start3A_93 = arith.constant 0 : i32
      %dma_start3A_94 = arith.constant 0 : i32
      %dma_start3A_95 = tpu.memref_slice %arg8[%dma_start3A_93, %dma_start3A_94] : memref<100x128xf32, #tpu.memory_space<vmem>> -> memref<80x128xf32, #tpu.memory_space<vmem>>
      tpu.enqueue_dma source(%dma_start3A_95 : memref<80x128xf32, #tpu.memory_space<vmem>>) target(%dma_start3A_92 : memref<80x128xf32, #tpu.memory_space<vmem_shared>>) target_semaphore(%run_scoped3A_85 : memref<!tpu.dma_semaphore, #tpu.memory_space<semaphore_mem>>)
      %dma_wait3A = arith.constant 0 : i32
      %dma_wait3A_96 = arith.constant 0 : i32
      %dma_wait3A_97 = tpu.memref_slice %arg8[%dma_wait3A, %dma_wait3A_96] : memref<100x128xf32, #tpu.memory_space<vmem>> -> memref<80x128xf32, #tpu.memory_space<vmem>>
      %dma_wait3A_98 = arith.constant 0 : i32
      %dma_wait3A_99 = tpu.memref_slice %arg5[%add3A_22, %dma_wait3A_98] : memref<10240x128xf32, #tpu.memory_space<vmem_shared>> -> memref<80x128xf32, #tpu.memory_space<vmem_shared>>
      %dma_wait3A_100 = arith.constant 0 : i32
      %dma_wait3A_101 = tpu.memref_slice %arg5[%add3A_22, %dma_wait3A_100] : memref<10240x128xf32, #tpu.memory_space<vmem_shared>> -> memref<80x128xf32, #tpu.memory_space<vmem_shared>>
      %dma_wait3A_102 = arith.constant 0 : i32
      %dma_wait3A_103 = arith.constant 0 : i32
      %dma_wait3A_104 = tpu.memref_slice %arg8[%dma_wait3A_102, %dma_wait3A_103] : memref<100x128xf32, #tpu.memory_space<vmem>> -> memref<80x128xf32, #tpu.memory_space<vmem>>
      tpu.wait_dma2 semaphore(%run_scoped3A_85 : memref<!tpu.dma_semaphore, #tpu.memory_space<semaphore_mem>>) src(%dma_wait3A_104 : memref<80x128xf32, #tpu.memory_space<vmem>>) dst(%dma_wait3A_101 : memref<80x128xf32, #tpu.memory_space<vmem_shared>>)
      tpu.yield
    }) : () -> ()
    %mul3A_23 = arith.constant 640 : i32
    %mul3A_24 = arith.muli %arg1, %mul3A_23 : i32
    %add3A_25 = arith.constant 320 : i32
    %add3A_26 = arith.addi %mul3A_24, %add3A_25 : i32
    "tpu.region"() ({
      %run_scoped3A_85 = tpu.sem_alloc : memref<!tpu.dma_semaphore, #tpu.memory_space<semaphore_mem>>
      %dma_start3A_86 = arith.constant 0 : i32
      %dma_start3A_87 = arith.constant 0 : i32
      %dma_start3A_88 = tpu.memref_slice %arg8[%dma_start3A_86, %dma_start3A_87] : memref<100x128xf32, #tpu.memory_space<vmem>> -> memref<80x128xf32, #tpu.memory_space<vmem>>
      %dma_start3A_89 = arith.constant 0 : i32
      %dma_start3A_90 = tpu.memref_slice %arg5[%add3A_26, %dma_start3A_89] : memref<10240x128xf32, #tpu.memory_space<vmem_shared>> -> memref<80x128xf32, #tpu.memory_space<vmem_shared>>
      %dma_start3A_91 = arith.constant 0 : i32
      %dma_start3A_92 = tpu.memref_slice %arg5[%add3A_26, %dma_start3A_91] : memref<10240x128xf32, #tpu.memory_space<vmem_shared>> -> memref<80x128xf32, #tpu.memory_space<vmem_shared>>
      %dma_start3A_93 = arith.constant 0 : i32
      %dma_start3A_94 = arith.constant 0 : i32
      %dma_start3A_95 = tpu.memref_slice %arg8[%dma_start3A_93, %dma_start3A_94] : memref<100x128xf32, #tpu.memory_space<vmem>> -> memref<80x128xf32, #tpu.memory_space<vmem>>
      tpu.enqueue_dma source(%dma_start3A_95 : memref<80x128xf32, #tpu.memory_space<vmem>>) target(%dma_start3A_92 : memref<80x128xf32, #tpu.memory_space<vmem_shared>>) target_semaphore(%run_scoped3A_85 : memref<!tpu.dma_semaphore, #tpu.memory_space<semaphore_mem>>)
      %dma_wait3A = arith.constant 0 : i32
      %dma_wait3A_96 = arith.constant 0 : i32
      %dma_wait3A_97 = tpu.memref_slice %arg8[%dma_wait3A, %dma_wait3A_96] : memref<100x128xf32, #tpu.memory_space<vmem>> -> memref<80x128xf32, #tpu.memory_space<vmem>>
      %dma_wait3A_98 = arith.constant 0 : i32
      %dma_wait3A_99 = tpu.memref_slice %arg5[%add3A_26, %dma_wait3A_98] : memref<10240x128xf32, #tpu.memory_space<vmem_shared>> -> memref<80x128xf32, #tpu.memory_space<vmem_shared>>
      %dma_wait3A_100 = arith.constant 0 : i32
      %dma_wait3A_101 = tpu.memref_slice %arg5[%add3A_26, %dma_wait3A_100] : memref<10240x128xf32, #tpu.memory_space<vmem_shared>> -> memref<80x128xf32, #tpu.memory_space<vmem_shared>>
      %dma_wait3A_102 = arith.constant 0 : i32
      %dma_wait3A_103 = arith.constant 0 : i32
      %dma_wait3A_104 = tpu.memref_slice %arg8[%dma_wait3A_102, %dma_wait3A_103] : memref<100x128xf32, #tpu.memory_space<vmem>> -> memref<80x128xf32, #tpu.memory_space<vmem>>
      tpu.wait_dma2 semaphore(%run_scoped3A_85 : memref<!tpu.dma_semaphore, #tpu.memory_space<semaphore_mem>>) src(%dma_wait3A_104 : memref<80x128xf32, #tpu.memory_space<vmem>>) dst(%dma_wait3A_101 : memref<80x128xf32, #tpu.memory_space<vmem_shared>>)
      tpu.yield
    }) : () -> ()
    %mul3A_27 = arith.constant 640 : i32
    %mul3A_28 = arith.muli %arg1, %mul3A_27 : i32
    %add3A_29 = arith.constant 400 : i32
    %add3A_30 = arith.addi %mul3A_28, %add3A_29 : i32
    "tpu.region"() ({
      %run_scoped3A_85 = tpu.sem_alloc : memref<!tpu.dma_semaphore, #tpu.memory_space<semaphore_mem>>
      %dma_start3A_86 = arith.constant 0 : i32
      %dma_start3A_87 = arith.constant 0 : i32
      %dma_start3A_88 = tpu.memref_slice %arg8[%dma_start3A_86, %dma_start3A_87] : memref<100x128xf32, #tpu.memory_space<vmem>> -> memref<80x128xf32, #tpu.memory_space<vmem>>
      %dma_start3A_89 = arith.constant 0 : i32
      %dma_start3A_90 = tpu.memref_slice %arg5[%add3A_30, %dma_start3A_89] : memref<10240x128xf32, #tpu.memory_space<vmem_shared>> -> memref<80x128xf32, #tpu.memory_space<vmem_shared>>
      %dma_start3A_91 = arith.constant 0 : i32
      %dma_start3A_92 = tpu.memref_slice %arg5[%add3A_30, %dma_start3A_91] : memref<10240x128xf32, #tpu.memory_space<vmem_shared>> -> memref<80x128xf32, #tpu.memory_space<vmem_shared>>
      %dma_start3A_93 = arith.constant 0 : i32
      %dma_start3A_94 = arith.constant 0 : i32
      %dma_start3A_95 = tpu.memref_slice %arg8[%dma_start3A_93, %dma_start3A_94] : memref<100x128xf32, #tpu.memory_space<vmem>> -> memref<80x128xf32, #tpu.memory_space<vmem>>
      tpu.enqueue_dma source(%dma_start3A_95 : memref<80x128xf32, #tpu.memory_space<vmem>>) target(%dma_start3A_92 : memref<80x128xf32, #tpu.memory_space<vmem_shared>>) target_semaphore(%run_scoped3A_85 : memref<!tpu.dma_semaphore, #tpu.memory_space<semaphore_mem>>)
      %dma_wait3A = arith.constant 0 : i32
      %dma_wait3A_96 = arith.constant 0 : i32
      %dma_wait3A_97 = tpu.memref_slice %arg8[%dma_wait3A, %dma_wait3A_96] : memref<100x128xf32, #tpu.memory_space<vmem>> -> memref<80x128xf32, #tpu.memory_space<vmem>>
      %dma_wait3A_98 = arith.constant 0 : i32
      %dma_wait3A_99 = tpu.memref_slice %arg5[%add3A_30, %dma_wait3A_98] : memref<10240x128xf32, #tpu.memory_space<vmem_shared>> -> memref<80x128xf32, #tpu.memory_space<vmem_shared>>
      %dma_wait3A_100 = arith.constant 0 : i32
      %dma_wait3A_101 = tpu.memref_slice %arg5[%add3A_30, %dma_wait3A_100] : memref<10240x128xf32, #tpu.memory_space<vmem_shared>> -> memref<80x128xf32, #tpu.memory_space<vmem_shared>>
      %dma_wait3A_102 = arith.constant 0 : i32
      %dma_wait3A_103 = arith.constant 0 : i32
      %dma_wait3A_104 = tpu.memref_slice %arg8[%dma_wait3A_102, %dma_wait3A_103] : memref<100x128xf32, #tpu.memory_space<vmem>> -> memref<80x128xf32, #tpu.memory_space<vmem>>
      tpu.wait_dma2 semaphore(%run_scoped3A_85 : memref<!tpu.dma_semaphore, #tpu.memory_space<semaphore_mem>>) src(%dma_wait3A_104 : memref<80x128xf32, #tpu.memory_space<vmem>>) dst(%dma_wait3A_101 : memref<80x128xf32, #tpu.memory_space<vmem_shared>>)
      tpu.yield
    }) : () -> ()
    %mul3A_31 = arith.constant 640 : i32
    %mul3A_32 = arith.muli %arg1, %mul3A_31 : i32
    %add3A_33 = arith.constant 480 : i32
    %add3A_34 = arith.addi %mul3A_32, %add3A_33 : i32
    "tpu.region"() ({
      %run_scoped3A_85 = tpu.sem_alloc : memref<!tpu.dma_semaphore, #tpu.memory_space<semaphore_mem>>
      %dma_start3A_86 = arith.constant 0 : i32
      %dma_start3A_87 = arith.constant 0 : i32
      %dma_start3A_88 = tpu.memref_slice %arg8[%dma_start3A_86, %dma_start3A_87] : memref<100x128xf32, #tpu.memory_space<vmem>> -> memref<80x128xf32, #tpu.memory_space<vmem>>
      %dma_start3A_89 = arith.constant 0 : i32
      %dma_start3A_90 = tpu.memref_slice %arg5[%add3A_34, %dma_start3A_89] : memref<10240x128xf32, #tpu.memory_space<vmem_shared>> -> memref<80x128xf32, #tpu.memory_space<vmem_shared>>
      %dma_start3A_91 = arith.constant 0 : i32
      %dma_start3A_92 = tpu.memref_slice %arg5[%add3A_34, %dma_start3A_91] : memref<10240x128xf32, #tpu.memory_space<vmem_shared>> -> memref<80x128xf32, #tpu.memory_space<vmem_shared>>
      %dma_start3A_93 = arith.constant 0 : i32
      %dma_start3A_94 = arith.constant 0 : i32
      %dma_start3A_95 = tpu.memref_slice %arg8[%dma_start3A_93, %dma_start3A_94] : memref<100x128xf32, #tpu.memory_space<vmem>> -> memref<80x128xf32, #tpu.memory_space<vmem>>
      tpu.enqueue_dma source(%dma_start3A_95 : memref<80x128xf32, #tpu.memory_space<vmem>>) target(%dma_start3A_92 : memref<80x128xf32, #tpu.memory_space<vmem_shared>>) target_semaphore(%run_scoped3A_85 : memref<!tpu.dma_semaphore, #tpu.memory_space<semaphore_mem>>)
      %dma_wait3A = arith.constant 0 : i32
      %dma_wait3A_96 = arith.constant 0 : i32
      %dma_wait3A_97 = tpu.memref_slice %arg8[%dma_wait3A, %dma_wait3A_96] : memref<100x128xf32, #tpu.memory_space<vmem>> -> memref<80x128xf32, #tpu.memory_space<vmem>>
      %dma_wait3A_98 = arith.constant 0 : i32
      %dma_wait3A_99 = tpu.memref_slice %arg5[%add3A_34, %dma_wait3A_98] : memref<10240x128xf32, #tpu.memory_space<vmem_shared>> -> memref<80x128xf32, #tpu.memory_space<vmem_shared>>
      %dma_wait3A_100 = arith.constant 0 : i32
      %dma_wait3A_101 = tpu.memref_slice %arg5[%add3A_34, %dma_wait3A_100] : memref<10240x128xf32, #tpu.memory_space<vmem_shared>> -> memref<80x128xf32, #tpu.memory_space<vmem_shared>>
      %dma_wait3A_102 = arith.constant 0 : i32
      %dma_wait3A_103 = arith.constant 0 : i32
      %dma_wait3A_104 = tpu.memref_slice %arg8[%dma_wait3A_102, %dma_wait3A_103] : memref<100x128xf32, #tpu.memory_space<vmem>> -> memref<80x128xf32, #tpu.memory_space<vmem>>
      tpu.wait_dma2 semaphore(%run_scoped3A_85 : memref<!tpu.dma_semaphore, #tpu.memory_space<semaphore_mem>>) src(%dma_wait3A_104 : memref<80x128xf32, #tpu.memory_space<vmem>>) dst(%dma_wait3A_101 : memref<80x128xf32, #tpu.memory_space<vmem_shared>>)
      tpu.yield
    }) : () -> ()
    %mul3A_35 = arith.constant 640 : i32
    %mul3A_36 = arith.muli %arg1, %mul3A_35 : i32
    %add3A_37 = arith.constant 560 : i32
    %add3A_38 = arith.addi %mul3A_36, %add3A_37 : i32
    "tpu.region"() ({
      %run_scoped3A_85 = tpu.sem_alloc : memref<!tpu.dma_semaphore, #tpu.memory_space<semaphore_mem>>
      %dma_start3A_86 = arith.constant 0 : i32
      %dma_start3A_87 = arith.constant 0 : i32
      %dma_start3A_88 = tpu.memref_slice %arg8[%dma_start3A_86, %dma_start3A_87] : memref<100x128xf32, #tpu.memory_space<vmem>> -> memref<80x128xf32, #tpu.memory_space<vmem>>
      %dma_start3A_89 = arith.constant 0 : i32
      %dma_start3A_90 = tpu.memref_slice %arg5[%add3A_38, %dma_start3A_89] : memref<10240x128xf32, #tpu.memory_space<vmem_shared>> -> memref<80x128xf32, #tpu.memory_space<vmem_shared>>
      %dma_start3A_91 = arith.constant 0 : i32
      %dma_start3A_92 = tpu.memref_slice %arg5[%add3A_38, %dma_start3A_91] : memref<10240x128xf32, #tpu.memory_space<vmem_shared>> -> memref<80x128xf32, #tpu.memory_space<vmem_shared>>
      %dma_start3A_93 = arith.constant 0 : i32
      %dma_start3A_94 = arith.constant 0 : i32
      %dma_start3A_95 = tpu.memref_slice %arg8[%dma_start3A_93, %dma_start3A_94] : memref<100x128xf32, #tpu.memory_space<vmem>> -> memref<80x128xf32, #tpu.memory_space<vmem>>
      tpu.enqueue_dma source(%dma_start3A_95 : memref<80x128xf32, #tpu.memory_space<vmem>>) target(%dma_start3A_92 : memref<80x128xf32, #tpu.memory_space<vmem_shared>>) target_semaphore(%run_scoped3A_85 : memref<!tpu.dma_semaphore, #tpu.memory_space<semaphore_mem>>)
      %dma_wait3A = arith.constant 0 : i32
      %dma_wait3A_96 = arith.constant 0 : i32
      %dma_wait3A_97 = tpu.memref_slice %arg8[%dma_wait3A, %dma_wait3A_96] : memref<100x128xf32, #tpu.memory_space<vmem>> -> memref<80x128xf32, #tpu.memory_space<vmem>>
      %dma_wait3A_98 = arith.constant 0 : i32
      %dma_wait3A_99 = tpu.memref_slice %arg5[%add3A_38, %dma_wait3A_98] : memref<10240x128xf32, #tpu.memory_space<vmem_shared>> -> memref<80x128xf32, #tpu.memory_space<vmem_shared>>
      %dma_wait3A_100 = arith.constant 0 : i32
      %dma_wait3A_101 = tpu.memref_slice %arg5[%add3A_38, %dma_wait3A_100] : memref<10240x128xf32, #tpu.memory_space<vmem_shared>> -> memref<80x128xf32, #tpu.memory_space<vmem_shared>>
      %dma_wait3A_102 = arith.constant 0 : i32
      %dma_wait3A_103 = arith.constant 0 : i32
      %dma_wait3A_104 = tpu.memref_slice %arg8[%dma_wait3A_102, %dma_wait3A_103] : memref<100x128xf32, #tpu.memory_space<vmem>> -> memref<80x128xf32, #tpu.memory_space<vmem>>
      tpu.wait_dma2 semaphore(%run_scoped3A_85 : memref<!tpu.dma_semaphore, #tpu.memory_space<semaphore_mem>>) src(%dma_wait3A_104 : memref<80x128xf32, #tpu.memory_space<vmem>>) dst(%dma_wait3A_101 : memref<80x128xf32, #tpu.memory_space<vmem_shared>>)
      tpu.yield
    }) : () -> ()
    %run_scoped3A = arith.constant 0 : i32
    "tpu.region"() ({
      %run_scoped3A_85 = tpu.sem_alloc : memref<!tpu.dma_semaphore, #tpu.memory_space<semaphore_mem>>
      %dma_start3A_86 = arith.constant 0 : i32
      %dma_start3A_87 = arith.constant 0 : i32
      %dma_start3A_88 = tpu.memref_slice %arg3[%run_scoped3A, %add3A, %dma_start3A_86, %dma_start3A_87] : memref<2x32x100x100xi32, #tpu.memory_space<hbm>> -> memref<1x1x100x100xi32, #tpu.memory_space<hbm>>
      %dma_start3A_89 = tpu.memref_squeeze %dma_start3A_88 : memref<1x1x100x100xi32, #tpu.memory_space<hbm>> -> memref<100x100xi32, #tpu.memory_space<hbm>>
      %dma_start3A_90 = arith.constant 0 : i32
      %dma_start3A_91 = arith.constant 0 : i32
      %dma_start3A_92 = tpu.memref_slice %arg3[%run_scoped3A, %add3A, %dma_start3A_90, %dma_start3A_91] : memref<2x32x100x100xi32, #tpu.memory_space<hbm>> -> memref<1x1x100x100xi32, #tpu.memory_space<hbm>>
      %dma_start3A_93 = tpu.memref_squeeze %dma_start3A_92 : memref<1x1x100x100xi32, #tpu.memory_space<hbm>> -> memref<100x100xi32, #tpu.memory_space<hbm>>
      tpu.enqueue_dma source(%dma_start3A_93 : memref<100x100xi32, #tpu.memory_space<hbm>>) target(%arg6 : memref<100x100xi32, #tpu.memory_space<vmem>>) target_semaphore(%run_scoped3A_85 : memref<!tpu.dma_semaphore, #tpu.memory_space<semaphore_mem>>)
      %dma_wait3A = arith.constant 0 : i32
      %dma_wait3A_94 = arith.constant 0 : i32
      %dma_wait3A_95 = tpu.memref_slice %arg3[%run_scoped3A, %add3A, %dma_wait3A, %dma_wait3A_94] : memref<2x32x100x100xi32, #tpu.memory_space<hbm>> -> memref<1x1x100x100xi32, #tpu.memory_space<hbm>>
      %dma_wait3A_96 = tpu.memref_squeeze %dma_wait3A_95 : memref<1x1x100x100xi32, #tpu.memory_space<hbm>> -> memref<100x100xi32, #tpu.memory_space<hbm>>
      %dma_wait3A_97 = arith.constant 0 : i32
      %dma_wait3A_98 = arith.constant 0 : i32
      %dma_wait3A_99 = tpu.memref_slice %arg3[%run_scoped3A, %add3A, %dma_wait3A_97, %dma_wait3A_98] : memref<2x32x100x100xi32, #tpu.memory_space<hbm>> -> memref<1x1x100x100xi32, #tpu.memory_space<hbm>>
      %dma_wait3A_100 = tpu.memref_squeeze %dma_wait3A_99 : memref<1x1x100x100xi32, #tpu.memory_space<hbm>> -> memref<100x100xi32, #tpu.memory_space<hbm>>
      tpu.wait_dma2 semaphore(%run_scoped3A_85 : memref<!tpu.dma_semaphore, #tpu.memory_space<semaphore_mem>>) src(%dma_wait3A_100 : memref<100x100xi32, #tpu.memory_space<hbm>>) dst(%arg6 : memref<100x100xi32, #tpu.memory_space<vmem>>)
      tpu.yield
    }) : () -> ()
    %run_scoped3A_39 = arith.constant 1 : i32
    "tpu.region"() ({
      %run_scoped3A_85 = tpu.sem_alloc : memref<!tpu.dma_semaphore, #tpu.memory_space<semaphore_mem>>
      %dma_start3A_86 = arith.constant 0 : i32
      %dma_start3A_87 = arith.constant 0 : i32
      %dma_start3A_88 = tpu.memref_slice %arg3[%run_scoped3A_39, %add3A, %dma_start3A_86, %dma_start3A_87] : memref<2x32x100x100xi32, #tpu.memory_space<hbm>> -> memref<1x1x100x100xi32, #tpu.memory_space<hbm>>
      %dma_start3A_89 = tpu.memref_squeeze %dma_start3A_88 : memref<1x1x100x100xi32, #tpu.memory_space<hbm>> -> memref<100x100xi32, #tpu.memory_space<hbm>>
      %dma_start3A_90 = arith.constant 0 : i32
      %dma_start3A_91 = arith.constant 0 : i32
      %dma_start3A_92 = tpu.memref_slice %arg3[%run_scoped3A_39, %add3A, %dma_start3A_90, %dma_start3A_91] : memref<2x32x100x100xi32, #tpu.memory_space<hbm>> -> memref<1x1x100x100xi32, #tpu.memory_space<hbm>>
      %dma_start3A_93 = tpu.memref_squeeze %dma_start3A_92 : memref<1x1x100x100xi32, #tpu.memory_space<hbm>> -> memref<100x100xi32, #tpu.memory_space<hbm>>
      tpu.enqueue_dma source(%dma_start3A_93 : memref<100x100xi32, #tpu.memory_space<hbm>>) target(%arg7 : memref<100x100xi32, #tpu.memory_space<vmem>>) target_semaphore(%run_scoped3A_85 : memref<!tpu.dma_semaphore, #tpu.memory_space<semaphore_mem>>)
      %dma_wait3A = arith.constant 0 : i32
      %dma_wait3A_94 = arith.constant 0 : i32
      %dma_wait3A_95 = tpu.memref_slice %arg3[%run_scoped3A_39, %add3A, %dma_wait3A, %dma_wait3A_94] : memref<2x32x100x100xi32, #tpu.memory_space<hbm>> -> memref<1x1x100x100xi32, #tpu.memory_space<hbm>>
      %dma_wait3A_96 = tpu.memref_squeeze %dma_wait3A_95 : memref<1x1x100x100xi32, #tpu.memory_space<hbm>> -> memref<100x100xi32, #tpu.memory_space<hbm>>
      %dma_wait3A_97 = arith.constant 0 : i32
      %dma_wait3A_98 = arith.constant 0 : i32
      %dma_wait3A_99 = tpu.memref_slice %arg3[%run_scoped3A_39, %add3A, %dma_wait3A_97, %dma_wait3A_98] : memref<2x32x100x100xi32, #tpu.memory_space<hbm>> -> memref<1x1x100x100xi32, #tpu.memory_space<hbm>>
      %dma_wait3A_100 = tpu.memref_squeeze %dma_wait3A_99 : memref<1x1x100x100xi32, #tpu.memory_space<hbm>> -> memref<100x100xi32, #tpu.memory_space<hbm>>
      tpu.wait_dma2 semaphore(%run_scoped3A_85 : memref<!tpu.dma_semaphore, #tpu.memory_space<semaphore_mem>>) src(%dma_wait3A_100 : memref<100x100xi32, #tpu.memory_space<hbm>>) dst(%arg7 : memref<100x100xi32, #tpu.memory_space<vmem>>)
      tpu.yield
    }) : () -> ()
    %barrier3A = arith.constant 0 : index
    tpu.barrier barrier_id(%barrier3A)
    %dma_start3A = arith.constant 0 : i32
    %dma_start3A_40 = arith.constant 0 : i32
    %dma_start3A_41 = tpu.memref_slice %arg6[%dma_start3A, %dma_start3A_40] : memref<100x100xi32, #tpu.memory_space<vmem>> -> memref<1x100xi32, #tpu.memory_space<vmem>>
    %dma_start3A_42 = tpu.memref_squeeze %dma_start3A_41 : memref<1x100xi32, #tpu.memory_space<vmem>> -> memref<100xi32, #tpu.memory_space<vmem>>
    %dma_start3A_43 = arith.constant 0 : i32
    %dma_start3A_44 = arith.constant 0 : i32
    %dma_start3A_45 = tpu.memref_slice %arg2[%dma_start3A_43, %dma_start3A_44] : memref<10000x128xf32, #tpu.memory_space<hbm>> -> memref<10000x128xf32, #tpu.memory_space<hbm>>
    tpu.enqueue_indirect_dma source(%dma_start3A_45 : memref<10000x128xf32, #tpu.memory_space<hbm>>) target(%arg8 : memref<100x128xf32, #tpu.memory_space<vmem>>) offsets(%dma_start3A_42 : memref<100xi32, #tpu.memory_space<vmem>>) semaphore(%arg10 : memref<!tpu.dma_semaphore, #tpu.memory_space<semaphore_mem>>)
    %scan3A_46 = arith.constant 0 : i32
    %scan3A_47 = arith.constant 0 : i32
    %scan3A_48 = arith.constant 50 : i32
    %scan3A_49 = arith.addi %scan3A_47, %scan3A_48 : i32
    %scan3A_50 = arith.constant 1 : i32
    scf.for %scan3A_85 = %scan3A_47 to %scan3A_49 step %scan3A_50  : i32 {
      %mul3A_86 = arith.constant 2 : i32
      %mul3A_87 = arith.muli %mul3A_86, %scan3A_85 : i32
      %add3A_88 = arith.constant 1 : i32
      %add3A_89 = arith.addi %mul3A_87, %add3A_88 : i32
      %dma_start3A_90 = arith.constant 0 : i32
      %dma_start3A_91 = tpu.memref_slice %arg6[%add3A_89, %dma_start3A_90] : memref<100x100xi32, #tpu.memory_space<vmem>> -> memref<1x100xi32, #tpu.memory_space<vmem>>
      %dma_start3A_92 = tpu.memref_squeeze %dma_start3A_91 : memref<1x100xi32, #tpu.memory_space<vmem>> -> memref<100xi32, #tpu.memory_space<vmem>>
      %dma_start3A_93 = arith.constant 0 : i32
      %dma_start3A_94 = arith.constant 0 : i32
      %dma_start3A_95 = tpu.memref_slice %arg2[%dma_start3A_93, %dma_start3A_94] : memref<10000x128xf32, #tpu.memory_space<hbm>> -> memref<10000x128xf32, #tpu.memory_space<hbm>>
      tpu.enqueue_indirect_dma source(%dma_start3A_95 : memref<10000x128xf32, #tpu.memory_space<hbm>>) target(%arg9 : memref<100x128xf32, #tpu.memory_space<vmem>>) offsets(%dma_start3A_92 : memref<100xi32, #tpu.memory_space<vmem>>) semaphore(%arg11 : memref<!tpu.dma_semaphore, #tpu.memory_space<semaphore_mem>>)
      %dma_wait3A = arith.constant 0 : i32
      %dma_wait3A_96 = tpu.memref_slice %arg6[%mul3A_87, %dma_wait3A] : memref<100x100xi32, #tpu.memory_space<vmem>> -> memref<1x100xi32, #tpu.memory_space<vmem>>
      %dma_wait3A_97 = tpu.memref_squeeze %dma_wait3A_96 : memref<1x100xi32, #tpu.memory_space<vmem>> -> memref<100xi32, #tpu.memory_space<vmem>>
      %dma_wait3A_98 = arith.constant 0 : i32
      %dma_wait3A_99 = arith.constant 0 : i32
      %dma_wait3A_100 = tpu.memref_slice %arg2[%dma_wait3A_98, %dma_wait3A_99] : memref<10000x128xf32, #tpu.memory_space<hbm>> -> memref<10000x128xf32, #tpu.memory_space<hbm>>
      tpu.wait_indirect_dma semaphore(%arg10 : memref<!tpu.dma_semaphore, #tpu.memory_space<semaphore_mem>>) src(%dma_wait3A_100 : memref<10000x128xf32, #tpu.memory_space<hbm>>) dst(%arg8 : memref<100x128xf32, #tpu.memory_space<vmem>>)
      "tpu.region"() ({
        %run_scoped3A_115 = tpu.sem_alloc : memref<!tpu.dma_semaphore, #tpu.memory_space<semaphore_mem>>
        %dma_start3A_116 = arith.constant 0 : i32
        %dma_start3A_117 = tpu.memref_slice %arg7[%mul3A_87, %dma_start3A_116] : memref<100x100xi32, #tpu.memory_space<vmem>> -> memref<1x100xi32, #tpu.memory_space<vmem>>
        %dma_start3A_118 = tpu.memref_squeeze %dma_start3A_117 : memref<1x100xi32, #tpu.memory_space<vmem>> -> memref<100xi32, #tpu.memory_space<vmem>>
        %dma_start3A_119 = arith.constant 0 : i32
        %dma_start3A_120 = arith.constant 0 : i32
        %dma_start3A_121 = tpu.memref_slice %arg5[%dma_start3A_119, %dma_start3A_120] : memref<10240x128xf32, #tpu.memory_space<vmem_shared>> -> memref<10240x128xf32, #tpu.memory_space<vmem_shared>>
        tpu.enqueue_indirect_dma source(%arg8 : memref<100x128xf32, #tpu.memory_space<vmem>>) target(%dma_start3A_121 : memref<10240x128xf32, #tpu.memory_space<vmem_shared>>) offsets(%dma_start3A_118 : memref<100xi32, #tpu.memory_space<vmem>>) semaphore(%run_scoped3A_115 : memref<!tpu.dma_semaphore, #tpu.memory_space<semaphore_mem>>) {add = true}
        %dma_wait3A_122 = arith.constant 0 : i32
        %dma_wait3A_123 = tpu.memref_slice %arg7[%mul3A_87, %dma_wait3A_122] : memref<100x100xi32, #tpu.memory_space<vmem>> -> memref<1x100xi32, #tpu.memory_space<vmem>>
        %dma_wait3A_124 = tpu.memref_squeeze %dma_wait3A_123 : memref<1x100xi32, #tpu.memory_space<vmem>> -> memref<100xi32, #tpu.memory_space<vmem>>
        %dma_wait3A_125 = arith.constant 0 : i32
        %dma_wait3A_126 = arith.constant 0 : i32
        %dma_wait3A_127 = tpu.memref_slice %arg5[%dma_wait3A_125, %dma_wait3A_126] : memref<10240x128xf32, #tpu.memory_space<vmem_shared>> -> memref<10240x128xf32, #tpu.memory_space<vmem_shared>>
        tpu.wait_indirect_dma semaphore(%run_scoped3A_115 : memref<!tpu.dma_semaphore, #tpu.memory_space<semaphore_mem>>) src(%arg8 : memref<100x128xf32, #tpu.memory_space<vmem>>) dst(%dma_wait3A_127 : memref<10240x128xf32, #tpu.memory_space<vmem_shared>>)
        tpu.yield
      }) : () -> ()
      %add3A_101 = arith.constant 2 : i32
      %add3A_102 = arith.addi %mul3A_87, %add3A_101 : i32
      %lt3A = arith.constant 100 : i32
      %lt3A_103 = arith.cmpi slt, %add3A_102, %lt3A : i32
      %convert_element_type3A = arith.extui %lt3A_103 : i1 to i32
      %cond3A = arith.constant 0 : i32
      %cond3A_104 = arith.cmpi ne, %convert_element_type3A, %cond3A : i32
      scf.if %cond3A_104 {
        %add3A_115 = arith.constant 2 : i32
        %add3A_116 = arith.addi %mul3A_87, %add3A_115 : i32
        %dma_start3A_117 = arith.constant 0 : i32
        %dma_start3A_118 = tpu.memref_slice %arg6[%add3A_116, %dma_start3A_117] : memref<100x100xi32, #tpu.memory_space<vmem>> -> memref<1x100xi32, #tpu.memory_space<vmem>>
        %dma_start3A_119 = tpu.memref_squeeze %dma_start3A_118 : memref<1x100xi32, #tpu.memory_space<vmem>> -> memref<100xi32, #tpu.memory_space<vmem>>
        %dma_start3A_120 = arith.constant 0 : i32
        %dma_start3A_121 = arith.constant 0 : i32
        %dma_start3A_122 = tpu.memref_slice %arg2[%dma_start3A_120, %dma_start3A_121] : memref<10000x128xf32, #tpu.memory_space<hbm>> -> memref<10000x128xf32, #tpu.memory_space<hbm>>
        tpu.enqueue_indirect_dma source(%dma_start3A_122 : memref<10000x128xf32, #tpu.memory_space<hbm>>) target(%arg8 : memref<100x128xf32, #tpu.memory_space<vmem>>) offsets(%dma_start3A_119 : memref<100xi32, #tpu.memory_space<vmem>>) semaphore(%arg10 : memref<!tpu.dma_semaphore, #tpu.memory_space<semaphore_mem>>)
      } else {
      }
      %add3A_105 = arith.constant 1 : i32
      %add3A_106 = arith.addi %mul3A_87, %add3A_105 : i32
      %dma_wait3A_107 = arith.constant 0 : i32
      %dma_wait3A_108 = tpu.memref_slice %arg6[%add3A_106, %dma_wait3A_107] : memref<100x100xi32, #tpu.memory_space<vmem>> -> memref<1x100xi32, #tpu.memory_space<vmem>>
      %dma_wait3A_109 = tpu.memref_squeeze %dma_wait3A_108 : memref<1x100xi32, #tpu.memory_space<vmem>> -> memref<100xi32, #tpu.memory_space<vmem>>
      %dma_wait3A_110 = arith.constant 0 : i32
      %dma_wait3A_111 = arith.constant 0 : i32
      %dma_wait3A_112 = tpu.memref_slice %arg2[%dma_wait3A_110, %dma_wait3A_111] : memref<10000x128xf32, #tpu.memory_space<hbm>> -> memref<10000x128xf32, #tpu.memory_space<hbm>>
      tpu.wait_indirect_dma semaphore(%arg11 : memref<!tpu.dma_semaphore, #tpu.memory_space<semaphore_mem>>) src(%dma_wait3A_112 : memref<10000x128xf32, #tpu.memory_space<hbm>>) dst(%arg9 : memref<100x128xf32, #tpu.memory_space<vmem>>)
      %add3A_113 = arith.constant 1 : i32
      %add3A_114 = arith.addi %mul3A_87, %add3A_113 : i32
      "tpu.region"() ({
        %run_scoped3A_115 = tpu.sem_alloc : memref<!tpu.dma_semaphore, #tpu.memory_space<semaphore_mem>>
        %dma_start3A_116 = arith.constant 0 : i32
        %dma_start3A_117 = tpu.memref_slice %arg7[%add3A_114, %dma_start3A_116] : memref<100x100xi32, #tpu.memory_space<vmem>> -> memref<1x100xi32, #tpu.memory_space<vmem>>
        %dma_start3A_118 = tpu.memref_squeeze %dma_start3A_117 : memref<1x100xi32, #tpu.memory_space<vmem>> -> memref<100xi32, #tpu.memory_space<vmem>>
        %dma_start3A_119 = arith.constant 0 : i32
        %dma_start3A_120 = arith.constant 0 : i32
        %dma_start3A_121 = tpu.memref_slice %arg5[%dma_start3A_119, %dma_start3A_120] : memref<10240x128xf32, #tpu.memory_space<vmem_shared>> -> memref<10240x128xf32, #tpu.memory_space<vmem_shared>>
        tpu.enqueue_indirect_dma source(%arg9 : memref<100x128xf32, #tpu.memory_space<vmem>>) target(%dma_start3A_121 : memref<10240x128xf32, #tpu.memory_space<vmem_shared>>) offsets(%dma_start3A_118 : memref<100xi32, #tpu.memory_space<vmem>>) semaphore(%run_scoped3A_115 : memref<!tpu.dma_semaphore, #tpu.memory_space<semaphore_mem>>) {add = true}
        %dma_wait3A_122 = arith.constant 0 : i32
        %dma_wait3A_123 = tpu.memref_slice %arg7[%add3A_114, %dma_wait3A_122] : memref<100x100xi32, #tpu.memory_space<vmem>> -> memref<1x100xi32, #tpu.memory_space<vmem>>
        %dma_wait3A_124 = tpu.memref_squeeze %dma_wait3A_123 : memref<1x100xi32, #tpu.memory_space<vmem>> -> memref<100xi32, #tpu.memory_space<vmem>>
        %dma_wait3A_125 = arith.constant 0 : i32
        %dma_wait3A_126 = arith.constant 0 : i32
        %dma_wait3A_127 = tpu.memref_slice %arg5[%dma_wait3A_125, %dma_wait3A_126] : memref<10240x128xf32, #tpu.memory_space<vmem_shared>> -> memref<10240x128xf32, #tpu.memory_space<vmem_shared>>
        tpu.wait_indirect_dma semaphore(%run_scoped3A_115 : memref<!tpu.dma_semaphore, #tpu.memory_space<semaphore_mem>>) src(%arg9 : memref<100x128xf32, #tpu.memory_space<vmem>>) dst(%dma_wait3A_127 : memref<10240x128xf32, #tpu.memory_space<vmem_shared>>)
        tpu.yield
      }) : () -> ()
    }
    %scan3A_51 = arith.constant 50 : i32
    %barrier3A_52 = arith.constant 0 : index
    tpu.barrier barrier_id(%barrier3A_52)
    %mul3A_53 = arith.constant 640 : i32
    %mul3A_54 = arith.muli %arg1, %mul3A_53 : i32
    %add3A_55 = arith.constant 0 : i32
    %add3A_56 = arith.addi %mul3A_54, %add3A_55 : i32
    "tpu.region"() ({
      %run_scoped3A_85 = tpu.sem_alloc : memref<!tpu.dma_semaphore, #tpu.memory_space<semaphore_mem>>
      %dma_start3A_86 = arith.constant 0 : i32
      %dma_start3A_87 = arith.constant 0 : i32
      %dma_start3A_88 = tpu.memref_slice %arg8[%dma_start3A_86, %dma_start3A_87] : memref<100x128xf32, #tpu.memory_space<vmem>> -> memref<80x128xf32, #tpu.memory_space<vmem>>
      %dma_start3A_89 = arith.constant 0 : i32
      %dma_start3A_90 = tpu.memref_slice %arg5[%add3A_56, %dma_start3A_89] : memref<10240x128xf32, #tpu.memory_space<vmem_shared>> -> memref<80x128xf32, #tpu.memory_space<vmem_shared>>
      %dma_start3A_91 = arith.constant 0 : i32
      %dma_start3A_92 = arith.constant 0 : i32
      %dma_start3A_93 = tpu.memref_slice %arg8[%dma_start3A_91, %dma_start3A_92] : memref<100x128xf32, #tpu.memory_space<vmem>> -> memref<80x128xf32, #tpu.memory_space<vmem>>
      %dma_start3A_94 = arith.constant 0 : i32
      %dma_start3A_95 = tpu.memref_slice %arg5[%add3A_56, %dma_start3A_94] : memref<10240x128xf32, #tpu.memory_space<vmem_shared>> -> memref<80x128xf32, #tpu.memory_space<vmem_shared>>
      tpu.enqueue_dma source(%dma_start3A_95 : memref<80x128xf32, #tpu.memory_space<vmem_shared>>) target(%dma_start3A_93 : memref<80x128xf32, #tpu.memory_space<vmem>>) target_semaphore(%run_scoped3A_85 : memref<!tpu.dma_semaphore, #tpu.memory_space<semaphore_mem>>)
      %dma_wait3A = arith.constant 0 : i32
      %dma_wait3A_96 = arith.constant 0 : i32
      %dma_wait3A_97 = tpu.memref_slice %arg8[%dma_wait3A, %dma_wait3A_96] : memref<100x128xf32, #tpu.memory_space<vmem>> -> memref<80x128xf32, #tpu.memory_space<vmem>>
      %dma_wait3A_98 = arith.constant 0 : i32
      %dma_wait3A_99 = tpu.memref_slice %arg5[%add3A_56, %dma_wait3A_98] : memref<10240x128xf32, #tpu.memory_space<vmem_shared>> -> memref<80x128xf32, #tpu.memory_space<vmem_shared>>
      %dma_wait3A_100 = arith.constant 0 : i32
      %dma_wait3A_101 = arith.constant 0 : i32
      %dma_wait3A_102 = tpu.memref_slice %arg8[%dma_wait3A_100, %dma_wait3A_101] : memref<100x128xf32, #tpu.memory_space<vmem>> -> memref<80x128xf32, #tpu.memory_space<vmem>>
      %dma_wait3A_103 = arith.constant 0 : i32
      %dma_wait3A_104 = tpu.memref_slice %arg5[%add3A_56, %dma_wait3A_103] : memref<10240x128xf32, #tpu.memory_space<vmem_shared>> -> memref<80x128xf32, #tpu.memory_space<vmem_shared>>
      tpu.wait_dma2 semaphore(%run_scoped3A_85 : memref<!tpu.dma_semaphore, #tpu.memory_space<semaphore_mem>>) src(%dma_wait3A_104 : memref<80x128xf32, #tpu.memory_space<vmem_shared>>) dst(%dma_wait3A_102 : memref<80x128xf32, #tpu.memory_space<vmem>>)
      tpu.yield
    }) : () -> ()
    "tpu.region"() ({
      %run_scoped3A_85 = tpu.sem_alloc : memref<!tpu.dma_semaphore, #tpu.memory_space<semaphore_mem>>
      %dma_start3A_86 = arith.constant 0 : i32
      %dma_start3A_87 = arith.constant 0 : i32
      %dma_start3A_88 = tpu.memref_slice %arg8[%dma_start3A_86, %dma_start3A_87] : memref<100x128xf32, #tpu.memory_space<vmem>> -> memref<80x128xf32, #tpu.memory_space<vmem>>
      %dma_start3A_89 = arith.constant 0 : i32
      %dma_start3A_90 = tpu.memref_slice %arg4[%arg0, %add3A_56, %dma_start3A_89] : memref<2x10240x128xf32, #tpu.memory_space<hbm>> -> memref<1x80x128xf32, #tpu.memory_space<hbm>>
      %dma_start3A_91 = tpu.memref_squeeze %dma_start3A_90 : memref<1x80x128xf32, #tpu.memory_space<hbm>> -> memref<80x128xf32, #tpu.memory_space<hbm>>
      %dma_start3A_92 = arith.constant 0 : i32
      %dma_start3A_93 = tpu.memref_slice %arg4[%arg0, %add3A_56, %dma_start3A_92] : memref<2x10240x128xf32, #tpu.memory_space<hbm>> -> memref<1x80x128xf32, #tpu.memory_space<hbm>>
      %dma_start3A_94 = tpu.memref_squeeze %dma_start3A_93 : memref<1x80x128xf32, #tpu.memory_space<hbm>> -> memref<80x128xf32, #tpu.memory_space<hbm>>
      %dma_start3A_95 = arith.constant 0 : i32
      %dma_start3A_96 = arith.constant 0 : i32
      %dma_start3A_97 = tpu.memref_slice %arg8[%dma_start3A_95, %dma_start3A_96] : memref<100x128xf32, #tpu.memory_space<vmem>> -> memref<80x128xf32, #tpu.memory_space<vmem>>
      tpu.enqueue_dma source(%dma_start3A_97 : memref<80x128xf32, #tpu.memory_space<vmem>>) target(%dma_start3A_94 : memref<80x128xf32, #tpu.memory_space<hbm>>) target_semaphore(%run_scoped3A_85 : memref<!tpu.dma_semaphore, #tpu.memory_space<semaphore_mem>>)
      %dma_wait3A = arith.constant 0 : i32
      %dma_wait3A_98 = arith.constant 0 : i32
      %dma_wait3A_99 = tpu.memref_slice %arg8[%dma_wait3A, %dma_wait3A_98] : memref<100x128xf32, #tpu.memory_space<vmem>> -> memref<80x128xf32, #tpu.memory_space<vmem>>
      %dma_wait3A_100 = arith.constant 0 : i32
      %dma_wait3A_101 = tpu.memref_slice %arg4[%arg0, %add3A_56, %dma_wait3A_100] : memref<2x10240x128xf32, #tpu.memory_space<hbm>> -> memref<1x80x128xf32, #tpu.memory_space<hbm>>
      %dma_wait3A_102 = tpu.memref_squeeze %dma_wait3A_101 : memref<1x80x128xf32, #tpu.memory_space<hbm>> -> memref<80x128xf32, #tpu.memory_space<hbm>>
      %dma_wait3A_103 = arith.constant 0 : i32
      %dma_wait3A_104 = tpu.memref_slice %arg4[%arg0, %add3A_56, %dma_wait3A_103] : memref<2x10240x128xf32, #tpu.memory_space<hbm>> -> memref<1x80x128xf32, #tpu.memory_space<hbm>>
      %dma_wait3A_105 = tpu.memref_squeeze %dma_wait3A_104 : memref<1x80x128xf32, #tpu.memory_space<hbm>> -> memref<80x128xf32, #tpu.memory_space<hbm>>
      %dma_wait3A_106 = arith.constant 0 : i32
      %dma_wait3A_107 = arith.constant 0 : i32
      %dma_wait3A_108 = tpu.memref_slice %arg8[%dma_wait3A_106, %dma_wait3A_107] : memref<100x128xf32, #tpu.memory_space<vmem>> -> memref<80x128xf32, #tpu.memory_space<vmem>>
      tpu.wait_dma2 semaphore(%run_scoped3A_85 : memref<!tpu.dma_semaphore, #tpu.memory_space<semaphore_mem>>) src(%dma_wait3A_108 : memref<80x128xf32, #tpu.memory_space<vmem>>) dst(%dma_wait3A_105 : memref<80x128xf32, #tpu.memory_space<hbm>>)
      tpu.yield
    }) : () -> ()
    %mul3A_57 = arith.constant 640 : i32
    %mul3A_58 = arith.muli %arg1, %mul3A_57 : i32
    %add3A_59 = arith.constant 80 : i32
    %add3A_60 = arith.addi %mul3A_58, %add3A_59 : i32
    "tpu.region"() ({
      %run_scoped3A_85 = tpu.sem_alloc : memref<!tpu.dma_semaphore, #tpu.memory_space<semaphore_mem>>
      %dma_start3A_86 = arith.constant 0 : i32
      %dma_start3A_87 = arith.constant 0 : i32
      %dma_start3A_88 = tpu.memref_slice %arg8[%dma_start3A_86, %dma_start3A_87] : memref<100x128xf32, #tpu.memory_space<vmem>> -> memref<80x128xf32, #tpu.memory_space<vmem>>
      %dma_start3A_89 = arith.constant 0 : i32
      %dma_start3A_90 = tpu.memref_slice %arg5[%add3A_60, %dma_start3A_89] : memref<10240x128xf32, #tpu.memory_space<vmem_shared>> -> memref<80x128xf32, #tpu.memory_space<vmem_shared>>
      %dma_start3A_91 = arith.constant 0 : i32
      %dma_start3A_92 = arith.constant 0 : i32
      %dma_start3A_93 = tpu.memref_slice %arg8[%dma_start3A_91, %dma_start3A_92] : memref<100x128xf32, #tpu.memory_space<vmem>> -> memref<80x128xf32, #tpu.memory_space<vmem>>
      %dma_start3A_94 = arith.constant 0 : i32
      %dma_start3A_95 = tpu.memref_slice %arg5[%add3A_60, %dma_start3A_94] : memref<10240x128xf32, #tpu.memory_space<vmem_shared>> -> memref<80x128xf32, #tpu.memory_space<vmem_shared>>
      tpu.enqueue_dma source(%dma_start3A_95 : memref<80x128xf32, #tpu.memory_space<vmem_shared>>) target(%dma_start3A_93 : memref<80x128xf32, #tpu.memory_space<vmem>>) target_semaphore(%run_scoped3A_85 : memref<!tpu.dma_semaphore, #tpu.memory_space<semaphore_mem>>)
      %dma_wait3A = arith.constant 0 : i32
      %dma_wait3A_96 = arith.constant 0 : i32
      %dma_wait3A_97 = tpu.memref_slice %arg8[%dma_wait3A, %dma_wait3A_96] : memref<100x128xf32, #tpu.memory_space<vmem>> -> memref<80x128xf32, #tpu.memory_space<vmem>>
      %dma_wait3A_98 = arith.constant 0 : i32
      %dma_wait3A_99 = tpu.memref_slice %arg5[%add3A_60, %dma_wait3A_98] : memref<10240x128xf32, #tpu.memory_space<vmem_shared>> -> memref<80x128xf32, #tpu.memory_space<vmem_shared>>
      %dma_wait3A_100 = arith.constant 0 : i32
      %dma_wait3A_101 = arith.constant 0 : i32
      %dma_wait3A_102 = tpu.memref_slice %arg8[%dma_wait3A_100, %dma_wait3A_101] : memref<100x128xf32, #tpu.memory_space<vmem>> -> memref<80x128xf32, #tpu.memory_space<vmem>>
      %dma_wait3A_103 = arith.constant 0 : i32
      %dma_wait3A_104 = tpu.memref_slice %arg5[%add3A_60, %dma_wait3A_103] : memref<10240x128xf32, #tpu.memory_space<vmem_shared>> -> memref<80x128xf32, #tpu.memory_space<vmem_shared>>
      tpu.wait_dma2 semaphore(%run_scoped3A_85 : memref<!tpu.dma_semaphore, #tpu.memory_space<semaphore_mem>>) src(%dma_wait3A_104 : memref<80x128xf32, #tpu.memory_space<vmem_shared>>) dst(%dma_wait3A_102 : memref<80x128xf32, #tpu.memory_space<vmem>>)
      tpu.yield
    }) : () -> ()
    "tpu.region"() ({
      %run_scoped3A_85 = tpu.sem_alloc : memref<!tpu.dma_semaphore, #tpu.memory_space<semaphore_mem>>
      %dma_start3A_86 = arith.constant 0 : i32
      %dma_start3A_87 = arith.constant 0 : i32
      %dma_start3A_88 = tpu.memref_slice %arg8[%dma_start3A_86, %dma_start3A_87] : memref<100x128xf32, #tpu.memory_space<vmem>> -> memref<80x128xf32, #tpu.memory_space<vmem>>
      %dma_start3A_89 = arith.constant 0 : i32
      %dma_start3A_90 = tpu.memref_slice %arg4[%arg0, %add3A_60, %dma_start3A_89] : memref<2x10240x128xf32, #tpu.memory_space<hbm>> -> memref<1x80x128xf32, #tpu.memory_space<hbm>>
      %dma_start3A_91 = tpu.memref_squeeze %dma_start3A_90 : memref<1x80x128xf32, #tpu.memory_space<hbm>> -> memref<80x128xf32, #tpu.memory_space<hbm>>
      %dma_start3A_92 = arith.constant 0 : i32
      %dma_start3A_93 = tpu.memref_slice %arg4[%arg0, %add3A_60, %dma_start3A_92] : memref<2x10240x128xf32, #tpu.memory_space<hbm>> -> memref<1x80x128xf32, #tpu.memory_space<hbm>>
      %dma_start3A_94 = tpu.memref_squeeze %dma_start3A_93 : memref<1x80x128xf32, #tpu.memory_space<hbm>> -> memref<80x128xf32, #tpu.memory_space<hbm>>
      %dma_start3A_95 = arith.constant 0 : i32
      %dma_start3A_96 = arith.constant 0 : i32
      %dma_start3A_97 = tpu.memref_slice %arg8[%dma_start3A_95, %dma_start3A_96] : memref<100x128xf32, #tpu.memory_space<vmem>> -> memref<80x128xf32, #tpu.memory_space<vmem>>
      tpu.enqueue_dma source(%dma_start3A_97 : memref<80x128xf32, #tpu.memory_space<vmem>>) target(%dma_start3A_94 : memref<80x128xf32, #tpu.memory_space<hbm>>) target_semaphore(%run_scoped3A_85 : memref<!tpu.dma_semaphore, #tpu.memory_space<semaphore_mem>>)
      %dma_wait3A = arith.constant 0 : i32
      %dma_wait3A_98 = arith.constant 0 : i32
      %dma_wait3A_99 = tpu.memref_slice %arg8[%dma_wait3A, %dma_wait3A_98] : memref<100x128xf32, #tpu.memory_space<vmem>> -> memref<80x128xf32, #tpu.memory_space<vmem>>
      %dma_wait3A_100 = arith.constant 0 : i32
      %dma_wait3A_101 = tpu.memref_slice %arg4[%arg0, %add3A_60, %dma_wait3A_100] : memref<2x10240x128xf32, #tpu.memory_space<hbm>> -> memref<1x80x128xf32, #tpu.memory_space<hbm>>
      %dma_wait3A_102 = tpu.memref_squeeze %dma_wait3A_101 : memref<1x80x128xf32, #tpu.memory_space<hbm>> -> memref<80x128xf32, #tpu.memory_space<hbm>>
      %dma_wait3A_103 = arith.constant 0 : i32
      %dma_wait3A_104 = tpu.memref_slice %arg4[%arg0, %add3A_60, %dma_wait3A_103] : memref<2x10240x128xf32, #tpu.memory_space<hbm>> -> memref<1x80x128xf32, #tpu.memory_space<hbm>>
      %dma_wait3A_105 = tpu.memref_squeeze %dma_wait3A_104 : memref<1x80x128xf32, #tpu.memory_space<hbm>> -> memref<80x128xf32, #tpu.memory_space<hbm>>
      %dma_wait3A_106 = arith.constant 0 : i32
      %dma_wait3A_107 = arith.constant 0 : i32
      %dma_wait3A_108 = tpu.memref_slice %arg8[%dma_wait3A_106, %dma_wait3A_107] : memref<100x128xf32, #tpu.memory_space<vmem>> -> memref<80x128xf32, #tpu.memory_space<vmem>>
      tpu.wait_dma2 semaphore(%run_scoped3A_85 : memref<!tpu.dma_semaphore, #tpu.memory_space<semaphore_mem>>) src(%dma_wait3A_108 : memref<80x128xf32, #tpu.memory_space<vmem>>) dst(%dma_wait3A_105 : memref<80x128xf32, #tpu.memory_space<hbm>>)
      tpu.yield
    }) : () -> ()
    %mul3A_61 = arith.constant 640 : i32
    %mul3A_62 = arith.muli %arg1, %mul3A_61 : i32
    %add3A_63 = arith.constant 160 : i32
    %add3A_64 = arith.addi %mul3A_62, %add3A_63 : i32
    "tpu.region"() ({
      %run_scoped3A_85 = tpu.sem_alloc : memref<!tpu.dma_semaphore, #tpu.memory_space<semaphore_mem>>
      %dma_start3A_86 = arith.constant 0 : i32
      %dma_start3A_87 = arith.constant 0 : i32
      %dma_start3A_88 = tpu.memref_slice %arg8[%dma_start3A_86, %dma_start3A_87] : memref<100x128xf32, #tpu.memory_space<vmem>> -> memref<80x128xf32, #tpu.memory_space<vmem>>
      %dma_start3A_89 = arith.constant 0 : i32
      %dma_start3A_90 = tpu.memref_slice %arg5[%add3A_64, %dma_start3A_89] : memref<10240x128xf32, #tpu.memory_space<vmem_shared>> -> memref<80x128xf32, #tpu.memory_space<vmem_shared>>
      %dma_start3A_91 = arith.constant 0 : i32
      %dma_start3A_92 = arith.constant 0 : i32
      %dma_start3A_93 = tpu.memref_slice %arg8[%dma_start3A_91, %dma_start3A_92] : memref<100x128xf32, #tpu.memory_space<vmem>> -> memref<80x128xf32, #tpu.memory_space<vmem>>
      %dma_start3A_94 = arith.constant 0 : i32
      %dma_start3A_95 = tpu.memref_slice %arg5[%add3A_64, %dma_start3A_94] : memref<10240x128xf32, #tpu.memory_space<vmem_shared>> -> memref<80x128xf32, #tpu.memory_space<vmem_shared>>
      tpu.enqueue_dma source(%dma_start3A_95 : memref<80x128xf32, #tpu.memory_space<vmem_shared>>) target(%dma_start3A_93 : memref<80x128xf32, #tpu.memory_space<vmem>>) target_semaphore(%run_scoped3A_85 : memref<!tpu.dma_semaphore, #tpu.memory_space<semaphore_mem>>)
      %dma_wait3A = arith.constant 0 : i32
      %dma_wait3A_96 = arith.constant 0 : i32
      %dma_wait3A_97 = tpu.memref_slice %arg8[%dma_wait3A, %dma_wait3A_96] : memref<100x128xf32, #tpu.memory_space<vmem>> -> memref<80x128xf32, #tpu.memory_space<vmem>>
      %dma_wait3A_98 = arith.constant 0 : i32
      %dma_wait3A_99 = tpu.memref_slice %arg5[%add3A_64, %dma_wait3A_98] : memref<10240x128xf32, #tpu.memory_space<vmem_shared>> -> memref<80x128xf32, #tpu.memory_space<vmem_shared>>
      %dma_wait3A_100 = arith.constant 0 : i32
      %dma_wait3A_101 = arith.constant 0 : i32
      %dma_wait3A_102 = tpu.memref_slice %arg8[%dma_wait3A_100, %dma_wait3A_101] : memref<100x128xf32, #tpu.memory_space<vmem>> -> memref<80x128xf32, #tpu.memory_space<vmem>>
      %dma_wait3A_103 = arith.constant 0 : i32
      %dma_wait3A_104 = tpu.memref_slice %arg5[%add3A_64, %dma_wait3A_103] : memref<10240x128xf32, #tpu.memory_space<vmem_shared>> -> memref<80x128xf32, #tpu.memory_space<vmem_shared>>
      tpu.wait_dma2 semaphore(%run_scoped3A_85 : memref<!tpu.dma_semaphore, #tpu.memory_space<semaphore_mem>>) src(%dma_wait3A_104 : memref<80x128xf32, #tpu.memory_space<vmem_shared>>) dst(%dma_wait3A_102 : memref<80x128xf32, #tpu.memory_space<vmem>>)
      tpu.yield
    }) : () -> ()
    "tpu.region"() ({
      %run_scoped3A_85 = tpu.sem_alloc : memref<!tpu.dma_semaphore, #tpu.memory_space<semaphore_mem>>
      %dma_start3A_86 = arith.constant 0 : i32
      %dma_start3A_87 = arith.constant 0 : i32
      %dma_start3A_88 = tpu.memref_slice %arg8[%dma_start3A_86, %dma_start3A_87] : memref<100x128xf32, #tpu.memory_space<vmem>> -> memref<80x128xf32, #tpu.memory_space<vmem>>
      %dma_start3A_89 = arith.constant 0 : i32
      %dma_start3A_90 = tpu.memref_slice %arg4[%arg0, %add3A_64, %dma_start3A_89] : memref<2x10240x128xf32, #tpu.memory_space<hbm>> -> memref<1x80x128xf32, #tpu.memory_space<hbm>>
      %dma_start3A_91 = tpu.memref_squeeze %dma_start3A_90 : memref<1x80x128xf32, #tpu.memory_space<hbm>> -> memref<80x128xf32, #tpu.memory_space<hbm>>
      %dma_start3A_92 = arith.constant 0 : i32
      %dma_start3A_93 = tpu.memref_slice %arg4[%arg0, %add3A_64, %dma_start3A_92] : memref<2x10240x128xf32, #tpu.memory_space<hbm>> -> memref<1x80x128xf32, #tpu.memory_space<hbm>>
      %dma_start3A_94 = tpu.memref_squeeze %dma_start3A_93 : memref<1x80x128xf32, #tpu.memory_space<hbm>> -> memref<80x128xf32, #tpu.memory_space<hbm>>
      %dma_start3A_95 = arith.constant 0 : i32
      %dma_start3A_96 = arith.constant 0 : i32
      %dma_start3A_97 = tpu.memref_slice %arg8[%dma_start3A_95, %dma_start3A_96] : memref<100x128xf32, #tpu.memory_space<vmem>> -> memref<80x128xf32, #tpu.memory_space<vmem>>
      tpu.enqueue_dma source(%dma_start3A_97 : memref<80x128xf32, #tpu.memory_space<vmem>>) target(%dma_start3A_94 : memref<80x128xf32, #tpu.memory_space<hbm>>) target_semaphore(%run_scoped3A_85 : memref<!tpu.dma_semaphore, #tpu.memory_space<semaphore_mem>>)
      %dma_wait3A = arith.constant 0 : i32
      %dma_wait3A_98 = arith.constant 0 : i32
      %dma_wait3A_99 = tpu.memref_slice %arg8[%dma_wait3A, %dma_wait3A_98] : memref<100x128xf32, #tpu.memory_space<vmem>> -> memref<80x128xf32, #tpu.memory_space<vmem>>
      %dma_wait3A_100 = arith.constant 0 : i32
      %dma_wait3A_101 = tpu.memref_slice %arg4[%arg0, %add3A_64, %dma_wait3A_100] : memref<2x10240x128xf32, #tpu.memory_space<hbm>> -> memref<1x80x128xf32, #tpu.memory_space<hbm>>
      %dma_wait3A_102 = tpu.memref_squeeze %dma_wait3A_101 : memref<1x80x128xf32, #tpu.memory_space<hbm>> -> memref<80x128xf32, #tpu.memory_space<hbm>>
      %dma_wait3A_103 = arith.constant 0 : i32
      %dma_wait3A_104 = tpu.memref_slice %arg4[%arg0, %add3A_64, %dma_wait3A_103] : memref<2x10240x128xf32, #tpu.memory_space<hbm>> -> memref<1x80x128xf32, #tpu.memory_space<hbm>>
      %dma_wait3A_105 = tpu.memref_squeeze %dma_wait3A_104 : memref<1x80x128xf32, #tpu.memory_space<hbm>> -> memref<80x128xf32, #tpu.memory_space<hbm>>
      %dma_wait3A_106 = arith.constant 0 : i32
      %dma_wait3A_107 = arith.constant 0 : i32
      %dma_wait3A_108 = tpu.memref_slice %arg8[%dma_wait3A_106, %dma_wait3A_107] : memref<100x128xf32, #tpu.memory_space<vmem>> -> memref<80x128xf32, #tpu.memory_space<vmem>>
      tpu.wait_dma2 semaphore(%run_scoped3A_85 : memref<!tpu.dma_semaphore, #tpu.memory_space<semaphore_mem>>) src(%dma_wait3A_108 : memref<80x128xf32, #tpu.memory_space<vmem>>) dst(%dma_wait3A_105 : memref<80x128xf32, #tpu.memory_space<hbm>>)
      tpu.yield
    }) : () -> ()
    %mul3A_65 = arith.constant 640 : i32
    %mul3A_66 = arith.muli %arg1, %mul3A_65 : i32
    %add3A_67 = arith.constant 240 : i32
    %add3A_68 = arith.addi %mul3A_66, %add3A_67 : i32
    "tpu.region"() ({
      %run_scoped3A_85 = tpu.sem_alloc : memref<!tpu.dma_semaphore, #tpu.memory_space<semaphore_mem>>
      %dma_start3A_86 = arith.constant 0 : i32
      %dma_start3A_87 = arith.constant 0 : i32
      %dma_start3A_88 = tpu.memref_slice %arg8[%dma_start3A_86, %dma_start3A_87] : memref<100x128xf32, #tpu.memory_space<vmem>> -> memref<80x128xf32, #tpu.memory_space<vmem>>
      %dma_start3A_89 = arith.constant 0 : i32
      %dma_start3A_90 = tpu.memref_slice %arg5[%add3A_68, %dma_start3A_89] : memref<10240x128xf32, #tpu.memory_space<vmem_shared>> -> memref<80x128xf32, #tpu.memory_space<vmem_shared>>
      %dma_start3A_91 = arith.constant 0 : i32
      %dma_start3A_92 = arith.constant 0 : i32
      %dma_start3A_93 = tpu.memref_slice %arg8[%dma_start3A_91, %dma_start3A_92] : memref<100x128xf32, #tpu.memory_space<vmem>> -> memref<80x128xf32, #tpu.memory_space<vmem>>
      %dma_start3A_94 = arith.constant 0 : i32
      %dma_start3A_95 = tpu.memref_slice %arg5[%add3A_68, %dma_start3A_94] : memref<10240x128xf32, #tpu.memory_space<vmem_shared>> -> memref<80x128xf32, #tpu.memory_space<vmem_shared>>
      tpu.enqueue_dma source(%dma_start3A_95 : memref<80x128xf32, #tpu.memory_space<vmem_shared>>) target(%dma_start3A_93 : memref<80x128xf32, #tpu.memory_space<vmem>>) target_semaphore(%run_scoped3A_85 : memref<!tpu.dma_semaphore, #tpu.memory_space<semaphore_mem>>)
      %dma_wait3A = arith.constant 0 : i32
      %dma_wait3A_96 = arith.constant 0 : i32
      %dma_wait3A_97 = tpu.memref_slice %arg8[%dma_wait3A, %dma_wait3A_96] : memref<100x128xf32, #tpu.memory_space<vmem>> -> memref<80x128xf32, #tpu.memory_space<vmem>>
      %dma_wait3A_98 = arith.constant 0 : i32
      %dma_wait3A_99 = tpu.memref_slice %arg5[%add3A_68, %dma_wait3A_98] : memref<10240x128xf32, #tpu.memory_space<vmem_shared>> -> memref<80x128xf32, #tpu.memory_space<vmem_shared>>
      %dma_wait3A_100 = arith.constant 0 : i32
      %dma_wait3A_101 = arith.constant 0 : i32
      %dma_wait3A_102 = tpu.memref_slice %arg8[%dma_wait3A_100, %dma_wait3A_101] : memref<100x128xf32, #tpu.memory_space<vmem>> -> memref<80x128xf32, #tpu.memory_space<vmem>>
      %dma_wait3A_103 = arith.constant 0 : i32
      %dma_wait3A_104 = tpu.memref_slice %arg5[%add3A_68, %dma_wait3A_103] : memref<10240x128xf32, #tpu.memory_space<vmem_shared>> -> memref<80x128xf32, #tpu.memory_space<vmem_shared>>
      tpu.wait_dma2 semaphore(%run_scoped3A_85 : memref<!tpu.dma_semaphore, #tpu.memory_space<semaphore_mem>>) src(%dma_wait3A_104 : memref<80x128xf32, #tpu.memory_space<vmem_shared>>) dst(%dma_wait3A_102 : memref<80x128xf32, #tpu.memory_space<vmem>>)
      tpu.yield
    }) : () -> ()
    "tpu.region"() ({
      %run_scoped3A_85 = tpu.sem_alloc : memref<!tpu.dma_semaphore, #tpu.memory_space<semaphore_mem>>
      %dma_start3A_86 = arith.constant 0 : i32
      %dma_start3A_87 = arith.constant 0 : i32
      %dma_start3A_88 = tpu.memref_slice %arg8[%dma_start3A_86, %dma_start3A_87] : memref<100x128xf32, #tpu.memory_space<vmem>> -> memref<80x128xf32, #tpu.memory_space<vmem>>
      %dma_start3A_89 = arith.constant 0 : i32
      %dma_start3A_90 = tpu.memref_slice %arg4[%arg0, %add3A_68, %dma_start3A_89] : memref<2x10240x128xf32, #tpu.memory_space<hbm>> -> memref<1x80x128xf32, #tpu.memory_space<hbm>>
      %dma_start3A_91 = tpu.memref_squeeze %dma_start3A_90 : memref<1x80x128xf32, #tpu.memory_space<hbm>> -> memref<80x128xf32, #tpu.memory_space<hbm>>
      %dma_start3A_92 = arith.constant 0 : i32
      %dma_start3A_93 = tpu.memref_slice %arg4[%arg0, %add3A_68, %dma_start3A_92] : memref<2x10240x128xf32, #tpu.memory_space<hbm>> -> memref<1x80x128xf32, #tpu.memory_space<hbm>>
      %dma_start3A_94 = tpu.memref_squeeze %dma_start3A_93 : memref<1x80x128xf32, #tpu.memory_space<hbm>> -> memref<80x128xf32, #tpu.memory_space<hbm>>
      %dma_start3A_95 = arith.constant 0 : i32
      %dma_start3A_96 = arith.constant 0 : i32
      %dma_start3A_97 = tpu.memref_slice %arg8[%dma_start3A_95, %dma_start3A_96] : memref<100x128xf32, #tpu.memory_space<vmem>> -> memref<80x128xf32, #tpu.memory_space<vmem>>
      tpu.enqueue_dma source(%dma_start3A_97 : memref<80x128xf32, #tpu.memory_space<vmem>>) target(%dma_start3A_94 : memref<80x128xf32, #tpu.memory_space<hbm>>) target_semaphore(%run_scoped3A_85 : memref<!tpu.dma_semaphore, #tpu.memory_space<semaphore_mem>>)
      %dma_wait3A = arith.constant 0 : i32
      %dma_wait3A_98 = arith.constant 0 : i32
      %dma_wait3A_99 = tpu.memref_slice %arg8[%dma_wait3A, %dma_wait3A_98] : memref<100x128xf32, #tpu.memory_space<vmem>> -> memref<80x128xf32, #tpu.memory_space<vmem>>
      %dma_wait3A_100 = arith.constant 0 : i32
      %dma_wait3A_101 = tpu.memref_slice %arg4[%arg0, %add3A_68, %dma_wait3A_100] : memref<2x10240x128xf32, #tpu.memory_space<hbm>> -> memref<1x80x128xf32, #tpu.memory_space<hbm>>
      %dma_wait3A_102 = tpu.memref_squeeze %dma_wait3A_101 : memref<1x80x128xf32, #tpu.memory_space<hbm>> -> memref<80x128xf32, #tpu.memory_space<hbm>>
      %dma_wait3A_103 = arith.constant 0 : i32
      %dma_wait3A_104 = tpu.memref_slice %arg4[%arg0, %add3A_68, %dma_wait3A_103] : memref<2x10240x128xf32, #tpu.memory_space<hbm>> -> memref<1x80x128xf32, #tpu.memory_space<hbm>>
      %dma_wait3A_105 = tpu.memref_squeeze %dma_wait3A_104 : memref<1x80x128xf32, #tpu.memory_space<hbm>> -> memref<80x128xf32, #tpu.memory_space<hbm>>
      %dma_wait3A_106 = arith.constant 0 : i32
      %dma_wait3A_107 = arith.constant 0 : i32
      %dma_wait3A_108 = tpu.memref_slice %arg8[%dma_wait3A_106, %dma_wait3A_107] : memref<100x128xf32, #tpu.memory_space<vmem>> -> memref<80x128xf32, #tpu.memory_space<vmem>>
      tpu.wait_dma2 semaphore(%run_scoped3A_85 : memref<!tpu.dma_semaphore, #tpu.memory_space<semaphore_mem>>) src(%dma_wait3A_108 : memref<80x128xf32, #tpu.memory_space<vmem>>) dst(%dma_wait3A_105 : memref<80x128xf32, #tpu.memory_space<hbm>>)
      tpu.yield
    }) : () -> ()
    %mul3A_69 = arith.constant 640 : i32
    %mul3A_70 = arith.muli %arg1, %mul3A_69 : i32
    %add3A_71 = arith.constant 320 : i32
    %add3A_72 = arith.addi %mul3A_70, %add3A_71 : i32
    "tpu.region"() ({
      %run_scoped3A_85 = tpu.sem_alloc : memref<!tpu.dma_semaphore, #tpu.memory_space<semaphore_mem>>
      %dma_start3A_86 = arith.constant 0 : i32
      %dma_start3A_87 = arith.constant 0 : i32
      %dma_start3A_88 = tpu.memref_slice %arg8[%dma_start3A_86, %dma_start3A_87] : memref<100x128xf32, #tpu.memory_space<vmem>> -> memref<80x128xf32, #tpu.memory_space<vmem>>
      %dma_start3A_89 = arith.constant 0 : i32
      %dma_start3A_90 = tpu.memref_slice %arg5[%add3A_72, %dma_start3A_89] : memref<10240x128xf32, #tpu.memory_space<vmem_shared>> -> memref<80x128xf32, #tpu.memory_space<vmem_shared>>
      %dma_start3A_91 = arith.constant 0 : i32
      %dma_start3A_92 = arith.constant 0 : i32
      %dma_start3A_93 = tpu.memref_slice %arg8[%dma_start3A_91, %dma_start3A_92] : memref<100x128xf32, #tpu.memory_space<vmem>> -> memref<80x128xf32, #tpu.memory_space<vmem>>
      %dma_start3A_94 = arith.constant 0 : i32
      %dma_start3A_95 = tpu.memref_slice %arg5[%add3A_72, %dma_start3A_94] : memref<10240x128xf32, #tpu.memory_space<vmem_shared>> -> memref<80x128xf32, #tpu.memory_space<vmem_shared>>
      tpu.enqueue_dma source(%dma_start3A_95 : memref<80x128xf32, #tpu.memory_space<vmem_shared>>) target(%dma_start3A_93 : memref<80x128xf32, #tpu.memory_space<vmem>>) target_semaphore(%run_scoped3A_85 : memref<!tpu.dma_semaphore, #tpu.memory_space<semaphore_mem>>)
      %dma_wait3A = arith.constant 0 : i32
      %dma_wait3A_96 = arith.constant 0 : i32
      %dma_wait3A_97 = tpu.memref_slice %arg8[%dma_wait3A, %dma_wait3A_96] : memref<100x128xf32, #tpu.memory_space<vmem>> -> memref<80x128xf32, #tpu.memory_space<vmem>>
      %dma_wait3A_98 = arith.constant 0 : i32
      %dma_wait3A_99 = tpu.memref_slice %arg5[%add3A_72, %dma_wait3A_98] : memref<10240x128xf32, #tpu.memory_space<vmem_shared>> -> memref<80x128xf32, #tpu.memory_space<vmem_shared>>
      %dma_wait3A_100 = arith.constant 0 : i32
      %dma_wait3A_101 = arith.constant 0 : i32
      %dma_wait3A_102 = tpu.memref_slice %arg8[%dma_wait3A_100, %dma_wait3A_101] : memref<100x128xf32, #tpu.memory_space<vmem>> -> memref<80x128xf32, #tpu.memory_space<vmem>>
      %dma_wait3A_103 = arith.constant 0 : i32
      %dma_wait3A_104 = tpu.memref_slice %arg5[%add3A_72, %dma_wait3A_103] : memref<10240x128xf32, #tpu.memory_space<vmem_shared>> -> memref<80x128xf32, #tpu.memory_space<vmem_shared>>
      tpu.wait_dma2 semaphore(%run_scoped3A_85 : memref<!tpu.dma_semaphore, #tpu.memory_space<semaphore_mem>>) src(%dma_wait3A_104 : memref<80x128xf32, #tpu.memory_space<vmem_shared>>) dst(%dma_wait3A_102 : memref<80x128xf32, #tpu.memory_space<vmem>>)
      tpu.yield
    }) : () -> ()
    "tpu.region"() ({
      %run_scoped3A_85 = tpu.sem_alloc : memref<!tpu.dma_semaphore, #tpu.memory_space<semaphore_mem>>
      %dma_start3A_86 = arith.constant 0 : i32
      %dma_start3A_87 = arith.constant 0 : i32
      %dma_start3A_88 = tpu.memref_slice %arg8[%dma_start3A_86, %dma_start3A_87] : memref<100x128xf32, #tpu.memory_space<vmem>> -> memref<80x128xf32, #tpu.memory_space<vmem>>
      %dma_start3A_89 = arith.constant 0 : i32
      %dma_start3A_90 = tpu.memref_slice %arg4[%arg0, %add3A_72, %dma_start3A_89] : memref<2x10240x128xf32, #tpu.memory_space<hbm>> -> memref<1x80x128xf32, #tpu.memory_space<hbm>>
      %dma_start3A_91 = tpu.memref_squeeze %dma_start3A_90 : memref<1x80x128xf32, #tpu.memory_space<hbm>> -> memref<80x128xf32, #tpu.memory_space<hbm>>
      %dma_start3A_92 = arith.constant 0 : i32
      %dma_start3A_93 = tpu.memref_slice %arg4[%arg0, %add3A_72, %dma_start3A_92] : memref<2x10240x128xf32, #tpu.memory_space<hbm>> -> memref<1x80x128xf32, #tpu.memory_space<hbm>>
      %dma_start3A_94 = tpu.memref_squeeze %dma_start3A_93 : memref<1x80x128xf32, #tpu.memory_space<hbm>> -> memref<80x128xf32, #tpu.memory_space<hbm>>
      %dma_start3A_95 = arith.constant 0 : i32
      %dma_start3A_96 = arith.constant 0 : i32
      %dma_start3A_97 = tpu.memref_slice %arg8[%dma_start3A_95, %dma_start3A_96] : memref<100x128xf32, #tpu.memory_space<vmem>> -> memref<80x128xf32, #tpu.memory_space<vmem>>
      tpu.enqueue_dma source(%dma_start3A_97 : memref<80x128xf32, #tpu.memory_space<vmem>>) target(%dma_start3A_94 : memref<80x128xf32, #tpu.memory_space<hbm>>) target_semaphore(%run_scoped3A_85 : memref<!tpu.dma_semaphore, #tpu.memory_space<semaphore_mem>>)
      %dma_wait3A = arith.constant 0 : i32
      %dma_wait3A_98 = arith.constant 0 : i32
      %dma_wait3A_99 = tpu.memref_slice %arg8[%dma_wait3A, %dma_wait3A_98] : memref<100x128xf32, #tpu.memory_space<vmem>> -> memref<80x128xf32, #tpu.memory_space<vmem>>
      %dma_wait3A_100 = arith.constant 0 : i32
      %dma_wait3A_101 = tpu.memref_slice %arg4[%arg0, %add3A_72, %dma_wait3A_100] : memref<2x10240x128xf32, #tpu.memory_space<hbm>> -> memref<1x80x128xf32, #tpu.memory_space<hbm>>
      %dma_wait3A_102 = tpu.memref_squeeze %dma_wait3A_101 : memref<1x80x128xf32, #tpu.memory_space<hbm>> -> memref<80x128xf32, #tpu.memory_space<hbm>>
      %dma_wait3A_103 = arith.constant 0 : i32
      %dma_wait3A_104 = tpu.memref_slice %arg4[%arg0, %add3A_72, %dma_wait3A_103] : memref<2x10240x128xf32, #tpu.memory_space<hbm>> -> memref<1x80x128xf32, #tpu.memory_space<hbm>>
      %dma_wait3A_105 = tpu.memref_squeeze %dma_wait3A_104 : memref<1x80x128xf32, #tpu.memory_space<hbm>> -> memref<80x128xf32, #tpu.memory_space<hbm>>
      %dma_wait3A_106 = arith.constant 0 : i32
      %dma_wait3A_107 = arith.constant 0 : i32
      %dma_wait3A_108 = tpu.memref_slice %arg8[%dma_wait3A_106, %dma_wait3A_107] : memref<100x128xf32, #tpu.memory_space<vmem>> -> memref<80x128xf32, #tpu.memory_space<vmem>>
      tpu.wait_dma2 semaphore(%run_scoped3A_85 : memref<!tpu.dma_semaphore, #tpu.memory_space<semaphore_mem>>) src(%dma_wait3A_108 : memref<80x128xf32, #tpu.memory_space<vmem>>) dst(%dma_wait3A_105 : memref<80x128xf32, #tpu.memory_space<hbm>>)
      tpu.yield
    }) : () -> ()
    %mul3A_73 = arith.constant 640 : i32
    %mul3A_74 = arith.muli %arg1, %mul3A_73 : i32
    %add3A_75 = arith.constant 400 : i32
    %add3A_76 = arith.addi %mul3A_74, %add3A_75 : i32
    "tpu.region"() ({
      %run_scoped3A_85 = tpu.sem_alloc : memref<!tpu.dma_semaphore, #tpu.memory_space<semaphore_mem>>
      %dma_start3A_86 = arith.constant 0 : i32
      %dma_start3A_87 = arith.constant 0 : i32
      %dma_start3A_88 = tpu.memref_slice %arg8[%dma_start3A_86, %dma_start3A_87] : memref<100x128xf32, #tpu.memory_space<vmem>> -> memref<80x128xf32, #tpu.memory_space<vmem>>
      %dma_start3A_89 = arith.constant 0 : i32
      %dma_start3A_90 = tpu.memref_slice %arg5[%add3A_76, %dma_start3A_89] : memref<10240x128xf32, #tpu.memory_space<vmem_shared>> -> memref<80x128xf32, #tpu.memory_space<vmem_shared>>
      %dma_start3A_91 = arith.constant 0 : i32
      %dma_start3A_92 = arith.constant 0 : i32
      %dma_start3A_93 = tpu.memref_slice %arg8[%dma_start3A_91, %dma_start3A_92] : memref<100x128xf32, #tpu.memory_space<vmem>> -> memref<80x128xf32, #tpu.memory_space<vmem>>
      %dma_start3A_94 = arith.constant 0 : i32
      %dma_start3A_95 = tpu.memref_slice %arg5[%add3A_76, %dma_start3A_94] : memref<10240x128xf32, #tpu.memory_space<vmem_shared>> -> memref<80x128xf32, #tpu.memory_space<vmem_shared>>
      tpu.enqueue_dma source(%dma_start3A_95 : memref<80x128xf32, #tpu.memory_space<vmem_shared>>) target(%dma_start3A_93 : memref<80x128xf32, #tpu.memory_space<vmem>>) target_semaphore(%run_scoped3A_85 : memref<!tpu.dma_semaphore, #tpu.memory_space<semaphore_mem>>)
      %dma_wait3A = arith.constant 0 : i32
      %dma_wait3A_96 = arith.constant 0 : i32
      %dma_wait3A_97 = tpu.memref_slice %arg8[%dma_wait3A, %dma_wait3A_96] : memref<100x128xf32, #tpu.memory_space<vmem>> -> memref<80x128xf32, #tpu.memory_space<vmem>>
      %dma_wait3A_98 = arith.constant 0 : i32
      %dma_wait3A_99 = tpu.memref_slice %arg5[%add3A_76, %dma_wait3A_98] : memref<10240x128xf32, #tpu.memory_space<vmem_shared>> -> memref<80x128xf32, #tpu.memory_space<vmem_shared>>
      %dma_wait3A_100 = arith.constant 0 : i32
      %dma_wait3A_101 = arith.constant 0 : i32
      %dma_wait3A_102 = tpu.memref_slice %arg8[%dma_wait3A_100, %dma_wait3A_101] : memref<100x128xf32, #tpu.memory_space<vmem>> -> memref<80x128xf32, #tpu.memory_space<vmem>>
      %dma_wait3A_103 = arith.constant 0 : i32
      %dma_wait3A_104 = tpu.memref_slice %arg5[%add3A_76, %dma_wait3A_103] : memref<10240x128xf32, #tpu.memory_space<vmem_shared>> -> memref<80x128xf32, #tpu.memory_space<vmem_shared>>
      tpu.wait_dma2 semaphore(%run_scoped3A_85 : memref<!tpu.dma_semaphore, #tpu.memory_space<semaphore_mem>>) src(%dma_wait3A_104 : memref<80x128xf32, #tpu.memory_space<vmem_shared>>) dst(%dma_wait3A_102 : memref<80x128xf32, #tpu.memory_space<vmem>>)
      tpu.yield
    }) : () -> ()
    "tpu.region"() ({
      %run_scoped3A_85 = tpu.sem_alloc : memref<!tpu.dma_semaphore, #tpu.memory_space<semaphore_mem>>
      %dma_start3A_86 = arith.constant 0 : i32
      %dma_start3A_87 = arith.constant 0 : i32
      %dma_start3A_88 = tpu.memref_slice %arg8[%dma_start3A_86, %dma_start3A_87] : memref<100x128xf32, #tpu.memory_space<vmem>> -> memref<80x128xf32, #tpu.memory_space<vmem>>
      %dma_start3A_89 = arith.constant 0 : i32
      %dma_start3A_90 = tpu.memref_slice %arg4[%arg0, %add3A_76, %dma_start3A_89] : memref<2x10240x128xf32, #tpu.memory_space<hbm>> -> memref<1x80x128xf32, #tpu.memory_space<hbm>>
      %dma_start3A_91 = tpu.memref_squeeze %dma_start3A_90 : memref<1x80x128xf32, #tpu.memory_space<hbm>> -> memref<80x128xf32, #tpu.memory_space<hbm>>
      %dma_start3A_92 = arith.constant 0 : i32
      %dma_start3A_93 = tpu.memref_slice %arg4[%arg0, %add3A_76, %dma_start3A_92] : memref<2x10240x128xf32, #tpu.memory_space<hbm>> -> memref<1x80x128xf32, #tpu.memory_space<hbm>>
      %dma_start3A_94 = tpu.memref_squeeze %dma_start3A_93 : memref<1x80x128xf32, #tpu.memory_space<hbm>> -> memref<80x128xf32, #tpu.memory_space<hbm>>
      %dma_start3A_95 = arith.constant 0 : i32
      %dma_start3A_96 = arith.constant 0 : i32
      %dma_start3A_97 = tpu.memref_slice %arg8[%dma_start3A_95, %dma_start3A_96] : memref<100x128xf32, #tpu.memory_space<vmem>> -> memref<80x128xf32, #tpu.memory_space<vmem>>
      tpu.enqueue_dma source(%dma_start3A_97 : memref<80x128xf32, #tpu.memory_space<vmem>>) target(%dma_start3A_94 : memref<80x128xf32, #tpu.memory_space<hbm>>) target_semaphore(%run_scoped3A_85 : memref<!tpu.dma_semaphore, #tpu.memory_space<semaphore_mem>>)
      %dma_wait3A = arith.constant 0 : i32
      %dma_wait3A_98 = arith.constant 0 : i32
      %dma_wait3A_99 = tpu.memref_slice %arg8[%dma_wait3A, %dma_wait3A_98] : memref<100x128xf32, #tpu.memory_space<vmem>> -> memref<80x128xf32, #tpu.memory_space<vmem>>
      %dma_wait3A_100 = arith.constant 0 : i32
      %dma_wait3A_101 = tpu.memref_slice %arg4[%arg0, %add3A_76, %dma_wait3A_100] : memref<2x10240x128xf32, #tpu.memory_space<hbm>> -> memref<1x80x128xf32, #tpu.memory_space<hbm>>
      %dma_wait3A_102 = tpu.memref_squeeze %dma_wait3A_101 : memref<1x80x128xf32, #tpu.memory_space<hbm>> -> memref<80x128xf32, #tpu.memory_space<hbm>>
      %dma_wait3A_103 = arith.constant 0 : i32
      %dma_wait3A_104 = tpu.memref_slice %arg4[%arg0, %add3A_76, %dma_wait3A_103] : memref<2x10240x128xf32, #tpu.memory_space<hbm>> -> memref<1x80x128xf32, #tpu.memory_space<hbm>>
      %dma_wait3A_105 = tpu.memref_squeeze %dma_wait3A_104 : memref<1x80x128xf32, #tpu.memory_space<hbm>> -> memref<80x128xf32, #tpu.memory_space<hbm>>
      %dma_wait3A_106 = arith.constant 0 : i32
      %dma_wait3A_107 = arith.constant 0 : i32
      %dma_wait3A_108 = tpu.memref_slice %arg8[%dma_wait3A_106, %dma_wait3A_107] : memref<100x128xf32, #tpu.memory_space<vmem>> -> memref<80x128xf32, #tpu.memory_space<vmem>>
      tpu.wait_dma2 semaphore(%run_scoped3A_85 : memref<!tpu.dma_semaphore, #tpu.memory_space<semaphore_mem>>) src(%dma_wait3A_108 : memref<80x128xf32, #tpu.memory_space<vmem>>) dst(%dma_wait3A_105 : memref<80x128xf32, #tpu.memory_space<hbm>>)
      tpu.yield
    }) : () -> ()
    %mul3A_77 = arith.constant 640 : i32
    %mul3A_78 = arith.muli %arg1, %mul3A_77 : i32
    %add3A_79 = arith.constant 480 : i32
    %add3A_80 = arith.addi %mul3A_78, %add3A_79 : i32
    "tpu.region"() ({
      %run_scoped3A_85 = tpu.sem_alloc : memref<!tpu.dma_semaphore, #tpu.memory_space<semaphore_mem>>
      %dma_start3A_86 = arith.constant 0 : i32
      %dma_start3A_87 = arith.constant 0 : i32
      %dma_start3A_88 = tpu.memref_slice %arg8[%dma_start3A_86, %dma_start3A_87] : memref<100x128xf32, #tpu.memory_space<vmem>> -> memref<80x128xf32, #tpu.memory_space<vmem>>
      %dma_start3A_89 = arith.constant 0 : i32
      %dma_start3A_90 = tpu.memref_slice %arg5[%add3A_80, %dma_start3A_89] : memref<10240x128xf32, #tpu.memory_space<vmem_shared>> -> memref<80x128xf32, #tpu.memory_space<vmem_shared>>
      %dma_start3A_91 = arith.constant 0 : i32
      %dma_start3A_92 = arith.constant 0 : i32
      %dma_start3A_93 = tpu.memref_slice %arg8[%dma_start3A_91, %dma_start3A_92] : memref<100x128xf32, #tpu.memory_space<vmem>> -> memref<80x128xf32, #tpu.memory_space<vmem>>
      %dma_start3A_94 = arith.constant 0 : i32
      %dma_start3A_95 = tpu.memref_slice %arg5[%add3A_80, %dma_start3A_94] : memref<10240x128xf32, #tpu.memory_space<vmem_shared>> -> memref<80x128xf32, #tpu.memory_space<vmem_shared>>
      tpu.enqueue_dma source(%dma_start3A_95 : memref<80x128xf32, #tpu.memory_space<vmem_shared>>) target(%dma_start3A_93 : memref<80x128xf32, #tpu.memory_space<vmem>>) target_semaphore(%run_scoped3A_85 : memref<!tpu.dma_semaphore, #tpu.memory_space<semaphore_mem>>)
      %dma_wait3A = arith.constant 0 : i32
      %dma_wait3A_96 = arith.constant 0 : i32
      %dma_wait3A_97 = tpu.memref_slice %arg8[%dma_wait3A, %dma_wait3A_96] : memref<100x128xf32, #tpu.memory_space<vmem>> -> memref<80x128xf32, #tpu.memory_space<vmem>>
      %dma_wait3A_98 = arith.constant 0 : i32
      %dma_wait3A_99 = tpu.memref_slice %arg5[%add3A_80, %dma_wait3A_98] : memref<10240x128xf32, #tpu.memory_space<vmem_shared>> -> memref<80x128xf32, #tpu.memory_space<vmem_shared>>
      %dma_wait3A_100 = arith.constant 0 : i32
      %dma_wait3A_101 = arith.constant 0 : i32
      %dma_wait3A_102 = tpu.memref_slice %arg8[%dma_wait3A_100, %dma_wait3A_101] : memref<100x128xf32, #tpu.memory_space<vmem>> -> memref<80x128xf32, #tpu.memory_space<vmem>>
      %dma_wait3A_103 = arith.constant 0 : i32
      %dma_wait3A_104 = tpu.memref_slice %arg5[%add3A_80, %dma_wait3A_103] : memref<10240x128xf32, #tpu.memory_space<vmem_shared>> -> memref<80x128xf32, #tpu.memory_space<vmem_shared>>
      tpu.wait_dma2 semaphore(%run_scoped3A_85 : memref<!tpu.dma_semaphore, #tpu.memory_space<semaphore_mem>>) src(%dma_wait3A_104 : memref<80x128xf32, #tpu.memory_space<vmem_shared>>) dst(%dma_wait3A_102 : memref<80x128xf32, #tpu.memory_space<vmem>>)
      tpu.yield
    }) : () -> ()
    "tpu.region"() ({
      %run_scoped3A_85 = tpu.sem_alloc : memref<!tpu.dma_semaphore, #tpu.memory_space<semaphore_mem>>
      %dma_start3A_86 = arith.constant 0 : i32
      %dma_start3A_87 = arith.constant 0 : i32
      %dma_start3A_88 = tpu.memref_slice %arg8[%dma_start3A_86, %dma_start3A_87] : memref<100x128xf32, #tpu.memory_space<vmem>> -> memref<80x128xf32, #tpu.memory_space<vmem>>
      %dma_start3A_89 = arith.constant 0 : i32
      %dma_start3A_90 = tpu.memref_slice %arg4[%arg0, %add3A_80, %dma_start3A_89] : memref<2x10240x128xf32, #tpu.memory_space<hbm>> -> memref<1x80x128xf32, #tpu.memory_space<hbm>>
      %dma_start3A_91 = tpu.memref_squeeze %dma_start3A_90 : memref<1x80x128xf32, #tpu.memory_space<hbm>> -> memref<80x128xf32, #tpu.memory_space<hbm>>
      %dma_start3A_92 = arith.constant 0 : i32
      %dma_start3A_93 = tpu.memref_slice %arg4[%arg0, %add3A_80, %dma_start3A_92] : memref<2x10240x128xf32, #tpu.memory_space<hbm>> -> memref<1x80x128xf32, #tpu.memory_space<hbm>>
      %dma_start3A_94 = tpu.memref_squeeze %dma_start3A_93 : memref<1x80x128xf32, #tpu.memory_space<hbm>> -> memref<80x128xf32, #tpu.memory_space<hbm>>
      %dma_start3A_95 = arith.constant 0 : i32
      %dma_start3A_96 = arith.constant 0 : i32
      %dma_start3A_97 = tpu.memref_slice %arg8[%dma_start3A_95, %dma_start3A_96] : memref<100x128xf32, #tpu.memory_space<vmem>> -> memref<80x128xf32, #tpu.memory_space<vmem>>
      tpu.enqueue_dma source(%dma_start3A_97 : memref<80x128xf32, #tpu.memory_space<vmem>>) target(%dma_start3A_94 : memref<80x128xf32, #tpu.memory_space<hbm>>) target_semaphore(%run_scoped3A_85 : memref<!tpu.dma_semaphore, #tpu.memory_space<semaphore_mem>>)
      %dma_wait3A = arith.constant 0 : i32
      %dma_wait3A_98 = arith.constant 0 : i32
      %dma_wait3A_99 = tpu.memref_slice %arg8[%dma_wait3A, %dma_wait3A_98] : memref<100x128xf32, #tpu.memory_space<vmem>> -> memref<80x128xf32, #tpu.memory_space<vmem>>
      %dma_wait3A_100 = arith.constant 0 : i32
      %dma_wait3A_101 = tpu.memref_slice %arg4[%arg0, %add3A_80, %dma_wait3A_100] : memref<2x10240x128xf32, #tpu.memory_space<hbm>> -> memref<1x80x128xf32, #tpu.memory_space<hbm>>
      %dma_wait3A_102 = tpu.memref_squeeze %dma_wait3A_101 : memref<1x80x128xf32, #tpu.memory_space<hbm>> -> memref<80x128xf32, #tpu.memory_space<hbm>>
      %dma_wait3A_103 = arith.constant 0 : i32
      %dma_wait3A_104 = tpu.memref_slice %arg4[%arg0, %add3A_80, %dma_wait3A_103] : memref<2x10240x128xf32, #tpu.memory_space<hbm>> -> memref<1x80x128xf32, #tpu.memory_space<hbm>>
      %dma_wait3A_105 = tpu.memref_squeeze %dma_wait3A_104 : memref<1x80x128xf32, #tpu.memory_space<hbm>> -> memref<80x128xf32, #tpu.memory_space<hbm>>
      %dma_wait3A_106 = arith.constant 0 : i32
      %dma_wait3A_107 = arith.constant 0 : i32
      %dma_wait3A_108 = tpu.memref_slice %arg8[%dma_wait3A_106, %dma_wait3A_107] : memref<100x128xf32, #tpu.memory_space<vmem>> -> memref<80x128xf32, #tpu.memory_space<vmem>>
      tpu.wait_dma2 semaphore(%run_scoped3A_85 : memref<!tpu.dma_semaphore, #tpu.memory_space<semaphore_mem>>) src(%dma_wait3A_108 : memref<80x128xf32, #tpu.memory_space<vmem>>) dst(%dma_wait3A_105 : memref<80x128xf32, #tpu.memory_space<hbm>>)
      tpu.yield
    }) : () -> ()
    %mul3A_81 = arith.constant 640 : i32
    %mul3A_82 = arith.muli %arg1, %mul3A_81 : i32
    %add3A_83 = arith.constant 560 : i32
    %add3A_84 = arith.addi %mul3A_82, %add3A_83 : i32
    "tpu.region"() ({
      %run_scoped3A_85 = tpu.sem_alloc : memref<!tpu.dma_semaphore, #tpu.memory_space<semaphore_mem>>
      %dma_start3A_86 = arith.constant 0 : i32
      %dma_start3A_87 = arith.constant 0 : i32
      %dma_start3A_88 = tpu.memref_slice %arg8[%dma_start3A_86, %dma_start3A_87] : memref<100x128xf32, #tpu.memory_space<vmem>> -> memref<80x128xf32, #tpu.memory_space<vmem>>
      %dma_start3A_89 = arith.constant 0 : i32
      %dma_start3A_90 = tpu.memref_slice %arg5[%add3A_84, %dma_start3A_89] : memref<10240x128xf32, #tpu.memory_space<vmem_shared>> -> memref<80x128xf32, #tpu.memory_space<vmem_shared>>
      %dma_start3A_91 = arith.constant 0 : i32
      %dma_start3A_92 = arith.constant 0 : i32
      %dma_start3A_93 = tpu.memref_slice %arg8[%dma_start3A_91, %dma_start3A_92] : memref<100x128xf32, #tpu.memory_space<vmem>> -> memref<80x128xf32, #tpu.memory_space<vmem>>
      %dma_start3A_94 = arith.constant 0 : i32
      %dma_start3A_95 = tpu.memref_slice %arg5[%add3A_84, %dma_start3A_94] : memref<10240x128xf32, #tpu.memory_space<vmem_shared>> -> memref<80x128xf32, #tpu.memory_space<vmem_shared>>
      tpu.enqueue_dma source(%dma_start3A_95 : memref<80x128xf32, #tpu.memory_space<vmem_shared>>) target(%dma_start3A_93 : memref<80x128xf32, #tpu.memory_space<vmem>>) target_semaphore(%run_scoped3A_85 : memref<!tpu.dma_semaphore, #tpu.memory_space<semaphore_mem>>)
      %dma_wait3A = arith.constant 0 : i32
      %dma_wait3A_96 = arith.constant 0 : i32
      %dma_wait3A_97 = tpu.memref_slice %arg8[%dma_wait3A, %dma_wait3A_96] : memref<100x128xf32, #tpu.memory_space<vmem>> -> memref<80x128xf32, #tpu.memory_space<vmem>>
      %dma_wait3A_98 = arith.constant 0 : i32
      %dma_wait3A_99 = tpu.memref_slice %arg5[%add3A_84, %dma_wait3A_98] : memref<10240x128xf32, #tpu.memory_space<vmem_shared>> -> memref<80x128xf32, #tpu.memory_space<vmem_shared>>
      %dma_wait3A_100 = arith.constant 0 : i32
      %dma_wait3A_101 = arith.constant 0 : i32
      %dma_wait3A_102 = tpu.memref_slice %arg8[%dma_wait3A_100, %dma_wait3A_101] : memref<100x128xf32, #tpu.memory_space<vmem>> -> memref<80x128xf32, #tpu.memory_space<vmem>>
      %dma_wait3A_103 = arith.constant 0 : i32
      %dma_wait3A_104 = tpu.memref_slice %arg5[%add3A_84, %dma_wait3A_103] : memref<10240x128xf32, #tpu.memory_space<vmem_shared>> -> memref<80x128xf32, #tpu.memory_space<vmem_shared>>
      tpu.wait_dma2 semaphore(%run_scoped3A_85 : memref<!tpu.dma_semaphore, #tpu.memory_space<semaphore_mem>>) src(%dma_wait3A_104 : memref<80x128xf32, #tpu.memory_space<vmem_shared>>) dst(%dma_wait3A_102 : memref<80x128xf32, #tpu.memory_space<vmem>>)
      tpu.yield
    }) : () -> ()
    "tpu.region"() ({
      %run_scoped3A_85 = tpu.sem_alloc : memref<!tpu.dma_semaphore, #tpu.memory_space<semaphore_mem>>
      %dma_start3A_86 = arith.constant 0 : i32
      %dma_start3A_87 = arith.constant 0 : i32
      %dma_start3A_88 = tpu.memref_slice %arg8[%dma_start3A_86, %dma_start3A_87] : memref<100x128xf32, #tpu.memory_space<vmem>> -> memref<80x128xf32, #tpu.memory_space<vmem>>
      %dma_start3A_89 = arith.constant 0 : i32
      %dma_start3A_90 = tpu.memref_slice %arg4[%arg0, %add3A_84, %dma_start3A_89] : memref<2x10240x128xf32, #tpu.memory_space<hbm>> -> memref<1x80x128xf32, #tpu.memory_space<hbm>>
      %dma_start3A_91 = tpu.memref_squeeze %dma_start3A_90 : memref<1x80x128xf32, #tpu.memory_space<hbm>> -> memref<80x128xf32, #tpu.memory_space<hbm>>
      %dma_start3A_92 = arith.constant 0 : i32
      %dma_start3A_93 = tpu.memref_slice %arg4[%arg0, %add3A_84, %dma_start3A_92] : memref<2x10240x128xf32, #tpu.memory_space<hbm>> -> memref<1x80x128xf32, #tpu.memory_space<hbm>>
      %dma_start3A_94 = tpu.memref_squeeze %dma_start3A_93 : memref<1x80x128xf32, #tpu.memory_space<hbm>> -> memref<80x128xf32, #tpu.memory_space<hbm>>
      %dma_start3A_95 = arith.constant 0 : i32
      %dma_start3A_96 = arith.constant 0 : i32
      %dma_start3A_97 = tpu.memref_slice %arg8[%dma_start3A_95, %dma_start3A_96] : memref<100x128xf32, #tpu.memory_space<vmem>> -> memref<80x128xf32, #tpu.memory_space<vmem>>
      tpu.enqueue_dma source(%dma_start3A_97 : memref<80x128xf32, #tpu.memory_space<vmem>>) target(%dma_start3A_94 : memref<80x128xf32, #tpu.memory_space<hbm>>) target_semaphore(%run_scoped3A_85 : memref<!tpu.dma_semaphore, #tpu.memory_space<semaphore_mem>>)
      %dma_wait3A = arith.constant 0 : i32
      %dma_wait3A_98 = arith.constant 0 : i32
      %dma_wait3A_99 = tpu.memref_slice %arg8[%dma_wait3A, %dma_wait3A_98] : memref<100x128xf32, #tpu.memory_space<vmem>> -> memref<80x128xf32, #tpu.memory_space<vmem>>
      %dma_wait3A_100 = arith.constant 0 : i32
      %dma_wait3A_101 = tpu.memref_slice %arg4[%arg0, %add3A_84, %dma_wait3A_100] : memref<2x10240x128xf32, #tpu.memory_space<hbm>> -> memref<1x80x128xf32, #tpu.memory_space<hbm>>
      %dma_wait3A_102 = tpu.memref_squeeze %dma_wait3A_101 : memref<1x80x128xf32, #tpu.memory_space<hbm>> -> memref<80x128xf32, #tpu.memory_space<hbm>>
      %dma_wait3A_103 = arith.constant 0 : i32
      %dma_wait3A_104 = tpu.memref_slice %arg4[%arg0, %add3A_84, %dma_wait3A_103] : memref<2x10240x128xf32, #tpu.memory_space<hbm>> -> memref<1x80x128xf32, #tpu.memory_space<hbm>>
      %dma_wait3A_105 = tpu.memref_squeeze %dma_wait3A_104 : memref<1x80x128xf32, #tpu.memory_space<hbm>> -> memref<80x128xf32, #tpu.memory_space<hbm>>
      %dma_wait3A_106 = arith.constant 0 : i32
      %dma_wait3A_107 = arith.constant 0 : i32
      %dma_wait3A_108 = tpu.memref_slice %arg8[%dma_wait3A_106, %dma_wait3A_107] : memref<100x128xf32, #tpu.memory_space<vmem>> -> memref<80x128xf32, #tpu.memory_space<vmem>>
      tpu.wait_dma2 semaphore(%run_scoped3A_85 : memref<!tpu.dma_semaphore, #tpu.memory_space<semaphore_mem>>) src(%dma_wait3A_108 : memref<80x128xf32, #tpu.memory_space<vmem>>) dst(%dma_wait3A_105 : memref<80x128xf32, #tpu.memory_space<hbm>>)
      tpu.yield
    }) : () -> ()
    return
  }
}

module attributes {stable_mosaic.version = 14 : i64} {
  func.func @_tc_kan_body(%arg0: i32, %arg1: memref<4xf32, #tpu.memory_space<smem>>, %arg2: memref<1000x128xf32, #tpu.memory_space<vmem>>, %arg3: memref<384x128xf32, #tpu.memory_space<vmem>>, %arg4: memref<1000x128xf32, #tpu.memory_space<vmem>>) attributes {dimension_semantics = [#tpu.dimension_semantics<arbitrary>], iteration_bounds = array<i64: 10>, scalar_prefetch = 0 : i64, scratch_operands = 0 : i64, tpu.core_type = #tpu.core_type<tc>, window_params = [{transform_indices = @transform_0, window_bounds = array<i64: 4>}, {transform_indices = @transform_1, window_bounds = array<i64: 1000, 128>}, {pipeline_mode = #tpu.pipeline_mode<synchronous>, transform_indices = @transform_2, window_bounds = array<i64: 384, 128>}, {transform_indices = @transform_3, window_bounds = array<i64: 1000, 128>}]} {
    %get3A = arith.constant 0 : index
    %get3A_0 = memref.load %arg1[%get3A] : memref<4xf32, #tpu.memory_space<smem>>
    %get3A_1 = arith.constant 1 : index
    %get3A_2 = memref.load %arg1[%get3A_1] : memref<4xf32, #tpu.memory_space<smem>>
    %get3A_3 = arith.constant 2 : index
    %get3A_4 = memref.load %arg1[%get3A_3] : memref<4xf32, #tpu.memory_space<smem>>
    %get3A_5 = arith.constant 0 : index
    %get3A_6 = arith.constant 0 : index
    %get3A_7 = vector.load %arg2[%get3A_5, %get3A_6] : memref<1000x128xf32, #tpu.memory_space<vmem>>, vector<1000x128xf32>
    %sub3A = vector.broadcast %get3A_0 : f32 to vector<1000x128xf32>
    %sub3A_8 = arith.subf %get3A_7, %sub3A : vector<1000x128xf32>
    %mul3A = vector.broadcast %get3A_4 : f32 to vector<1000x128xf32>
    %mul3A_9 = arith.mulf %sub3A_8, %mul3A : vector<1000x128xf32>
    %sub3A_10 = vector.broadcast %get3A_2 : f32 to vector<1000x128xf32>
    %sub3A_11 = arith.subf %get3A_7, %sub3A_10 : vector<1000x128xf32>
    %mul3A_12 = vector.broadcast %get3A_4 : f32 to vector<1000x128xf32>
    %mul3A_13 = arith.mulf %sub3A_11, %mul3A_12 : vector<1000x128xf32>
    %mul3A_14 = arith.mulf %mul3A_9, %mul3A_9 : vector<1000x128xf32>
    %neg3A = arith.constant 0.000000e+00 : f32
    %neg3A_15 = vector.broadcast %neg3A : f32 to vector<1000x128xf32>
    %neg3A_16 = arith.subf %neg3A_15, %mul3A_14 : vector<1000x128xf32>
    %exp3A = math.exp %neg3A_16 : vector<1000x128xf32>
    %mul3A_17 = arith.mulf %mul3A_13, %mul3A_13 : vector<1000x128xf32>
    %neg3A_18 = arith.constant 0.000000e+00 : f32
    %neg3A_19 = vector.broadcast %neg3A_18 : f32 to vector<1000x128xf32>
    %neg3A_20 = arith.subf %neg3A_19, %mul3A_17 : vector<1000x128xf32>
    %exp3A_21 = math.exp %neg3A_20 : vector<1000x128xf32>
    %logistic3A = arith.negf %get3A_7 : vector<1000x128xf32>
    %logistic3A_22 = math.exp %logistic3A : vector<1000x128xf32>
    %logistic3A_23 = arith.constant 1.000000e+00 : f32
    %logistic3A_24 = vector.broadcast %logistic3A_23 : f32 to vector<1000x128xf32>
    %logistic3A_25 = arith.addf %logistic3A_24, %logistic3A_22 : vector<1000x128xf32>
    %logistic3A_26 = arith.divf %logistic3A_24, %logistic3A_25 : vector<1000x128xf32>
    %mul3A_27 = arith.mulf %get3A_7, %logistic3A_26 : vector<1000x128xf32>
    %concatenate3A = tpu.concatenate %exp3A, %exp3A_21, %mul3A_27 in 1 : vector<1000x128xf32>, vector<1000x128xf32>, vector<1000x128xf32> -> vector<1000x384xf32>
    %get3A_28 = arith.constant 0 : index
    %get3A_29 = arith.constant 0 : index
    %get3A_30 = vector.load %arg3[%get3A_28, %get3A_29] : memref<384x128xf32, #tpu.memory_space<vmem>>, vector<384x128xf32>
    %dot_general3A = arith.constant dense<0.000000e+00> : vector<1000x128xf32>
    %dot_general3A_31 = tpu.matmul %concatenate3A, %get3A_30, %dot_general3A {dimension_numbers = #tpu.dot_dimension_numbers<[1], [0], [0], [1], [0, 0, 1, 1], [], []>, transpose_lhs_hint = false} : vector<1000x384xf32>, vector<384x128xf32>, vector<1000x128xf32> -> vector<1000x128xf32>
    %swap3A = arith.constant 0 : index
    %swap3A_32 = arith.constant 0 : index
    %swap3A_33 = vector.load %arg4[%swap3A, %swap3A_32] : memref<1000x128xf32, #tpu.memory_space<vmem>>, vector<1000x128xf32>
    tpu.vector_store %arg4[%swap3A, %swap3A_32], %dot_general3A_31 {strides = array<i32>} : memref<1000x128xf32, #tpu.memory_space<vmem>>, vector<1000x128xf32>,
    return
  }
  func.func @transform_0(%arg0: i32) -> i32 {
    %c0_i32 = arith.constant 0 : i32
    %c0_i32_0 = arith.constant 0 : i32
    return %c0_i32 : i32
  }
  func.func @transform_1(%arg0: i32) -> (i32, i32) {
    %c0_i32 = arith.constant 0 : i32
    %c0_i32_0 = arith.constant 0 : i32
    return %arg0, %c0_i32 : i32, i32
  }
  func.func @transform_2(%arg0: i32) -> (i32, i32) {
    %c0_i32 = arith.constant 0 : i32
    %c0_i32_0 = arith.constant 0 : i32
    %c0_i32_1 = arith.constant 0 : i32
    return %c0_i32, %c0_i32_0 : i32, i32
  }
  func.func @transform_3(%arg0: i32) -> (i32, i32) {
    %c0_i32 = arith.constant 0 : i32
    %c0_i32_0 = arith.constant 0 : i32
    return %arg0, %c0_i32 : i32, i32
  }
}

module attributes {stable_mosaic.version = 14 : i64} {
  func.func @_tc_combine_body(%arg0: i32, %arg1: memref<4xf32, #tpu.memory_space<smem>>, %arg2: memref<2x1000x128xf32, #tpu.memory_space<vmem>>, %arg3: memref<1000x128xf32, #tpu.memory_space<vmem>>, %arg4: memref<2x1000x1xf32, #tpu.memory_space<vmem>>, %arg5: memref<384x128xf32, #tpu.memory_space<vmem>>, %arg6: memref<1000x128xf32, #tpu.memory_space<vmem>>) attributes {dimension_semantics = [#tpu.dimension_semantics<arbitrary>], iteration_bounds = array<i64: 10>, scalar_prefetch = 0 : i64, scratch_operands = 0 : i64, tpu.core_type = #tpu.core_type<tc>, window_params = [{transform_indices = @transform_0, window_bounds = array<i64: 4>}, {transform_indices = @transform_1, window_bounds = array<i64: 2, 1000, 128>}, {transform_indices = @transform_2, window_bounds = array<i64: 1000, 128>}, {transform_indices = @transform_3, window_bounds = array<i64: 2, 1000, 1>}, {pipeline_mode = #tpu.pipeline_mode<synchronous>, transform_indices = @transform_4, window_bounds = array<i64: 384, 128>}, {transform_indices = @transform_5, window_bounds = array<i64: 1000, 128>}]} {
    %get3A = arith.constant 0 : index
    %get3A_0 = memref.load %arg1[%get3A] : memref<4xf32, #tpu.memory_space<smem>>
    %get3A_1 = arith.constant 1 : index
    %get3A_2 = memref.load %arg1[%get3A_1] : memref<4xf32, #tpu.memory_space<smem>>
    %get3A_3 = arith.constant 2 : index
    %get3A_4 = memref.load %arg1[%get3A_3] : memref<4xf32, #tpu.memory_space<smem>>
    %get3A_5 = arith.constant 0 : index
    %get3A_6 = arith.constant 0 : index
    %get3A_7 = arith.constant 0 : index
    %get3A_8 = vector.load %arg2[%get3A_5, %get3A_6, %get3A_7] : memref<2x1000x128xf32, #tpu.memory_space<vmem>>, vector<1x1000x128xf32>
    %get3A_9 = vector.shape_cast %get3A_8 : vector<1x1000x128xf32> to vector<1000x128xf32>
    %get3A_10 = arith.constant 1 : index
    %get3A_11 = arith.constant 0 : index
    %get3A_12 = arith.constant 0 : index
    %get3A_13 = vector.load %arg2[%get3A_10, %get3A_11, %get3A_12] : memref<2x1000x128xf32, #tpu.memory_space<vmem>>, vector<1x1000x128xf32>
    %get3A_14 = vector.shape_cast %get3A_13 : vector<1x1000x128xf32> to vector<1000x128xf32>
    %add3A = arith.addf %get3A_9, %get3A_14 : vector<1000x128xf32>
    %get3A_15 = arith.constant 0 : index
    %get3A_16 = arith.constant 0 : index
    %get3A_17 = vector.load %arg3[%get3A_15, %get3A_16] : memref<1000x128xf32, #tpu.memory_space<vmem>>, vector<1000x128xf32>
    %add3A_18 = arith.addf %add3A, %get3A_17 : vector<1000x128xf32>
    %get3A_19 = arith.constant 0 : index
    %get3A_20 = arith.constant 0 : index
    %get3A_21 = arith.constant 0 : index
    %get3A_22 = vector.load %arg4[%get3A_19, %get3A_20, %get3A_21] : memref<2x1000x1xf32, #tpu.memory_space<vmem>>, vector<1x1000x1xf32>
    %get3A_23 = vector.shape_cast %get3A_22 : vector<1x1000x1xf32> to vector<1000xf32>
    %add3A_24 = arith.constant 1.000000e+00 : f32
    %add3A_25 = vector.broadcast %add3A_24 : f32 to vector<1000xf32>
    %add3A_26 = arith.addf %add3A_25, %get3A_23 : vector<1000xf32>
    %get3A_27 = arith.constant 1 : index
    %get3A_28 = arith.constant 0 : index
    %get3A_29 = arith.constant 0 : index
    %get3A_30 = vector.load %arg4[%get3A_27, %get3A_28, %get3A_29] : memref<2x1000x1xf32, #tpu.memory_space<vmem>>, vector<1x1000x1xf32>
    %get3A_31 = vector.shape_cast %get3A_30 : vector<1x1000x1xf32> to vector<1000xf32>
    %add3A_32 = arith.addf %add3A_26, %get3A_31 : vector<1000xf32>
    %div3A = arith.constant 1.000000e+00 : f32
    %div3A_33 = vector.broadcast %div3A : f32 to vector<1000xf32>
    %div3A_34 = arith.divf %div3A_33, %add3A_32 : vector<1000xf32>
    %broadcast_in_dim3A = vector.shape_cast %div3A_34 : vector<1000xf32> to vector<1000x1xf32>
    %mul3A = vector.broadcast %broadcast_in_dim3A : vector<1000x1xf32> to vector<1000x128xf32>
    %mul3A_35 = arith.mulf %add3A_18, %mul3A : vector<1000x128xf32>
    %reduce_sum3A = arith.constant dense<0.000000e+00> : vector<1000xf32>
    %reduce_sum3A_36 = vector.multi_reduction <add>, %mul3A_35, %reduce_sum3A [1] : vector<1000x128xf32> to vector<1000xf32>
    %broadcast_in_dim3A_37 = vector.shape_cast %reduce_sum3A_36 : vector<1000xf32> to vector<1000x1xf32>
    %div3A_38 = arith.constant 1.280000e+02 : f32
    %div3A_39 = vector.broadcast %div3A_38 : f32 to vector<1000x1xf32>
    %div3A_40 = arith.divf %broadcast_in_dim3A_37, %div3A_39 : vector<1000x1xf32>
    %sub3A = vector.broadcast %div3A_40 : vector<1000x1xf32> to vector<1000x128xf32>
    %sub3A_41 = arith.subf %mul3A_35, %sub3A : vector<1000x128xf32>
    %integer_pow3A = arith.mulf %sub3A_41, %sub3A_41 : vector<1000x128xf32>
    %reduce_sum3A_42 = arith.constant dense<0.000000e+00> : vector<1000xf32>
    %reduce_sum3A_43 = vector.multi_reduction <add>, %integer_pow3A, %reduce_sum3A_42 [1] : vector<1000x128xf32> to vector<1000xf32>
    %broadcast_in_dim3A_44 = vector.shape_cast %reduce_sum3A_43 : vector<1000xf32> to vector<1000x1xf32>
    %div3A_45 = arith.constant 1.280000e+02 : f32
    %div3A_46 = vector.broadcast %div3A_45 : f32 to vector<1000x1xf32>
    %div3A_47 = arith.divf %broadcast_in_dim3A_44, %div3A_46 : vector<1000x1xf32>
    %sub3A_48 = vector.broadcast %div3A_40 : vector<1000x1xf32> to vector<1000x128xf32>
    %sub3A_49 = arith.subf %mul3A_35, %sub3A_48 : vector<1000x128xf32>
    %add3A_50 = arith.constant 9.99999974E-6 : f32
    %add3A_51 = vector.broadcast %add3A_50 : f32 to vector<1000x1xf32>
    %add3A_52 = arith.addf %div3A_47, %add3A_51 : vector<1000x1xf32>
    %rsqrt3A = math.rsqrt %add3A_52 : vector<1000x1xf32>
    %mul3A_53 = vector.broadcast %rsqrt3A : vector<1000x1xf32> to vector<1000x128xf32>
    %mul3A_54 = arith.mulf %sub3A_49, %mul3A_53 : vector<1000x128xf32>
    %sub3A_55 = vector.broadcast %get3A_0 : f32 to vector<1000x128xf32>
    %sub3A_56 = arith.subf %mul3A_54, %sub3A_55 : vector<1000x128xf32>
    %mul3A_57 = vector.broadcast %get3A_4 : f32 to vector<1000x128xf32>
    %mul3A_58 = arith.mulf %sub3A_56, %mul3A_57 : vector<1000x128xf32>
    %sub3A_59 = vector.broadcast %get3A_2 : f32 to vector<1000x128xf32>
    %sub3A_60 = arith.subf %mul3A_54, %sub3A_59 : vector<1000x128xf32>
    %mul3A_61 = vector.broadcast %get3A_4 : f32 to vector<1000x128xf32>
    %mul3A_62 = arith.mulf %sub3A_60, %mul3A_61 : vector<1000x128xf32>
    %mul3A_63 = arith.mulf %mul3A_58, %mul3A_58 : vector<1000x128xf32>
    %neg3A = arith.constant 0.000000e+00 : f32
    %neg3A_64 = vector.broadcast %neg3A : f32 to vector<1000x128xf32>
    %neg3A_65 = arith.subf %neg3A_64, %mul3A_63 : vector<1000x128xf32>
    %exp3A = math.exp %neg3A_65 : vector<1000x128xf32>
    %mul3A_66 = arith.mulf %mul3A_62, %mul3A_62 : vector<1000x128xf32>
    %neg3A_67 = arith.constant 0.000000e+00 : f32
    %neg3A_68 = vector.broadcast %neg3A_67 : f32 to vector<1000x128xf32>
    %neg3A_69 = arith.subf %neg3A_68, %mul3A_66 : vector<1000x128xf32>
    %exp3A_70 = math.exp %neg3A_69 : vector<1000x128xf32>
    %logistic3A = arith.negf %mul3A_54 : vector<1000x128xf32>
    %logistic3A_71 = math.exp %logistic3A : vector<1000x128xf32>
    %logistic3A_72 = arith.constant 1.000000e+00 : f32
    %logistic3A_73 = vector.broadcast %logistic3A_72 : f32 to vector<1000x128xf32>
    %logistic3A_74 = arith.addf %logistic3A_73, %logistic3A_71 : vector<1000x128xf32>
    %logistic3A_75 = arith.divf %logistic3A_73, %logistic3A_74 : vector<1000x128xf32>
    %mul3A_76 = arith.mulf %mul3A_54, %logistic3A_75 : vector<1000x128xf32>
    %concatenate3A = tpu.concatenate %exp3A, %exp3A_70, %mul3A_76 in 1 : vector<1000x128xf32>, vector<1000x128xf32>, vector<1000x128xf32> -> vector<1000x384xf32>
    %get3A_77 = arith.constant 0 : index
    %get3A_78 = arith.constant 0 : index
    %get3A_79 = vector.load %arg5[%get3A_77, %get3A_78] : memref<384x128xf32, #tpu.memory_space<vmem>>, vector<384x128xf32>
    %dot_general3A = arith.constant dense<0.000000e+00> : vector<1000x128xf32>
    %dot_general3A_80 = tpu.matmul %concatenate3A, %get3A_79, %dot_general3A {dimension_numbers = #tpu.dot_dimension_numbers<[1], [0], [0], [1], [0, 0, 1, 1], [], []>, transpose_lhs_hint = false} : vector<1000x384xf32>, vector<384x128xf32>, vector<1000x128xf32> -> vector<1000x128xf32>
    %swap3A = arith.constant 0 : index
    %swap3A_81 = arith.constant 0 : index
    %swap3A_82 = vector.load %arg6[%swap3A, %swap3A_81] : memref<1000x128xf32, #tpu.memory_space<vmem>>, vector<1000x128xf32>
    tpu.vector_store %arg6[%swap3A, %swap3A_81], %dot_general3A_80 {strides = array<i32>} : memref<1000x128xf32, #tpu.memory_space<vmem>>, vector<1000x128xf32>,
    return
  }
  func.func @transform_0(%arg0: i32) -> i32 {
    %c0_i32 = arith.constant 0 : i32
    %c0_i32_0 = arith.constant 0 : i32
    return %c0_i32 : i32
  }
  func.func @transform_1(%arg0: i32) -> (i32, i32, i32) {
    %c0_i32 = arith.constant 0 : i32
    %c0_i32_0 = arith.constant 0 : i32
    %c0_i32_1 = arith.constant 0 : i32
    return %c0_i32, %arg0, %c0_i32_0 : i32, i32, i32
  }
  func.func @transform_2(%arg0: i32) -> (i32, i32) {
    %c0_i32 = arith.constant 0 : i32
    %c0_i32_0 = arith.constant 0 : i32
    return %arg0, %c0_i32 : i32, i32
  }
  func.func @transform_3(%arg0: i32) -> (i32, i32, i32) {
    %c0_i32 = arith.constant 0 : i32
    %c0_i32_0 = arith.constant 0 : i32
    %c0_i32_1 = arith.constant 0 : i32
    return %c0_i32, %arg0, %c0_i32_0 : i32, i32, i32
  }
  func.func @transform_4(%arg0: i32) -> (i32, i32) {
    %c0_i32 = arith.constant 0 : i32
    %c0_i32_0 = arith.constant 0 : i32
    %c0_i32_1 = arith.constant 0 : i32
    return %c0_i32, %c0_i32_0 : i32, i32
  }
  func.func @transform_5(%arg0: i32) -> (i32, i32) {
    %c0_i32 = arith.constant 0 : i32
    %c0_i32_0 = arith.constant 0 : i32
    return %arg0, %c0_i32 : i32, i32
  }
}

module attributes {stable_mosaic.version = 14 : i64} {
  func.func @_tc_combine_body(%arg0: i32, %arg1: memref<4xf32, #tpu.memory_space<smem>>, %arg2: memref<2x1000x128xf32, #tpu.memory_space<vmem>>, %arg3: memref<1000x128xf32, #tpu.memory_space<vmem>>, %arg4: memref<2x1000x1xf32, #tpu.memory_space<vmem>>, %arg5: memref<384x128xf32, #tpu.memory_space<vmem>>, %arg6: memref<1000x128xf32, #tpu.memory_space<vmem>>) attributes {dimension_semantics = [#tpu.dimension_semantics<arbitrary>], iteration_bounds = array<i64: 10>, scalar_prefetch = 0 : i64, scratch_operands = 0 : i64, tpu.core_type = #tpu.core_type<tc>, window_params = [{transform_indices = @transform_0, window_bounds = array<i64: 4>}, {transform_indices = @transform_1, window_bounds = array<i64: 2, 1000, 128>}, {transform_indices = @transform_2, window_bounds = array<i64: 1000, 128>}, {transform_indices = @transform_3, window_bounds = array<i64: 2, 1000, 1>}, {pipeline_mode = #tpu.pipeline_mode<synchronous>, transform_indices = @transform_4, window_bounds = array<i64: 384, 128>}, {transform_indices = @transform_5, window_bounds = array<i64: 1000, 128>}]} {
    %get3A = arith.constant 0 : index
    %get3A_0 = memref.load %arg1[%get3A] : memref<4xf32, #tpu.memory_space<smem>>
    %get3A_1 = arith.constant 1 : index
    %get3A_2 = memref.load %arg1[%get3A_1] : memref<4xf32, #tpu.memory_space<smem>>
    %get3A_3 = arith.constant 2 : index
    %get3A_4 = memref.load %arg1[%get3A_3] : memref<4xf32, #tpu.memory_space<smem>>
    %get3A_5 = arith.constant 0 : index
    %get3A_6 = arith.constant 0 : index
    %get3A_7 = arith.constant 0 : index
    %get3A_8 = vector.load %arg2[%get3A_5, %get3A_6, %get3A_7] : memref<2x1000x128xf32, #tpu.memory_space<vmem>>, vector<1x1000x128xf32>
    %get3A_9 = vector.shape_cast %get3A_8 : vector<1x1000x128xf32> to vector<1000x128xf32>
    %get3A_10 = arith.constant 1 : index
    %get3A_11 = arith.constant 0 : index
    %get3A_12 = arith.constant 0 : index
    %get3A_13 = vector.load %arg2[%get3A_10, %get3A_11, %get3A_12] : memref<2x1000x128xf32, #tpu.memory_space<vmem>>, vector<1x1000x128xf32>
    %get3A_14 = vector.shape_cast %get3A_13 : vector<1x1000x128xf32> to vector<1000x128xf32>
    %add3A = arith.addf %get3A_9, %get3A_14 : vector<1000x128xf32>
    %get3A_15 = arith.constant 0 : index
    %get3A_16 = arith.constant 0 : index
    %get3A_17 = vector.load %arg3[%get3A_15, %get3A_16] : memref<1000x128xf32, #tpu.memory_space<vmem>>, vector<1000x128xf32>
    %add3A_18 = arith.addf %add3A, %get3A_17 : vector<1000x128xf32>
    %get3A_19 = arith.constant 0 : index
    %get3A_20 = arith.constant 0 : index
    %get3A_21 = arith.constant 0 : index
    %get3A_22 = vector.load %arg4[%get3A_19, %get3A_20, %get3A_21] : memref<2x1000x1xf32, #tpu.memory_space<vmem>>, vector<1x1000x1xf32>
    %get3A_23 = vector.shape_cast %get3A_22 : vector<1x1000x1xf32> to vector<1000xf32>
    %add3A_24 = arith.constant 1.000000e+00 : f32
    %add3A_25 = vector.broadcast %add3A_24 : f32 to vector<1000xf32>
    %add3A_26 = arith.addf %add3A_25, %get3A_23 : vector<1000xf32>
    %get3A_27 = arith.constant 1 : index
    %get3A_28 = arith.constant 0 : index
    %get3A_29 = arith.constant 0 : index
    %get3A_30 = vector.load %arg4[%get3A_27, %get3A_28, %get3A_29] : memref<2x1000x1xf32, #tpu.memory_space<vmem>>, vector<1x1000x1xf32>
    %get3A_31 = vector.shape_cast %get3A_30 : vector<1x1000x1xf32> to vector<1000xf32>
    %add3A_32 = arith.addf %add3A_26, %get3A_31 : vector<1000xf32>
    %div3A = arith.constant 1.000000e+00 : f32
    %div3A_33 = vector.broadcast %div3A : f32 to vector<1000xf32>
    %div3A_34 = arith.divf %div3A_33, %add3A_32 : vector<1000xf32>
    %broadcast_in_dim3A = vector.shape_cast %div3A_34 : vector<1000xf32> to vector<1000x1xf32>
    %mul3A = vector.broadcast %broadcast_in_dim3A : vector<1000x1xf32> to vector<1000x128xf32>
    %mul3A_35 = arith.mulf %add3A_18, %mul3A : vector<1000x128xf32>
    %reduce_sum3A = arith.constant dense<0.000000e+00> : vector<1000xf32>
    %reduce_sum3A_36 = vector.multi_reduction <add>, %mul3A_35, %reduce_sum3A [1] : vector<1000x128xf32> to vector<1000xf32>
    %broadcast_in_dim3A_37 = vector.shape_cast %reduce_sum3A_36 : vector<1000xf32> to vector<1000x1xf32>
    %div3A_38 = arith.constant 1.280000e+02 : f32
    %div3A_39 = vector.broadcast %div3A_38 : f32 to vector<1000x1xf32>
    %div3A_40 = arith.divf %broadcast_in_dim3A_37, %div3A_39 : vector<1000x1xf32>
    %sub3A = vector.broadcast %div3A_40 : vector<1000x1xf32> to vector<1000x128xf32>
    %sub3A_41 = arith.subf %mul3A_35, %sub3A : vector<1000x128xf32>
    %integer_pow3A = arith.mulf %sub3A_41, %sub3A_41 : vector<1000x128xf32>
    %reduce_sum3A_42 = arith.constant dense<0.000000e+00> : vector<1000xf32>
    %reduce_sum3A_43 = vector.multi_reduction <add>, %integer_pow3A, %reduce_sum3A_42 [1] : vector<1000x128xf32> to vector<1000xf32>
    %broadcast_in_dim3A_44 = vector.shape_cast %reduce_sum3A_43 : vector<1000xf32> to vector<1000x1xf32>
    %div3A_45 = arith.constant 1.280000e+02 : f32
    %div3A_46 = vector.broadcast %div3A_45 : f32 to vector<1000x1xf32>
    %div3A_47 = arith.divf %broadcast_in_dim3A_44, %div3A_46 : vector<1000x1xf32>
    %sub3A_48 = vector.broadcast %div3A_40 : vector<1000x1xf32> to vector<1000x128xf32>
    %sub3A_49 = arith.subf %mul3A_35, %sub3A_48 : vector<1000x128xf32>
    %add3A_50 = arith.constant 9.99999974E-6 : f32
    %add3A_51 = vector.broadcast %add3A_50 : f32 to vector<1000x1xf32>
    %add3A_52 = arith.addf %div3A_47, %add3A_51 : vector<1000x1xf32>
    %rsqrt3A = math.rsqrt %add3A_52 : vector<1000x1xf32>
    %mul3A_53 = vector.broadcast %rsqrt3A : vector<1000x1xf32> to vector<1000x128xf32>
    %mul3A_54 = arith.mulf %sub3A_49, %mul3A_53 : vector<1000x128xf32>
    %sub3A_55 = vector.broadcast %get3A_0 : f32 to vector<1000x128xf32>
    %sub3A_56 = arith.subf %mul3A_54, %sub3A_55 : vector<1000x128xf32>
    %mul3A_57 = vector.broadcast %get3A_4 : f32 to vector<1000x128xf32>
    %mul3A_58 = arith.mulf %sub3A_56, %mul3A_57 : vector<1000x128xf32>
    %sub3A_59 = vector.broadcast %get3A_2 : f32 to vector<1000x128xf32>
    %sub3A_60 = arith.subf %mul3A_54, %sub3A_59 : vector<1000x128xf32>
    %mul3A_61 = vector.broadcast %get3A_4 : f32 to vector<1000x128xf32>
    %mul3A_62 = arith.mulf %sub3A_60, %mul3A_61 : vector<1000x128xf32>
    %mul3A_63 = arith.mulf %mul3A_58, %mul3A_58 : vector<1000x128xf32>
    %neg3A = arith.constant 0.000000e+00 : f32
    %neg3A_64 = vector.broadcast %neg3A : f32 to vector<1000x128xf32>
    %neg3A_65 = arith.subf %neg3A_64, %mul3A_63 : vector<1000x128xf32>
    %exp3A = math.exp %neg3A_65 : vector<1000x128xf32>
    %mul3A_66 = arith.mulf %mul3A_62, %mul3A_62 : vector<1000x128xf32>
    %neg3A_67 = arith.constant 0.000000e+00 : f32
    %neg3A_68 = vector.broadcast %neg3A_67 : f32 to vector<1000x128xf32>
    %neg3A_69 = arith.subf %neg3A_68, %mul3A_66 : vector<1000x128xf32>
    %exp3A_70 = math.exp %neg3A_69 : vector<1000x128xf32>
    %logistic3A = arith.negf %mul3A_54 : vector<1000x128xf32>
    %logistic3A_71 = math.exp %logistic3A : vector<1000x128xf32>
    %logistic3A_72 = arith.constant 1.000000e+00 : f32
    %logistic3A_73 = vector.broadcast %logistic3A_72 : f32 to vector<1000x128xf32>
    %logistic3A_74 = arith.addf %logistic3A_73, %logistic3A_71 : vector<1000x128xf32>
    %logistic3A_75 = arith.divf %logistic3A_73, %logistic3A_74 : vector<1000x128xf32>
    %mul3A_76 = arith.mulf %mul3A_54, %logistic3A_75 : vector<1000x128xf32>
    %concatenate3A = tpu.concatenate %exp3A, %exp3A_70, %mul3A_76 in 1 : vector<1000x128xf32>, vector<1000x128xf32>, vector<1000x128xf32> -> vector<1000x384xf32>
    %get3A_77 = arith.constant 0 : index
    %get3A_78 = arith.constant 0 : index
    %get3A_79 = vector.load %arg5[%get3A_77, %get3A_78] : memref<384x128xf32, #tpu.memory_space<vmem>>, vector<384x128xf32>
    %dot_general3A = arith.constant dense<0.000000e+00> : vector<1000x128xf32>
    %dot_general3A_80 = tpu.matmul %concatenate3A, %get3A_79, %dot_general3A {dimension_numbers = #tpu.dot_dimension_numbers<[1], [0], [0], [1], [0, 0, 1, 1], [], []>, transpose_lhs_hint = false} : vector<1000x384xf32>, vector<384x128xf32>, vector<1000x128xf32> -> vector<1000x128xf32>
    %reduce_max3A = arith.constant dense<0xFF800000> : vector<1000xf32>
    %reduce_max3A_81 = vector.multi_reduction <maximumf>, %dot_general3A_80, %reduce_max3A [1] : vector<1000x128xf32> to vector<1000xf32>
    %broadcast_in_dim3A_82 = vector.shape_cast %reduce_max3A_81 : vector<1000xf32> to vector<1000x1xf32>
    %sub3A_83 = vector.broadcast %broadcast_in_dim3A_82 : vector<1000x1xf32> to vector<1000x128xf32>
    %sub3A_84 = arith.subf %dot_general3A_80, %sub3A_83 : vector<1000x128xf32>
    %exp3A_85 = math.exp %sub3A_84 : vector<1000x128xf32>
    %reduce_sum3A_86 = arith.constant dense<0.000000e+00> : vector<1000xf32>
    %reduce_sum3A_87 = vector.multi_reduction <add>, %exp3A_85, %reduce_sum3A_86 [1] : vector<1000x128xf32> to vector<1000xf32>
    %broadcast_in_dim3A_88 = vector.shape_cast %reduce_sum3A_87 : vector<1000xf32> to vector<1000x1xf32>
    %log3A = math.log %broadcast_in_dim3A_88 : vector<1000x1xf32>
    %add3A_89 = arith.addf %log3A, %broadcast_in_dim3A_82 : vector<1000x1xf32>
    %sub3A_90 = vector.broadcast %add3A_89 : vector<1000x1xf32> to vector<1000x128xf32>
    %sub3A_91 = arith.subf %dot_general3A_80, %sub3A_90 : vector<1000x128xf32>
    %swap3A = arith.constant 0 : index
    %swap3A_92 = arith.constant 0 : index
    %swap3A_93 = vector.load %arg6[%swap3A, %swap3A_92] : memref<1000x128xf32, #tpu.memory_space<vmem>>, vector<1000x128xf32>
    tpu.vector_store %arg6[%swap3A, %swap3A_92], %sub3A_91 {strides = array<i32>} : memref<1000x128xf32, #tpu.memory_space<vmem>>, vector<1000x128xf32>,
    return
  }
  func.func @transform_0(%arg0: i32) -> i32 {
    %c0_i32 = arith.constant 0 : i32
    %c0_i32_0 = arith.constant 0 : i32
    return %c0_i32 : i32
  }
  func.func @transform_1(%arg0: i32) -> (i32, i32, i32) {
    %c0_i32 = arith.constant 0 : i32
    %c0_i32_0 = arith.constant 0 : i32
    %c0_i32_1 = arith.constant 0 : i32
    return %c0_i32, %arg0, %c0_i32_0 : i32, i32, i32
  }
  func.func @transform_2(%arg0: i32) -> (i32, i32) {
    %c0_i32 = arith.constant 0 : i32
    %c0_i32_0 = arith.constant 0 : i32
    return %arg0, %c0_i32 : i32, i32
  }
  func.func @transform_3(%arg0: i32) -> (i32, i32, i32) {
    %c0_i32 = arith.constant 0 : i32
    %c0_i32_0 = arith.constant 0 : i32
    %c0_i32_1 = arith.constant 0 : i32
    return %c0_i32, %arg0, %c0_i32_0 : i32, i32, i32
  }
  func.func @transform_4(%arg0: i32) -> (i32, i32) {
    %c0_i32 = arith.constant 0 : i32
    %c0_i32_0 = arith.constant 0 : i32
    %c0_i32_1 = arith.constant 0 : i32
    return %c0_i32, %c0_i32_0 : i32, i32
  }
  func.func @transform_5(%arg0: i32) -> (i32, i32) {
    %c0_i32 = arith.constant 0 : i32
    %c0_i32_0 = arith.constant 0 : i32
    return %arg0, %c0_i32 : i32, i32
  }
}

</mosaic_0001>

<sc_bundles>
// kernel: kernel.11.cloned.1.call-start
scs
__scs_entry_jumppad:
0x0: {  	(pc) =	sbr.rel $0x88, $3  }
0x1: {  	(tag) =	ssettag $0x0;
	lr =	simm.s32 $0x1  }
0x2: {  	[smem:$0x3F96] =	sst lr;
	_ =	strace $0xD0000000  }
0x3: {  	_ = 	snop  }
0x4: {  	_ = 	snop  }
0x5: {  	_ = 	snop  }
0x6: {  	_ = 	snop  }
0x7: {  	_ = 	snop  }
__scs_overlays_trampoline_lowered:
0x8: {  	[smem:$0x3FA5] =	sst s0  }
0x9: {  	[smem:$0x3FA6] =	sst s1  }
0xa: {  	[smem:$0x3FA7] =	sst s2  }
0xb: {  	[smem:$0x3FA8] =	sst s3  }
0xc: {  	[smem:$0x3FA9] =	sst s4  }
0xd: {  	[smem:$0x3FAA] =	sst s5  }
0xe: {  	[smem:$0x3FAB] =	sst s6  }
0xf: {  	[smem:$0x3FAC] =	sst s7  }
0x10: {  	[smem:$0x3FAD] =	sst s8  }
0x11: {  	[smem:$0x3FAE] =	sst s9;
	s0 =	simm.s32 @!p0 $0x0  }
0x12: {  	s1 =	sld [smem:$0x3F94];
	s0 =	simm.s32 @p0 $0x1  }
0x13: {  	[smem:$0x3FAF] =	sst s0;
	s0 =	simm.s32 @!p1 $0x0  }
0x14: {  	s2 =	sld [smem:$0x3F93];
	s0 =	simm.s32 @p1 $0x1  }
0x15: {  	[smem:$0x3FB0] =	sst s0;
	s0 =	simm.s32 @!p2 $0x0  }
0x16: {  	s3 =	sld [smem:$0x3FDB];
	s0 =	simm.s32 @p2 $0x1  }
0x17: {  	s4 =	simm.s32 $0x1BF5;
	[smem:$0x3FB2] =	sst s0  }
0x18: {  	s0 =	sld [smem:$0x3F95];
	_ =	swait.ge [sflag:s4], $0x0  }
0x19: {  	s7 =	sld [smem:$0x3F96]  }
0x1a: {  	s8 =	sadd.s32 $0xFFFFE003, lr  }
0x1b: {  	s9 =	sadd.s32 $0xFFFFFEF7, lr;
	s5 =	simm.s32 $0xFFFFFFFF;
	p2 =	slt.u32 s8, $0xFFFFF086  }
0x1c: {  	p1 =	slt.u32 s9, $0xF7A;
	s5 =	simm.s32 @!p2 $0x0  }
0x1d: {  	s5 =	simm.s32 @p1 $0x1;
	p0 =	seq.s32 s7, s2  }
0x1e: {  	s7 =	smul.u32 @!p0 $0xF7A, s2;
	p2 =	seq.s32 @!p0 s5, $0x0  }
0x1f: {  	s9 =	smul.u32 $0xF7A, s1;
	s8 =	simm.s32 @!p0 $0x1BF5;
	p2 =	por !p2, p0  }
0x20: {  	[sflag:s8] =	ssyncset.s32 @!p0 $0xFFFFF086;
	s6 =	sadd.s32 @!p0 s3, s7;
	s7 =	simm.s32 @!p0 $0x108  }
0x21: {  	s3 =	sadd.s32 s3, s9;
	s6 =	sadd.s32 @!p0 $0x88, s6;
	s7 =	simm.s32 @p2 $0x1082  }
0x22: {  	[simem:s7], [sflag:s8] =	dma.local @!p0 [hbm:s6], $0xF7A  }
0x23: {  	s9 =	sor.u32 $0xD0000000, s2;
	s6 =	simm.s32 $0x108;
	_ =	swait.ge @!p0 [sflag:s8], $0x0  }
0x24: {  	s3 =	sadd.s32 $0x88, s3;
	s6 =	simm.s32 @!p1 $0x1082;
	[sflag:s4] =	ssyncset.s32 $0xFFFFF086  }
0x25: {  	[simem:s6], [sflag:s4] =	dma.local [hbm:s3], $0xF7A  }
0x26: {  	[smem:$0x3F96] =	sst s1;
	(tag) =	ssettag s2;
	_ =	strace s9  }
0x27: {  	s1 =	sld [smem:$0x3FA6]  }
0x28: {  	s2 =	sld [smem:$0x3FA7]  }
0x29: {  	s4 =	sld [smem:$0x3FA9]  }
0x2a: {  	p0 =	seq.s32 s5, $0x0;
	s5 =	sld [smem:$0x3FAA]  }
0x2b: {  	s6 =	sld [smem:$0x3FAB]  }
0x2c: {  	s7 =	sld [smem:$0x3FAC]  }
0x2d: {  	s3 =	simm.s32 $0x108;
	s8 =	sld [smem:$0x3FAD]  }
0x2e: {  	s3 =	simm.s32 @!p0 $0x1082;
	s9 =	sld [smem:$0x3FAE]  }
0x2f: {  	lr =	sadd.s32 s0, s3;
	s0 =	sld [smem:$0x3FA5]  }
0x30: {  	s3 =	sld [smem:$0x3FA8]  }
0x31: {  	[smem:$0x3FB1] =	sst s10  }
0x32: {  	s10 =	sld [smem:$0x3FAF];
	_ =	sdelay $0x3  }
0x33: {  	p0 =	seq.s32 s10, $0x1;
	s10 =	sld [smem:$0x3FB1];
	_ =	sdelay $0x3  }
0x34: {  	[smem:$0x3FB1] =	sst s10  }
0x35: {  	s10 =	sld [smem:$0x3FB0];
	_ =	sdelay $0x3  }
0x36: {  	p1 =	seq.s32 s10, $0x1;
	s10 =	sld [smem:$0x3FB1];
	_ =	sdelay $0x3  }
0x37: {  	[smem:$0x3FB1] =	sst s10  }
0x38: {  	s10 =	sld [smem:$0x3FB2]  }
0x39: {  	_ = 	snop;
	(pc) =	sbr.ind lr, $3  }
0x3a: {  	_ = 	snop  }
0x3b: {  	_ = 	snop  }
0x3c: {  	p2 =	seq.s32 s10, $0x1;
	s10 =	sld [smem:$0x3FB1]  }
0x3d: {  	_ =	shalt  }
0x3e: {  	_ =	shalt  }
0x3f: {  	_ =	shalt  }
0x40: {  	_ =	shalt  }
0x41: {  	_ =	shalt  }
0x42: {  	_ =	shalt  }
0x43: {  	_ =	shalt  }
0x44: {  	_ =	shalt  }
0x45: {  	_ =	shalt  }
0x46: {  	_ =	shalt  }
0x47: {  	_ =	shalt  }
0x48: {  	_ =	shalt  }
0x49: {  	_ =	shalt  }
0x4a: {  	_ =	shalt  }
0x4b: {  	_ =	shalt  }
0x4c: {  	_ =	shalt  }
0x4d: {  	_ =	shalt  }
0x4e: {  	_ =	shalt  }
0x4f: {  	_ =	shalt  }
0x50: {  	_ =	shalt  }
0x51: {  	_ =	shalt  }
0x52: {  	_ =	shalt  }
0x53: {  	_ =	shalt  }
0x54: {  	_ =	shalt  }
0x55: {  	_ =	shalt  }
0x56: {  	_ =	shalt  }
0x57: {  	_ =	shalt  }
0x58: {  	_ =	shalt  }
0x59: {  	_ =	shalt  }
0x5a: {  	_ =	shalt  }
0x5b: {  	_ =	shalt  }
0x5c: {  	_ =	shalt  }
0x5d: {  	_ =	shalt  }
0x5e: {  	_ =	shalt  }
0x5f: {  	_ =	shalt  }
0x60: {  	_ =	shalt  }
0x61: {  	_ =	shalt  }
0x62: {  	_ =	shalt  }
0x63: {  	_ =	shalt  }
0x64: {  	_ =	shalt  }
0x65: {  	_ =	shalt  }
0x66: {  	_ =	shalt  }
0x67: {  	_ =	shalt  }
0x68: {  	_ =	shalt  }
0x69: {  	_ =	shalt  }
0x6a: {  	_ =	shalt  }
0x6b: {  	_ =	shalt  }
0x6c: {  	_ =	shalt  }
0x6d: {  	_ =	shalt  }
0x6e: {  	_ =	shalt  }
0x6f: {  	_ =	shalt  }
0x70: {  	_ =	shalt  }
0x71: {  	_ =	shalt  }
0x72: {  	_ =	shalt  }
0x73: {  	_ =	shalt  }
0x74: {  	_ =	shalt  }
0x75: {  	_ =	shalt  }
0x76: {  	_ =	shalt  }
0x77: {  	_ =	shalt  }
0x78: {  	_ =	shalt  }
0x79: {  	_ =	shalt  }
0x7a: {  	_ =	shalt  }
0x7b: {  	_ =	shalt  }
0x7c: {  	_ =	shalt  }
0x7d: {  	_ =	shalt  }
0x7e: {  	_ =	shalt  }
0x7f: {  	_ =	shalt  }
0x80: {  	_ =	shalt  }
0x81: {  	_ =	shalt  }
0x82: {  	_ =	shalt  }
0x83: {  	_ =	shalt  }
0x84: {  	_ =	shalt  }
0x85: {  	_ =	shalt  }
0x86: {  	_ =	shalt  }
0x87: {  	_ =	shalt  }
.Lfunc_end0:
.L_simem_size_0:
called_computation.1_lowered:
.L_overlay_start_0:
0x88: {  	s2 =	sld [smem:$0x3FD9]  }
0x89: {  	s3 =	sld [smem:$0x3FFE];
	_ =	sdelay $0x1  }
0x8a: {  	s1 =	srdreg.scid  }
0x8b: {  	s0 =	sand.u32 $0x1, s1  }
0x8c: {  	s17 =	sshll.u32 s0, $0xA;
	s2 =	sadd.s32 s3, s2  }
0x8d: {  	s2 =	sadd.s32 s2, s17  }
0x8e: {  	[smem:$0x3FBD] =	sst s2  }
0x8f: {  	_ = 	snop  }
0x90: {  	s18 =	sld [smem:$0x3FD0];
	(tm) =	ssettm $0x1  }
0x91: {  	s19 =	sld [smem:$0x3FFB];
	_ =	sdelay $0x3  }
0x92: {  	_ =	strace s19  }
0x93: {  	s2 =	sld [smem:$0x3FFC];
	_ =	sdelay $0x3  }
0x94: {  	_ =	strace s2  }
0x95: {  	s2 =	sld [smem:$0x3FFD];
	_ =	sdelay $0x3  }
0x96: {  	_ =	strace s2  }
0x97: {  	_ =	strace $0x8FFFFFFF  }
0x98: {  	s20 =	sld [smem:$0x3FDB];
	_ =	sdelay $0x1  }
0x99: {  	s4 =	simm.s32 $_scs_section_size  }
0x9a: {  	s5 =	simm.s32 $_size__tile_overlayer_lowered;
	s6 =	simm.s32 $_tile_overlayer_lowered  }
0x9b: {  	s7 =	simm.s32 $0x1BFF;
	s21 =	sshll.u32 s6, $0x1;
	s4 =	sadd.s32 s4, s20  }
0x9c: {  	s22 =	simm.s32 $0x0;
	s5 =	sshll.u32 s5, $0x1;
	s6 =	sadd.s32 s21, s4  }
0x9d: {  	[timem:s22], [sflag:s7] =	dma.local [hbm:s6], s5  }
0x9e: {  	_ =	swait.ge [sflag:s7], s5  }
0x9f: {  	s5 =	ssub.s32 $0x0, s5;
	[sflag:s7] =	ssyncset.done $0x0  }
0xa0: {  	[sflag:s7] =	ssyncadd.s32 s5;
	_ =	sdelay $0x1  }
0xa1: {  	s23 =	simm.s32 $0x1B8B  }
0xa2: {  	_ =	swait.ge [sflag:s23], $0x1  }
0xa3: {  	[sflag:s23] =	ssyncset.done $0x0  }
0xa4: {  	[sflag:s23] =	ssyncadd.s32 $0xFFFFFFFF  }
0xa5: {  	s5 =	sld [smem:$0x0]  }
0xa6: {  	s6 =	sand.u32 $0xFFFFFFFE, s1  }
0xa7: {  	p0 =	sne.s32 s1, s6  }
0xa8: {  	s6 =	sshll.u32 @p0 s6, $0xE  }
0xa9: {  	s6 =	sadd.s32 @p0 $0x11B8D, s6;
	s7 =	sshll.u32 @p0 s5, $0x11  }
0xaa: {  	s6 =	sor.u32 @p0 s7, s6  }
0xab: {  	[sflag:s6] =	ssyncadd.remote.s32 @p0 $0x1;
	_ =	sdelay $0x1  }
0xac: {  	s6 =	simm.s32 @p0 $0x1B8D  }
0xad: {  	_ =	swait.eq @p0 [sflag:s6], $0x1  }
0xae: {  	[sflag:s6] =	ssyncadd.s32 @p0 $0xFFFFFFFF  }
0xaf: {  	s7 =	sshll.u32 @!p0 s1, $0xE  }
0xb0: {  	s7 =	sor.u32 @!p0 $0x4000, s7;
	s6 =	simm.s32 @!p0 $0x1B8D  }
0xb1: {  	s5 =	sshll.u32 @!p0 s5, $0x11;
	s7 =	sadd.s32 @!p0 $0x11B8D, s7;
	_ =	swait.eq @!p0 [sflag:s6], $0x1  }
0xb2: {  	s5 =	sor.u32 @!p0 s5, s7;
	[sflag:s6] =	ssyncadd.s32 @!p0 $0xFFFFFFFF  }
0xb3: {  	s25 =	simm.s32 $0x1B8E;
	s24 =	sld [smem:$0x3FFE];
	[sflag:s5] =	ssyncadd.remote.s32 @!p0 $0x1  }
0xb4: {  	s26 =	simm.s32 $execute0_lowered;
	[smem:$0x3FD2] =	sst s25  }
0xb5: {  	s6 =	sshll.u32 s26, $0x1;
	_ =	strace $0x80000049;
	[dreg:$0x1] =	wrdreg $0xFFFFFFFF  }
0xb6: {  	s28 =	simm.s32 $_size_execute0_lowered;
	s4 =	sadd.s32 s4, s6;
	[dreg:$0x0] =	wrdreg $0x0  }
0xb7: {  	s6 =	sshll.u32 s28, $0x1;
	[dreg:$0x2] =	wrdreg s4  }
0xb8: {  	[dreg:$0x3] =	wrdreg s6  }
0xb9: {  	[dreg:$0x4] =	wrdreg $0xC0  }
0xba: {  	_ =	task [dreg:s22], $0x5FFFF  }
0xbb: {  	[dreg:$0x1] =	wrdreg $0xFFFFFFFF  }
0xbc: {  	[dreg:$0x0] =	wrdreg $0x60  }
0xbd: {  	[dreg:$0x2] =	wrdreg s18  }
0xbe: {  	[dreg:$0x3] =	wrdreg s24  }
0xbf: {  	[dreg:$0x4] =	wrdreg $0x0  }
0xc0: {  	[dreg:$0x5] =	wrdreg $0xA  }
0xc1: {  	_ =	task.clear_ibuf [dreg:s22], $0x6FFFF;
	_ =	strace $0x90000049  }
0xc2: {  	s29 =	simm.s32 $0xA;
	_ =	strace $0x8000004B  }
0xc3: {  	_ =	swait.ge [sflag:s29], $0x1  }
0xc4: {  	[sflag:s29] =	ssyncadd.s32 $0xFFFFFFFF  }
0xc5: {  	_ =	strace $0x9000004B  }
0xc6: {  	_ =	sfence  }
0xc7: {  	s30 =	sld [smem:$0x0];
	_ =	sdelay $0x2  }
0xc8: {  	s31 =	sshll.u32 s1, $0xD;
	s1 =	sshrl.u32 s1, $0x2  }
0xc9: {  	s4 =	sand.u32 $0x4000, s31;
	s1 =	sadd.s32 s1, s30  }
0xca: {  	s0 =	sor.u32 s4, s0;
	s1 =	sshll.u32 s1, $0x11  }
0xcb: {  	s0 =	sor.u32 s1, s0  }
0xcc: {  	s0 =	sadd.s32 $0x8F2B, s0  }
0xcd: {  	[sflag:s0] =	ssyncadd.remote.s32 $0x1  }
0xce: {  	_ =	sfence.sel $0xFFFF  }
0xcf: {  	[dreg:$0x0] =	wrdreg $0xFFFFFFFF;
	(pc) =	sbr.abs _section_cstart, $3  }
0xd0: {  	[dreg:$0x1] =	wrdreg $0xFFFFFFFF  }
0xd1: {  	_ =	task.clear_ibuf [dreg:s22], $0x2FFFF;
	_ =	strace $0x9FFFFFFF  }
0xd2: {  	(tm) =	ssettm $0x7FFFFFFF  }
0xd3: {  	_ =	shalt  }
tec
execute0_lowered:
.L_overlay_start_1:
0x0: {  	(tag) =	ssettag $0x1  }
0x1: {  	s1 =	rddreg [dreg:$0x0]  }
0x2: {  	s0 =	srdreg.scid;
	s2 =	rddreg [dreg:$0x1]  }
0x3: {  	s7 =	stileid.u32;
	s3 =	rddreg [dreg:$0x2]  }
0x4: {  	s29 =	simm.s32 $0x64;
	s30 =	simm.s32 $0x1C340;
	s31 =	simm.s32 $0x1  }
0x5: {  	s0 =	sand.u32 $0x1, s0;
	s4 =	sshll.u32 s7, $0x1;
	s13 =	smul.u32 $0x14000, s7  }
0x6: {  	s5 =	sor.u32 s0, s4;
	s6 =	ssub.s32 $0x2, s0;
	s0 =	smul.u32 $0x140000, s0  }
0x7: {  	s28 =	simm.s32 $0x0;
	s4 =	simm.s32 $0x0;
	s5 =	smul.u32 $0x28A0, s5  }
0x8: {  	[smem:$0x7FF] =	sst s4;
	s15 =	sshrl.u32 s6, $0x1;
	s17 =	sadd.s32 $0x5000, s13  }
0x9: {  	s18 =	sadd.s32 $0x7800, s13;
	s19 =	sadd.s32 $0xA000, s13;
	s20 =	sadd.s32 $0xC800, s13  }
0xa: {  	s21 =	sadd.s32 $0xF000, s13;
	s22 =	sadd.s32 $0x11800, s13;
	_ =	strace $0x8000004A  }
0xb: {  	s23 =	ssub.s32 s6, s15;
	s15 =	sor.u32 $0x2800, s13;
	s7 =	sadd.s32 s17, s3  }
0xc: {  	s8 =	sadd.s32 s18, s3;
	s9 =	sadd.s32 s19, s3;
	s10 =	sadd.s32 s20, s3  }
0xd: {  	s11 =	sadd.s32 s21, s3;
	s12 =	sadd.s32 s22, s3;
	s25 =	sadd.s32 s0, s17  }
0xe: {  	s26 =	sadd.s32 s0, s18;
	s5 =	sshrl.u32 s5, $0x3;
	s6 =	sadd.s32 s15, s3  }
0xf: {  	s15 =	sadd.s32 s0, s15;
	s14 =	sadd.s32 s5, s2;
	s2 =	sadd.s32 $0x19200, s2  }
0x10: {  	s5 =	sadd.s32 s13, s3;
	s13 =	sadd.s32 s13, s0;
	s16 =	sadd.s32 $0x4200, s14  }
0x11: {  	s14 =	sadd.s32 $0xE480, s14;
	s13 =	sshrl.u32 s13, $0x3;
	[dreg:$0x4] =	wrdreg s16  }
0x12: {  	s23 =	smax.u32 s23, $0x1;
	[dreg:$0x5] =	wrdreg s14;
	s13 =	sadd.s32 s2, s13  }
0x13: {  	s16 =	sshrl.u32 s15, $0x3;
	s15 =	sadd.s32 s0, s19;
	[dreg:$0x6] =	wrdreg s13  }
0x14: {  	s24 =	sadd.s32 s2, s16;
	s13 =	sshrl.u32 s25, $0x3;
	s16 =	sshrl.u32 s26, $0x3  }
0x15: {  	s19 =	sshrl.u32 s15, $0x3;
	s25 =	sadd.s32 s0, s21;
	[dreg:$0x7] =	wrdreg s24  }
0x16: {  	s17 =	sadd.s32 s2, s13;
	s18 =	sadd.s32 s2, s16;
	s19 =	sadd.s32 s2, s19  }
0x17: {  	s24 =	sadd.s32 s0, s20;
	s0 =	sadd.s32 s0, s22;
	s26 =	sshrl.u32 s25, $0x3  }
0x18: {  	s25 =	simm.s32 $0x3;
	s13 =	sshrl.u32 s24, $0x3;
	s0 =	sshrl.u32 s0, $0x3  }
0x19: {  	s21 =	sadd.s32 s2, s26;
	s24 =	simm.s32 $0x19140;
	s26 =	simm.s32 $0x14000  }
0x1a: {  	v0 =	vimm.f32 $0.0e+00;
	s20 =	sadd.s32 s2, s13;
	s22 =	sadd.s32 s2, s0;
	s2 =	simm.s32 $0x2  }
.LBB2_1:
0x1b: {  	s0 =	sand.u32 $0xFE00, s4  }
0x1c: {  	s13 =	sand.u32 $0x70, s4;
	s14 =	sshrl.u32 s0, $0x2  }
0x1d: {  	s0 =	simm.s32 $0x40;
	s14 =	sor.u32 s13, s14;
	s13 =	simm.s32 $0x0  }
.LBB2_2:
0x1e: {  	p0 =	sne.s32 s0, $0x9FC0  }
0x1f: {  	[tilespmem:s14+$0x19140] =	vst v0;
	s13 =	sadd.s32 $0x10, s13;
	s14 =	smov.u32 s0;
	s0 =	sadd.s32 $0x40, s0  }
.Ltmp0:
0x20: {  	(pc) =	sbr.rel @p0 .LBB2_2-.Ltmp0, $4  }
0x21: {  	_ = 	snop  }
0x22: {  	s14 =	sand.u32 $0xFE00, s14  }
0x23: {  	s15 =	sand.u32 $0x70, s13;
	s14 =	sshrl.u32 s14, $0x2  }
0x24: {  	s14 =	sor.u32 s15, s14  }
0x25: {  	[tilespmem:s14+$0x19140] =	vst v0  }
0x26: {  	[spmem:s5] =	stream.linear.scatter [tilespmem:s24], [sflag:$0x3], $0x2800, $0x38;
	[tilespmem:$0x1F540] =	vst v63  }
0x27: {  	_ =	swait.ge [sflag:s25], $0x2800  }
0x28: {  	[sflag:s25] =	ssyncset.done $0x0  }
0x29: {  	[sflag:s25] =	ssyncadd.s32 $0xFFFFD800  }
0x2a: {  	[spmem:s6] =	stream.linear.scatter [tilespmem:s24], [sflag:$0x3], $0x2800, $0x38;
	[tilespmem:$0x1F540] =	vst v63  }
0x2b: {  	_ =	swait.ge [sflag:s25], $0x2800  }
0x2c: {  	[sflag:s25] =	ssyncset.done $0x0  }
0x2d: {  	[sflag:s25] =	ssyncadd.s32 $0xFFFFD800  }
0x2e: {  	[spmem:s7] =	stream.linear.scatter [tilespmem:s24], [sflag:$0x3], $0x2800, $0x38;
	[tilespmem:$0x1F540] =	vst v63  }
0x2f: {  	_ =	swait.ge [sflag:s25], $0x2800  }
0x30: {  	[sflag:s25] =	ssyncset.done $0x0  }
0x31: {  	[sflag:s25] =	ssyncadd.s32 $0xFFFFD800  }
0x32: {  	[spmem:s8] =	stream.linear.scatter [tilespmem:s24], [sflag:$0x3], $0x2800, $0x38;
	[tilespmem:$0x1F540] =	vst v63  }
0x33: {  	_ =	swait.ge [sflag:s25], $0x2800  }
0x34: {  	[sflag:s25] =	ssyncset.done $0x0  }
0x35: {  	[sflag:s25] =	ssyncadd.s32 $0xFFFFD800  }
0x36: {  	[spmem:s9] =	stream.linear.scatter [tilespmem:s24], [sflag:$0x3], $0x2800, $0x38;
	[tilespmem:$0x1F540] =	vst v63  }
0x37: {  	_ =	swait.ge [sflag:s25], $0x2800  }
0x38: {  	[sflag:s25] =	ssyncset.done $0x0  }
0x39: {  	[sflag:s25] =	ssyncadd.s32 $0xFFFFD800  }
0x3a: {  	[spmem:s10] =	stream.linear.scatter [tilespmem:s24], [sflag:$0x3], $0x2800, $0x38;
	[tilespmem:$0x1F540] =	vst v63  }
0x3b: {  	_ =	swait.ge [sflag:s25], $0x2800  }
0x3c: {  	[sflag:s25] =	ssyncset.done $0x0  }
0x3d: {  	[sflag:s25] =	ssyncadd.s32 $0xFFFFD800  }
0x3e: {  	[spmem:s11] =	stream.linear.scatter [tilespmem:s24], [sflag:$0x3], $0x2800, $0x38;
	[tilespmem:$0x1F540] =	vst v63  }
0x3f: {  	_ =	swait.ge [sflag:s25], $0x2800  }
0x40: {  	[sflag:s25] =	ssyncset.done $0x0  }
0x41: {  	[sflag:s25] =	ssyncadd.s32 $0xFFFFD800  }
0x42: {  	[spmem:s12] =	stream.linear.scatter [tilespmem:s24], [sflag:$0x3], $0x2800, $0x38;
	[tilespmem:$0x1F540] =	vst v63  }
0x43: {  	_ =	swait.ge [sflag:s25], $0x2800  }
0x44: {  	[sflag:s25] =	ssyncset.done $0x0  }
0x45: {  	s0 =	simm.s32 $0x0;
	s13 =	rddreg [dreg:$0x4];
	[sflag:s25] =	ssyncadd.s32 $0xFFFFD800  }
0x46: {  	[tilespmem:s26], [sflag:$0x3] =	stream.linear.gather [hbm4b:s13+s0], $0x28A0, $0x38;
	[tilespmem:$0x1F540] =	vst v63  }
0x47: {  	_ =	swait.ge [sflag:s25], $0x28A0  }
0x48: {  	[sflag:s25] =	ssyncset.done $0x0  }
0x49: {  	s16 =	simm.s32 $0x168A0;
	s15 =	rddreg [dreg:$0x5];
	[sflag:s25] =	ssyncadd.s32 $0xFFFFD760  }
0x4a: {  	[tilespmem:s16], [sflag:$0x3] =	stream.linear.gather [hbm4b:s15+s0], $0x28A0, $0x38;
	[tilespmem:$0x1F540] =	vst v63  }
0x4b: {  	_ =	swait.ge [sflag:s25], $0x28A0  }
0x4c: {  	[sflag:s25] =	ssyncset.done $0x0  }
0x4d: {  	[sflag:s25] =	ssyncadd.s32 $0xFFFFD760  }
0x4e: {  	[bflag:$0x0] =	sbarrier.arrive $0xFFFF  }
0x4f: {  	[tilespmem:s24], [sflag:$0x1] =	stream.indirect.gather [hbm4b:s1+s29], $0x80, s26, s29, $0xb8;
	[tilespmem:$0x1F540] =	vst v63  }
0x50: {  	s13 =	simm.s32 $0x14068  }
0x51: {  	[tilespmem:s30], [sflag:$0x2] =	stream.indirect.gather [hbm4b:s1+s29], $0x80, s13, s29, $0xb8;
	[tilespmem:$0x1F540] =	vst v63  }
0x52: {  	_ =	swait.ge [sflag:s31], $0x3200  }
0x53: {  	[sflag:s31] =	ssyncset.done $0x0  }
0x54: {  	s14 =	simm.s32 $0x168A0;
	[sflag:s31] =	ssyncadd.s32 $0xFFFFCE00  }
0x55: {  	[spmem:s3] =	stream.indirect.scatter.add.f32 [tilespmem:s24], [sflag:$0x3], $0x80, s14, s29, $0xb8;
	[tilespmem:$0x1F540] =	vst v63  }
0x56: {  	_ =	swait.ge [sflag:s25], $0x3200  }
0x57: {  	[sflag:s25] =	ssyncset.done $0x0  }
0x58: {  	s15 =	simm.s32 $0x140D0;
	[sflag:s25] =	ssyncadd.s32 $0xFFFFCE00  }
0x59: {  	[tilespmem:s24], [sflag:$0x1] =	stream.indirect.gather [hbm4b:s1+s29], $0x80, s15, s29, $0xb8;
	[tilespmem:$0x1F540] =	vst v63  }
0x5a: {  	_ =	swait.ge [sflag:s2], $0x3200  }
0x5b: {  	[sflag:s2] =	ssyncset.done $0x0  }
0x5c: {  	s16 =	simm.s32 $0x16908;
	[sflag:s2] =	ssyncadd.s32 $0xFFFFCE00  }
0x5d: {  	[spmem:s3] =	stream.indirect.scatter.add.f32 [tilespmem:s30], [sflag:$0x3], $0x80, s16, s29, $0xb8;
	[tilespmem:$0x1F540] =	vst v63  }
0x5e: {  	_ =	swait.ge [sflag:s25], $0x3200  }
0x5f: {  	s0 =	simm.s32 $0xD0;
	s13 =	simm.s32 $0x680;
	[sflag:s25] =	ssyncset.done $0x0  }
.LBB2_4:
0x60: {  	s14 =	sadd.s32 $0x14068, s0  }
0x61: {  	[sflag:s25] =	ssyncadd.s32 $0xFFFFCE00;
	s15 =	smov.u32 s13;
	s16 =	sadd.s32 $0x340, s13  }
0x62: {  	[tilespmem:s30], [sflag:$0x2] =	stream.indirect.gather [hbm4b:s1+s29], $0x80, s14, s29, $0xb8;
	[tilespmem:$0x1F540] =	vst v63  }
0x63: {  	p0 =	sne.s32 s13, $0x9C00;
	_ =	swait.ge [sflag:s31], $0x3200  }
0x64: {  	[sflag:s31] =	ssyncset.done $0x0  }
0x65: {  	s13 =	sadd.s32 $0x168A0, s0;
	[sflag:s31] =	ssyncadd.s32 $0xFFFFCE00  }
0x66: {  	[spmem:s3] =	stream.indirect.scatter.add.f32 [tilespmem:s24], [sflag:$0x3], $0x80, s13, s29, $0xb8;
	[tilespmem:$0x1F540] =	vst v63  }
0x67: {  	_ =	swait.ge [sflag:s25], $0x3200  }
0x68: {  	[sflag:s25] =	ssyncset.done $0x0  }
0x69: {  	s13 =	sadd.s32 $0x140D0, s0;
	[sflag:s25] =	ssyncadd.s32 $0xFFFFCE00  }
0x6a: {  	[tilespmem:s24], [sflag:$0x1] =	stream.indirect.gather [hbm4b:s1+s29], $0x80, s13, s29, $0xb8;
	[tilespmem:$0x1F540] =	vst v63  }
0x6b: {  	_ =	swait.ge [sflag:s2], $0x3200  }
.Ltmp1:
0x6c: {  	[sflag:s2] =	ssyncset.done $0x0;
	(pc) =	sbr.rel @p0 .LBB2_4-.Ltmp1, $4  }
0x6d: {  	s0 =	sadd.s32 $0x16908, s0;
	[sflag:s2] =	ssyncadd.s32 $0xFFFFCE00  }
0x6e: {  	[spmem:s3] =	stream.indirect.scatter.add.f32 [tilespmem:s30], [sflag:$0x3], $0x80, s0, s29, $0xb8;
	[tilespmem:$0x1F540] =	vst v63  }
0x6f: {  	_ =	swait.ge [sflag:s25], $0x3200  }
0x70: {  	s13 =	smov.u32 s16;
	s0 =	sshra.s32 s15, $0x2;
	[sflag:s25] =	ssyncset.done $0x0  }
0x71: {  	s13 =	sadd.s32 $0x14068, s0;
	[sflag:s25] =	ssyncadd.s32 $0xFFFFCE00  }
0x72: {  	[tilespmem:s30], [sflag:$0x2] =	stream.indirect.gather [hbm4b:s1+s29], $0x80, s13, s29, $0xb8;
	[tilespmem:$0x1F540] =	vst v63  }
0x73: {  	_ =	swait.ge [sflag:s31], $0x3200  }
0x74: {  	[sflag:s31] =	ssyncset.done $0x0  }
0x75: {  	s16 =	sadd.s32 $0x168A0, s0;
	[sflag:s31] =	ssyncadd.s32 $0xFFFFCE00  }
0x76: {  	[spmem:s3] =	stream.indirect.scatter.add.f32 [tilespmem:s24], [sflag:$0x3], $0x80, s16, s29, $0xb8;
	[tilespmem:$0x1F540] =	vst v63  }
0x77: {  	_ =	swait.ge [sflag:s25], $0x3200  }
0x78: {  	[sflag:s25] =	ssyncset.done $0x0  }
0x79: {  	s14 =	sadd.s32 $0x140D0, s0;
	[sflag:s25] =	ssyncadd.s32 $0xFFFFCE00  }
0x7a: {  	[tilespmem:s24], [sflag:$0x1] =	stream.indirect.gather [hbm4b:s1+s29], $0x80, s14, s29, $0xb8;
	[tilespmem:$0x1F540] =	vst v63  }
0x7b: {  	_ =	swait.ge [sflag:s2], $0x3200  }
0x7c: {  	[sflag:s2] =	ssyncset.done $0x0  }
0x7d: {  	s15 =	sadd.s32 $0x16908, s0;
	[sflag:s2] =	ssyncadd.s32 $0xFFFFCE00  }
0x7e: {  	[spmem:s3] =	stream.indirect.scatter.add.f32 [tilespmem:s30], [sflag:$0x3], $0x80, s15, s29, $0xb8;
	[tilespmem:$0x1F540] =	vst v63  }
0x7f: {  	_ =	swait.ge [sflag:s25], $0x3200  }
0x80: {  	[sflag:s25] =	ssyncset.done $0x0  }
0x81: {  	s16 =	simm.s32 $0x16838;
	[sflag:s25] =	ssyncadd.s32 $0xFFFFCE00  }
0x82: {  	[tilespmem:s30], [sflag:$0x2] =	stream.indirect.gather [hbm4b:s1+s29], $0x80, s16, s29, $0xb8;
	[tilespmem:$0x1F540] =	vst v63  }
0x83: {  	_ =	swait.ge [sflag:s31], $0x3200  }
0x84: {  	[sflag:s31] =	ssyncset.done $0x0  }
0x85: {  	s13 =	simm.s32 $0x19070;
	[sflag:s31] =	ssyncadd.s32 $0xFFFFCE00  }
0x86: {  	[spmem:s3] =	stream.indirect.scatter.add.f32 [tilespmem:s24], [sflag:$0x3], $0x80, s13, s29, $0xb8;
	[tilespmem:$0x1F540] =	vst v63  }
0x87: {  	_ =	swait.ge [sflag:s25], $0x3200  }
0x88: {  	[sflag:s25] =	ssyncset.done $0x0  }
0x89: {  	[sflag:s25] =	ssyncadd.s32 $0xFFFFCE00  }
0x8a: {  	_ =	swait.ge [sflag:s2], $0x3200  }
0x8b: {  	[sflag:s2] =	ssyncset.done $0x0  }
0x8c: {  	s14 =	simm.s32 $0x190D8;
	[sflag:s2] =	ssyncadd.s32 $0xFFFFCE00  }
0x8d: {  	[spmem:s3] =	stream.indirect.scatter.add.f32 [tilespmem:s30], [sflag:$0x3], $0x80, s14, s29, $0xb8;
	[tilespmem:$0x1F540] =	vst v63  }
0x8e: {  	_ =	swait.ge [sflag:s25], $0x3200  }
0x8f: {  	[sflag:s25] =	ssyncset.done $0x0  }
0x90: {  	[sflag:s25] =	ssyncadd.s32 $0xFFFFCE00  }
0x91: {  	[bflag:$0x0] =	sbarrier.arrive $0xFFFF  }
0x92: {  	[tilespmem:s24], [sflag:$0x3] =	stream.linear.gather [spmem:s5], $0x2800, $0x38;
	[tilespmem:$0x1F540] =	vst v63  }
0x93: {  	_ =	swait.ge [sflag:s25], $0x2800  }
0x94: {  	[sflag:s25] =	ssyncset.done $0x0  }
0x95: {  	s15 =	rddreg [dreg:$0x6];
	[sflag:s25] =	ssyncadd.s32 $0xFFFFD800  }
0x96: {  	[hbm4b:s15+s4] =	stream.linear.scatter [tilespmem:s24], [sflag:$0x3], $0x2800, $0x38;
	[tilespmem:$0x1F540] =	vst v63  }
0x97: {  	_ =	swait.ge [sflag:s25], $0x2800  }
0x98: {  	[sflag:s25] =	ssyncset.done $0x0  }
0x99: {  	[sflag:s25] =	ssyncadd.s32 $0xFFFFD800  }
0x9a: {  	[tilespmem:s24], [sflag:$0x3] =	stream.linear.gather [spmem:s6], $0x2800, $0x38;
	[tilespmem:$0x1F540] =	vst v63  }
0x9b: {  	_ =	swait.ge [sflag:s25], $0x2800  }
0x9c: {  	[sflag:s25] =	ssyncset.done $0x0  }
0x9d: {  	s16 =	rddreg [dreg:$0x7];
	[sflag:s25] =	ssyncadd.s32 $0xFFFFD800  }
0x9e: {  	[hbm4b:s16+s4] =	stream.linear.scatter [tilespmem:s24], [sflag:$0x3], $0x2800, $0x38;
	[tilespmem:$0x1F540] =	vst v63  }
0x9f: {  	_ =	swait.ge [sflag:s25], $0x2800  }
0xa0: {  	[sflag:s25] =	ssyncset.done $0x0  }
0xa1: {  	[sflag:s25] =	ssyncadd.s32 $0xFFFFD800  }
0xa2: {  	[tilespmem:s24], [sflag:$0x3] =	stream.linear.gather [spmem:s7], $0x2800, $0x38;
	[tilespmem:$0x1F540] =	vst v63  }
0xa3: {  	_ =	swait.ge [sflag:s25], $0x2800  }
0xa4: {  	[sflag:s25] =	ssyncset.done $0x0  }
0xa5: {  	[sflag:s25] =	ssyncadd.s32 $0xFFFFD800  }
0xa6: {  	[hbm4b:s17+s4] =	stream.linear.scatter [tilespmem:s24], [sflag:$0x3], $0x2800, $0x38;
	[tilespmem:$0x1F540] =	vst v63  }
0xa7: {  	_ =	swait.ge [sflag:s25], $0x2800  }
0xa8: {  	[sflag:s25] =	ssyncset.done $0x0  }
0xa9: {  	[sflag:s25] =	ssyncadd.s32 $0xFFFFD800  }
0xaa: {  	[tilespmem:s24], [sflag:$0x3] =	stream.linear.gather [spmem:s8], $0x2800, $0x38;
	[tilespmem:$0x1F540] =	vst v63  }
0xab: {  	_ =	swait.ge [sflag:s25], $0x2800  }
0xac: {  	[sflag:s25] =	ssyncset.done $0x0  }
0xad: {  	[sflag:s25] =	ssyncadd.s32 $0xFFFFD800  }
0xae: {  	[hbm4b:s18+s4] =	stream.linear.scatter [tilespmem:s24], [sflag:$0x3], $0x2800, $0x38;
	[tilespmem:$0x1F540] =	vst v63  }
0xaf: {  	_ =	swait.ge [sflag:s25], $0x2800  }
0xb0: {  	[sflag:s25] =	ssyncset.done $0x0  }
0xb1: {  	[sflag:s25] =	ssyncadd.s32 $0xFFFFD800  }
0xb2: {  	[tilespmem:s24], [sflag:$0x3] =	stream.linear.gather [spmem:s9], $0x2800, $0x38;
	[tilespmem:$0x1F540] =	vst v63  }
0xb3: {  	_ =	swait.ge [sflag:s25], $0x2800  }
0xb4: {  	[sflag:s25] =	ssyncset.done $0x0  }
0xb5: {  	[sflag:s25] =	ssyncadd.s32 $0xFFFFD800  }
0xb6: {  	[hbm4b:s19+s4] =	stream.linear.scatter [tilespmem:s24], [sflag:$0x3], $0x2800, $0x38;
	[tilespmem:$0x1F540] =	vst v63  }
0xb7: {  	_ =	swait.ge [sflag:s25], $0x2800  }
0xb8: {  	[sflag:s25] =	ssyncset.done $0x0  }
0xb9: {  	[sflag:s25] =	ssyncadd.s32 $0xFFFFD800  }
0xba: {  	[tilespmem:s24], [sflag:$0x3] =	stream.linear.gather [spmem:s10], $0x2800, $0x38;
	[tilespmem:$0x1F540] =	vst v63  }
0xbb: {  	_ =	swait.ge [sflag:s25], $0x2800  }
0xbc: {  	[sflag:s25] =	ssyncset.done $0x0  }
0xbd: {  	[sflag:s25] =	ssyncadd.s32 $0xFFFFD800  }
0xbe: {  	[hbm4b:s20+s4] =	stream.linear.scatter [tilespmem:s24], [sflag:$0x3], $0x2800, $0x38;
	[tilespmem:$0x1F540] =	vst v63  }
0xbf: {  	_ =	swait.ge [sflag:s25], $0x2800  }
0xc0: {  	[sflag:s25] =	ssyncset.done $0x0  }
0xc1: {  	[sflag:s25] =	ssyncadd.s32 $0xFFFFD800  }
0xc2: {  	[tilespmem:s24], [sflag:$0x3] =	stream.linear.gather [spmem:s11], $0x2800, $0x38;
	[tilespmem:$0x1F540] =	vst v63  }
0xc3: {  	_ =	swait.ge [sflag:s25], $0x2800  }
0xc4: {  	[sflag:s25] =	ssyncset.done $0x0  }
0xc5: {  	[sflag:s25] =	ssyncadd.s32 $0xFFFFD800  }
0xc6: {  	[hbm4b:s21+s4] =	stream.linear.scatter [tilespmem:s24], [sflag:$0x3], $0x2800, $0x38;
	[tilespmem:$0x1F540] =	vst v63  }
0xc7: {  	_ =	swait.ge [sflag:s25], $0x2800  }
0xc8: {  	[sflag:s25] =	ssyncset.done $0x0  }
0xc9: {  	[sflag:s25] =	ssyncadd.s32 $0xFFFFD800  }
0xca: {  	[tilespmem:s24], [sflag:$0x3] =	stream.linear.gather [spmem:s12], $0x2800, $0x38;
	[tilespmem:$0x1F540] =	vst v63  }
0xcb: {  	s28 =	sadd.s32 $0x1, s28;
	_ =	swait.ge [sflag:s25], $0x2800  }
0xcc: {  	p0 =	sne.s32 s28, s23;
	[sflag:s25] =	ssyncset.done $0x0  }
.Ltmp2:
0xcd: {  	[sflag:s25] =	ssyncadd.s32 $0xFFFFD800;
	(pc) =	sbr.rel @p0 .LBB2_1-.Ltmp2, $4  }
0xce: {  	[hbm4b:s22+s4] =	stream.linear.scatter [tilespmem:s24], [sflag:$0x3], $0x2800, $0x38;
	[tilespmem:$0x1F540] =	vst v63  }
0xcf: {  	_ =	swait.ge [sflag:s25], $0x2800  }
0xd0: {  	[sflag:s25] =	ssyncset.done $0x0  }
0xd1: {  	[sflag:s25] =	ssyncadd.s32 $0xFFFFD800  }
0xd2: {  	_ =	sfence.sel $0x180000  }
0xd3: {  	[bflag:$0x0] =	sbarrier.arrive $0xFFFF  }
0xd4: {  	_ =	strace $0x9000004A  }
0xd5: {  	s0 =	stileid.u32;
	[bflag:$0x2] =	sbarrier.arrive $0xFFFF  }
0xd6: {  	p0 =	sne.s32 s0, $0x0;
	s0 =	rddreg [dreg:$0x3]  }
0xd7: {  	s0 =	sadd.s32 @!p0 $0x100000, s0  }
0xd8: {  	[sflag:s0] =	ssyncadd.tile.s32 @!p0 $0x1;
	_ =	shalt  }
.Lfunc_end2:
_tile_overlayer_lowered:
.L_overlay_start_2:
0xd9: {  	(tag) =	ssettag $0x2  }
0xda: {  	s0 =	rddreg [dreg:$0x0];
	s2 =	stileid.u32  }
0xdb: {  	s1 =	rddreg [dreg:$0x1];
	p0 =	sne.s32 s2, $0x0  }
0xdc: {  	s3 =	rddreg [dreg:$0x2];
	[bflag:$0x3] =	sbarrier.arrive $0xFFFF;
	s2 =	simm.s32 @!p0 $0x1C03  }
0xdd: {  	[timem:s3], [sflag:s2] =	dma.local @!p0 [hbm:s0], s1  }
0xde: {  	s0 =	simm.s32 @!p0 $0x3  }
0xdf: {  	_ =	swait.ge @!p0 [sflag:s0], s1  }
0xe0: {  	s1 =	ssub.s32 @!p0 $0x0, s1;
	[sflag:s0] =	ssyncset.done @!p0 $0x0  }
0xe1: {  	[sflag:s0] =	ssyncadd.s32 @!p0 s1  }
0xe2: {  	[bflag:$0x3] =	sbarrier.arrive $0xFFFF  }
0xe3: {  	_ =	shalt  }

// kernel: kernel.14.cloned.1.call-start
scs
__scs_entry_jumppad:
0x0: {  	(pc) =	sbr.rel $0x88, $3  }
0x1: {  	(tag) =	ssettag $0x0;
	lr =	simm.s32 $0x1  }
0x2: {  	[smem:$0x3F96] =	sst lr;
	_ =	strace $0xD0000000  }
0x3: {  	_ = 	snop  }
0x4: {  	_ = 	snop  }
0x5: {  	_ = 	snop  }
0x6: {  	_ = 	snop  }
0x7: {  	_ = 	snop  }
__scs_overlays_trampoline_lowered:
0x8: {  	[smem:$0x3FA5] =	sst s0  }
0x9: {  	[smem:$0x3FA6] =	sst s1  }
0xa: {  	[smem:$0x3FA7] =	sst s2  }
0xb: {  	[smem:$0x3FA8] =	sst s3  }
0xc: {  	[smem:$0x3FA9] =	sst s4  }
0xd: {  	[smem:$0x3FAA] =	sst s5  }
0xe: {  	[smem:$0x3FAB] =	sst s6  }
0xf: {  	[smem:$0x3FAC] =	sst s7  }
0x10: {  	[smem:$0x3FAD] =	sst s8  }
0x11: {  	[smem:$0x3FAE] =	sst s9;
	s0 =	simm.s32 @!p0 $0x0  }
0x12: {  	s1 =	sld [smem:$0x3F94];
	s0 =	simm.s32 @p0 $0x1  }
0x13: {  	[smem:$0x3FAF] =	sst s0;
	s0 =	simm.s32 @!p1 $0x0  }
0x14: {  	s2 =	sld [smem:$0x3F93];
	s0 =	simm.s32 @p1 $0x1  }
0x15: {  	[smem:$0x3FB0] =	sst s0;
	s0 =	simm.s32 @!p2 $0x0  }
0x16: {  	s3 =	sld [smem:$0x3FDB];
	s0 =	simm.s32 @p2 $0x1  }
0x17: {  	s4 =	simm.s32 $0x1BF5;
	[smem:$0x3FB2] =	sst s0  }
0x18: {  	s0 =	sld [smem:$0x3F95];
	_ =	swait.ge [sflag:s4], $0x0  }
0x19: {  	s7 =	sld [smem:$0x3F96]  }
0x1a: {  	s8 =	sadd.s32 $0xFFFFE003, lr  }
0x1b: {  	s9 =	sadd.s32 $0xFFFFFEF7, lr;
	s5 =	simm.s32 $0xFFFFFFFF;
	p2 =	slt.u32 s8, $0xFFFFF086  }
0x1c: {  	p1 =	slt.u32 s9, $0xF7A;
	s5 =	simm.s32 @!p2 $0x0  }
0x1d: {  	s5 =	simm.s32 @p1 $0x1;
	p0 =	seq.s32 s7, s2  }
0x1e: {  	s7 =	smul.u32 @!p0 $0xF7A, s2;
	p2 =	seq.s32 @!p0 s5, $0x0  }
0x1f: {  	s9 =	smul.u32 $0xF7A, s1;
	s8 =	simm.s32 @!p0 $0x1BF5;
	p2 =	por !p2, p0  }
0x20: {  	[sflag:s8] =	ssyncset.s32 @!p0 $0xFFFFF086;
	s6 =	sadd.s32 @!p0 s3, s7;
	s7 =	simm.s32 @!p0 $0x108  }
0x21: {  	s3 =	sadd.s32 s3, s9;
	s6 =	sadd.s32 @!p0 $0x88, s6;
	s7 =	simm.s32 @p2 $0x1082  }
0x22: {  	[simem:s7], [sflag:s8] =	dma.local @!p0 [hbm:s6], $0xF7A  }
0x23: {  	s9 =	sor.u32 $0xD0000000, s2;
	s6 =	simm.s32 $0x108;
	_ =	swait.ge @!p0 [sflag:s8], $0x0  }
0x24: {  	s3 =	sadd.s32 $0x88, s3;
	s6 =	simm.s32 @!p1 $0x1082;
	[sflag:s4] =	ssyncset.s32 $0xFFFFF086  }
0x25: {  	[simem:s6], [sflag:s4] =	dma.local [hbm:s3], $0xF7A  }
0x26: {  	[smem:$0x3F96] =	sst s1;
	(tag) =	ssettag s2;
	_ =	strace s9  }
0x27: {  	s1 =	sld [smem:$0x3FA6]  }
0x28: {  	s2 =	sld [smem:$0x3FA7]  }
0x29: {  	s4 =	sld [smem:$0x3FA9]  }
0x2a: {  	p0 =	seq.s32 s5, $0x0;
	s5 =	sld [smem:$0x3FAA]  }
0x2b: {  	s6 =	sld [smem:$0x3FAB]  }
0x2c: {  	s7 =	sld [smem:$0x3FAC]  }
0x2d: {  	s3 =	simm.s32 $0x108;
	s8 =	sld [smem:$0x3FAD]  }
0x2e: {  	s3 =	simm.s32 @!p0 $0x1082;
	s9 =	sld [smem:$0x3FAE]  }
0x2f: {  	lr =	sadd.s32 s0, s3;
	s0 =	sld [smem:$0x3FA5]  }
0x30: {  	s3 =	sld [smem:$0x3FA8]  }
0x31: {  	[smem:$0x3FB1] =	sst s10  }
0x32: {  	s10 =	sld [smem:$0x3FAF];
	_ =	sdelay $0x3  }
0x33: {  	p0 =	seq.s32 s10, $0x1;
	s10 =	sld [smem:$0x3FB1];
	_ =	sdelay $0x3  }
0x34: {  	[smem:$0x3FB1] =	sst s10  }
0x35: {  	s10 =	sld [smem:$0x3FB0];
	_ =	sdelay $0x3  }
0x36: {  	p1 =	seq.s32 s10, $0x1;
	s10 =	sld [smem:$0x3FB1];
	_ =	sdelay $0x3  }
0x37: {  	[smem:$0x3FB1] =	sst s10  }
0x38: {  	s10 =	sld [smem:$0x3FB2]  }
0x39: {  	_ = 	snop;
	(pc) =	sbr.ind lr, $3  }
0x3a: {  	_ = 	snop  }
0x3b: {  	_ = 	snop  }
0x3c: {  	p2 =	seq.s32 s10, $0x1;
	s10 =	sld [smem:$0x3FB1]  }
0x3d: {  	_ =	shalt  }
0x3e: {  	_ =	shalt  }
0x3f: {  	_ =	shalt  }
0x40: {  	_ =	shalt  }
0x41: {  	_ =	shalt  }
0x42: {  	_ =	shalt  }
0x43: {  	_ =	shalt  }
0x44: {  	_ =	shalt  }
0x45: {  	_ =	shalt  }
0x46: {  	_ =	shalt  }
0x47: {  	_ =	shalt  }
0x48: {  	_ =	shalt  }
0x49: {  	_ =	shalt  }
0x4a: {  	_ =	shalt  }
0x4b: {  	_ =	shalt  }
0x4c: {  	_ =	shalt  }
0x4d: {  	_ =	shalt  }
0x4e: {  	_ =	shalt  }
0x4f: {  	_ =	shalt  }
0x50: {  	_ =	shalt  }
0x51: {  	_ =	shalt  }
0x52: {  	_ =	shalt  }
0x53: {  	_ =	shalt  }
0x54: {  	_ =	shalt  }
0x55: {  	_ =	shalt  }
0x56: {  	_ =	shalt  }
0x57: {  	_ =	shalt  }
0x58: {  	_ =	shalt  }
0x59: {  	_ =	shalt  }
0x5a: {  	_ =	shalt  }
0x5b: {  	_ =	shalt  }
0x5c: {  	_ =	shalt  }
0x5d: {  	_ =	shalt  }
0x5e: {  	_ =	shalt  }
0x5f: {  	_ =	shalt  }
0x60: {  	_ =	shalt  }
0x61: {  	_ =	shalt  }
0x62: {  	_ =	shalt  }
0x63: {  	_ =	shalt  }
0x64: {  	_ =	shalt  }
0x65: {  	_ =	shalt  }
0x66: {  	_ =	shalt  }
0x67: {  	_ =	shalt  }
0x68: {  	_ =	shalt  }
0x69: {  	_ =	shalt  }
0x6a: {  	_ =	shalt  }
0x6b: {  	_ =	shalt  }
0x6c: {  	_ =	shalt  }
0x6d: {  	_ =	shalt  }
0x6e: {  	_ =	shalt  }
0x6f: {  	_ =	shalt  }
0x70: {  	_ =	shalt  }
0x71: {  	_ =	shalt  }
0x72: {  	_ =	shalt  }
0x73: {  	_ =	shalt  }
0x74: {  	_ =	shalt  }
0x75: {  	_ =	shalt  }
0x76: {  	_ =	shalt  }
0x77: {  	_ =	shalt  }
0x78: {  	_ =	shalt  }
0x79: {  	_ =	shalt  }
0x7a: {  	_ =	shalt  }
0x7b: {  	_ =	shalt  }
0x7c: {  	_ =	shalt  }
0x7d: {  	_ =	shalt  }
0x7e: {  	_ =	shalt  }
0x7f: {  	_ =	shalt  }
0x80: {  	_ =	shalt  }
0x81: {  	_ =	shalt  }
0x82: {  	_ =	shalt  }
0x83: {  	_ =	shalt  }
0x84: {  	_ =	shalt  }
0x85: {  	_ =	shalt  }
0x86: {  	_ =	shalt  }
0x87: {  	_ =	shalt  }
.Lfunc_end0:
.L_simem_size_0:
called_computation.2_lowered:
.L_overlay_start_0:
0x88: {  	s2 =	sld [smem:$0x3FD9]  }
0x89: {  	s3 =	sld [smem:$0x3FFE];
	_ =	sdelay $0x1  }
0x8a: {  	s1 =	srdreg.scid  }
0x8b: {  	s0 =	sand.u32 $0x1, s1  }
0x8c: {  	s17 =	sshll.u32 s0, $0xA;
	s2 =	sadd.s32 s3, s2  }
0x8d: {  	s2 =	sadd.s32 s2, s17  }
0x8e: {  	[smem:$0x3FBD] =	sst s2  }
0x8f: {  	_ = 	snop  }
0x90: {  	s2 =	sld [smem:$0x3FD0];
	(tm) =	ssettm $0x1  }
0x91: {  	s18 =	sld [smem:$0x3FFB];
	_ =	sdelay $0x3  }
0x92: {  	_ =	strace s18  }
0x93: {  	s3 =	sld [smem:$0x3FFC];
	_ =	sdelay $0x3  }
0x94: {  	_ =	strace s3  }
0x95: {  	s3 =	sld [smem:$0x3FFD];
	_ =	sdelay $0x3  }
0x96: {  	_ =	strace s3  }
0x97: {  	_ =	strace $0x8FFFFFFF  }
0x98: {  	s19 =	sld [smem:$0x3FDB];
	_ =	sdelay $0x1  }
0x99: {  	s4 =	simm.s32 $_scs_section_size  }
0x9a: {  	s5 =	simm.s32 $_size__tile_overlayer_lowered;
	s6 =	simm.s32 $_tile_overlayer_lowered  }
0x9b: {  	s22 =	simm.s32 $0x1BFF;
	s21 =	sshll.u32 s6, $0x1;
	s3 =	sadd.s32 s4, s19  }
0x9c: {  	s7 =	simm.s32 $0x0;
	s20 =	sshll.u32 s5, $0x1;
	s5 =	sadd.s32 s21, s3  }
0x9d: {  	[timem:s7], [sflag:s22] =	dma.local [hbm:s5], s20  }
0x9e: {  	_ =	swait.ge [sflag:s22], s20  }
0x9f: {  	s4 =	ssub.s32 $0x0, s20;
	[sflag:s22] =	ssyncset.done $0x0  }
0xa0: {  	[sflag:s22] =	ssyncadd.s32 s4;
	_ =	sdelay $0x1  }
0xa1: {  	s23 =	simm.s32 $0x1B8B  }
0xa2: {  	_ =	swait.ge [sflag:s23], $0x1  }
0xa3: {  	[sflag:s23] =	ssyncset.done $0x0  }
0xa4: {  	s25 =	simm.s32 $0x1B8E;
	s24 =	sld [smem:$0x3FFE];
	[sflag:s23] =	ssyncadd.s32 $0xFFFFFFFF  }
0xa5: {  	s26 =	simm.s32 $execute0_lowered;
	[smem:$0x3FD2] =	sst s25  }
0xa6: {  	s5 =	sshll.u32 s26, $0x1;
	_ =	strace $0x8000004C;
	[dreg:$0x1] =	wrdreg $0xFFFFFFFF  }
0xa7: {  	s28 =	simm.s32 $_size_execute0_lowered;
	s3 =	sadd.s32 s3, s5;
	[dreg:$0x0] =	wrdreg $0x0  }
0xa8: {  	s5 =	sshll.u32 s28, $0x1;
	[dreg:$0x2] =	wrdreg s3  }
0xa9: {  	[dreg:$0x3] =	wrdreg s5  }
0xaa: {  	[dreg:$0x4] =	wrdreg $0xC0  }
0xab: {  	_ =	task [dreg:s7], $0x5FFFF  }
0xac: {  	[dreg:$0x1] =	wrdreg $0xFFFFFFFF  }
0xad: {  	[dreg:$0x0] =	wrdreg $0x60  }
0xae: {  	[dreg:$0x2] =	wrdreg s2  }
0xaf: {  	[dreg:$0x3] =	wrdreg s24  }
0xb0: {  	[dreg:$0x4] =	wrdreg $0x0  }
0xb1: {  	[dreg:$0x5] =	wrdreg $0x9  }
0xb2: {  	_ =	task.clear_ibuf [dreg:s7], $0x6FFFF;
	_ =	strace $0x9000004C  }
0xb3: {  	s29 =	simm.s32 $0x9;
	_ =	strace $0x8000004E  }
0xb4: {  	_ =	swait.ge [sflag:s29], $0x1  }
0xb5: {  	[sflag:s29] =	ssyncadd.s32 $0xFFFFFFFF  }
0xb6: {  	_ =	strace $0x9000004E  }
0xb7: {  	_ =	sfence  }
0xb8: {  	s30 =	sld [smem:$0x0];
	_ =	sdelay $0x2  }
0xb9: {  	s31 =	sshll.u32 s1, $0xD;
	s1 =	sshrl.u32 s1, $0x2  }
0xba: {  	s3 =	sand.u32 $0x4000, s31;
	s1 =	sadd.s32 s1, s30  }
0xbb: {  	s0 =	sor.u32 s3, s0;
	s1 =	sshll.u32 s1, $0x11  }
0xbc: {  	s0 =	sor.u32 s1, s0  }
0xbd: {  	s0 =	sadd.s32 $0x8F2B, s0  }
0xbe: {  	[sflag:s0] =	ssyncadd.remote.s32 $0x1  }
0xbf: {  	_ =	sfence.sel $0xFFFF  }
0xc0: {  	[dreg:$0x0] =	wrdreg $0xFFFFFFFF;
	(pc) =	sbr.abs _section_cstart, $3  }
0xc1: {  	[dreg:$0x1] =	wrdreg $0xFFFFFFFF  }
0xc2: {  	_ =	task.clear_ibuf [dreg:s7], $0x2FFFF;
	_ =	strace $0x9FFFFFFF  }
0xc3: {  	(tm) =	ssettm $0x7FFFFFFF  }
tec
execute0_lowered:
.L_overlay_start_1:
0x0: {  	(tag) =	ssettag $0x1  }
0x1: {  	s1 =	rddreg [dreg:$0x0]  }
0x2: {  	s0 =	srdreg.scid;
	s2 =	rddreg [dreg:$0x1]  }
0x3: {  	s7 =	stileid.u32;
	s3 =	rddreg [dreg:$0x2]  }
0x4: {  	s29 =	simm.s32 $0x64;
	s30 =	simm.s32 $0x1C340;
	s31 =	simm.s32 $0x1  }
0x5: {  	s0 =	sand.u32 $0x1, s0;
	s4 =	sshll.u32 s7, $0x1;
	s13 =	smul.u32 $0x14000, s7  }
0x6: {  	s5 =	sor.u32 s0, s4;
	s6 =	ssub.s32 $0x2, s0;
	s0 =	smul.u32 $0x140000, s0  }
0x7: {  	s28 =	simm.s32 $0x0;
	s4 =	simm.s32 $0x0;
	s5 =	smul.u32 $0x28A0, s5  }
0x8: {  	[smem:$0x7FF] =	sst s4;
	s15 =	sshrl.u32 s6, $0x1;
	s17 =	sadd.s32 $0x5000, s13  }
0x9: {  	s18 =	sadd.s32 $0x7800, s13;
	s19 =	sadd.s32 $0xA000, s13;
	s20 =	sadd.s32 $0xC800, s13  }
0xa: {  	s21 =	sadd.s32 $0xF000, s13;
	s22 =	sadd.s32 $0x11800, s13;
	_ =	strace $0x8000004D  }
0xb: {  	s23 =	ssub.s32 s6, s15;
	s15 =	sor.u32 $0x2800, s13;
	s7 =	sadd.s32 s17, s3  }
0xc: {  	s8 =	sadd.s32 s18, s3;
	s9 =	sadd.s32 s19, s3;
	s10 =	sadd.s32 s20, s3  }
0xd: {  	s11 =	sadd.s32 s21, s3;
	s12 =	sadd.s32 s22, s3;
	s25 =	sadd.s32 s0, s17  }
0xe: {  	s26 =	sadd.s32 s0, s18;
	s5 =	sshrl.u32 s5, $0x3;
	s6 =	sadd.s32 s15, s3  }
0xf: {  	s15 =	sadd.s32 s0, s15;
	s14 =	sadd.s32 s5, s2;
	s2 =	sadd.s32 $0x18800, s2  }
0x10: {  	s5 =	sadd.s32 s13, s3;
	s13 =	sadd.s32 s13, s0;
	s16 =	sadd.s32 $0x4200, s14  }
0x11: {  	s14 =	sadd.s32 $0xE480, s14;
	s13 =	sshrl.u32 s13, $0x3;
	[dreg:$0x4] =	wrdreg s16  }
0x12: {  	s23 =	smax.u32 s23, $0x1;
	[dreg:$0x5] =	wrdreg s14;
	s13 =	sadd.s32 s2, s13  }
0x13: {  	s16 =	sshrl.u32 s15, $0x3;
	s15 =	sadd.s32 s0, s19;
	[dreg:$0x6] =	wrdreg s13  }
0x14: {  	s24 =	sadd.s32 s2, s16;
	s13 =	sshrl.u32 s25, $0x3;
	s16 =	sshrl.u32 s26, $0x3  }
0x15: {  	s19 =	sshrl.u32 s15, $0x3;
	s25 =	sadd.s32 s0, s21;
	[dreg:$0x7] =	wrdreg s24  }
0x16: {  	s17 =	sadd.s32 s2, s13;
	s18 =	sadd.s32 s2, s16;
	s19 =	sadd.s32 s2, s19  }
0x17: {  	s24 =	sadd.s32 s0, s20;
	s0 =	sadd.s32 s0, s22;
	s26 =	sshrl.u32 s25, $0x3  }
0x18: {  	s25 =	simm.s32 $0x3;
	s13 =	sshrl.u32 s24, $0x3;
	s0 =	sshrl.u32 s0, $0x3  }
0x19: {  	s21 =	sadd.s32 s2, s26;
	s24 =	simm.s32 $0x19140;
	s26 =	simm.s32 $0x14000  }
0x1a: {  	v0 =	vimm.f32 $0.0e+00;
	s20 =	sadd.s32 s2, s13;
	s22 =	sadd.s32 s2, s0;
	s2 =	simm.s32 $0x2  }
.LBB2_1:
0x1b: {  	s0 =	sand.u32 $0xFE00, s4  }
0x1c: {  	s13 =	sand.u32 $0x70, s4;
	s14 =	sshrl.u32 s0, $0x2  }
0x1d: {  	s0 =	simm.s32 $0x40;
	s14 =	sor.u32 s13, s14;
	s13 =	simm.s32 $0x0  }
.LBB2_2:
0x1e: {  	p0 =	sne.s32 s0, $0x9FC0  }
0x1f: {  	[tilespmem:s14+$0x19140] =	vst v0;
	s13 =	sadd.s32 $0x10, s13;
	s14 =	smov.u32 s0;
	s0 =	sadd.s32 $0x40, s0  }
.Ltmp0:
0x20: {  	(pc) =	sbr.rel @p0 .LBB2_2-.Ltmp0, $4  }
0x21: {  	_ = 	snop  }
0x22: {  	s14 =	sand.u32 $0xFE00, s14  }
0x23: {  	s15 =	sand.u32 $0x70, s13;
	s14 =	sshrl.u32 s14, $0x2  }
0x24: {  	s14 =	sor.u32 s15, s14  }
0x25: {  	[tilespmem:s14+$0x19140] =	vst v0  }
0x26: {  	[spmem:s5] =	stream.linear.scatter [tilespmem:s24], [sflag:$0x3], $0x2800, $0x38;
	[tilespmem:$0x1F540] =	vst v63  }
0x27: {  	_ =	swait.ge [sflag:s25], $0x2800  }
0x28: {  	[sflag:s25] =	ssyncset.done $0x0  }
0x29: {  	[sflag:s25] =	ssyncadd.s32 $0xFFFFD800  }
0x2a: {  	[spmem:s6] =	stream.linear.scatter [tilespmem:s24], [sflag:$0x3], $0x2800, $0x38;
	[tilespmem:$0x1F540] =	vst v63  }
0x2b: {  	_ =	swait.ge [sflag:s25], $0x2800  }
0x2c: {  	[sflag:s25] =	ssyncset.done $0x0  }
0x2d: {  	[sflag:s25] =	ssyncadd.s32 $0xFFFFD800  }
0x2e: {  	[spmem:s7] =	stream.linear.scatter [tilespmem:s24], [sflag:$0x3], $0x2800, $0x38;
	[tilespmem:$0x1F540] =	vst v63  }
0x2f: {  	_ =	swait.ge [sflag:s25], $0x2800  }
0x30: {  	[sflag:s25] =	ssyncset.done $0x0  }
0x31: {  	[sflag:s25] =	ssyncadd.s32 $0xFFFFD800  }
0x32: {  	[spmem:s8] =	stream.linear.scatter [tilespmem:s24], [sflag:$0x3], $0x2800, $0x38;
	[tilespmem:$0x1F540] =	vst v63  }
0x33: {  	_ =	swait.ge [sflag:s25], $0x2800  }
0x34: {  	[sflag:s25] =	ssyncset.done $0x0  }
0x35: {  	[sflag:s25] =	ssyncadd.s32 $0xFFFFD800  }
0x36: {  	[spmem:s9] =	stream.linear.scatter [tilespmem:s24], [sflag:$0x3], $0x2800, $0x38;
	[tilespmem:$0x1F540] =	vst v63  }
0x37: {  	_ =	swait.ge [sflag:s25], $0x2800  }
0x38: {  	[sflag:s25] =	ssyncset.done $0x0  }
0x39: {  	[sflag:s25] =	ssyncadd.s32 $0xFFFFD800  }
0x3a: {  	[spmem:s10] =	stream.linear.scatter [tilespmem:s24], [sflag:$0x3], $0x2800, $0x38;
	[tilespmem:$0x1F540] =	vst v63  }
0x3b: {  	_ =	swait.ge [sflag:s25], $0x2800  }
0x3c: {  	[sflag:s25] =	ssyncset.done $0x0  }
0x3d: {  	[sflag:s25] =	ssyncadd.s32 $0xFFFFD800  }
0x3e: {  	[spmem:s11] =	stream.linear.scatter [tilespmem:s24], [sflag:$0x3], $0x2800, $0x38;
	[tilespmem:$0x1F540] =	vst v63  }
0x3f: {  	_ =	swait.ge [sflag:s25], $0x2800  }
0x40: {  	[sflag:s25] =	ssyncset.done $0x0  }
0x41: {  	[sflag:s25] =	ssyncadd.s32 $0xFFFFD800  }
0x42: {  	[spmem:s12] =	stream.linear.scatter [tilespmem:s24], [sflag:$0x3], $0x2800, $0x38;
	[tilespmem:$0x1F540] =	vst v63  }
0x43: {  	_ =	swait.ge [sflag:s25], $0x2800  }
0x44: {  	[sflag:s25] =	ssyncset.done $0x0  }
0x45: {  	s0 =	simm.s32 $0x0;
	s13 =	rddreg [dreg:$0x4];
	[sflag:s25] =	ssyncadd.s32 $0xFFFFD800  }
0x46: {  	[tilespmem:s26], [sflag:$0x3] =	stream.linear.gather [hbm4b:s13+s0], $0x28A0, $0x38;
	[tilespmem:$0x1F540] =	vst v63  }
0x47: {  	_ =	swait.ge [sflag:s25], $0x28A0  }
0x48: {  	[sflag:s25] =	ssyncset.done $0x0  }
0x49: {  	s16 =	simm.s32 $0x168A0;
	s15 =	rddreg [dreg:$0x5];
	[sflag:s25] =	ssyncadd.s32 $0xFFFFD760  }
0x4a: {  	[tilespmem:s16], [sflag:$0x3] =	stream.linear.gather [hbm4b:s15+s0], $0x28A0, $0x38;
	[tilespmem:$0x1F540] =	vst v63  }
0x4b: {  	_ =	swait.ge [sflag:s25], $0x28A0  }
0x4c: {  	[sflag:s25] =	ssyncset.done $0x0  }
0x4d: {  	[sflag:s25] =	ssyncadd.s32 $0xFFFFD760  }
0x4e: {  	[bflag:$0x0] =	sbarrier.arrive $0xFFFF  }
0x4f: {  	[tilespmem:s24], [sflag:$0x1] =	stream.indirect.gather [hbm4b:s1+s29], $0x80, s26, s29, $0xb8;
	[tilespmem:$0x1F540] =	vst v63  }
0x50: {  	s13 =	simm.s32 $0x14068  }
0x51: {  	[tilespmem:s30], [sflag:$0x2] =	stream.indirect.gather [hbm4b:s1+s29], $0x80, s13, s29, $0xb8;
	[tilespmem:$0x1F540] =	vst v63  }
0x52: {  	_ =	swait.ge [sflag:s31], $0x3200  }
0x53: {  	[sflag:s31] =	ssyncset.done $0x0  }
0x54: {  	s14 =	simm.s32 $0x168A0;
	[sflag:s31] =	ssyncadd.s32 $0xFFFFCE00  }
0x55: {  	[spmem:s3] =	stream.indirect.scatter.add.f32 [tilespmem:s24], [sflag:$0x3], $0x80, s14, s29, $0xb8;
	[tilespmem:$0x1F540] =	vst v63  }
0x56: {  	_ =	swait.ge [sflag:s25], $0x3200  }
0x57: {  	[sflag:s25] =	ssyncset.done $0x0  }
0x58: {  	s15 =	simm.s32 $0x140D0;
	[sflag:s25] =	ssyncadd.s32 $0xFFFFCE00  }
0x59: {  	[tilespmem:s24], [sflag:$0x1] =	stream.indirect.gather [hbm4b:s1+s29], $0x80, s15, s29, $0xb8;
	[tilespmem:$0x1F540] =	vst v63  }
0x5a: {  	_ =	swait.ge [sflag:s2], $0x3200  }
0x5b: {  	[sflag:s2] =	ssyncset.done $0x0  }
0x5c: {  	s16 =	simm.s32 $0x16908;
	[sflag:s2] =	ssyncadd.s32 $0xFFFFCE00  }
0x5d: {  	[spmem:s3] =	stream.indirect.scatter.add.f32 [tilespmem:s30], [sflag:$0x3], $0x80, s16, s29, $0xb8;
	[tilespmem:$0x1F540] =	vst v63  }
0x5e: {  	_ =	swait.ge [sflag:s25], $0x3200  }
0x5f: {  	s0 =	simm.s32 $0xD0;
	s13 =	simm.s32 $0x680;
	[sflag:s25] =	ssyncset.done $0x0  }
.LBB2_4:
0x60: {  	s14 =	sadd.s32 $0x14068, s0  }
0x61: {  	[sflag:s25] =	ssyncadd.s32 $0xFFFFCE00;
	s15 =	smov.u32 s13;
	s16 =	sadd.s32 $0x340, s13  }
0x62: {  	[tilespmem:s30], [sflag:$0x2] =	stream.indirect.gather [hbm4b:s1+s29], $0x80, s14, s29, $0xb8;
	[tilespmem:$0x1F540] =	vst v63  }
0x63: {  	p0 =	sne.s32 s13, $0x9C00;
	_ =	swait.ge [sflag:s31], $0x3200  }
0x64: {  	[sflag:s31] =	ssyncset.done $0x0  }
0x65: {  	s13 =	sadd.s32 $0x168A0, s0;
	[sflag:s31] =	ssyncadd.s32 $0xFFFFCE00  }
0x66: {  	[spmem:s3] =	stream.indirect.scatter.add.f32 [tilespmem:s24], [sflag:$0x3], $0x80, s13, s29, $0xb8;
	[tilespmem:$0x1F540] =	vst v63  }
0x67: {  	_ =	swait.ge [sflag:s25], $0x3200  }
0x68: {  	[sflag:s25] =	ssyncset.done $0x0  }
0x69: {  	s13 =	sadd.s32 $0x140D0, s0;
	[sflag:s25] =	ssyncadd.s32 $0xFFFFCE00  }
0x6a: {  	[tilespmem:s24], [sflag:$0x1] =	stream.indirect.gather [hbm4b:s1+s29], $0x80, s13, s29, $0xb8;
	[tilespmem:$0x1F540] =	vst v63  }
0x6b: {  	_ =	swait.ge [sflag:s2], $0x3200  }
.Ltmp1:
0x6c: {  	[sflag:s2] =	ssyncset.done $0x0;
	(pc) =	sbr.rel @p0 .LBB2_4-.Ltmp1, $4  }
0x6d: {  	s0 =	sadd.s32 $0x16908, s0;
	[sflag:s2] =	ssyncadd.s32 $0xFFFFCE00  }
0x6e: {  	[spmem:s3] =	stream.indirect.scatter.add.f32 [tilespmem:s30], [sflag:$0x3], $0x80, s0, s29, $0xb8;
	[tilespmem:$0x1F540] =	vst v63  }
0x6f: {  	_ =	swait.ge [sflag:s25], $0x3200  }
0x70: {  	s13 =	smov.u32 s16;
	s0 =	sshra.s32 s15, $0x2;
	[sflag:s25] =	ssyncset.done $0x0  }
0x71: {  	s13 =	sadd.s32 $0x14068, s0;
	[sflag:s25] =	ssyncadd.s32 $0xFFFFCE00  }
0x72: {  	[tilespmem:s30], [sflag:$0x2] =	stream.indirect.gather [hbm4b:s1+s29], $0x80, s13, s29, $0xb8;
	[tilespmem:$0x1F540] =	vst v63  }
0x73: {  	_ =	swait.ge [sflag:s31], $0x3200  }
0x74: {  	[sflag:s31] =	ssyncset.done $0x0  }
0x75: {  	s16 =	sadd.s32 $0x168A0, s0;
	[sflag:s31] =	ssyncadd.s32 $0xFFFFCE00  }
0x76: {  	[spmem:s3] =	stream.indirect.scatter.add.f32 [tilespmem:s24], [sflag:$0x3], $0x80, s16, s29, $0xb8;
	[tilespmem:$0x1F540] =	vst v63  }
0x77: {  	_ =	swait.ge [sflag:s25], $0x3200  }
0x78: {  	[sflag:s25] =	ssyncset.done $0x0  }
0x79: {  	s14 =	sadd.s32 $0x140D0, s0;
	[sflag:s25] =	ssyncadd.s32 $0xFFFFCE00  }
0x7a: {  	[tilespmem:s24], [sflag:$0x1] =	stream.indirect.gather [hbm4b:s1+s29], $0x80, s14, s29, $0xb8;
	[tilespmem:$0x1F540] =	vst v63  }
0x7b: {  	_ =	swait.ge [sflag:s2], $0x3200  }
0x7c: {  	[sflag:s2] =	ssyncset.done $0x0  }
0x7d: {  	s15 =	sadd.s32 $0x16908, s0;
	[sflag:s2] =	ssyncadd.s32 $0xFFFFCE00  }
0x7e: {  	[spmem:s3] =	stream.indirect.scatter.add.f32 [tilespmem:s30], [sflag:$0x3], $0x80, s15, s29, $0xb8;
	[tilespmem:$0x1F540] =	vst v63  }
0x7f: {  	_ =	swait.ge [sflag:s25], $0x3200  }
0x80: {  	[sflag:s25] =	ssyncset.done $0x0  }
0x81: {  	s16 =	simm.s32 $0x16838;
	[sflag:s25] =	ssyncadd.s32 $0xFFFFCE00  }
0x82: {  	[tilespmem:s30], [sflag:$0x2] =	stream.indirect.gather [hbm4b:s1+s29], $0x80, s16, s29, $0xb8;
	[tilespmem:$0x1F540] =	vst v63  }
0x83: {  	_ =	swait.ge [sflag:s31], $0x3200  }
0x84: {  	[sflag:s31] =	ssyncset.done $0x0  }
0x85: {  	s13 =	simm.s32 $0x19070;
	[sflag:s31] =	ssyncadd.s32 $0xFFFFCE00  }
0x86: {  	[spmem:s3] =	stream.indirect.scatter.add.f32 [tilespmem:s24], [sflag:$0x3], $0x80, s13, s29, $0xb8;
	[tilespmem:$0x1F540] =	vst v63  }
0x87: {  	_ =	swait.ge [sflag:s25], $0x3200  }
0x88: {  	[sflag:s25] =	ssyncset.done $0x0  }
0x89: {  	[sflag:s25] =	ssyncadd.s32 $0xFFFFCE00  }
0x8a: {  	_ =	swait.ge [sflag:s2], $0x3200  }
0x8b: {  	[sflag:s2] =	ssyncset.done $0x0  }
0x8c: {  	s14 =	simm.s32 $0x190D8;
	[sflag:s2] =	ssyncadd.s32 $0xFFFFCE00  }
0x8d: {  	[spmem:s3] =	stream.indirect.scatter.add.f32 [tilespmem:s30], [sflag:$0x3], $0x80, s14, s29, $0xb8;
	[tilespmem:$0x1F540] =	vst v63  }
0x8e: {  	_ =	swait.ge [sflag:s25], $0x3200  }
0x8f: {  	[sflag:s25] =	ssyncset.done $0x0  }
0x90: {  	[sflag:s25] =	ssyncadd.s32 $0xFFFFCE00  }
0x91: {  	[bflag:$0x0] =	sbarrier.arrive $0xFFFF  }
0x92: {  	[tilespmem:s24], [sflag:$0x3] =	stream.linear.gather [spmem:s5], $0x2800, $0x38;
	[tilespmem:$0x1F540] =	vst v63  }
0x93: {  	_ =	swait.ge [sflag:s25], $0x2800  }
0x94: {  	[sflag:s25] =	ssyncset.done $0x0  }
0x95: {  	s15 =	rddreg [dreg:$0x6];
	[sflag:s25] =	ssyncadd.s32 $0xFFFFD800  }
0x96: {  	[hbm4b:s15+s4] =	stream.linear.scatter [tilespmem:s24], [sflag:$0x3], $0x2800, $0x38;
	[tilespmem:$0x1F540] =	vst v63  }
0x97: {  	_ =	swait.ge [sflag:s25], $0x2800  }
0x98: {  	[sflag:s25] =	ssyncset.done $0x0  }
0x99: {  	[sflag:s25] =	ssyncadd.s32 $0xFFFFD800  }
0x9a: {  	[tilespmem:s24], [sflag:$0x3] =	stream.linear.gather [spmem:s6], $0x2800, $0x38;
	[tilespmem:$0x1F540] =	vst v63  }
0x9b: {  	_ =	swait.ge [sflag:s25], $0x2800  }
0x9c: {  	[sflag:s25] =	ssyncset.done $0x0  }
0x9d: {  	s16 =	rddreg [dreg:$0x7];
	[sflag:s25] =	ssyncadd.s32 $0xFFFFD800  }
0x9e: {  	[hbm4b:s16+s4] =	stream.linear.scatter [tilespmem:s24], [sflag:$0x3], $0x2800, $0x38;
	[tilespmem:$0x1F540] =	vst v63  }
0x9f: {  	_ =	swait.ge [sflag:s25], $0x2800  }
0xa0: {  	[sflag:s25] =	ssyncset.done $0x0  }
0xa1: {  	[sflag:s25] =	ssyncadd.s32 $0xFFFFD800  }
0xa2: {  	[tilespmem:s24], [sflag:$0x3] =	stream.linear.gather [spmem:s7], $0x2800, $0x38;
	[tilespmem:$0x1F540] =	vst v63  }
0xa3: {  	_ =	swait.ge [sflag:s25], $0x2800  }
0xa4: {  	[sflag:s25] =	ssyncset.done $0x0  }
0xa5: {  	[sflag:s25] =	ssyncadd.s32 $0xFFFFD800  }
0xa6: {  	[hbm4b:s17+s4] =	stream.linear.scatter [tilespmem:s24], [sflag:$0x3], $0x2800, $0x38;
	[tilespmem:$0x1F540] =	vst v63  }
0xa7: {  	_ =	swait.ge [sflag:s25], $0x2800  }
0xa8: {  	[sflag:s25] =	ssyncset.done $0x0  }
0xa9: {  	[sflag:s25] =	ssyncadd.s32 $0xFFFFD800  }
0xaa: {  	[tilespmem:s24], [sflag:$0x3] =	stream.linear.gather [spmem:s8], $0x2800, $0x38;
	[tilespmem:$0x1F540] =	vst v63  }
0xab: {  	_ =	swait.ge [sflag:s25], $0x2800  }
0xac: {  	[sflag:s25] =	ssyncset.done $0x0  }
0xad: {  	[sflag:s25] =	ssyncadd.s32 $0xFFFFD800  }
0xae: {  	[hbm4b:s18+s4] =	stream.linear.scatter [tilespmem:s24], [sflag:$0x3], $0x2800, $0x38;
	[tilespmem:$0x1F540] =	vst v63  }
0xaf: {  	_ =	swait.ge [sflag:s25], $0x2800  }
0xb0: {  	[sflag:s25] =	ssyncset.done $0x0  }
0xb1: {  	[sflag:s25] =	ssyncadd.s32 $0xFFFFD800  }
0xb2: {  	[tilespmem:s24], [sflag:$0x3] =	stream.linear.gather [spmem:s9], $0x2800, $0x38;
	[tilespmem:$0x1F540] =	vst v63  }
0xb3: {  	_ =	swait.ge [sflag:s25], $0x2800  }
0xb4: {  	[sflag:s25] =	ssyncset.done $0x0  }
0xb5: {  	[sflag:s25] =	ssyncadd.s32 $0xFFFFD800  }
0xb6: {  	[hbm4b:s19+s4] =	stream.linear.scatter [tilespmem:s24], [sflag:$0x3], $0x2800, $0x38;
	[tilespmem:$0x1F540] =	vst v63  }
0xb7: {  	_ =	swait.ge [sflag:s25], $0x2800  }
0xb8: {  	[sflag:s25] =	ssyncset.done $0x0  }
0xb9: {  	[sflag:s25] =	ssyncadd.s32 $0xFFFFD800  }
0xba: {  	[tilespmem:s24], [sflag:$0x3] =	stream.linear.gather [spmem:s10], $0x2800, $0x38;
	[tilespmem:$0x1F540] =	vst v63  }
0xbb: {  	_ =	swait.ge [sflag:s25], $0x2800  }
0xbc: {  	[sflag:s25] =	ssyncset.done $0x0  }
0xbd: {  	[sflag:s25] =	ssyncadd.s32 $0xFFFFD800  }
0xbe: {  	[hbm4b:s20+s4] =	stream.linear.scatter [tilespmem:s24], [sflag:$0x3], $0x2800, $0x38;
	[tilespmem:$0x1F540] =	vst v63  }
0xbf: {  	_ =	swait.ge [sflag:s25], $0x2800  }
0xc0: {  	[sflag:s25] =	ssyncset.done $0x0  }
0xc1: {  	[sflag:s25] =	ssyncadd.s32 $0xFFFFD800  }
0xc2: {  	[tilespmem:s24], [sflag:$0x3] =	stream.linear.gather [spmem:s11], $0x2800, $0x38;
	[tilespmem:$0x1F540] =	vst v63  }
0xc3: {  	_ =	swait.ge [sflag:s25], $0x2800  }
0xc4: {  	[sflag:s25] =	ssyncset.done $0x0  }
0xc5: {  	[sflag:s25] =	ssyncadd.s32 $0xFFFFD800  }
0xc6: {  	[hbm4b:s21+s4] =	stream.linear.scatter [tilespmem:s24], [sflag:$0x3], $0x2800, $0x38;
	[tilespmem:$0x1F540] =	vst v63  }
0xc7: {  	_ =	swait.ge [sflag:s25], $0x2800  }
0xc8: {  	[sflag:s25] =	ssyncset.done $0x0  }
0xc9: {  	[sflag:s25] =	ssyncadd.s32 $0xFFFFD800  }
0xca: {  	[tilespmem:s24], [sflag:$0x3] =	stream.linear.gather [spmem:s12], $0x2800, $0x38;
	[tilespmem:$0x1F540] =	vst v63  }
0xcb: {  	s28 =	sadd.s32 $0x1, s28;
	_ =	swait.ge [sflag:s25], $0x2800  }
0xcc: {  	p0 =	sne.s32 s28, s23;
	[sflag:s25] =	ssyncset.done $0x0  }
.Ltmp2:
0xcd: {  	[sflag:s25] =	ssyncadd.s32 $0xFFFFD800;
	(pc) =	sbr.rel @p0 .LBB2_1-.Ltmp2, $4  }
0xce: {  	[hbm4b:s22+s4] =	stream.linear.scatter [tilespmem:s24], [sflag:$0x3], $0x2800, $0x38;
	[tilespmem:$0x1F540] =	vst v63  }
0xcf: {  	_ =	swait.ge [sflag:s25], $0x2800  }
0xd0: {  	[sflag:s25] =	ssyncset.done $0x0  }
0xd1: {  	[sflag:s25] =	ssyncadd.s32 $0xFFFFD800  }
0xd2: {  	_ =	sfence.sel $0x180000  }
0xd3: {  	[bflag:$0x0] =	sbarrier.arrive $0xFFFF  }
0xd4: {  	_ =	strace $0x9000004D  }
0xd5: {  	s0 =	stileid.u32;
	[bflag:$0x2] =	sbarrier.arrive $0xFFFF  }
0xd6: {  	p0 =	sne.s32 s0, $0x0;
	s0 =	rddreg [dreg:$0x3]  }
0xd7: {  	s0 =	sadd.s32 @!p0 $0x100000, s0  }
0xd8: {  	[sflag:s0] =	ssyncadd.tile.s32 @!p0 $0x1;
	_ =	shalt  }
.Lfunc_end2:
_tile_overlayer_lowered:
.L_overlay_start_2:
0xd9: {  	(tag) =	ssettag $0x2  }
0xda: {  	s0 =	rddreg [dreg:$0x0];
	s2 =	stileid.u32  }
0xdb: {  	s1 =	rddreg [dreg:$0x1];
	p0 =	sne.s32 s2, $0x0  }
0xdc: {  	s3 =	rddreg [dreg:$0x2];
	[bflag:$0x3] =	sbarrier.arrive $0xFFFF;
	s2 =	simm.s32 @!p0 $0x1C03  }
0xdd: {  	[timem:s3], [sflag:s2] =	dma.local @!p0 [hbm:s0], s1  }
0xde: {  	s0 =	simm.s32 @!p0 $0x3  }
0xdf: {  	_ =	swait.ge @!p0 [sflag:s0], s1  }
0xe0: {  	s1 =	ssub.s32 @!p0 $0x0, s1;
	[sflag:s0] =	ssyncset.done @!p0 $0x0  }
0xe1: {  	[sflag:s0] =	ssyncadd.s32 @!p0 s1  }
0xe2: {  	[bflag:$0x3] =	sbarrier.arrive $0xFFFF  }
0xe3: {  	_ =	shalt  }

// kernel: kernel.8.cloned.1.call-start
scs
__scs_entry_jumppad:
0x0: {  	(pc) =	sbr.rel $0x88, $3  }
0x1: {  	(tag) =	ssettag $0x0;
	lr =	simm.s32 $0x1  }
0x2: {  	[smem:$0x3F96] =	sst lr;
	_ =	strace $0xD0000000  }
0x3: {  	_ = 	snop  }
0x4: {  	_ = 	snop  }
0x5: {  	_ = 	snop  }
0x6: {  	_ = 	snop  }
0x7: {  	_ = 	snop  }
__scs_overlays_trampoline_lowered:
0x8: {  	[smem:$0x3FA5] =	sst s0  }
0x9: {  	[smem:$0x3FA6] =	sst s1  }
0xa: {  	[smem:$0x3FA7] =	sst s2  }
0xb: {  	[smem:$0x3FA8] =	sst s3  }
0xc: {  	[smem:$0x3FA9] =	sst s4  }
0xd: {  	[smem:$0x3FAA] =	sst s5  }
0xe: {  	[smem:$0x3FAB] =	sst s6  }
0xf: {  	[smem:$0x3FAC] =	sst s7  }
0x10: {  	[smem:$0x3FAD] =	sst s8  }
0x11: {  	[smem:$0x3FAE] =	sst s9;
	s0 =	simm.s32 @!p0 $0x0  }
0x12: {  	s1 =	sld [smem:$0x3F94];
	s0 =	simm.s32 @p0 $0x1  }
0x13: {  	[smem:$0x3FAF] =	sst s0;
	s0 =	simm.s32 @!p1 $0x0  }
0x14: {  	s2 =	sld [smem:$0x3F93];
	s0 =	simm.s32 @p1 $0x1  }
0x15: {  	[smem:$0x3FB0] =	sst s0;
	s0 =	simm.s32 @!p2 $0x0  }
0x16: {  	s3 =	sld [smem:$0x3FDB];
	s0 =	simm.s32 @p2 $0x1  }
0x17: {  	s4 =	simm.s32 $0x1BF5;
	[smem:$0x3FB2] =	sst s0  }
0x18: {  	s0 =	sld [smem:$0x3F95];
	_ =	swait.ge [sflag:s4], $0x0  }
0x19: {  	s7 =	sld [smem:$0x3F96]  }
0x1a: {  	s8 =	sadd.s32 $0xFFFFE003, lr  }
0x1b: {  	s9 =	sadd.s32 $0xFFFFFEF7, lr;
	s5 =	simm.s32 $0xFFFFFFFF;
	p2 =	slt.u32 s8, $0xFFFFF086  }
0x1c: {  	p1 =	slt.u32 s9, $0xF7A;
	s5 =	simm.s32 @!p2 $0x0  }
0x1d: {  	s5 =	simm.s32 @p1 $0x1;
	p0 =	seq.s32 s7, s2  }
0x1e: {  	s7 =	smul.u32 @!p0 $0xF7A, s2;
	p2 =	seq.s32 @!p0 s5, $0x0  }
0x1f: {  	s9 =	smul.u32 $0xF7A, s1;
	s8 =	simm.s32 @!p0 $0x1BF5;
	p2 =	por !p2, p0  }
0x20: {  	[sflag:s8] =	ssyncset.s32 @!p0 $0xFFFFF086;
	s6 =	sadd.s32 @!p0 s3, s7;
	s7 =	simm.s32 @!p0 $0x108  }
0x21: {  	s3 =	sadd.s32 s3, s9;
	s6 =	sadd.s32 @!p0 $0x88, s6;
	s7 =	simm.s32 @p2 $0x1082  }
0x22: {  	[simem:s7], [sflag:s8] =	dma.local @!p0 [hbm:s6], $0xF7A  }
0x23: {  	s9 =	sor.u32 $0xD0000000, s2;
	s6 =	simm.s32 $0x108;
	_ =	swait.ge @!p0 [sflag:s8], $0x0  }
0x24: {  	s3 =	sadd.s32 $0x88, s3;
	s6 =	simm.s32 @!p1 $0x1082;
	[sflag:s4] =	ssyncset.s32 $0xFFFFF086  }
0x25: {  	[simem:s6], [sflag:s4] =	dma.local [hbm:s3], $0xF7A  }
0x26: {  	[smem:$0x3F96] =	sst s1;
	(tag) =	ssettag s2;
	_ =	strace s9  }
0x27: {  	s1 =	sld [smem:$0x3FA6]  }
0x28: {  	s2 =	sld [smem:$0x3FA7]  }
0x29: {  	s4 =	sld [smem:$0x3FA9]  }
0x2a: {  	p0 =	seq.s32 s5, $0x0;
	s5 =	sld [smem:$0x3FAA]  }
0x2b: {  	s6 =	sld [smem:$0x3FAB]  }
0x2c: {  	s7 =	sld [smem:$0x3FAC]  }
0x2d: {  	s3 =	simm.s32 $0x108;
	s8 =	sld [smem:$0x3FAD]  }
0x2e: {  	s3 =	simm.s32 @!p0 $0x1082;
	s9 =	sld [smem:$0x3FAE]  }
0x2f: {  	lr =	sadd.s32 s0, s3;
	s0 =	sld [smem:$0x3FA5]  }
0x30: {  	s3 =	sld [smem:$0x3FA8]  }
0x31: {  	[smem:$0x3FB1] =	sst s10  }
0x32: {  	s10 =	sld [smem:$0x3FAF];
	_ =	sdelay $0x3  }
0x33: {  	p0 =	seq.s32 s10, $0x1;
	s10 =	sld [smem:$0x3FB1];
	_ =	sdelay $0x3  }
0x34: {  	[smem:$0x3FB1] =	sst s10  }
0x35: {  	s10 =	sld [smem:$0x3FB0];
	_ =	sdelay $0x3  }
0x36: {  	p1 =	seq.s32 s10, $0x1;
	s10 =	sld [smem:$0x3FB1];
	_ =	sdelay $0x3  }
0x37: {  	[smem:$0x3FB1] =	sst s10  }
0x38: {  	s10 =	sld [smem:$0x3FB2]  }
0x39: {  	_ = 	snop;
	(pc) =	sbr.ind lr, $3  }
0x3a: {  	_ = 	snop  }
0x3b: {  	_ = 	snop  }
0x3c: {  	p2 =	seq.s32 s10, $0x1;
	s10 =	sld [smem:$0x3FB1]  }
0x3d: {  	_ =	shalt  }
0x3e: {  	_ =	shalt  }
0x3f: {  	_ =	shalt  }
0x40: {  	_ =	shalt  }
0x41: {  	_ =	shalt  }
0x42: {  	_ =	shalt  }
0x43: {  	_ =	shalt  }
0x44: {  	_ =	shalt  }
0x45: {  	_ =	shalt  }
0x46: {  	_ =	shalt  }
0x47: {  	_ =	shalt  }
0x48: {  	_ =	shalt  }
0x49: {  	_ =	shalt  }
0x4a: {  	_ =	shalt  }
0x4b: {  	_ =	shalt  }
0x4c: {  	_ =	shalt  }
0x4d: {  	_ =	shalt  }
0x4e: {  	_ =	shalt  }
0x4f: {  	_ =	shalt  }
0x50: {  	_ =	shalt  }
0x51: {  	_ =	shalt  }
0x52: {  	_ =	shalt  }
0x53: {  	_ =	shalt  }
0x54: {  	_ =	shalt  }
0x55: {  	_ =	shalt  }
0x56: {  	_ =	shalt  }
0x57: {  	_ =	shalt  }
0x58: {  	_ =	shalt  }
0x59: {  	_ =	shalt  }
0x5a: {  	_ =	shalt  }
0x5b: {  	_ =	shalt  }
0x5c: {  	_ =	shalt  }
0x5d: {  	_ =	shalt  }
0x5e: {  	_ =	shalt  }
0x5f: {  	_ =	shalt  }
0x60: {  	_ =	shalt  }
0x61: {  	_ =	shalt  }
0x62: {  	_ =	shalt  }
0x63: {  	_ =	shalt  }
0x64: {  	_ =	shalt  }
0x65: {  	_ =	shalt  }
0x66: {  	_ =	shalt  }
0x67: {  	_ =	shalt  }
0x68: {  	_ =	shalt  }
0x69: {  	_ =	shalt  }
0x6a: {  	_ =	shalt  }
0x6b: {  	_ =	shalt  }
0x6c: {  	_ =	shalt  }
0x6d: {  	_ =	shalt  }
0x6e: {  	_ =	shalt  }
0x6f: {  	_ =	shalt  }
0x70: {  	_ =	shalt  }
0x71: {  	_ =	shalt  }
0x72: {  	_ =	shalt  }
0x73: {  	_ =	shalt  }
0x74: {  	_ =	shalt  }
0x75: {  	_ =	shalt  }
0x76: {  	_ =	shalt  }
0x77: {  	_ =	shalt  }
0x78: {  	_ =	shalt  }
0x79: {  	_ =	shalt  }
0x7a: {  	_ =	shalt  }
0x7b: {  	_ =	shalt  }
0x7c: {  	_ =	shalt  }
0x7d: {  	_ =	shalt  }
0x7e: {  	_ =	shalt  }
0x7f: {  	_ =	shalt  }
0x80: {  	_ =	shalt  }
0x81: {  	_ =	shalt  }
0x82: {  	_ =	shalt  }
0x83: {  	_ =	shalt  }
0x84: {  	_ =	shalt  }
0x85: {  	_ =	shalt  }
0x86: {  	_ =	shalt  }
0x87: {  	_ =	shalt  }
.Lfunc_end0:
.L_simem_size_0:
called_computation_lowered:
.L_overlay_start_0:
0x88: {  	s2 =	sld [smem:$0x3FD9]  }
0x89: {  	s3 =	sld [smem:$0x3FFE];
	_ =	sdelay $0x1  }
0x8a: {  	s1 =	srdreg.scid  }
0x8b: {  	s0 =	sand.u32 $0x1, s1  }
0x8c: {  	s16 =	sshll.u32 s0, $0xA;
	s2 =	sadd.s32 s3, s2  }
0x8d: {  	s2 =	sadd.s32 s2, s16  }
0x8e: {  	[smem:$0x3FBD] =	sst s2  }
0x8f: {  	_ = 	snop  }
0x90: {  	(tm) =	ssettm $0x1  }
0x91: {  	s17 =	sld [smem:$0x3FFB];
	_ =	sdelay $0x3  }
0x92: {  	_ =	strace s17  }
0x93: {  	s2 =	sld [smem:$0x3FFC];
	_ =	sdelay $0x3  }
0x94: {  	_ =	strace s2  }
0x95: {  	s2 =	sld [smem:$0x3FFD];
	_ =	sdelay $0x3  }
0x96: {  	_ =	strace s2  }
0x97: {  	_ =	strace $0x8FFFFFFF  }
0x98: {  	s18 =	sld [smem:$0x3FDB];
	_ =	sdelay $0x1  }
0x99: {  	s19 =	simm.s32 $_scs_section_size  }
0x9a: {  	s4 =	simm.s32 $_size__tile_overlayer_lowered;
	s5 =	simm.s32 $_tile_overlayer_lowered  }
0x9b: {  	s22 =	simm.s32 $0x1BFF;
	s21 =	sshll.u32 s5, $0x1;
	s2 =	sadd.s32 s19, s18  }
0x9c: {  	s6 =	simm.s32 $0x0;
	s20 =	sshll.u32 s4, $0x1;
	s4 =	sadd.s32 s21, s2  }
0x9d: {  	[timem:s6], [sflag:s22] =	dma.local [hbm:s4], s20  }
0x9e: {  	_ =	swait.ge [sflag:s22], s20  }
0x9f: {  	s3 =	ssub.s32 $0x0, s20;
	[sflag:s22] =	ssyncset.done $0x0  }
0xa0: {  	[sflag:s22] =	ssyncadd.s32 s3;
	_ =	sdelay $0x1  }
0xa1: {  	s23 =	simm.s32 $0x1B8B  }
0xa2: {  	_ =	swait.ge [sflag:s23], $0x1  }
0xa3: {  	[sflag:s23] =	ssyncset.done $0x0  }
0xa4: {  	s25 =	simm.s32 $0x1B8E;
	s24 =	sld [smem:$0x3FFE];
	[sflag:s23] =	ssyncadd.s32 $0xFFFFFFFF  }
0xa5: {  	s26 =	simm.s32 $execute0_lowered;
	[smem:$0x3FD2] =	sst s25  }
0xa6: {  	s4 =	sshll.u32 s26, $0x1;
	_ =	strace $0x80000046;
	[dreg:$0x1] =	wrdreg $0xFFFFFFFF  }
0xa7: {  	s28 =	simm.s32 $_size_execute0_lowered;
	s2 =	sadd.s32 s2, s4;
	[dreg:$0x0] =	wrdreg $0x0  }
0xa8: {  	s4 =	sshll.u32 s28, $0x1;
	[dreg:$0x2] =	wrdreg s2  }
0xa9: {  	[dreg:$0x3] =	wrdreg s4  }
0xaa: {  	[dreg:$0x4] =	wrdreg $0xC0  }
0xab: {  	_ =	task [dreg:s6], $0x5FFFF  }
0xac: {  	[dreg:$0x1] =	wrdreg $0xFFFFFFFF  }
0xad: {  	[dreg:$0x0] =	wrdreg $0x60  }
0xae: {  	[dreg:$0x2] =	wrdreg s24  }
0xaf: {  	[dreg:$0x3] =	wrdreg $0x0  }
0xb0: {  	[dreg:$0x4] =	wrdreg $0x9  }
0xb1: {  	_ =	task.clear_ibuf [dreg:s6], $0x5FFFF;
	_ =	strace $0x90000046  }
0xb2: {  	s29 =	simm.s32 $0x9;
	_ =	strace $0x80000048  }
0xb3: {  	_ =	swait.ge [sflag:s29], $0x1  }
0xb4: {  	[sflag:s29] =	ssyncadd.s32 $0xFFFFFFFF  }
0xb5: {  	_ =	strace $0x90000048  }
0xb6: {  	_ =	sfence  }
0xb7: {  	s30 =	sld [smem:$0x0];
	_ =	sdelay $0x2  }
0xb8: {  	s31 =	sshll.u32 s1, $0xD;
	s1 =	sshrl.u32 s1, $0x2  }
0xb9: {  	s3 =	sand.u32 $0x4000, s31;
	s1 =	sadd.s32 s1, s30  }
0xba: {  	s0 =	sor.u32 s3, s0;
	s1 =	sshll.u32 s1, $0x11  }
0xbb: {  	s0 =	sor.u32 s1, s0  }
0xbc: {  	s0 =	sadd.s32 $0x8F2B, s0  }
0xbd: {  	[sflag:s0] =	ssyncadd.remote.s32 $0x1  }
0xbe: {  	_ =	sfence.sel $0xFFFF  }
0xbf: {  	[dreg:$0x0] =	wrdreg $0xFFFFFFFF;
	(pc) =	sbr.abs _section_cstart, $3  }
0xc0: {  	[dreg:$0x1] =	wrdreg $0xFFFFFFFF  }
0xc1: {  	_ =	task.clear_ibuf [dreg:s6], $0x2FFFF;
	_ =	strace $0x9FFFFFFF  }
0xc2: {  	(tm) =	ssettm $0x7FFFFFFF  }
0xc3: {  	_ =	shalt  }
tec
execute0_lowered:
.L_overlay_start_1:
0x0: {  	(tag) =	ssettag $0x1  }
0x1: {  	s6 =	rddreg [dreg:$0x0]  }
0x2: {  	s2 =	rddreg [dreg:$0x1];
	s3 =	srdreg.scid  }
0x3: {  	s1 =	stileid.u32;
	s0 =	rddreg [dreg:$0x2];
	s11 =	simm.s32 $0x280  }
0x4: {  	s12 =	simm.s32 $0x5320;
	s13 =	simm.s32 $0x2B20;
	s14 =	simm.s32 $0x80  }
0x5: {  	s15 =	simm.s32 $0x53A0;
	s16 =	simm.s32 $0x3320;
	s17 =	simm.s32 $0x5420  }
0x6: {  	s18 =	simm.s32 $0x3B20;
	s19 =	simm.s32 $0x54A0;
	s20 =	simm.s32 $0x4320  }
0x7: {  	s21 =	simm.s32 $0x5520;
	s22 =	simm.s32 $0x4B20;
	s23 =	simm.s32 $0x0  }
0x8: {  	s5 =	sand.u32 $0x1, s3;
	s7 =	smul.u32 $0x280, s1;
	s3 =	simm.s32 $0x0  }
0x9: {  	s8 =	sshll.u32 s1, $0x1;
	s4 =	smul.u32 $0x2800, s5;
	[smem:$0x7FF] =	sst s3  }
0xa: {  	s8 =	sor.u32 s5, s8;
	s5 =	ssub.s32 $0x2, s5;
	_ =	strace $0x80000047  }
0xb: {  	s8 =	smul.u32 $0x28A0, s8;
	s10 =	sshrl.u32 s5, $0x1;
	s9 =	sadd.s32 s7, s4  }
0xc: {  	s4 =	sadd.s32 $0x4000, s6;
	s10 =	ssub.s32 s5, s10;
	s9 =	sshrl.u32 s9, $0x3  }
0xd: {  	s5 =	sadd.s32 s7, s2;
	s8 =	sshrl.u32 s8, $0x3;
	s9 =	sadd.s32 s9, s6  }
0xe: {  	s6 =	sadd.s32 s6, s8;
	s8 =	smax.u32 s10, $0x1;
	s10 =	simm.s32 $0x1  }
0xf: {  	v0 =	vimm.f32 $0.0e+00;
	v1 =	vimm.f32 $1.000000000e+00;
	vm0 =	vcmask $0x3F30;
	s6 =	sadd.s32 $0xE480, s6;
	s7 =	sadd.s32 $0x18800, s9;
	s9 =	simm.s32 $0x55A0  }
.LBB2_1:
0x10: {  	s24 =	simm.s32 $0x40;
	s25 =	simm.s32 $0x0  }
.LBB2_2:
0x11: {  	p0 =	sne.s32 s24, $0x9FC0;
	[tilespmem:s25+$0x2B20] =	vst v0;
	s25 =	smov.u32 s24;
	s24 =	sadd.s32 $0x40, s24  }
.Ltmp0:
0x12: {  	(pc) =	sbr.rel @p0 .LBB2_2-.Ltmp0, $2  }
0x13: {  	_ =	sdelay $0x2  }
0x14: {  	s25 =	sshra.s32 s25, $0x2  }
0x15: {  	[tilespmem:s25+$0x2B20] =	vst v0  }
0x16: {  	[tilespmem:$0x55A0] =	vst v0  }
0x17: {  	[tilespmem:$0x55B0] =	vst v0  }
0x18: {  	[tilespmem:$0x55C0] =	vst v0  }
0x19: {  	[tilespmem:$0x55D0] =	vst v0  }
0x1a: {  	[tilespmem:$0x55E0] =	vst v0  }
0x1b: {  	[tilespmem:$0x55F0] =	vst v0  }
0x1c: {  	[tilespmem:$0x5600] =	vst v0  }
0x1d: {  	[tilespmem:$0x5610] =	vst v0  }
0x1e: {  	[tilespmem:$0x5620] =	vst v0  }
0x1f: {  	[tilespmem:$0x5630] =	vst v0  }
0x20: {  	[tilespmem:$0x5640] =	vst v0  }
0x21: {  	[tilespmem:$0x5650] =	vst v0  }
0x22: {  	[tilespmem:$0x5660] =	vst v0  }
0x23: {  	[tilespmem:$0x5670] =	vst v0  }
0x24: {  	[tilespmem:$0x5680] =	vst v0  }
0x25: {  	[tilespmem:$0x5690] =	vst v0  }
0x26: {  	[tilespmem:$0x56A0] =	vst v0  }
0x27: {  	[tilespmem:$0x56B0] =	vst v0  }
0x28: {  	[tilespmem:$0x56C0] =	vst v0  }
0x29: {  	[tilespmem:$0x56D0] =	vst v0  }
0x2a: {  	[tilespmem:$0x56E0] =	vst v0  }
0x2b: {  	[tilespmem:$0x56F0] =	vst v0  }
0x2c: {  	[tilespmem:$0x5700] =	vst v0  }
0x2d: {  	[tilespmem:$0x5710] =	vst v0  }
0x2e: {  	[tilespmem:$0x5720] =	vst v0  }
0x2f: {  	[tilespmem:$0x5730] =	vst v0  }
0x30: {  	[tilespmem:$0x5740] =	vst v0  }
0x31: {  	[tilespmem:$0x5750] =	vst v0  }
0x32: {  	[tilespmem:$0x5760] =	vst v0  }
0x33: {  	[tilespmem:$0x5770] =	vst v0  }
0x34: {  	[tilespmem:$0x5780] =	vst v0  }
0x35: {  	[tilespmem:$0x5790] =	vst v0  }
0x36: {  	[tilespmem:$0x57A0] =	vst v0  }
0x37: {  	[tilespmem:$0x57B0] =	vst v0  }
0x38: {  	[tilespmem:$0x57C0] =	vst v0  }
0x39: {  	[tilespmem:$0x57D0] =	vst v0  }
0x3a: {  	[tilespmem:$0x57E0] =	vst v0  }
0x3b: {  	[tilespmem:$0x57F0] =	vst v0  }
0x3c: {  	[tilespmem:$0x5800] =	vst v0  }
0x3d: {  	[tilespmem:$0x5810] =	vst v0  }
0x3e: {  	[spmem:s5] =	stream.linear.scatter [tilespmem:s9], [sflag:$0x1], $0x280, $0x38;
	[tilespmem:$0x5820] =	vst v63  }
0x3f: {  	_ =	swait.ge [sflag:s10], $0x280  }
0x40: {  	[sflag:s10] =	ssyncset.done $0x0  }
0x41: {  	s24 =	simm.s32 $0x0;
	[sflag:s10] =	ssyncadd.s32 $0xFFFFFD80  }
0x42: {  	[tilespmem:s11], [sflag:$0x1] =	stream.linear.gather [hbm4b:s6+s24], $0x28A0, $0x38;
	[tilespmem:$0x5820] =	vst v63  }
0x43: {  	_ =	swait.ge [sflag:s10], $0x28A0  }
0x44: {  	[sflag:s10] =	ssyncset.done $0x0  }
0x45: {  	[sflag:s10] =	ssyncadd.s32 $0xFFFFD760  }
0x46: {  	[tilespmem:s12], [sflag:$0x1] =	stream.linear.gather [hbm4b:s4+s24], $0x280, $0x38;
	[tilespmem:$0x5820] =	vst v63  }
0x47: {  	_ =	swait.ge [sflag:s10], $0x280  }
0x48: {  	[sflag:s10] =	ssyncset.done $0x0  }
0x49: {  	[sflag:s10] =	ssyncadd.s32 $0xFFFFFD80  }
.LBB2_4:
0x4a: {  	s25 =	sshra.s32 s24, $0x2  }
0x4b: {  	v2 =	vld [tilespmem:s25+$0x280];
	_ =	sdelay $0x7  }
0x4c: {  	[tilespmem:v2+s13+$0x0] =	vst.idx.add.f32.msk $0xffff, v1  }
0x4d: {  	v2 =	vld [tilespmem:s25+$0x290];
	_ =	sdelay $0x7  }
0x4e: {  	[tilespmem:v2+s13+$0x0] =	vst.idx.add.f32.msk $0xffff, v1  }
0x4f: {  	v2 =	vld [tilespmem:s25+$0x2A0];
	_ =	sdelay $0x7  }
0x50: {  	[tilespmem:v2+s13+$0x0] =	vst.idx.add.f32.msk $0xffff, v1  }
0x51: {  	v2 =	vld [tilespmem:s25+$0x2B0];
	_ =	sdelay $0x7  }
0x52: {  	[tilespmem:v2+s13+$0x0] =	vst.idx.add.f32.msk $0xffff, v1  }
0x53: {  	v2 =	vld [tilespmem:s25+$0x2C0];
	_ =	sdelay $0x7  }
0x54: {  	[tilespmem:v2+s13+$0x0] =	vst.idx.add.f32.msk $0xffff, v1  }
0x55: {  	v2 =	vld [tilespmem:s25+$0x2D0];
	_ =	sdelay $0x7  }
0x56: {  	[tilespmem:v2+s13+$0x0] =	vst.idx.add.f32.msk $0xffff, v1  }
0x57: {  	v2 =	vld [tilespmem:s25+$0x2D4];
	_ =	sdelay $0x2  }
0x58: {  	p0 =	sne.s32 s24, $0xA0E0  }
.Ltmp1:
0x59: {  	_ = 	snop;
	(pc) =	sbr.rel @p0 .LBB2_4-.Ltmp1, $2  }
0x5a: {  	_ =	sdelay $0x2  }
0x5b: {  	s24 =	sadd.s32 $0x1A0, s24;
	[tilespmem:v2+s13+$0x0] =	vst.idx.add.f32.msk vm0, v1  }
0x5c: {  	[bflag:$0x0] =	sbarrier.arrive $0xFFFF  }
0x5d: {  	[spmem:s2] =	stream.indirect.scatter.add.f32 [tilespmem:s13], [sflag:$0x1], $0x10, s12, s14, $0xb8;
	[tilespmem:$0x5820] =	vst v63  }
0x5e: {  	_ =	swait.ge [sflag:s10], $0x800  }
0x5f: {  	[sflag:s10] =	ssyncset.done $0x0  }
0x60: {  	[sflag:s10] =	ssyncadd.s32 $0xFFFFF800  }
0x61: {  	[spmem:s2] =	stream.indirect.scatter.add.f32 [tilespmem:s16], [sflag:$0x1], $0x10, s15, s14, $0xb8;
	[tilespmem:$0x5820] =	vst v63  }
0x62: {  	_ =	swait.ge [sflag:s10], $0x800  }
0x63: {  	[sflag:s10] =	ssyncset.done $0x0  }
0x64: {  	[sflag:s10] =	ssyncadd.s32 $0xFFFFF800  }
0x65: {  	[spmem:s2] =	stream.indirect.scatter.add.f32 [tilespmem:s18], [sflag:$0x1], $0x10, s17, s14, $0xb8;
	[tilespmem:$0x5820] =	vst v63  }
0x66: {  	_ =	swait.ge [sflag:s10], $0x800  }
0x67: {  	[sflag:s10] =	ssyncset.done $0x0  }
0x68: {  	[sflag:s10] =	ssyncadd.s32 $0xFFFFF800  }
0x69: {  	[spmem:s2] =	stream.indirect.scatter.add.f32 [tilespmem:s20], [sflag:$0x1], $0x10, s19, s14, $0xb8;
	[tilespmem:$0x5820] =	vst v63  }
0x6a: {  	_ =	swait.ge [sflag:s10], $0x800  }
0x6b: {  	[sflag:s10] =	ssyncset.done $0x0  }
0x6c: {  	[sflag:s10] =	ssyncadd.s32 $0xFFFFF800  }
0x6d: {  	[spmem:s2] =	stream.indirect.scatter.add.f32 [tilespmem:s22], [sflag:$0x1], $0x10, s21, s14, $0xb8;
	[tilespmem:$0x5820] =	vst v63  }
0x6e: {  	_ =	swait.ge [sflag:s10], $0x800  }
0x6f: {  	[sflag:s10] =	ssyncset.done $0x0  }
0x70: {  	[sflag:s10] =	ssyncadd.s32 $0xFFFFF800  }
0x71: {  	[bflag:$0x0] =	sbarrier.arrive $0xFFFF  }
0x72: {  	[tilespmem:s9], [sflag:$0x1] =	stream.linear.gather [spmem:s5], $0x280, $0x38;
	[tilespmem:$0x5820] =	vst v63  }
0x73: {  	s23 =	sadd.s32 $0x1, s23;
	_ =	swait.ge [sflag:s10], $0x280  }
0x74: {  	p0 =	sne.s32 s23, s8;
	[sflag:s10] =	ssyncset.done $0x0  }
.Ltmp2:
0x75: {  	[sflag:s10] =	ssyncadd.s32 $0xFFFFFD80;
	(pc) =	sbr.rel @p0 .LBB2_1-.Ltmp2, $4  }
0x76: {  	[hbm4b:s7+s3] =	stream.linear.scatter [tilespmem:s9], [sflag:$0x1], $0x280, $0x38;
	[tilespmem:$0x5820] =	vst v63  }
0x77: {  	_ =	swait.ge [sflag:s10], $0x280  }
0x78: {  	[sflag:s10] =	ssyncset.done $0x0  }
0x79: {  	[sflag:s10] =	ssyncadd.s32 $0xFFFFFD80  }
0x7a: {  	_ =	sfence.sel $0x180000  }
0x7b: {  	[bflag:$0x0] =	sbarrier.arrive $0xFFFF  }
0x7c: {  	p0 =	sne.s32 s1, $0x0;
	_ =	strace $0x90000047  }
0x7d: {  	s0 =	sadd.s32 @!p0 $0x100000, s0;
	[bflag:$0x2] =	sbarrier.arrive $0xFFFF  }
0x7e: {  	[sflag:s0] =	ssyncadd.tile.s32 @!p0 $0x1;
	_ =	shalt  }
.Lfunc_end2:
_tile_overlayer_lowered:
.L_overlay_start_2:
0x7f: {  	(tag) =	ssettag $0x2  }
0x80: {  	s0 =	rddreg [dreg:$0x0];
	s2 =	stileid.u32  }
0x81: {  	s1 =	rddreg [dreg:$0x1];
	p0 =	sne.s32 s2, $0x0  }
0x82: {  	s3 =	rddreg [dreg:$0x2];
	[bflag:$0x3] =	sbarrier.arrive $0xFFFF;
	s2 =	simm.s32 @!p0 $0x1C01  }
0x83: {  	[timem:s3], [sflag:s2] =	dma.local @!p0 [hbm:s0], s1  }
0x84: {  	s0 =	simm.s32 @!p0 $0x1  }
0x85: {  	_ =	swait.ge @!p0 [sflag:s0], s1  }
0x86: {  	s1 =	ssub.s32 @!p0 $0x0, s1;
	[sflag:s0] =	ssyncset.done @!p0 $0x0  }
0x87: {  	[sflag:s0] =	ssyncadd.s32 @!p0 s1  }
0x88: {  	[bflag:$0x3] =	sbarrier.arrive $0xFFFF  }
0x89: {  	_ =	shalt  }

</sc_bundles>
